<compile_context>
chip_gen: v7x
topology: tpu7x:2x2x1
jax: 0.10.2.dev20260603
libtpu: 0.0.44.dev20260713+nightly
codegen_flags: <defaults>
</compile_context>

<pallas_src>
import functools

import jax
import jax.numpy as jnp
from jax import lax
from jax.experimental import pallas as pl
from jax.experimental.pallas import tpu as pltpu
from jax.experimental.pallas import tpu_sc as plsc

B = 16384
NNEG = 20
V = 1000000
D = 64
L = 16

NW = 32
BPW = B // NW
C = 32
NCHUNK = BPW // C
GPC = C // L

LN2 = 0.6931471805599453
SQRTH = 0.7071067811865476


def _vlog(x):
    bits = lax.bitcast_convert_type(x, jnp.int32)
    e = lax.shift_right_logical(bits, 23) - 127
    m = lax.bitcast_convert_type(
        (bits & 0x007FFFFF) | 0x3F800000, jnp.float32)
    ef = e.astype(jnp.float32)
    small = m < (2.0 * SQRTH)
    ef = jnp.where(small, ef, ef + 1.0)
    m = jnp.where(small, m, 0.5 * m)
    r = m - 1.0
    z = r * r
    p = 7.0376836292e-2
    p = p * r + -1.1514610310e-1
    p = p * r + 1.1676998740e-1
    p = p * r + -1.2420140846e-1
    p = p * r + 1.4249322787e-1
    p = p * r + -1.6668057665e-1
    p = p * r + 2.0000714765e-1
    p = p * r + -2.4999993993e-1
    p = p * r + 3.3333331174e-1
    y = r * z * p - 0.5 * z + r
    return y + ef * LN2


def _make_sc_kernel():
    mesh = plsc.VectorSubcoreMesh(core_axis_name="c", subcore_axis_name="s")

    @functools.partial(
        pl.kernel,
        out_type=(
            jax.ShapeDtypeStruct((B,), jnp.float32),
            jax.ShapeDtypeStruct((B,), jnp.float32),
        ),
        mesh=mesh,
        compiler_params=pltpu.CompilerParams(
            use_tc_tiling_on_sc=False, needs_layout_passes=False),
        scratch_types=[
            pltpu.VMEM((BPW,), jnp.int32),
            pltpu.VMEM((BPW,), jnp.int32),
            pltpu.VMEM((BPW,), jnp.float32),
            pltpu.VMEM((NNEG, BPW), jnp.int32),
            pltpu.VMEM((C, D), jnp.float32),
            pltpu.VMEM((C, D), jnp.float32),
            pltpu.VMEM((C, D), jnp.float32),
            pltpu.VMEM((NNEG, C, D), jnp.float32),
            pltpu.VMEM((C, D), jnp.float32),
            pltpu.VMEM((C, D), jnp.float32),
            pltpu.VMEM((C, D), jnp.float32),
            pltpu.VMEM((NNEG, C, D), jnp.float32),
            pltpu.VMEM((C,), jnp.float32),
            pltpu.VMEM((C,), jnp.float32),
            pltpu.SemaphoreType.DMA,
            pltpu.SemaphoreType.DMA,
            pltpu.SemaphoreType.DMA,
        ],
    )
    def sc_kernel(pos_v_hbm, pos_u_hbm, w_hbm, neg_hbm, emb_hbm, ctx_hbm,
                  out1_hbm, out2_hbm,
                  idxv, idxu, wbuf, negidx,
                  vr0, u1r0, u2r0, nr0, vr1, u1r1, u2r1, nr1,
                  o1, o2, sem0, sem1, semi):
        wid = lax.axis_index("s") * 2 + lax.axis_index("c")
        base = pl.multiple_of(wid * BPW, BPW)
        iota = lax.iota(jnp.int32, L)
        zero_i = jnp.zeros((L,), jnp.int32)

        bufs = ((vr0, u1r0, u2r0, nr0, sem0), (vr1, u1r1, u2r1, nr1, sem1))

        cps = [
            pltpu.async_copy(pos_v_hbm.at[pl.ds(base, BPW)], idxv, semi),
            pltpu.async_copy(pos_u_hbm.at[pl.ds(base, BPW)], idxu, semi),
            pltpu.async_copy(w_hbm.at[pl.ds(base, BPW)], wbuf, semi),
            pltpu.async_copy(neg_hbm.at[wid], negidx, semi),
        ]
        for cp in cps:
            cp.wait()

        def transfers(ci, s):
            vr, u1r, u2r, nr, sem = bufs[s]
            c0 = pl.multiple_of(ci * C, C)
            yield emb_hbm.at[idxv.at[pl.ds(c0, C)]], vr, sem
            yield emb_hbm.at[idxu.at[pl.ds(c0, C)]], u1r, sem
            yield ctx_hbm.at[idxu.at[pl.ds(c0, C)]], u2r, sem
            for n in range(NNEG):
                yield ctx_hbm.at[negidx.at[n, pl.ds(c0, C)]], nr.at[n], sem

        def issue(ci, s):
            for src, dst, sem in transfers(ci, s):
                pltpu.async_copy(src, dst, sem)

        def drain(ci, s):
            for src, dst, sem in transfers(ci, s):
                pltpu.make_async_copy(src, dst, sem).wait()

        def compute_store(ci, s):
            vr, u1r, u2r, nr, _ = bufs[s]
            c0 = pl.multiple_of(ci * C, C)
            zero = jnp.zeros((L,), jnp.float32)
            for g in range(GPC):
                bi = iota + (g * L)
                NH = NNEG // 2

                def dbody_a(dd, acc):
                    acc1, acc2, ts = acc
                    dv = (iota + dd) & (D - 1)
                    v_d = plsc.load_gather(vr, [bi, dv])
                    u1_d = plsc.load_gather(u1r, [bi, dv])
                    u2_d = plsc.load_gather(u2r, [bi, dv])
                    acc1 = acc1 + v_d * u1_d
                    acc2 = acc2 + v_d * u2_d
                    ts = tuple(
                        ts[n] + v_d * plsc.load_gather(
                            nr, [zero_i + n, bi, dv])
                        for n in range(NH))
                    return acc1, acc2, ts

                def dbody_b(dd, ts):
                    dv = (iota + dd) & (D - 1)
                    v_d = plsc.load_gather(vr, [bi, dv])
                    return tuple(
                        ts[n] + v_d * plsc.load_gather(
                            nr, [zero_i + (NH + n), bi, dv])
                        for n in range(NNEG - NH))

                s1, s2, ts_a = lax.fori_loop(
                    0, D, dbody_a, (zero, zero, (zero,) * NH))
                ts_b = lax.fori_loop(0, D, dbody_b, (zero,) * (NNEG - NH))
                ts = ts_a + ts_b

                smax = zero
                prod = jnp.full((L,), 1.0, jnp.float32)
                for t in ts:
                    smax = smax + jnp.maximum(t, 0.0)
                    prod = prod * (1.0 + jnp.exp(-jnp.abs(t)))
                f1 = 1.0 + jnp.exp(-jnp.abs(s1))
                f2 = 1.0 + jnp.exp(-jnp.abs(s2))
                wg = wbuf[pl.ds(c0 + g * L, L)]
                sc1 = (jnp.maximum(-s1, 0.0) + smax + _vlog(prod * f1)) * wg
                sc2 = (jnp.maximum(-s2, 0.0) + smax + _vlog(prod * f2)) * wg
                o1[pl.ds(g * L, L)] = sc1
                o2[pl.ds(g * L, L)] = sc2

            b0 = pl.multiple_of(base + ci * C, C)
            pltpu.sync_copy(o1, out1_hbm.at[pl.ds(b0, C)])
            pltpu.sync_copy(o2, out2_hbm.at[pl.ds(b0, C)])

        issue(0, 0)

        def chunk_pair(i, carry):
            ci0 = i * 2
            issue(ci0 + 1, 1)
            drain(ci0, 0)
            compute_store(ci0, 0)

            @pl.when(ci0 + 2 < NCHUNK)
            def _issue_next_even():
                issue(ci0 + 2, 0)

            drain(ci0 + 1, 1)
            compute_store(ci0 + 1, 1)
            return carry

        lax.fori_loop(0, NCHUNK // 2, chunk_pair, 0)

    return sc_kernel


_SC_KERNEL = _make_sc_kernel()


@jax.jit
def kernel(pos, neg, W_emb, W_ctx):
    pos_v = pos[:, 0].astype(jnp.int32)
    pos_u = pos[:, 1].astype(jnp.int32)
    w = pos[:, 2]
    neg3d = neg.astype(jnp.int32).reshape(NW, BPW, NNEG).transpose(0, 2, 1)
    return _SC_KERNEL(pos_v, pos_u, w, neg3d, W_emb, W_ctx)

# --- scband reference (transcript-rebuilt; emitter-appended) ---
"""Pipeline reference for scband-all2vec-41437844472386 (READ-ONLY COPY).

The authoritative reference and input builder live on the scoring server;
editing this copy changes nothing except your own understanding.
"""

import jax, jax.numpy as jnp
import numpy as np

B = 16384
NNEG = 20
V = 1000000
D = 64


def setup_inputs(seed: int = 0) -> dict:
    key = jax.random.key(seed)
    k1, k2, k3, k4 = jax.random.split(key, 4)
    # pos is a float tensor whose first two columns hold vertex indices and
    # third column holds edge weights (matches torch module which does pos[:,0].long())
    pos = jax.random.randint(k1, (B, 3), 0, V).astype(jnp.float32)
    neg = jax.random.randint(k2, (B, NNEG), 0, V)
    W_emb = jax.random.normal(k3, (V, D), dtype=jnp.float32) * 0.01
    W_ctx = jax.random.normal(k4, (V, D), dtype=jnp.float32) * 0.01
    return {"pos": pos, "neg": neg, "W_emb": W_emb, "W_ctx": W_ctx}


def reference(pos, neg, W_emb, W_ctx):
    pos_v = pos[:, 0].astype(jnp.int32)
    pos_u = pos[:, 1].astype(jnp.int32)
    weights = pos[:, 2]

    # first proximity
    emb_v = jnp.take(W_emb, pos_v, axis=0)
    emb_u1 = jnp.take(W_emb, pos_u, axis=0)
    emb_neg_u = jnp.take(W_ctx, neg, axis=0)  # [B, NNEG, D]
    s1 = jnp.sum(emb_u1 * emb_v, axis=1)
    neg_sc = jnp.einsum('bnd,bd->bn', emb_neg_u, emb_v)
    neg_sc = jnp.sum(jax.nn.log_sigmoid(-neg_sc), axis=1)
    score_1 = (-jax.nn.log_sigmoid(s1) - neg_sc) * weights

    # second proximity (reuses same neg samples as torch code)
    emb_u2 = jnp.take(W_ctx, pos_u, axis=0)
    neg_sc2 = jnp.einsum('bnd,bd->bn', emb_neg_u, emb_v)
    neg_sc2 = jnp.sum(jax.nn.log_sigmoid(-neg_sc2), axis=1)
    ps = jnp.sum(emb_v * emb_u2, axis=1)
    score_2 = weights * (-jax.nn.log_sigmoid(ps) - neg_sc2)

    return (score_1, score_2)

if __name__ == "__main__":
    import jax
    _d = setup_inputs()
    print(jax.jit(kernel)(*tuple(_d.values())))

</pallas_src>

<mosaic_0001>
#map = affine_map<(d0, d1) -> (0)>
#map1 = affine_map<(d0, d1) -> (0, 0, 0)>
#map2 = affine_map<(d0, d1) -> (0, 0)>
module attributes {stable_mosaic.version = 14 : i64} {
  func.func @sc_kernel(%arg0: i32, %arg1: i32, %arg2: memref<16384xi32, #tpu.memory_space<hbm>>, %arg3: memref<16384xi32, #tpu.memory_space<hbm>>, %arg4: memref<16384xf32, #tpu.memory_space<hbm>>, %arg5: memref<32x20x512xi32, #tpu.memory_space<hbm>>, %arg6: memref<1000000x64xf32, #tpu.memory_space<hbm>>, %arg7: memref<1000000x64xf32, #tpu.memory_space<hbm>>, %arg8: memref<16384xf32, #tpu.memory_space<hbm>>, %arg9: memref<16384xf32, #tpu.memory_space<hbm>>, %arg10: memref<512xi32, #tpu.memory_space<vmem>>, %arg11: memref<512xi32, #tpu.memory_space<vmem>>, %arg12: memref<512xf32, #tpu.memory_space<vmem>>, %arg13: memref<20x512xi32, #tpu.memory_space<vmem>>, %arg14: memref<32x64xf32, #tpu.memory_space<vmem>>, %arg15: memref<32x64xf32, #tpu.memory_space<vmem>>, %arg16: memref<32x64xf32, #tpu.memory_space<vmem>>, %arg17: memref<20x32x64xf32, #tpu.memory_space<vmem>>, %arg18: memref<32x64xf32, #tpu.memory_space<vmem>>, %arg19: memref<32x64xf32, #tpu.memory_space<vmem>>, %arg20: memref<32x64xf32, #tpu.memory_space<vmem>>, %arg21: memref<20x32x64xf32, #tpu.memory_space<vmem>>, %arg22: memref<32xf32, #tpu.memory_space<vmem>>, %arg23: memref<32xf32, #tpu.memory_space<vmem>>, %arg24: memref<!tpu.dma_semaphore, #tpu.memory_space<semaphore_mem>>, %arg25: memref<!tpu.dma_semaphore, #tpu.memory_space<semaphore_mem>>, %arg26: memref<!tpu.dma_semaphore, #tpu.memory_space<semaphore_mem>>) attributes {dimension_semantics = [#tpu.dimension_semantics<core_parallel>, #tpu.dimension_semantics<subcore_parallel>], iteration_bounds = array<i64: 2, 16>, scalar_prefetch = 0 : i64, scratch_operands = 17 : i64, tpu.core_type = #tpu.core_type<sc_vector_subcore>, window_params = [{transform_indices = #map}, {transform_indices = #map}, {transform_indices = #map}, {transform_indices = #map1}, {transform_indices = #map2}, {transform_indices = #map2}, {transform_indices = #map}, {transform_indices = #map}]} {
    %mul3A = arith.constant 2 : i32
    %mul3A_0 = arith.muli %arg1, %mul3A : i32
    %add3A = arith.addi %mul3A_0, %arg0 : i32
    %mul3A_1 = arith.constant 512 : i32
    %mul3A_2 = arith.muli %add3A, %mul3A_1 : i32
    %multiple_of3A = tpu.assume_multiple %mul3A_2, 512 : i32
    %iota3A = tpu.iota {dimensions = array<i32: 0>} : vector<16xi32>
    %broadcast_in_dim3A = arith.constant 0 : i32
    %broadcast_in_dim3A_3 = vector.broadcast %broadcast_in_dim3A : i32 to vector<16xi32>
    %dma_start3A = tpu.memref_slice %arg2[%multiple_of3A] : memref<16384xi32, #tpu.memory_space<hbm>> -> memref<512xi32, #tpu.memory_space<hbm>>
    %dma_start3A_4 = tpu.memref_slice %arg2[%multiple_of3A] : memref<16384xi32, #tpu.memory_space<hbm>> -> memref<512xi32, #tpu.memory_space<hbm>>
    tpu.enqueue_dma source(%dma_start3A_4 : memref<512xi32, #tpu.memory_space<hbm>>) target(%arg10 : memref<512xi32, #tpu.memory_space<vmem>>) target_semaphore(%arg26 : memref<!tpu.dma_semaphore, #tpu.memory_space<semaphore_mem>>)
    %dma_start3A_5 = tpu.memref_slice %arg3[%multiple_of3A] : memref<16384xi32, #tpu.memory_space<hbm>> -> memref<512xi32, #tpu.memory_space<hbm>>
    %dma_start3A_6 = tpu.memref_slice %arg3[%multiple_of3A] : memref<16384xi32, #tpu.memory_space<hbm>> -> memref<512xi32, #tpu.memory_space<hbm>>
    tpu.enqueue_dma source(%dma_start3A_6 : memref<512xi32, #tpu.memory_space<hbm>>) target(%arg11 : memref<512xi32, #tpu.memory_space<vmem>>) target_semaphore(%arg26 : memref<!tpu.dma_semaphore, #tpu.memory_space<semaphore_mem>>)
    %dma_start3A_7 = tpu.memref_slice %arg4[%multiple_of3A] : memref<16384xf32, #tpu.memory_space<hbm>> -> memref<512xf32, #tpu.memory_space<hbm>>
    %dma_start3A_8 = tpu.memref_slice %arg4[%multiple_of3A] : memref<16384xf32, #tpu.memory_space<hbm>> -> memref<512xf32, #tpu.memory_space<hbm>>
    tpu.enqueue_dma source(%dma_start3A_8 : memref<512xf32, #tpu.memory_space<hbm>>) target(%arg12 : memref<512xf32, #tpu.memory_space<vmem>>) target_semaphore(%arg26 : memref<!tpu.dma_semaphore, #tpu.memory_space<semaphore_mem>>)
    %dma_start3A_9 = arith.constant 0 : i32
    %dma_start3A_10 = arith.constant 0 : i32
    %dma_start3A_11 = tpu.memref_slice %arg5[%add3A, %dma_start3A_9, %dma_start3A_10] : memref<32x20x512xi32, #tpu.memory_space<hbm>> -> memref<1x20x512xi32, #tpu.memory_space<hbm>>
    %dma_start3A_12 = tpu.memref_squeeze %dma_start3A_11 : memref<1x20x512xi32, #tpu.memory_space<hbm>> -> memref<20x512xi32, #tpu.memory_space<hbm>>
    %dma_start3A_13 = arith.constant 0 : i32
    %dma_start3A_14 = arith.constant 0 : i32
    %dma_start3A_15 = tpu.memref_slice %arg5[%add3A, %dma_start3A_13, %dma_start3A_14] : memref<32x20x512xi32, #tpu.memory_space<hbm>> -> memref<1x20x512xi32, #tpu.memory_space<hbm>>
    %dma_start3A_16 = tpu.memref_squeeze %dma_start3A_15 : memref<1x20x512xi32, #tpu.memory_space<hbm>> -> memref<20x512xi32, #tpu.memory_space<hbm>>
    tpu.enqueue_dma source(%dma_start3A_16 : memref<20x512xi32, #tpu.memory_space<hbm>>) target(%arg13 : memref<20x512xi32, #tpu.memory_space<vmem>>) target_semaphore(%arg26 : memref<!tpu.dma_semaphore, #tpu.memory_space<semaphore_mem>>)
    %dma_wait3A = tpu.memref_slice %arg2[%multiple_of3A] : memref<16384xi32, #tpu.memory_space<hbm>> -> memref<512xi32, #tpu.memory_space<hbm>>
    %dma_wait3A_17 = tpu.memref_slice %arg2[%multiple_of3A] : memref<16384xi32, #tpu.memory_space<hbm>> -> memref<512xi32, #tpu.memory_space<hbm>>
    tpu.wait_dma2 semaphore(%arg26 : memref<!tpu.dma_semaphore, #tpu.memory_space<semaphore_mem>>) src(%dma_wait3A_17 : memref<512xi32, #tpu.memory_space<hbm>>) dst(%arg10 : memref<512xi32, #tpu.memory_space<vmem>>)
    %dma_wait3A_18 = tpu.memref_slice %arg3[%multiple_of3A] : memref<16384xi32, #tpu.memory_space<hbm>> -> memref<512xi32, #tpu.memory_space<hbm>>
    %dma_wait3A_19 = tpu.memref_slice %arg3[%multiple_of3A] : memref<16384xi32, #tpu.memory_space<hbm>> -> memref<512xi32, #tpu.memory_space<hbm>>
    tpu.wait_dma2 semaphore(%arg26 : memref<!tpu.dma_semaphore, #tpu.memory_space<semaphore_mem>>) src(%dma_wait3A_19 : memref<512xi32, #tpu.memory_space<hbm>>) dst(%arg11 : memref<512xi32, #tpu.memory_space<vmem>>)
    %dma_wait3A_20 = tpu.memref_slice %arg4[%multiple_of3A] : memref<16384xf32, #tpu.memory_space<hbm>> -> memref<512xf32, #tpu.memory_space<hbm>>
    %dma_wait3A_21 = tpu.memref_slice %arg4[%multiple_of3A] : memref<16384xf32, #tpu.memory_space<hbm>> -> memref<512xf32, #tpu.memory_space<hbm>>
    tpu.wait_dma2 semaphore(%arg26 : memref<!tpu.dma_semaphore, #tpu.memory_space<semaphore_mem>>) src(%dma_wait3A_21 : memref<512xf32, #tpu.memory_space<hbm>>) dst(%arg12 : memref<512xf32, #tpu.memory_space<vmem>>)
    %dma_wait3A_22 = arith.constant 0 : i32
    %dma_wait3A_23 = arith.constant 0 : i32
    %dma_wait3A_24 = tpu.memref_slice %arg5[%add3A, %dma_wait3A_22, %dma_wait3A_23] : memref<32x20x512xi32, #tpu.memory_space<hbm>> -> memref<1x20x512xi32, #tpu.memory_space<hbm>>
    %dma_wait3A_25 = tpu.memref_squeeze %dma_wait3A_24 : memref<1x20x512xi32, #tpu.memory_space<hbm>> -> memref<20x512xi32, #tpu.memory_space<hbm>>
    %dma_wait3A_26 = arith.constant 0 : i32
    %dma_wait3A_27 = arith.constant 0 : i32
    %dma_wait3A_28 = tpu.memref_slice %arg5[%add3A, %dma_wait3A_26, %dma_wait3A_27] : memref<32x20x512xi32, #tpu.memory_space<hbm>> -> memref<1x20x512xi32, #tpu.memory_space<hbm>>
    %dma_wait3A_29 = tpu.memref_squeeze %dma_wait3A_28 : memref<1x20x512xi32, #tpu.memory_space<hbm>> -> memref<20x512xi32, #tpu.memory_space<hbm>>
    tpu.wait_dma2 semaphore(%arg26 : memref<!tpu.dma_semaphore, #tpu.memory_space<semaphore_mem>>) src(%dma_wait3A_29 : memref<20x512xi32, #tpu.memory_space<hbm>>) dst(%arg13 : memref<20x512xi32, #tpu.memory_space<vmem>>)
    %multiple_of3A_30 = arith.constant 0 : i32
    %multiple_of3A_31 = tpu.assume_multiple %multiple_of3A_30, 32 : i32
    %dma_start3A_32 = tpu.memref_slice %arg10[%multiple_of3A_31] : memref<512xi32, #tpu.memory_space<vmem>> -> memref<32xi32, #tpu.memory_space<vmem>>
    %dma_start3A_33 = arith.constant 0 : i32
    %dma_start3A_34 = arith.constant 0 : i32
    %dma_start3A_35 = tpu.memref_slice %arg6[%dma_start3A_33, %dma_start3A_34] : memref<1000000x64xf32, #tpu.memory_space<hbm>> -> memref<1000000x64xf32, #tpu.memory_space<hbm>>
    tpu.enqueue_indirect_dma source(%dma_start3A_35 : memref<1000000x64xf32, #tpu.memory_space<hbm>>) target(%arg14 : memref<32x64xf32, #tpu.memory_space<vmem>>) offsets(%dma_start3A_32 : memref<32xi32, #tpu.memory_space<vmem>>) semaphore(%arg24 : memref<!tpu.dma_semaphore, #tpu.memory_space<semaphore_mem>>)
    %dma_start3A_36 = tpu.memref_slice %arg11[%multiple_of3A_31] : memref<512xi32, #tpu.memory_space<vmem>> -> memref<32xi32, #tpu.memory_space<vmem>>
    %dma_start3A_37 = arith.constant 0 : i32
    %dma_start3A_38 = arith.constant 0 : i32
    %dma_start3A_39 = tpu.memref_slice %arg6[%dma_start3A_37, %dma_start3A_38] : memref<1000000x64xf32, #tpu.memory_space<hbm>> -> memref<1000000x64xf32, #tpu.memory_space<hbm>>
    tpu.enqueue_indirect_dma source(%dma_start3A_39 : memref<1000000x64xf32, #tpu.memory_space<hbm>>) target(%arg15 : memref<32x64xf32, #tpu.memory_space<vmem>>) offsets(%dma_start3A_36 : memref<32xi32, #tpu.memory_space<vmem>>) semaphore(%arg24 : memref<!tpu.dma_semaphore, #tpu.memory_space<semaphore_mem>>)
    %dma_start3A_40 = tpu.memref_slice %arg11[%multiple_of3A_31] : memref<512xi32, #tpu.memory_space<vmem>> -> memref<32xi32, #tpu.memory_space<vmem>>
    %dma_start3A_41 = arith.constant 0 : i32
    %dma_start3A_42 = arith.constant 0 : i32
    %dma_start3A_43 = tpu.memref_slice %arg7[%dma_start3A_41, %dma_start3A_42] : memref<1000000x64xf32, #tpu.memory_space<hbm>> -> memref<1000000x64xf32, #tpu.memory_space<hbm>>
    tpu.enqueue_indirect_dma source(%dma_start3A_43 : memref<1000000x64xf32, #tpu.memory_space<hbm>>) target(%arg16 : memref<32x64xf32, #tpu.memory_space<vmem>>) offsets(%dma_start3A_40 : memref<32xi32, #tpu.memory_space<vmem>>) semaphore(%arg24 : memref<!tpu.dma_semaphore, #tpu.memory_space<semaphore_mem>>)
    %dma_start3A_44 = arith.constant 0 : i32
    %dma_start3A_45 = arith.constant 0 : i32
    %dma_start3A_46 = arith.constant 0 : i32
    %dma_start3A_47 = arith.constant 0 : i32
    %dma_start3A_48 = tpu.memref_slice %arg17[%dma_start3A_45, %dma_start3A_46, %dma_start3A_47] : memref<20x32x64xf32, #tpu.memory_space<vmem>> -> memref<1x32x64xf32, #tpu.memory_space<vmem>>
    %dma_start3A_49 = tpu.memref_squeeze %dma_start3A_48 : memref<1x32x64xf32, #tpu.memory_space<vmem>> -> memref<32x64xf32, #tpu.memory_space<vmem>>
    %dma_start3A_50 = tpu.memref_slice %arg13[%dma_start3A_44, %multiple_of3A_31] : memref<20x512xi32, #tpu.memory_space<vmem>> -> memref<1x32xi32, #tpu.memory_space<vmem>>
    %dma_start3A_51 = tpu.memref_squeeze %dma_start3A_50 : memref<1x32xi32, #tpu.memory_space<vmem>> -> memref<32xi32, #tpu.memory_space<vmem>>
    %dma_start3A_52 = arith.constant 0 : i32
    %dma_start3A_53 = arith.constant 0 : i32
    %dma_start3A_54 = tpu.memref_slice %arg7[%dma_start3A_52, %dma_start3A_53] : memref<1000000x64xf32, #tpu.memory_space<hbm>> -> memref<1000000x64xf32, #tpu.memory_space<hbm>>
    tpu.enqueue_indirect_dma source(%dma_start3A_54 : memref<1000000x64xf32, #tpu.memory_space<hbm>>) target(%dma_start3A_49 : memref<32x64xf32, #tpu.memory_space<vmem>>) offsets(%dma_start3A_51 : memref<32xi32, #tpu.memory_space<vmem>>) semaphore(%arg24 : memref<!tpu.dma_semaphore, #tpu.memory_space<semaphore_mem>>)
    %dma_start3A_55 = arith.constant 1 : i32
    %dma_start3A_56 = arith.constant 1 : i32
    %dma_start3A_57 = arith.constant 0 : i32
    %dma_start3A_58 = arith.constant 0 : i32
    %dma_start3A_59 = tpu.memref_slice %arg17[%dma_start3A_56, %dma_start3A_57, %dma_start3A_58] : memref<20x32x64xf32, #tpu.memory_space<vmem>> -> memref<1x32x64xf32, #tpu.memory_space<vmem>>
    %dma_start3A_60 = tpu.memref_squeeze %dma_start3A_59 : memref<1x32x64xf32, #tpu.memory_space<vmem>> -> memref<32x64xf32, #tpu.memory_space<vmem>>
    %dma_start3A_61 = tpu.memref_slice %arg13[%dma_start3A_55, %multiple_of3A_31] : memref<20x512xi32, #tpu.memory_space<vmem>> -> memref<1x32xi32, #tpu.memory_space<vmem>>
    %dma_start3A_62 = tpu.memref_squeeze %dma_start3A_61 : memref<1x32xi32, #tpu.memory_space<vmem>> -> memref<32xi32, #tpu.memory_space<vmem>>
    %dma_start3A_63 = arith.constant 0 : i32
    %dma_start3A_64 = arith.constant 0 : i32
    %dma_start3A_65 = tpu.memref_slice %arg7[%dma_start3A_63, %dma_start3A_64] : memref<1000000x64xf32, #tpu.memory_space<hbm>> -> memref<1000000x64xf32, #tpu.memory_space<hbm>>
    tpu.enqueue_indirect_dma source(%dma_start3A_65 : memref<1000000x64xf32, #tpu.memory_space<hbm>>) target(%dma_start3A_60 : memref<32x64xf32, #tpu.memory_space<vmem>>) offsets(%dma_start3A_62 : memref<32xi32, #tpu.memory_space<vmem>>) semaphore(%arg24 : memref<!tpu.dma_semaphore, #tpu.memory_space<semaphore_mem>>)
    %dma_start3A_66 = arith.constant 2 : i32
    %dma_start3A_67 = arith.constant 2 : i32
    %dma_start3A_68 = arith.constant 0 : i32
    %dma_start3A_69 = arith.constant 0 : i32
    %dma_start3A_70 = tpu.memref_slice %arg17[%dma_start3A_67, %dma_start3A_68, %dma_start3A_69] : memref<20x32x64xf32, #tpu.memory_space<vmem>> -> memref<1x32x64xf32, #tpu.memory_space<vmem>>
    %dma_start3A_71 = tpu.memref_squeeze %dma_start3A_70 : memref<1x32x64xf32, #tpu.memory_space<vmem>> -> memref<32x64xf32, #tpu.memory_space<vmem>>
    %dma_start3A_72 = tpu.memref_slice %arg13[%dma_start3A_66, %multiple_of3A_31] : memref<20x512xi32, #tpu.memory_space<vmem>> -> memref<1x32xi32, #tpu.memory_space<vmem>>
    %dma_start3A_73 = tpu.memref_squeeze %dma_start3A_72 : memref<1x32xi32, #tpu.memory_space<vmem>> -> memref<32xi32, #tpu.memory_space<vmem>>
    %dma_start3A_74 = arith.constant 0 : i32
    %dma_start3A_75 = arith.constant 0 : i32
    %dma_start3A_76 = tpu.memref_slice %arg7[%dma_start3A_74, %dma_start3A_75] : memref<1000000x64xf32, #tpu.memory_space<hbm>> -> memref<1000000x64xf32, #tpu.memory_space<hbm>>
    tpu.enqueue_indirect_dma source(%dma_start3A_76 : memref<1000000x64xf32, #tpu.memory_space<hbm>>) target(%dma_start3A_71 : memref<32x64xf32, #tpu.memory_space<vmem>>) offsets(%dma_start3A_73 : memref<32xi32, #tpu.memory_space<vmem>>) semaphore(%arg24 : memref<!tpu.dma_semaphore, #tpu.memory_space<semaphore_mem>>)
    %dma_start3A_77 = arith.constant 3 : i32
    %dma_start3A_78 = arith.constant 3 : i32
    %dma_start3A_79 = arith.constant 0 : i32
    %dma_start3A_80 = arith.constant 0 : i32
    %dma_start3A_81 = tpu.memref_slice %arg17[%dma_start3A_78, %dma_start3A_79, %dma_start3A_80] : memref<20x32x64xf32, #tpu.memory_space<vmem>> -> memref<1x32x64xf32, #tpu.memory_space<vmem>>
    %dma_start3A_82 = tpu.memref_squeeze %dma_start3A_81 : memref<1x32x64xf32, #tpu.memory_space<vmem>> -> memref<32x64xf32, #tpu.memory_space<vmem>>
    %dma_start3A_83 = tpu.memref_slice %arg13[%dma_start3A_77, %multiple_of3A_31] : memref<20x512xi32, #tpu.memory_space<vmem>> -> memref<1x32xi32, #tpu.memory_space<vmem>>
    %dma_start3A_84 = tpu.memref_squeeze %dma_start3A_83 : memref<1x32xi32, #tpu.memory_space<vmem>> -> memref<32xi32, #tpu.memory_space<vmem>>
    %dma_start3A_85 = arith.constant 0 : i32
    %dma_start3A_86 = arith.constant 0 : i32
    %dma_start3A_87 = tpu.memref_slice %arg7[%dma_start3A_85, %dma_start3A_86] : memref<1000000x64xf32, #tpu.memory_space<hbm>> -> memref<1000000x64xf32, #tpu.memory_space<hbm>>
    tpu.enqueue_indirect_dma source(%dma_start3A_87 : memref<1000000x64xf32, #tpu.memory_space<hbm>>) target(%dma_start3A_82 : memref<32x64xf32, #tpu.memory_space<vmem>>) offsets(%dma_start3A_84 : memref<32xi32, #tpu.memory_space<vmem>>) semaphore(%arg24 : memref<!tpu.dma_semaphore, #tpu.memory_space<semaphore_mem>>)
    %dma_start3A_88 = arith.constant 4 : i32
    %dma_start3A_89 = arith.constant 4 : i32
    %dma_start3A_90 = arith.constant 0 : i32
    %dma_start3A_91 = arith.constant 0 : i32
    %dma_start3A_92 = tpu.memref_slice %arg17[%dma_start3A_89, %dma_start3A_90, %dma_start3A_91] : memref<20x32x64xf32, #tpu.memory_space<vmem>> -> memref<1x32x64xf32, #tpu.memory_space<vmem>>
    %dma_start3A_93 = tpu.memref_squeeze %dma_start3A_92 : memref<1x32x64xf32, #tpu.memory_space<vmem>> -> memref<32x64xf32, #tpu.memory_space<vmem>>
    %dma_start3A_94 = tpu.memref_slice %arg13[%dma_start3A_88, %multiple_of3A_31] : memref<20x512xi32, #tpu.memory_space<vmem>> -> memref<1x32xi32, #tpu.memory_space<vmem>>
    %dma_start3A_95 = tpu.memref_squeeze %dma_start3A_94 : memref<1x32xi32, #tpu.memory_space<vmem>> -> memref<32xi32, #tpu.memory_space<vmem>>
    %dma_start3A_96 = arith.constant 0 : i32
    %dma_start3A_97 = arith.constant 0 : i32
    %dma_start3A_98 = tpu.memref_slice %arg7[%dma_start3A_96, %dma_start3A_97] : memref<1000000x64xf32, #tpu.memory_space<hbm>> -> memref<1000000x64xf32, #tpu.memory_space<hbm>>
    tpu.enqueue_indirect_dma source(%dma_start3A_98 : memref<1000000x64xf32, #tpu.memory_space<hbm>>) target(%dma_start3A_93 : memref<32x64xf32, #tpu.memory_space<vmem>>) offsets(%dma_start3A_95 : memref<32xi32, #tpu.memory_space<vmem>>) semaphore(%arg24 : memref<!tpu.dma_semaphore, #tpu.memory_space<semaphore_mem>>)
    %dma_start3A_99 = arith.constant 5 : i32
    %dma_start3A_100 = arith.constant 5 : i32
    %dma_start3A_101 = arith.constant 0 : i32
    %dma_start3A_102 = arith.constant 0 : i32
    %dma_start3A_103 = tpu.memref_slice %arg17[%dma_start3A_100, %dma_start3A_101, %dma_start3A_102] : memref<20x32x64xf32, #tpu.memory_space<vmem>> -> memref<1x32x64xf32, #tpu.memory_space<vmem>>
    %dma_start3A_104 = tpu.memref_squeeze %dma_start3A_103 : memref<1x32x64xf32, #tpu.memory_space<vmem>> -> memref<32x64xf32, #tpu.memory_space<vmem>>
    %dma_start3A_105 = tpu.memref_slice %arg13[%dma_start3A_99, %multiple_of3A_31] : memref<20x512xi32, #tpu.memory_space<vmem>> -> memref<1x32xi32, #tpu.memory_space<vmem>>
    %dma_start3A_106 = tpu.memref_squeeze %dma_start3A_105 : memref<1x32xi32, #tpu.memory_space<vmem>> -> memref<32xi32, #tpu.memory_space<vmem>>
    %dma_start3A_107 = arith.constant 0 : i32
    %dma_start3A_108 = arith.constant 0 : i32
    %dma_start3A_109 = tpu.memref_slice %arg7[%dma_start3A_107, %dma_start3A_108] : memref<1000000x64xf32, #tpu.memory_space<hbm>> -> memref<1000000x64xf32, #tpu.memory_space<hbm>>
    tpu.enqueue_indirect_dma source(%dma_start3A_109 : memref<1000000x64xf32, #tpu.memory_space<hbm>>) target(%dma_start3A_104 : memref<32x64xf32, #tpu.memory_space<vmem>>) offsets(%dma_start3A_106 : memref<32xi32, #tpu.memory_space<vmem>>) semaphore(%arg24 : memref<!tpu.dma_semaphore, #tpu.memory_space<semaphore_mem>>)
    %dma_start3A_110 = arith.constant 6 : i32
    %dma_start3A_111 = arith.constant 6 : i32
    %dma_start3A_112 = arith.constant 0 : i32
    %dma_start3A_113 = arith.constant 0 : i32
    %dma_start3A_114 = tpu.memref_slice %arg17[%dma_start3A_111, %dma_start3A_112, %dma_start3A_113] : memref<20x32x64xf32, #tpu.memory_space<vmem>> -> memref<1x32x64xf32, #tpu.memory_space<vmem>>
    %dma_start3A_115 = tpu.memref_squeeze %dma_start3A_114 : memref<1x32x64xf32, #tpu.memory_space<vmem>> -> memref<32x64xf32, #tpu.memory_space<vmem>>
    %dma_start3A_116 = tpu.memref_slice %arg13[%dma_start3A_110, %multiple_of3A_31] : memref<20x512xi32, #tpu.memory_space<vmem>> -> memref<1x32xi32, #tpu.memory_space<vmem>>
    %dma_start3A_117 = tpu.memref_squeeze %dma_start3A_116 : memref<1x32xi32, #tpu.memory_space<vmem>> -> memref<32xi32, #tpu.memory_space<vmem>>
    %dma_start3A_118 = arith.constant 0 : i32
    %dma_start3A_119 = arith.constant 0 : i32
    %dma_start3A_120 = tpu.memref_slice %arg7[%dma_start3A_118, %dma_start3A_119] : memref<1000000x64xf32, #tpu.memory_space<hbm>> -> memref<1000000x64xf32, #tpu.memory_space<hbm>>
    tpu.enqueue_indirect_dma source(%dma_start3A_120 : memref<1000000x64xf32, #tpu.memory_space<hbm>>) target(%dma_start3A_115 : memref<32x64xf32, #tpu.memory_space<vmem>>) offsets(%dma_start3A_117 : memref<32xi32, #tpu.memory_space<vmem>>) semaphore(%arg24 : memref<!tpu.dma_semaphore, #tpu.memory_space<semaphore_mem>>)
    %dma_start3A_121 = arith.constant 7 : i32
    %dma_start3A_122 = arith.constant 7 : i32
    %dma_start3A_123 = arith.constant 0 : i32
    %dma_start3A_124 = arith.constant 0 : i32
    %dma_start3A_125 = tpu.memref_slice %arg17[%dma_start3A_122, %dma_start3A_123, %dma_start3A_124] : memref<20x32x64xf32, #tpu.memory_space<vmem>> -> memref<1x32x64xf32, #tpu.memory_space<vmem>>
    %dma_start3A_126 = tpu.memref_squeeze %dma_start3A_125 : memref<1x32x64xf32, #tpu.memory_space<vmem>> -> memref<32x64xf32, #tpu.memory_space<vmem>>
    %dma_start3A_127 = tpu.memref_slice %arg13[%dma_start3A_121, %multiple_of3A_31] : memref<20x512xi32, #tpu.memory_space<vmem>> -> memref<1x32xi32, #tpu.memory_space<vmem>>
    %dma_start3A_128 = tpu.memref_squeeze %dma_start3A_127 : memref<1x32xi32, #tpu.memory_space<vmem>> -> memref<32xi32, #tpu.memory_space<vmem>>
    %dma_start3A_129 = arith.constant 0 : i32
    %dma_start3A_130 = arith.constant 0 : i32
    %dma_start3A_131 = tpu.memref_slice %arg7[%dma_start3A_129, %dma_start3A_130] : memref<1000000x64xf32, #tpu.memory_space<hbm>> -> memref<1000000x64xf32, #tpu.memory_space<hbm>>
    tpu.enqueue_indirect_dma source(%dma_start3A_131 : memref<1000000x64xf32, #tpu.memory_space<hbm>>) target(%dma_start3A_126 : memref<32x64xf32, #tpu.memory_space<vmem>>) offsets(%dma_start3A_128 : memref<32xi32, #tpu.memory_space<vmem>>) semaphore(%arg24 : memref<!tpu.dma_semaphore, #tpu.memory_space<semaphore_mem>>)
    %dma_start3A_132 = arith.constant 8 : i32
    %dma_start3A_133 = arith.constant 8 : i32
    %dma_start3A_134 = arith.constant 0 : i32
    %dma_start3A_135 = arith.constant 0 : i32
    %dma_start3A_136 = tpu.memref_slice %arg17[%dma_start3A_133, %dma_start3A_134, %dma_start3A_135] : memref<20x32x64xf32, #tpu.memory_space<vmem>> -> memref<1x32x64xf32, #tpu.memory_space<vmem>>
    %dma_start3A_137 = tpu.memref_squeeze %dma_start3A_136 : memref<1x32x64xf32, #tpu.memory_space<vmem>> -> memref<32x64xf32, #tpu.memory_space<vmem>>
    %dma_start3A_138 = tpu.memref_slice %arg13[%dma_start3A_132, %multiple_of3A_31] : memref<20x512xi32, #tpu.memory_space<vmem>> -> memref<1x32xi32, #tpu.memory_space<vmem>>
    %dma_start3A_139 = tpu.memref_squeeze %dma_start3A_138 : memref<1x32xi32, #tpu.memory_space<vmem>> -> memref<32xi32, #tpu.memory_space<vmem>>
    %dma_start3A_140 = arith.constant 0 : i32
    %dma_start3A_141 = arith.constant 0 : i32
    %dma_start3A_142 = tpu.memref_slice %arg7[%dma_start3A_140, %dma_start3A_141] : memref<1000000x64xf32, #tpu.memory_space<hbm>> -> memref<1000000x64xf32, #tpu.memory_space<hbm>>
    tpu.enqueue_indirect_dma source(%dma_start3A_142 : memref<1000000x64xf32, #tpu.memory_space<hbm>>) target(%dma_start3A_137 : memref<32x64xf32, #tpu.memory_space<vmem>>) offsets(%dma_start3A_139 : memref<32xi32, #tpu.memory_space<vmem>>) semaphore(%arg24 : memref<!tpu.dma_semaphore, #tpu.memory_space<semaphore_mem>>)
    %dma_start3A_143 = arith.constant 9 : i32
    %dma_start3A_144 = arith.constant 9 : i32
    %dma_start3A_145 = arith.constant 0 : i32
    %dma_start3A_146 = arith.constant 0 : i32
    %dma_start3A_147 = tpu.memref_slice %arg17[%dma_start3A_144, %dma_start3A_145, %dma_start3A_146] : memref<20x32x64xf32, #tpu.memory_space<vmem>> -> memref<1x32x64xf32, #tpu.memory_space<vmem>>
    %dma_start3A_148 = tpu.memref_squeeze %dma_start3A_147 : memref<1x32x64xf32, #tpu.memory_space<vmem>> -> memref<32x64xf32, #tpu.memory_space<vmem>>
    %dma_start3A_149 = tpu.memref_slice %arg13[%dma_start3A_143, %multiple_of3A_31] : memref<20x512xi32, #tpu.memory_space<vmem>> -> memref<1x32xi32, #tpu.memory_space<vmem>>
    %dma_start3A_150 = tpu.memref_squeeze %dma_start3A_149 : memref<1x32xi32, #tpu.memory_space<vmem>> -> memref<32xi32, #tpu.memory_space<vmem>>
    %dma_start3A_151 = arith.constant 0 : i32
    %dma_start3A_152 = arith.constant 0 : i32
    %dma_start3A_153 = tpu.memref_slice %arg7[%dma_start3A_151, %dma_start3A_152] : memref<1000000x64xf32, #tpu.memory_space<hbm>> -> memref<1000000x64xf32, #tpu.memory_space<hbm>>
    tpu.enqueue_indirect_dma source(%dma_start3A_153 : memref<1000000x64xf32, #tpu.memory_space<hbm>>) target(%dma_start3A_148 : memref<32x64xf32, #tpu.memory_space<vmem>>) offsets(%dma_start3A_150 : memref<32xi32, #tpu.memory_space<vmem>>) semaphore(%arg24 : memref<!tpu.dma_semaphore, #tpu.memory_space<semaphore_mem>>)
    %dma_start3A_154 = arith.constant 10 : i32
    %dma_start3A_155 = arith.constant 10 : i32
    %dma_start3A_156 = arith.constant 0 : i32
    %dma_start3A_157 = arith.constant 0 : i32
    %dma_start3A_158 = tpu.memref_slice %arg17[%dma_start3A_155, %dma_start3A_156, %dma_start3A_157] : memref<20x32x64xf32, #tpu.memory_space<vmem>> -> memref<1x32x64xf32, #tpu.memory_space<vmem>>
    %dma_start3A_159 = tpu.memref_squeeze %dma_start3A_158 : memref<1x32x64xf32, #tpu.memory_space<vmem>> -> memref<32x64xf32, #tpu.memory_space<vmem>>
    %dma_start3A_160 = tpu.memref_slice %arg13[%dma_start3A_154, %multiple_of3A_31] : memref<20x512xi32, #tpu.memory_space<vmem>> -> memref<1x32xi32, #tpu.memory_space<vmem>>
    %dma_start3A_161 = tpu.memref_squeeze %dma_start3A_160 : memref<1x32xi32, #tpu.memory_space<vmem>> -> memref<32xi32, #tpu.memory_space<vmem>>
    %dma_start3A_162 = arith.constant 0 : i32
    %dma_start3A_163 = arith.constant 0 : i32
    %dma_start3A_164 = tpu.memref_slice %arg7[%dma_start3A_162, %dma_start3A_163] : memref<1000000x64xf32, #tpu.memory_space<hbm>> -> memref<1000000x64xf32, #tpu.memory_space<hbm>>
    tpu.enqueue_indirect_dma source(%dma_start3A_164 : memref<1000000x64xf32, #tpu.memory_space<hbm>>) target(%dma_start3A_159 : memref<32x64xf32, #tpu.memory_space<vmem>>) offsets(%dma_start3A_161 : memref<32xi32, #tpu.memory_space<vmem>>) semaphore(%arg24 : memref<!tpu.dma_semaphore, #tpu.memory_space<semaphore_mem>>)
    %dma_start3A_165 = arith.constant 11 : i32
    %dma_start3A_166 = arith.constant 11 : i32
    %dma_start3A_167 = arith.constant 0 : i32
    %dma_start3A_168 = arith.constant 0 : i32
    %dma_start3A_169 = tpu.memref_slice %arg17[%dma_start3A_166, %dma_start3A_167, %dma_start3A_168] : memref<20x32x64xf32, #tpu.memory_space<vmem>> -> memref<1x32x64xf32, #tpu.memory_space<vmem>>
    %dma_start3A_170 = tpu.memref_squeeze %dma_start3A_169 : memref<1x32x64xf32, #tpu.memory_space<vmem>> -> memref<32x64xf32, #tpu.memory_space<vmem>>
    %dma_start3A_171 = tpu.memref_slice %arg13[%dma_start3A_165, %multiple_of3A_31] : memref<20x512xi32, #tpu.memory_space<vmem>> -> memref<1x32xi32, #tpu.memory_space<vmem>>
    %dma_start3A_172 = tpu.memref_squeeze %dma_start3A_171 : memref<1x32xi32, #tpu.memory_space<vmem>> -> memref<32xi32, #tpu.memory_space<vmem>>
    %dma_start3A_173 = arith.constant 0 : i32
    %dma_start3A_174 = arith.constant 0 : i32
    %dma_start3A_175 = tpu.memref_slice %arg7[%dma_start3A_173, %dma_start3A_174] : memref<1000000x64xf32, #tpu.memory_space<hbm>> -> memref<1000000x64xf32, #tpu.memory_space<hbm>>
    tpu.enqueue_indirect_dma source(%dma_start3A_175 : memref<1000000x64xf32, #tpu.memory_space<hbm>>) target(%dma_start3A_170 : memref<32x64xf32, #tpu.memory_space<vmem>>) offsets(%dma_start3A_172 : memref<32xi32, #tpu.memory_space<vmem>>) semaphore(%arg24 : memref<!tpu.dma_semaphore, #tpu.memory_space<semaphore_mem>>)
    %dma_start3A_176 = arith.constant 12 : i32
    %dma_start3A_177 = arith.constant 12 : i32
    %dma_start3A_178 = arith.constant 0 : i32
    %dma_start3A_179 = arith.constant 0 : i32
    %dma_start3A_180 = tpu.memref_slice %arg17[%dma_start3A_177, %dma_start3A_178, %dma_start3A_179] : memref<20x32x64xf32, #tpu.memory_space<vmem>> -> memref<1x32x64xf32, #tpu.memory_space<vmem>>
    %dma_start3A_181 = tpu.memref_squeeze %dma_start3A_180 : memref<1x32x64xf32, #tpu.memory_space<vmem>> -> memref<32x64xf32, #tpu.memory_space<vmem>>
    %dma_start3A_182 = tpu.memref_slice %arg13[%dma_start3A_176, %multiple_of3A_31] : memref<20x512xi32, #tpu.memory_space<vmem>> -> memref<1x32xi32, #tpu.memory_space<vmem>>
    %dma_start3A_183 = tpu.memref_squeeze %dma_start3A_182 : memref<1x32xi32, #tpu.memory_space<vmem>> -> memref<32xi32, #tpu.memory_space<vmem>>
    %dma_start3A_184 = arith.constant 0 : i32
    %dma_start3A_185 = arith.constant 0 : i32
    %dma_start3A_186 = tpu.memref_slice %arg7[%dma_start3A_184, %dma_start3A_185] : memref<1000000x64xf32, #tpu.memory_space<hbm>> -> memref<1000000x64xf32, #tpu.memory_space<hbm>>
    tpu.enqueue_indirect_dma source(%dma_start3A_186 : memref<1000000x64xf32, #tpu.memory_space<hbm>>) target(%dma_start3A_181 : memref<32x64xf32, #tpu.memory_space<vmem>>) offsets(%dma_start3A_183 : memref<32xi32, #tpu.memory_space<vmem>>) semaphore(%arg24 : memref<!tpu.dma_semaphore, #tpu.memory_space<semaphore_mem>>)
    %dma_start3A_187 = arith.constant 13 : i32
    %dma_start3A_188 = arith.constant 13 : i32
    %dma_start3A_189 = arith.constant 0 : i32
    %dma_start3A_190 = arith.constant 0 : i32
    %dma_start3A_191 = tpu.memref_slice %arg17[%dma_start3A_188, %dma_start3A_189, %dma_start3A_190] : memref<20x32x64xf32, #tpu.memory_space<vmem>> -> memref<1x32x64xf32, #tpu.memory_space<vmem>>
    %dma_start3A_192 = tpu.memref_squeeze %dma_start3A_191 : memref<1x32x64xf32, #tpu.memory_space<vmem>> -> memref<32x64xf32, #tpu.memory_space<vmem>>
    %dma_start3A_193 = tpu.memref_slice %arg13[%dma_start3A_187, %multiple_of3A_31] : memref<20x512xi32, #tpu.memory_space<vmem>> -> memref<1x32xi32, #tpu.memory_space<vmem>>
    %dma_start3A_194 = tpu.memref_squeeze %dma_start3A_193 : memref<1x32xi32, #tpu.memory_space<vmem>> -> memref<32xi32, #tpu.memory_space<vmem>>
    %dma_start3A_195 = arith.constant 0 : i32
    %dma_start3A_196 = arith.constant 0 : i32
    %dma_start3A_197 = tpu.memref_slice %arg7[%dma_start3A_195, %dma_start3A_196] : memref<1000000x64xf32, #tpu.memory_space<hbm>> -> memref<1000000x64xf32, #tpu.memory_space<hbm>>
    tpu.enqueue_indirect_dma source(%dma_start3A_197 : memref<1000000x64xf32, #tpu.memory_space<hbm>>) target(%dma_start3A_192 : memref<32x64xf32, #tpu.memory_space<vmem>>) offsets(%dma_start3A_194 : memref<32xi32, #tpu.memory_space<vmem>>) semaphore(%arg24 : memref<!tpu.dma_semaphore, #tpu.memory_space<semaphore_mem>>)
    %dma_start3A_198 = arith.constant 14 : i32
    %dma_start3A_199 = arith.constant 14 : i32
    %dma_start3A_200 = arith.constant 0 : i32
    %dma_start3A_201 = arith.constant 0 : i32
    %dma_start3A_202 = tpu.memref_slice %arg17[%dma_start3A_199, %dma_start3A_200, %dma_start3A_201] : memref<20x32x64xf32, #tpu.memory_space<vmem>> -> memref<1x32x64xf32, #tpu.memory_space<vmem>>
    %dma_start3A_203 = tpu.memref_squeeze %dma_start3A_202 : memref<1x32x64xf32, #tpu.memory_space<vmem>> -> memref<32x64xf32, #tpu.memory_space<vmem>>
    %dma_start3A_204 = tpu.memref_slice %arg13[%dma_start3A_198, %multiple_of3A_31] : memref<20x512xi32, #tpu.memory_space<vmem>> -> memref<1x32xi32, #tpu.memory_space<vmem>>
    %dma_start3A_205 = tpu.memref_squeeze %dma_start3A_204 : memref<1x32xi32, #tpu.memory_space<vmem>> -> memref<32xi32, #tpu.memory_space<vmem>>
    %dma_start3A_206 = arith.constant 0 : i32
    %dma_start3A_207 = arith.constant 0 : i32
    %dma_start3A_208 = tpu.memref_slice %arg7[%dma_start3A_206, %dma_start3A_207] : memref<1000000x64xf32, #tpu.memory_space<hbm>> -> memref<1000000x64xf32, #tpu.memory_space<hbm>>
    tpu.enqueue_indirect_dma source(%dma_start3A_208 : memref<1000000x64xf32, #tpu.memory_space<hbm>>) target(%dma_start3A_203 : memref<32x64xf32, #tpu.memory_space<vmem>>) offsets(%dma_start3A_205 : memref<32xi32, #tpu.memory_space<vmem>>) semaphore(%arg24 : memref<!tpu.dma_semaphore, #tpu.memory_space<semaphore_mem>>)
    %dma_start3A_209 = arith.constant 15 : i32
    %dma_start3A_210 = arith.constant 15 : i32
    %dma_start3A_211 = arith.constant 0 : i32
    %dma_start3A_212 = arith.constant 0 : i32
    %dma_start3A_213 = tpu.memref_slice %arg17[%dma_start3A_210, %dma_start3A_211, %dma_start3A_212] : memref<20x32x64xf32, #tpu.memory_space<vmem>> -> memref<1x32x64xf32, #tpu.memory_space<vmem>>
    %dma_start3A_214 = tpu.memref_squeeze %dma_start3A_213 : memref<1x32x64xf32, #tpu.memory_space<vmem>> -> memref<32x64xf32, #tpu.memory_space<vmem>>
    %dma_start3A_215 = tpu.memref_slice %arg13[%dma_start3A_209, %multiple_of3A_31] : memref<20x512xi32, #tpu.memory_space<vmem>> -> memref<1x32xi32, #tpu.memory_space<vmem>>
    %dma_start3A_216 = tpu.memref_squeeze %dma_start3A_215 : memref<1x32xi32, #tpu.memory_space<vmem>> -> memref<32xi32, #tpu.memory_space<vmem>>
    %dma_start3A_217 = arith.constant 0 : i32
    %dma_start3A_218 = arith.constant 0 : i32
    %dma_start3A_219 = tpu.memref_slice %arg7[%dma_start3A_217, %dma_start3A_218] : memref<1000000x64xf32, #tpu.memory_space<hbm>> -> memref<1000000x64xf32, #tpu.memory_space<hbm>>
    tpu.enqueue_indirect_dma source(%dma_start3A_219 : memref<1000000x64xf32, #tpu.memory_space<hbm>>) target(%dma_start3A_214 : memref<32x64xf32, #tpu.memory_space<vmem>>) offsets(%dma_start3A_216 : memref<32xi32, #tpu.memory_space<vmem>>) semaphore(%arg24 : memref<!tpu.dma_semaphore, #tpu.memory_space<semaphore_mem>>)
    %dma_start3A_220 = arith.constant 16 : i32
    %dma_start3A_221 = arith.constant 16 : i32
    %dma_start3A_222 = arith.constant 0 : i32
    %dma_start3A_223 = arith.constant 0 : i32
    %dma_start3A_224 = tpu.memref_slice %arg17[%dma_start3A_221, %dma_start3A_222, %dma_start3A_223] : memref<20x32x64xf32, #tpu.memory_space<vmem>> -> memref<1x32x64xf32, #tpu.memory_space<vmem>>
    %dma_start3A_225 = tpu.memref_squeeze %dma_start3A_224 : memref<1x32x64xf32, #tpu.memory_space<vmem>> -> memref<32x64xf32, #tpu.memory_space<vmem>>
    %dma_start3A_226 = tpu.memref_slice %arg13[%dma_start3A_220, %multiple_of3A_31] : memref<20x512xi32, #tpu.memory_space<vmem>> -> memref<1x32xi32, #tpu.memory_space<vmem>>
    %dma_start3A_227 = tpu.memref_squeeze %dma_start3A_226 : memref<1x32xi32, #tpu.memory_space<vmem>> -> memref<32xi32, #tpu.memory_space<vmem>>
    %dma_start3A_228 = arith.constant 0 : i32
    %dma_start3A_229 = arith.constant 0 : i32
    %dma_start3A_230 = tpu.memref_slice %arg7[%dma_start3A_228, %dma_start3A_229] : memref<1000000x64xf32, #tpu.memory_space<hbm>> -> memref<1000000x64xf32, #tpu.memory_space<hbm>>
    tpu.enqueue_indirect_dma source(%dma_start3A_230 : memref<1000000x64xf32, #tpu.memory_space<hbm>>) target(%dma_start3A_225 : memref<32x64xf32, #tpu.memory_space<vmem>>) offsets(%dma_start3A_227 : memref<32xi32, #tpu.memory_space<vmem>>) semaphore(%arg24 : memref<!tpu.dma_semaphore, #tpu.memory_space<semaphore_mem>>)
    %dma_start3A_231 = arith.constant 17 : i32
    %dma_start3A_232 = arith.constant 17 : i32
    %dma_start3A_233 = arith.constant 0 : i32
    %dma_start3A_234 = arith.constant 0 : i32
    %dma_start3A_235 = tpu.memref_slice %arg17[%dma_start3A_232, %dma_start3A_233, %dma_start3A_234] : memref<20x32x64xf32, #tpu.memory_space<vmem>> -> memref<1x32x64xf32, #tpu.memory_space<vmem>>
    %dma_start3A_236 = tpu.memref_squeeze %dma_start3A_235 : memref<1x32x64xf32, #tpu.memory_space<vmem>> -> memref<32x64xf32, #tpu.memory_space<vmem>>
    %dma_start3A_237 = tpu.memref_slice %arg13[%dma_start3A_231, %multiple_of3A_31] : memref<20x512xi32, #tpu.memory_space<vmem>> -> memref<1x32xi32, #tpu.memory_space<vmem>>
    %dma_start3A_238 = tpu.memref_squeeze %dma_start3A_237 : memref<1x32xi32, #tpu.memory_space<vmem>> -> memref<32xi32, #tpu.memory_space<vmem>>
    %dma_start3A_239 = arith.constant 0 : i32
    %dma_start3A_240 = arith.constant 0 : i32
    %dma_start3A_241 = tpu.memref_slice %arg7[%dma_start3A_239, %dma_start3A_240] : memref<1000000x64xf32, #tpu.memory_space<hbm>> -> memref<1000000x64xf32, #tpu.memory_space<hbm>>
    tpu.enqueue_indirect_dma source(%dma_start3A_241 : memref<1000000x64xf32, #tpu.memory_space<hbm>>) target(%dma_start3A_236 : memref<32x64xf32, #tpu.memory_space<vmem>>) offsets(%dma_start3A_238 : memref<32xi32, #tpu.memory_space<vmem>>) semaphore(%arg24 : memref<!tpu.dma_semaphore, #tpu.memory_space<semaphore_mem>>)
    %dma_start3A_242 = arith.constant 18 : i32
    %dma_start3A_243 = arith.constant 18 : i32
    %dma_start3A_244 = arith.constant 0 : i32
    %dma_start3A_245 = arith.constant 0 : i32
    %dma_start3A_246 = tpu.memref_slice %arg17[%dma_start3A_243, %dma_start3A_244, %dma_start3A_245] : memref<20x32x64xf32, #tpu.memory_space<vmem>> -> memref<1x32x64xf32, #tpu.memory_space<vmem>>
    %dma_start3A_247 = tpu.memref_squeeze %dma_start3A_246 : memref<1x32x64xf32, #tpu.memory_space<vmem>> -> memref<32x64xf32, #tpu.memory_space<vmem>>
    %dma_start3A_248 = tpu.memref_slice %arg13[%dma_start3A_242, %multiple_of3A_31] : memref<20x512xi32, #tpu.memory_space<vmem>> -> memref<1x32xi32, #tpu.memory_space<vmem>>
    %dma_start3A_249 = tpu.memref_squeeze %dma_start3A_248 : memref<1x32xi32, #tpu.memory_space<vmem>> -> memref<32xi32, #tpu.memory_space<vmem>>
    %dma_start3A_250 = arith.constant 0 : i32
    %dma_start3A_251 = arith.constant 0 : i32
    %dma_start3A_252 = tpu.memref_slice %arg7[%dma_start3A_250, %dma_start3A_251] : memref<1000000x64xf32, #tpu.memory_space<hbm>> -> memref<1000000x64xf32, #tpu.memory_space<hbm>>
    tpu.enqueue_indirect_dma source(%dma_start3A_252 : memref<1000000x64xf32, #tpu.memory_space<hbm>>) target(%dma_start3A_247 : memref<32x64xf32, #tpu.memory_space<vmem>>) offsets(%dma_start3A_249 : memref<32xi32, #tpu.memory_space<vmem>>) semaphore(%arg24 : memref<!tpu.dma_semaphore, #tpu.memory_space<semaphore_mem>>)
    %dma_start3A_253 = arith.constant 19 : i32
    %dma_start3A_254 = arith.constant 19 : i32
    %dma_start3A_255 = arith.constant 0 : i32
    %dma_start3A_256 = arith.constant 0 : i32
    %dma_start3A_257 = tpu.memref_slice %arg17[%dma_start3A_254, %dma_start3A_255, %dma_start3A_256] : memref<20x32x64xf32, #tpu.memory_space<vmem>> -> memref<1x32x64xf32, #tpu.memory_space<vmem>>
    %dma_start3A_258 = tpu.memref_squeeze %dma_start3A_257 : memref<1x32x64xf32, #tpu.memory_space<vmem>> -> memref<32x64xf32, #tpu.memory_space<vmem>>
    %dma_start3A_259 = tpu.memref_slice %arg13[%dma_start3A_253, %multiple_of3A_31] : memref<20x512xi32, #tpu.memory_space<vmem>> -> memref<1x32xi32, #tpu.memory_space<vmem>>
    %dma_start3A_260 = tpu.memref_squeeze %dma_start3A_259 : memref<1x32xi32, #tpu.memory_space<vmem>> -> memref<32xi32, #tpu.memory_space<vmem>>
    %dma_start3A_261 = arith.constant 0 : i32
    %dma_start3A_262 = arith.constant 0 : i32
    %dma_start3A_263 = tpu.memref_slice %arg7[%dma_start3A_261, %dma_start3A_262] : memref<1000000x64xf32, #tpu.memory_space<hbm>> -> memref<1000000x64xf32, #tpu.memory_space<hbm>>
    tpu.enqueue_indirect_dma source(%dma_start3A_263 : memref<1000000x64xf32, #tpu.memory_space<hbm>>) target(%dma_start3A_258 : memref<32x64xf32, #tpu.memory_space<vmem>>) offsets(%dma_start3A_260 : memref<32xi32, #tpu.memory_space<vmem>>) semaphore(%arg24 : memref<!tpu.dma_semaphore, #tpu.memory_space<semaphore_mem>>)
    %scan3A = arith.constant 0 : i32
    %scan3A_264 = arith.constant 0 : i32
    %scan3A_265 = arith.constant 8 : i32
    %scan3A_266 = arith.addi %scan3A_264, %scan3A_265 : i32
    %scan3A_267 = arith.constant 1 : i32
    scf.for %scan3A_269 = %scan3A_264 to %scan3A_266 step %scan3A_267  : i32 {
      %mul3A_270 = arith.constant 2 : i32
      %mul3A_271 = arith.muli %scan3A_269, %mul3A_270 : i32
      %add3A_272 = arith.constant 1 : i32
      %add3A_273 = arith.addi %mul3A_271, %add3A_272 : i32
      %mul3A_274 = arith.constant 32 : i32
      %mul3A_275 = arith.muli %add3A_273, %mul3A_274 : i32
      %multiple_of3A_276 = tpu.assume_multiple %mul3A_275, 32 : i32
      %dma_start3A_277 = tpu.memref_slice %arg10[%multiple_of3A_276] : memref<512xi32, #tpu.memory_space<vmem>> -> memref<32xi32, #tpu.memory_space<vmem>>
      %dma_start3A_278 = arith.constant 0 : i32
      %dma_start3A_279 = arith.constant 0 : i32
      %dma_start3A_280 = tpu.memref_slice %arg6[%dma_start3A_278, %dma_start3A_279] : memref<1000000x64xf32, #tpu.memory_space<hbm>> -> memref<1000000x64xf32, #tpu.memory_space<hbm>>
      tpu.enqueue_indirect_dma source(%dma_start3A_280 : memref<1000000x64xf32, #tpu.memory_space<hbm>>) target(%arg18 : memref<32x64xf32, #tpu.memory_space<vmem>>) offsets(%dma_start3A_277 : memref<32xi32, #tpu.memory_space<vmem>>) semaphore(%arg25 : memref<!tpu.dma_semaphore, #tpu.memory_space<semaphore_mem>>)
      %dma_start3A_281 = tpu.memref_slice %arg11[%multiple_of3A_276] : memref<512xi32, #tpu.memory_space<vmem>> -> memref<32xi32, #tpu.memory_space<vmem>>
      %dma_start3A_282 = arith.constant 0 : i32
      %dma_start3A_283 = arith.constant 0 : i32
      %dma_start3A_284 = tpu.memref_slice %arg6[%dma_start3A_282, %dma_start3A_283] : memref<1000000x64xf32, #tpu.memory_space<hbm>> -> memref<1000000x64xf32, #tpu.memory_space<hbm>>
      tpu.enqueue_indirect_dma source(%dma_start3A_284 : memref<1000000x64xf32, #tpu.memory_space<hbm>>) target(%arg19 : memref<32x64xf32, #tpu.memory_space<vmem>>) offsets(%dma_start3A_281 : memref<32xi32, #tpu.memory_space<vmem>>) semaphore(%arg25 : memref<!tpu.dma_semaphore, #tpu.memory_space<semaphore_mem>>)
      %dma_start3A_285 = tpu.memref_slice %arg11[%multiple_of3A_276] : memref<512xi32, #tpu.memory_space<vmem>> -> memref<32xi32, #tpu.memory_space<vmem>>
      %dma_start3A_286 = arith.constant 0 : i32
      %dma_start3A_287 = arith.constant 0 : i32
      %dma_start3A_288 = tpu.memref_slice %arg7[%dma_start3A_286, %dma_start3A_287] : memref<1000000x64xf32, #tpu.memory_space<hbm>> -> memref<1000000x64xf32, #tpu.memory_space<hbm>>
      tpu.enqueue_indirect_dma source(%dma_start3A_288 : memref<1000000x64xf32, #tpu.memory_space<hbm>>) target(%arg20 : memref<32x64xf32, #tpu.memory_space<vmem>>) offsets(%dma_start3A_285 : memref<32xi32, #tpu.memory_space<vmem>>) semaphore(%arg25 : memref<!tpu.dma_semaphore, #tpu.memory_space<semaphore_mem>>)
      %dma_start3A_289 = arith.constant 0 : i32
      %dma_start3A_290 = arith.constant 0 : i32
      %dma_start3A_291 = arith.constant 0 : i32
      %dma_start3A_292 = arith.constant 0 : i32
      %dma_start3A_293 = tpu.memref_slice %arg21[%dma_start3A_290, %dma_start3A_291, %dma_start3A_292] : memref<20x32x64xf32, #tpu.memory_space<vmem>> -> memref<1x32x64xf32, #tpu.memory_space<vmem>>
      %dma_start3A_294 = tpu.memref_squeeze %dma_start3A_293 : memref<1x32x64xf32, #tpu.memory_space<vmem>> -> memref<32x64xf32, #tpu.memory_space<vmem>>
      %dma_start3A_295 = tpu.memref_slice %arg13[%dma_start3A_289, %multiple_of3A_276] : memref<20x512xi32, #tpu.memory_space<vmem>> -> memref<1x32xi32, #tpu.memory_space<vmem>>
      %dma_start3A_296 = tpu.memref_squeeze %dma_start3A_295 : memref<1x32xi32, #tpu.memory_space<vmem>> -> memref<32xi32, #tpu.memory_space<vmem>>
      %dma_start3A_297 = arith.constant 0 : i32
      %dma_start3A_298 = arith.constant 0 : i32
      %dma_start3A_299 = tpu.memref_slice %arg7[%dma_start3A_297, %dma_start3A_298] : memref<1000000x64xf32, #tpu.memory_space<hbm>> -> memref<1000000x64xf32, #tpu.memory_space<hbm>>
      tpu.enqueue_indirect_dma source(%dma_start3A_299 : memref<1000000x64xf32, #tpu.memory_space<hbm>>) target(%dma_start3A_294 : memref<32x64xf32, #tpu.memory_space<vmem>>) offsets(%dma_start3A_296 : memref<32xi32, #tpu.memory_space<vmem>>) semaphore(%arg25 : memref<!tpu.dma_semaphore, #tpu.memory_space<semaphore_mem>>)
      %dma_start3A_300 = arith.constant 1 : i32
      %dma_start3A_301 = arith.constant 1 : i32
      %dma_start3A_302 = arith.constant 0 : i32
      %dma_start3A_303 = arith.constant 0 : i32
      %dma_start3A_304 = tpu.memref_slice %arg21[%dma_start3A_301, %dma_start3A_302, %dma_start3A_303] : memref<20x32x64xf32, #tpu.memory_space<vmem>> -> memref<1x32x64xf32, #tpu.memory_space<vmem>>
      %dma_start3A_305 = tpu.memref_squeeze %dma_start3A_304 : memref<1x32x64xf32, #tpu.memory_space<vmem>> -> memref<32x64xf32, #tpu.memory_space<vmem>>
      %dma_start3A_306 = tpu.memref_slice %arg13[%dma_start3A_300, %multiple_of3A_276] : memref<20x512xi32, #tpu.memory_space<vmem>> -> memref<1x32xi32, #tpu.memory_space<vmem>>
      %dma_start3A_307 = tpu.memref_squeeze %dma_start3A_306 : memref<1x32xi32, #tpu.memory_space<vmem>> -> memref<32xi32, #tpu.memory_space<vmem>>
      %dma_start3A_308 = arith.constant 0 : i32
      %dma_start3A_309 = arith.constant 0 : i32
      %dma_start3A_310 = tpu.memref_slice %arg7[%dma_start3A_308, %dma_start3A_309] : memref<1000000x64xf32, #tpu.memory_space<hbm>> -> memref<1000000x64xf32, #tpu.memory_space<hbm>>
      tpu.enqueue_indirect_dma source(%dma_start3A_310 : memref<1000000x64xf32, #tpu.memory_space<hbm>>) target(%dma_start3A_305 : memref<32x64xf32, #tpu.memory_space<vmem>>) offsets(%dma_start3A_307 : memref<32xi32, #tpu.memory_space<vmem>>) semaphore(%arg25 : memref<!tpu.dma_semaphore, #tpu.memory_space<semaphore_mem>>)
      %dma_start3A_311 = arith.constant 2 : i32
      %dma_start3A_312 = arith.constant 2 : i32
      %dma_start3A_313 = arith.constant 0 : i32
      %dma_start3A_314 = arith.constant 0 : i32
      %dma_start3A_315 = tpu.memref_slice %arg21[%dma_start3A_312, %dma_start3A_313, %dma_start3A_314] : memref<20x32x64xf32, #tpu.memory_space<vmem>> -> memref<1x32x64xf32, #tpu.memory_space<vmem>>
      %dma_start3A_316 = tpu.memref_squeeze %dma_start3A_315 : memref<1x32x64xf32, #tpu.memory_space<vmem>> -> memref<32x64xf32, #tpu.memory_space<vmem>>
      %dma_start3A_317 = tpu.memref_slice %arg13[%dma_start3A_311, %multiple_of3A_276] : memref<20x512xi32, #tpu.memory_space<vmem>> -> memref<1x32xi32, #tpu.memory_space<vmem>>
      %dma_start3A_318 = tpu.memref_squeeze %dma_start3A_317 : memref<1x32xi32, #tpu.memory_space<vmem>> -> memref<32xi32, #tpu.memory_space<vmem>>
      %dma_start3A_319 = arith.constant 0 : i32
      %dma_start3A_320 = arith.constant 0 : i32
      %dma_start3A_321 = tpu.memref_slice %arg7[%dma_start3A_319, %dma_start3A_320] : memref<1000000x64xf32, #tpu.memory_space<hbm>> -> memref<1000000x64xf32, #tpu.memory_space<hbm>>
      tpu.enqueue_indirect_dma source(%dma_start3A_321 : memref<1000000x64xf32, #tpu.memory_space<hbm>>) target(%dma_start3A_316 : memref<32x64xf32, #tpu.memory_space<vmem>>) offsets(%dma_start3A_318 : memref<32xi32, #tpu.memory_space<vmem>>) semaphore(%arg25 : memref<!tpu.dma_semaphore, #tpu.memory_space<semaphore_mem>>)
      %dma_start3A_322 = arith.constant 3 : i32
      %dma_start3A_323 = arith.constant 3 : i32
      %dma_start3A_324 = arith.constant 0 : i32
      %dma_start3A_325 = arith.constant 0 : i32
      %dma_start3A_326 = tpu.memref_slice %arg21[%dma_start3A_323, %dma_start3A_324, %dma_start3A_325] : memref<20x32x64xf32, #tpu.memory_space<vmem>> -> memref<1x32x64xf32, #tpu.memory_space<vmem>>
      %dma_start3A_327 = tpu.memref_squeeze %dma_start3A_326 : memref<1x32x64xf32, #tpu.memory_space<vmem>> -> memref<32x64xf32, #tpu.memory_space<vmem>>
      %dma_start3A_328 = tpu.memref_slice %arg13[%dma_start3A_322, %multiple_of3A_276] : memref<20x512xi32, #tpu.memory_space<vmem>> -> memref<1x32xi32, #tpu.memory_space<vmem>>
      %dma_start3A_329 = tpu.memref_squeeze %dma_start3A_328 : memref<1x32xi32, #tpu.memory_space<vmem>> -> memref<32xi32, #tpu.memory_space<vmem>>
      %dma_start3A_330 = arith.constant 0 : i32
      %dma_start3A_331 = arith.constant 0 : i32
      %dma_start3A_332 = tpu.memref_slice %arg7[%dma_start3A_330, %dma_start3A_331] : memref<1000000x64xf32, #tpu.memory_space<hbm>> -> memref<1000000x64xf32, #tpu.memory_space<hbm>>
      tpu.enqueue_indirect_dma source(%dma_start3A_332 : memref<1000000x64xf32, #tpu.memory_space<hbm>>) target(%dma_start3A_327 : memref<32x64xf32, #tpu.memory_space<vmem>>) offsets(%dma_start3A_329 : memref<32xi32, #tpu.memory_space<vmem>>) semaphore(%arg25 : memref<!tpu.dma_semaphore, #tpu.memory_space<semaphore_mem>>)
      %dma_start3A_333 = arith.constant 4 : i32
      %dma_start3A_334 = arith.constant 4 : i32
      %dma_start3A_335 = arith.constant 0 : i32
      %dma_start3A_336 = arith.constant 0 : i32
      %dma_start3A_337 = tpu.memref_slice %arg21[%dma_start3A_334, %dma_start3A_335, %dma_start3A_336] : memref<20x32x64xf32, #tpu.memory_space<vmem>> -> memref<1x32x64xf32, #tpu.memory_space<vmem>>
      %dma_start3A_338 = tpu.memref_squeeze %dma_start3A_337 : memref<1x32x64xf32, #tpu.memory_space<vmem>> -> memref<32x64xf32, #tpu.memory_space<vmem>>
      %dma_start3A_339 = tpu.memref_slice %arg13[%dma_start3A_333, %multiple_of3A_276] : memref<20x512xi32, #tpu.memory_space<vmem>> -> memref<1x32xi32, #tpu.memory_space<vmem>>
      %dma_start3A_340 = tpu.memref_squeeze %dma_start3A_339 : memref<1x32xi32, #tpu.memory_space<vmem>> -> memref<32xi32, #tpu.memory_space<vmem>>
      %dma_start3A_341 = arith.constant 0 : i32
      %dma_start3A_342 = arith.constant 0 : i32
      %dma_start3A_343 = tpu.memref_slice %arg7[%dma_start3A_341, %dma_start3A_342] : memref<1000000x64xf32, #tpu.memory_space<hbm>> -> memref<1000000x64xf32, #tpu.memory_space<hbm>>
      tpu.enqueue_indirect_dma source(%dma_start3A_343 : memref<1000000x64xf32, #tpu.memory_space<hbm>>) target(%dma_start3A_338 : memref<32x64xf32, #tpu.memory_space<vmem>>) offsets(%dma_start3A_340 : memref<32xi32, #tpu.memory_space<vmem>>) semaphore(%arg25 : memref<!tpu.dma_semaphore, #tpu.memory_space<semaphore_mem>>)
      %dma_start3A_344 = arith.constant 5 : i32
      %dma_start3A_345 = arith.constant 5 : i32
      %dma_start3A_346 = arith.constant 0 : i32
      %dma_start3A_347 = arith.constant 0 : i32
      %dma_start3A_348 = tpu.memref_slice %arg21[%dma_start3A_345, %dma_start3A_346, %dma_start3A_347] : memref<20x32x64xf32, #tpu.memory_space<vmem>> -> memref<1x32x64xf32, #tpu.memory_space<vmem>>
      %dma_start3A_349 = tpu.memref_squeeze %dma_start3A_348 : memref<1x32x64xf32, #tpu.memory_space<vmem>> -> memref<32x64xf32, #tpu.memory_space<vmem>>
      %dma_start3A_350 = tpu.memref_slice %arg13[%dma_start3A_344, %multiple_of3A_276] : memref<20x512xi32, #tpu.memory_space<vmem>> -> memref<1x32xi32, #tpu.memory_space<vmem>>
      %dma_start3A_351 = tpu.memref_squeeze %dma_start3A_350 : memref<1x32xi32, #tpu.memory_space<vmem>> -> memref<32xi32, #tpu.memory_space<vmem>>
      %dma_start3A_352 = arith.constant 0 : i32
      %dma_start3A_353 = arith.constant 0 : i32
      %dma_start3A_354 = tpu.memref_slice %arg7[%dma_start3A_352, %dma_start3A_353] : memref<1000000x64xf32, #tpu.memory_space<hbm>> -> memref<1000000x64xf32, #tpu.memory_space<hbm>>
      tpu.enqueue_indirect_dma source(%dma_start3A_354 : memref<1000000x64xf32, #tpu.memory_space<hbm>>) target(%dma_start3A_349 : memref<32x64xf32, #tpu.memory_space<vmem>>) offsets(%dma_start3A_351 : memref<32xi32, #tpu.memory_space<vmem>>) semaphore(%arg25 : memref<!tpu.dma_semaphore, #tpu.memory_space<semaphore_mem>>)
      %dma_start3A_355 = arith.constant 6 : i32
      %dma_start3A_356 = arith.constant 6 : i32
      %dma_start3A_357 = arith.constant 0 : i32
      %dma_start3A_358 = arith.constant 0 : i32
      %dma_start3A_359 = tpu.memref_slice %arg21[%dma_start3A_356, %dma_start3A_357, %dma_start3A_358] : memref<20x32x64xf32, #tpu.memory_space<vmem>> -> memref<1x32x64xf32, #tpu.memory_space<vmem>>
      %dma_start3A_360 = tpu.memref_squeeze %dma_start3A_359 : memref<1x32x64xf32, #tpu.memory_space<vmem>> -> memref<32x64xf32, #tpu.memory_space<vmem>>
      %dma_start3A_361 = tpu.memref_slice %arg13[%dma_start3A_355, %multiple_of3A_276] : memref<20x512xi32, #tpu.memory_space<vmem>> -> memref<1x32xi32, #tpu.memory_space<vmem>>
      %dma_start3A_362 = tpu.memref_squeeze %dma_start3A_361 : memref<1x32xi32, #tpu.memory_space<vmem>> -> memref<32xi32, #tpu.memory_space<vmem>>
      %dma_start3A_363 = arith.constant 0 : i32
      %dma_start3A_364 = arith.constant 0 : i32
      %dma_start3A_365 = tpu.memref_slice %arg7[%dma_start3A_363, %dma_start3A_364] : memref<1000000x64xf32, #tpu.memory_space<hbm>> -> memref<1000000x64xf32, #tpu.memory_space<hbm>>
      tpu.enqueue_indirect_dma source(%dma_start3A_365 : memref<1000000x64xf32, #tpu.memory_space<hbm>>) target(%dma_start3A_360 : memref<32x64xf32, #tpu.memory_space<vmem>>) offsets(%dma_start3A_362 : memref<32xi32, #tpu.memory_space<vmem>>) semaphore(%arg25 : memref<!tpu.dma_semaphore, #tpu.memory_space<semaphore_mem>>)
      %dma_start3A_366 = arith.constant 7 : i32
      %dma_start3A_367 = arith.constant 7 : i32
      %dma_start3A_368 = arith.constant 0 : i32
      %dma_start3A_369 = arith.constant 0 : i32
      %dma_start3A_370 = tpu.memref_slice %arg21[%dma_start3A_367, %dma_start3A_368, %dma_start3A_369] : memref<20x32x64xf32, #tpu.memory_space<vmem>> -> memref<1x32x64xf32, #tpu.memory_space<vmem>>
      %dma_start3A_371 = tpu.memref_squeeze %dma_start3A_370 : memref<1x32x64xf32, #tpu.memory_space<vmem>> -> memref<32x64xf32, #tpu.memory_space<vmem>>
      %dma_start3A_372 = tpu.memref_slice %arg13[%dma_start3A_366, %multiple_of3A_276] : memref<20x512xi32, #tpu.memory_space<vmem>> -> memref<1x32xi32, #tpu.memory_space<vmem>>
      %dma_start3A_373 = tpu.memref_squeeze %dma_start3A_372 : memref<1x32xi32, #tpu.memory_space<vmem>> -> memref<32xi32, #tpu.memory_space<vmem>>
      %dma_start3A_374 = arith.constant 0 : i32
      %dma_start3A_375 = arith.constant 0 : i32
      %dma_start3A_376 = tpu.memref_slice %arg7[%dma_start3A_374, %dma_start3A_375] : memref<1000000x64xf32, #tpu.memory_space<hbm>> -> memref<1000000x64xf32, #tpu.memory_space<hbm>>
      tpu.enqueue_indirect_dma source(%dma_start3A_376 : memref<1000000x64xf32, #tpu.memory_space<hbm>>) target(%dma_start3A_371 : memref<32x64xf32, #tpu.memory_space<vmem>>) offsets(%dma_start3A_373 : memref<32xi32, #tpu.memory_space<vmem>>) semaphore(%arg25 : memref<!tpu.dma_semaphore, #tpu.memory_space<semaphore_mem>>)
      %dma_start3A_377 = arith.constant 8 : i32
      %dma_start3A_378 = arith.constant 8 : i32
      %dma_start3A_379 = arith.constant 0 : i32
      %dma_start3A_380 = arith.constant 0 : i32
      %dma_start3A_381 = tpu.memref_slice %arg21[%dma_start3A_378, %dma_start3A_379, %dma_start3A_380] : memref<20x32x64xf32, #tpu.memory_space<vmem>> -> memref<1x32x64xf32, #tpu.memory_space<vmem>>
      %dma_start3A_382 = tpu.memref_squeeze %dma_start3A_381 : memref<1x32x64xf32, #tpu.memory_space<vmem>> -> memref<32x64xf32, #tpu.memory_space<vmem>>
      %dma_start3A_383 = tpu.memref_slice %arg13[%dma_start3A_377, %multiple_of3A_276] : memref<20x512xi32, #tpu.memory_space<vmem>> -> memref<1x32xi32, #tpu.memory_space<vmem>>
      %dma_start3A_384 = tpu.memref_squeeze %dma_start3A_383 : memref<1x32xi32, #tpu.memory_space<vmem>> -> memref<32xi32, #tpu.memory_space<vmem>>
      %dma_start3A_385 = arith.constant 0 : i32
      %dma_start3A_386 = arith.constant 0 : i32
      %dma_start3A_387 = tpu.memref_slice %arg7[%dma_start3A_385, %dma_start3A_386] : memref<1000000x64xf32, #tpu.memory_space<hbm>> -> memref<1000000x64xf32, #tpu.memory_space<hbm>>
      tpu.enqueue_indirect_dma source(%dma_start3A_387 : memref<1000000x64xf32, #tpu.memory_space<hbm>>) target(%dma_start3A_382 : memref<32x64xf32, #tpu.memory_space<vmem>>) offsets(%dma_start3A_384 : memref<32xi32, #tpu.memory_space<vmem>>) semaphore(%arg25 : memref<!tpu.dma_semaphore, #tpu.memory_space<semaphore_mem>>)
      %dma_start3A_388 = arith.constant 9 : i32
      %dma_start3A_389 = arith.constant 9 : i32
      %dma_start3A_390 = arith.constant 0 : i32
      %dma_start3A_391 = arith.constant 0 : i32
      %dma_start3A_392 = tpu.memref_slice %arg21[%dma_start3A_389, %dma_start3A_390, %dma_start3A_391] : memref<20x32x64xf32, #tpu.memory_space<vmem>> -> memref<1x32x64xf32, #tpu.memory_space<vmem>>
      %dma_start3A_393 = tpu.memref_squeeze %dma_start3A_392 : memref<1x32x64xf32, #tpu.memory_space<vmem>> -> memref<32x64xf32, #tpu.memory_space<vmem>>
      %dma_start3A_394 = tpu.memref_slice %arg13[%dma_start3A_388, %multiple_of3A_276] : memref<20x512xi32, #tpu.memory_space<vmem>> -> memref<1x32xi32, #tpu.memory_space<vmem>>
      %dma_start3A_395 = tpu.memref_squeeze %dma_start3A_394 : memref<1x32xi32, #tpu.memory_space<vmem>> -> memref<32xi32, #tpu.memory_space<vmem>>
      %dma_start3A_396 = arith.constant 0 : i32
      %dma_start3A_397 = arith.constant 0 : i32
      %dma_start3A_398 = tpu.memref_slice %arg7[%dma_start3A_396, %dma_start3A_397] : memref<1000000x64xf32, #tpu.memory_space<hbm>> -> memref<1000000x64xf32, #tpu.memory_space<hbm>>
      tpu.enqueue_indirect_dma source(%dma_start3A_398 : memref<1000000x64xf32, #tpu.memory_space<hbm>>) target(%dma_start3A_393 : memref<32x64xf32, #tpu.memory_space<vmem>>) offsets(%dma_start3A_395 : memref<32xi32, #tpu.memory_space<vmem>>) semaphore(%arg25 : memref<!tpu.dma_semaphore, #tpu.memory_space<semaphore_mem>>)
      %dma_start3A_399 = arith.constant 10 : i32
      %dma_start3A_400 = arith.constant 10 : i32
      %dma_start3A_401 = arith.constant 0 : i32
      %dma_start3A_402 = arith.constant 0 : i32
      %dma_start3A_403 = tpu.memref_slice %arg21[%dma_start3A_400, %dma_start3A_401, %dma_start3A_402] : memref<20x32x64xf32, #tpu.memory_space<vmem>> -> memref<1x32x64xf32, #tpu.memory_space<vmem>>
      %dma_start3A_404 = tpu.memref_squeeze %dma_start3A_403 : memref<1x32x64xf32, #tpu.memory_space<vmem>> -> memref<32x64xf32, #tpu.memory_space<vmem>>
      %dma_start3A_405 = tpu.memref_slice %arg13[%dma_start3A_399, %multiple_of3A_276] : memref<20x512xi32, #tpu.memory_space<vmem>> -> memref<1x32xi32, #tpu.memory_space<vmem>>
      %dma_start3A_406 = tpu.memref_squeeze %dma_start3A_405 : memref<1x32xi32, #tpu.memory_space<vmem>> -> memref<32xi32, #tpu.memory_space<vmem>>
      %dma_start3A_407 = arith.constant 0 : i32
      %dma_start3A_408 = arith.constant 0 : i32
      %dma_start3A_409 = tpu.memref_slice %arg7[%dma_start3A_407, %dma_start3A_408] : memref<1000000x64xf32, #tpu.memory_space<hbm>> -> memref<1000000x64xf32, #tpu.memory_space<hbm>>
      tpu.enqueue_indirect_dma source(%dma_start3A_409 : memref<1000000x64xf32, #tpu.memory_space<hbm>>) target(%dma_start3A_404 : memref<32x64xf32, #tpu.memory_space<vmem>>) offsets(%dma_start3A_406 : memref<32xi32, #tpu.memory_space<vmem>>) semaphore(%arg25 : memref<!tpu.dma_semaphore, #tpu.memory_space<semaphore_mem>>)
      %dma_start3A_410 = arith.constant 11 : i32
      %dma_start3A_411 = arith.constant 11 : i32
      %dma_start3A_412 = arith.constant 0 : i32
      %dma_start3A_413 = arith.constant 0 : i32
      %dma_start3A_414 = tpu.memref_slice %arg21[%dma_start3A_411, %dma_start3A_412, %dma_start3A_413] : memref<20x32x64xf32, #tpu.memory_space<vmem>> -> memref<1x32x64xf32, #tpu.memory_space<vmem>>
      %dma_start3A_415 = tpu.memref_squeeze %dma_start3A_414 : memref<1x32x64xf32, #tpu.memory_space<vmem>> -> memref<32x64xf32, #tpu.memory_space<vmem>>
      %dma_start3A_416 = tpu.memref_slice %arg13[%dma_start3A_410, %multiple_of3A_276] : memref<20x512xi32, #tpu.memory_space<vmem>> -> memref<1x32xi32, #tpu.memory_space<vmem>>
      %dma_start3A_417 = tpu.memref_squeeze %dma_start3A_416 : memref<1x32xi32, #tpu.memory_space<vmem>> -> memref<32xi32, #tpu.memory_space<vmem>>
      %dma_start3A_418 = arith.constant 0 : i32
      %dma_start3A_419 = arith.constant 0 : i32
      %dma_start3A_420 = tpu.memref_slice %arg7[%dma_start3A_418, %dma_start3A_419] : memref<1000000x64xf32, #tpu.memory_space<hbm>> -> memref<1000000x64xf32, #tpu.memory_space<hbm>>
      tpu.enqueue_indirect_dma source(%dma_start3A_420 : memref<1000000x64xf32, #tpu.memory_space<hbm>>) target(%dma_start3A_415 : memref<32x64xf32, #tpu.memory_space<vmem>>) offsets(%dma_start3A_417 : memref<32xi32, #tpu.memory_space<vmem>>) semaphore(%arg25 : memref<!tpu.dma_semaphore, #tpu.memory_space<semaphore_mem>>)
      %dma_start3A_421 = arith.constant 12 : i32
      %dma_start3A_422 = arith.constant 12 : i32
      %dma_start3A_423 = arith.constant 0 : i32
      %dma_start3A_424 = arith.constant 0 : i32
      %dma_start3A_425 = tpu.memref_slice %arg21[%dma_start3A_422, %dma_start3A_423, %dma_start3A_424] : memref<20x32x64xf32, #tpu.memory_space<vmem>> -> memref<1x32x64xf32, #tpu.memory_space<vmem>>
      %dma_start3A_426 = tpu.memref_squeeze %dma_start3A_425 : memref<1x32x64xf32, #tpu.memory_space<vmem>> -> memref<32x64xf32, #tpu.memory_space<vmem>>
      %dma_start3A_427 = tpu.memref_slice %arg13[%dma_start3A_421, %multiple_of3A_276] : memref<20x512xi32, #tpu.memory_space<vmem>> -> memref<1x32xi32, #tpu.memory_space<vmem>>
      %dma_start3A_428 = tpu.memref_squeeze %dma_start3A_427 : memref<1x32xi32, #tpu.memory_space<vmem>> -> memref<32xi32, #tpu.memory_space<vmem>>
      %dma_start3A_429 = arith.constant 0 : i32
      %dma_start3A_430 = arith.constant 0 : i32
      %dma_start3A_431 = tpu.memref_slice %arg7[%dma_start3A_429, %dma_start3A_430] : memref<1000000x64xf32, #tpu.memory_space<hbm>> -> memref<1000000x64xf32, #tpu.memory_space<hbm>>
      tpu.enqueue_indirect_dma source(%dma_start3A_431 : memref<1000000x64xf32, #tpu.memory_space<hbm>>) target(%dma_start3A_426 : memref<32x64xf32, #tpu.memory_space<vmem>>) offsets(%dma_start3A_428 : memref<32xi32, #tpu.memory_space<vmem>>) semaphore(%arg25 : memref<!tpu.dma_semaphore, #tpu.memory_space<semaphore_mem>>)
      %dma_start3A_432 = arith.constant 13 : i32
      %dma_start3A_433 = arith.constant 13 : i32
      %dma_start3A_434 = arith.constant 0 : i32
      %dma_start3A_435 = arith.constant 0 : i32
      %dma_start3A_436 = tpu.memref_slice %arg21[%dma_start3A_433, %dma_start3A_434, %dma_start3A_435] : memref<20x32x64xf32, #tpu.memory_space<vmem>> -> memref<1x32x64xf32, #tpu.memory_space<vmem>>
      %dma_start3A_437 = tpu.memref_squeeze %dma_start3A_436 : memref<1x32x64xf32, #tpu.memory_space<vmem>> -> memref<32x64xf32, #tpu.memory_space<vmem>>
      %dma_start3A_438 = tpu.memref_slice %arg13[%dma_start3A_432, %multiple_of3A_276] : memref<20x512xi32, #tpu.memory_space<vmem>> -> memref<1x32xi32, #tpu.memory_space<vmem>>
      %dma_start3A_439 = tpu.memref_squeeze %dma_start3A_438 : memref<1x32xi32, #tpu.memory_space<vmem>> -> memref<32xi32, #tpu.memory_space<vmem>>
      %dma_start3A_440 = arith.constant 0 : i32
      %dma_start3A_441 = arith.constant 0 : i32
      %dma_start3A_442 = tpu.memref_slice %arg7[%dma_start3A_440, %dma_start3A_441] : memref<1000000x64xf32, #tpu.memory_space<hbm>> -> memref<1000000x64xf32, #tpu.memory_space<hbm>>
      tpu.enqueue_indirect_dma source(%dma_start3A_442 : memref<1000000x64xf32, #tpu.memory_space<hbm>>) target(%dma_start3A_437 : memref<32x64xf32, #tpu.memory_space<vmem>>) offsets(%dma_start3A_439 : memref<32xi32, #tpu.memory_space<vmem>>) semaphore(%arg25 : memref<!tpu.dma_semaphore, #tpu.memory_space<semaphore_mem>>)
      %dma_start3A_443 = arith.constant 14 : i32
      %dma_start3A_444 = arith.constant 14 : i32
      %dma_start3A_445 = arith.constant 0 : i32
      %dma_start3A_446 = arith.constant 0 : i32
      %dma_start3A_447 = tpu.memref_slice %arg21[%dma_start3A_444, %dma_start3A_445, %dma_start3A_446] : memref<20x32x64xf32, #tpu.memory_space<vmem>> -> memref<1x32x64xf32, #tpu.memory_space<vmem>>
      %dma_start3A_448 = tpu.memref_squeeze %dma_start3A_447 : memref<1x32x64xf32, #tpu.memory_space<vmem>> -> memref<32x64xf32, #tpu.memory_space<vmem>>
      %dma_start3A_449 = tpu.memref_slice %arg13[%dma_start3A_443, %multiple_of3A_276] : memref<20x512xi32, #tpu.memory_space<vmem>> -> memref<1x32xi32, #tpu.memory_space<vmem>>
      %dma_start3A_450 = tpu.memref_squeeze %dma_start3A_449 : memref<1x32xi32, #tpu.memory_space<vmem>> -> memref<32xi32, #tpu.memory_space<vmem>>
      %dma_start3A_451 = arith.constant 0 : i32
      %dma_start3A_452 = arith.constant 0 : i32
      %dma_start3A_453 = tpu.memref_slice %arg7[%dma_start3A_451, %dma_start3A_452] : memref<1000000x64xf32, #tpu.memory_space<hbm>> -> memref<1000000x64xf32, #tpu.memory_space<hbm>>
      tpu.enqueue_indirect_dma source(%dma_start3A_453 : memref<1000000x64xf32, #tpu.memory_space<hbm>>) target(%dma_start3A_448 : memref<32x64xf32, #tpu.memory_space<vmem>>) offsets(%dma_start3A_450 : memref<32xi32, #tpu.memory_space<vmem>>) semaphore(%arg25 : memref<!tpu.dma_semaphore, #tpu.memory_space<semaphore_mem>>)
      %dma_start3A_454 = arith.constant 15 : i32
      %dma_start3A_455 = arith.constant 15 : i32
      %dma_start3A_456 = arith.constant 0 : i32
      %dma_start3A_457 = arith.constant 0 : i32
      %dma_start3A_458 = tpu.memref_slice %arg21[%dma_start3A_455, %dma_start3A_456, %dma_start3A_457] : memref<20x32x64xf32, #tpu.memory_space<vmem>> -> memref<1x32x64xf32, #tpu.memory_space<vmem>>
      %dma_start3A_459 = tpu.memref_squeeze %dma_start3A_458 : memref<1x32x64xf32, #tpu.memory_space<vmem>> -> memref<32x64xf32, #tpu.memory_space<vmem>>
      %dma_start3A_460 = tpu.memref_slice %arg13[%dma_start3A_454, %multiple_of3A_276] : memref<20x512xi32, #tpu.memory_space<vmem>> -> memref<1x32xi32, #tpu.memory_space<vmem>>
      %dma_start3A_461 = tpu.memref_squeeze %dma_start3A_460 : memref<1x32xi32, #tpu.memory_space<vmem>> -> memref<32xi32, #tpu.memory_space<vmem>>
      %dma_start3A_462 = arith.constant 0 : i32
      %dma_start3A_463 = arith.constant 0 : i32
      %dma_start3A_464 = tpu.memref_slice %arg7[%dma_start3A_462, %dma_start3A_463] : memref<1000000x64xf32, #tpu.memory_space<hbm>> -> memref<1000000x64xf32, #tpu.memory_space<hbm>>
      tpu.enqueue_indirect_dma source(%dma_start3A_464 : memref<1000000x64xf32, #tpu.memory_space<hbm>>) target(%dma_start3A_459 : memref<32x64xf32, #tpu.memory_space<vmem>>) offsets(%dma_start3A_461 : memref<32xi32, #tpu.memory_space<vmem>>) semaphore(%arg25 : memref<!tpu.dma_semaphore, #tpu.memory_space<semaphore_mem>>)
      %dma_start3A_465 = arith.constant 16 : i32
      %dma_start3A_466 = arith.constant 16 : i32
      %dma_start3A_467 = arith.constant 0 : i32
      %dma_start3A_468 = arith.constant 0 : i32
      %dma_start3A_469 = tpu.memref_slice %arg21[%dma_start3A_466, %dma_start3A_467, %dma_start3A_468] : memref<20x32x64xf32, #tpu.memory_space<vmem>> -> memref<1x32x64xf32, #tpu.memory_space<vmem>>
      %dma_start3A_470 = tpu.memref_squeeze %dma_start3A_469 : memref<1x32x64xf32, #tpu.memory_space<vmem>> -> memref<32x64xf32, #tpu.memory_space<vmem>>
      %dma_start3A_471 = tpu.memref_slice %arg13[%dma_start3A_465, %multiple_of3A_276] : memref<20x512xi32, #tpu.memory_space<vmem>> -> memref<1x32xi32, #tpu.memory_space<vmem>>
      %dma_start3A_472 = tpu.memref_squeeze %dma_start3A_471 : memref<1x32xi32, #tpu.memory_space<vmem>> -> memref<32xi32, #tpu.memory_space<vmem>>
      %dma_start3A_473 = arith.constant 0 : i32
      %dma_start3A_474 = arith.constant 0 : i32
      %dma_start3A_475 = tpu.memref_slice %arg7[%dma_start3A_473, %dma_start3A_474] : memref<1000000x64xf32, #tpu.memory_space<hbm>> -> memref<1000000x64xf32, #tpu.memory_space<hbm>>
      tpu.enqueue_indirect_dma source(%dma_start3A_475 : memref<1000000x64xf32, #tpu.memory_space<hbm>>) target(%dma_start3A_470 : memref<32x64xf32, #tpu.memory_space<vmem>>) offsets(%dma_start3A_472 : memref<32xi32, #tpu.memory_space<vmem>>) semaphore(%arg25 : memref<!tpu.dma_semaphore, #tpu.memory_space<semaphore_mem>>)
      %dma_start3A_476 = arith.constant 17 : i32
      %dma_start3A_477 = arith.constant 17 : i32
      %dma_start3A_478 = arith.constant 0 : i32
      %dma_start3A_479 = arith.constant 0 : i32
      %dma_start3A_480 = tpu.memref_slice %arg21[%dma_start3A_477, %dma_start3A_478, %dma_start3A_479] : memref<20x32x64xf32, #tpu.memory_space<vmem>> -> memref<1x32x64xf32, #tpu.memory_space<vmem>>
      %dma_start3A_481 = tpu.memref_squeeze %dma_start3A_480 : memref<1x32x64xf32, #tpu.memory_space<vmem>> -> memref<32x64xf32, #tpu.memory_space<vmem>>
      %dma_start3A_482 = tpu.memref_slice %arg13[%dma_start3A_476, %multiple_of3A_276] : memref<20x512xi32, #tpu.memory_space<vmem>> -> memref<1x32xi32, #tpu.memory_space<vmem>>
      %dma_start3A_483 = tpu.memref_squeeze %dma_start3A_482 : memref<1x32xi32, #tpu.memory_space<vmem>> -> memref<32xi32, #tpu.memory_space<vmem>>
      %dma_start3A_484 = arith.constant 0 : i32
      %dma_start3A_485 = arith.constant 0 : i32
      %dma_start3A_486 = tpu.memref_slice %arg7[%dma_start3A_484, %dma_start3A_485] : memref<1000000x64xf32, #tpu.memory_space<hbm>> -> memref<1000000x64xf32, #tpu.memory_space<hbm>>
      tpu.enqueue_indirect_dma source(%dma_start3A_486 : memref<1000000x64xf32, #tpu.memory_space<hbm>>) target(%dma_start3A_481 : memref<32x64xf32, #tpu.memory_space<vmem>>) offsets(%dma_start3A_483 : memref<32xi32, #tpu.memory_space<vmem>>) semaphore(%arg25 : memref<!tpu.dma_semaphore, #tpu.memory_space<semaphore_mem>>)
      %dma_start3A_487 = arith.constant 18 : i32
      %dma_start3A_488 = arith.constant 18 : i32
      %dma_start3A_489 = arith.constant 0 : i32
      %dma_start3A_490 = arith.constant 0 : i32
      %dma_start3A_491 = tpu.memref_slice %arg21[%dma_start3A_488, %dma_start3A_489, %dma_start3A_490] : memref<20x32x64xf32, #tpu.memory_space<vmem>> -> memref<1x32x64xf32, #tpu.memory_space<vmem>>
      %dma_start3A_492 = tpu.memref_squeeze %dma_start3A_491 : memref<1x32x64xf32, #tpu.memory_space<vmem>> -> memref<32x64xf32, #tpu.memory_space<vmem>>
      %dma_start3A_493 = tpu.memref_slice %arg13[%dma_start3A_487, %multiple_of3A_276] : memref<20x512xi32, #tpu.memory_space<vmem>> -> memref<1x32xi32, #tpu.memory_space<vmem>>
      %dma_start3A_494 = tpu.memref_squeeze %dma_start3A_493 : memref<1x32xi32, #tpu.memory_space<vmem>> -> memref<32xi32, #tpu.memory_space<vmem>>
      %dma_start3A_495 = arith.constant 0 : i32
      %dma_start3A_496 = arith.constant 0 : i32
      %dma_start3A_497 = tpu.memref_slice %arg7[%dma_start3A_495, %dma_start3A_496] : memref<1000000x64xf32, #tpu.memory_space<hbm>> -> memref<1000000x64xf32, #tpu.memory_space<hbm>>
      tpu.enqueue_indirect_dma source(%dma_start3A_497 : memref<1000000x64xf32, #tpu.memory_space<hbm>>) target(%dma_start3A_492 : memref<32x64xf32, #tpu.memory_space<vmem>>) offsets(%dma_start3A_494 : memref<32xi32, #tpu.memory_space<vmem>>) semaphore(%arg25 : memref<!tpu.dma_semaphore, #tpu.memory_space<semaphore_mem>>)
      %dma_start3A_498 = arith.constant 19 : i32
      %dma_start3A_499 = arith.constant 19 : i32
      %dma_start3A_500 = arith.constant 0 : i32
      %dma_start3A_501 = arith.constant 0 : i32
      %dma_start3A_502 = tpu.memref_slice %arg21[%dma_start3A_499, %dma_start3A_500, %dma_start3A_501] : memref<20x32x64xf32, #tpu.memory_space<vmem>> -> memref<1x32x64xf32, #tpu.memory_space<vmem>>
      %dma_start3A_503 = tpu.memref_squeeze %dma_start3A_502 : memref<1x32x64xf32, #tpu.memory_space<vmem>> -> memref<32x64xf32, #tpu.memory_space<vmem>>
      %dma_start3A_504 = tpu.memref_slice %arg13[%dma_start3A_498, %multiple_of3A_276] : memref<20x512xi32, #tpu.memory_space<vmem>> -> memref<1x32xi32, #tpu.memory_space<vmem>>
      %dma_start3A_505 = tpu.memref_squeeze %dma_start3A_504 : memref<1x32xi32, #tpu.memory_space<vmem>> -> memref<32xi32, #tpu.memory_space<vmem>>
      %dma_start3A_506 = arith.constant 0 : i32
      %dma_start3A_507 = arith.constant 0 : i32
      %dma_start3A_508 = tpu.memref_slice %arg7[%dma_start3A_506, %dma_start3A_507] : memref<1000000x64xf32, #tpu.memory_space<hbm>> -> memref<1000000x64xf32, #tpu.memory_space<hbm>>
      tpu.enqueue_indirect_dma source(%dma_start3A_508 : memref<1000000x64xf32, #tpu.memory_space<hbm>>) target(%dma_start3A_503 : memref<32x64xf32, #tpu.memory_space<vmem>>) offsets(%dma_start3A_505 : memref<32xi32, #tpu.memory_space<vmem>>) semaphore(%arg25 : memref<!tpu.dma_semaphore, #tpu.memory_space<semaphore_mem>>)
      %mul3A_509 = arith.constant 32 : i32
      %mul3A_510 = arith.muli %mul3A_271, %mul3A_509 : i32
      %multiple_of3A_511 = tpu.assume_multiple %mul3A_510, 32 : i32
      %dma_wait3A_512 = tpu.memref_slice %arg10[%multiple_of3A_511] : memref<512xi32, #tpu.memory_space<vmem>> -> memref<32xi32, #tpu.memory_space<vmem>>
      %dma_wait3A_513 = arith.constant 0 : i32
      %dma_wait3A_514 = arith.constant 0 : i32
      %dma_wait3A_515 = tpu.memref_slice %arg6[%dma_wait3A_513, %dma_wait3A_514] : memref<1000000x64xf32, #tpu.memory_space<hbm>> -> memref<1000000x64xf32, #tpu.memory_space<hbm>>
      tpu.wait_indirect_dma semaphore(%arg24 : memref<!tpu.dma_semaphore, #tpu.memory_space<semaphore_mem>>) src(%dma_wait3A_515 : memref<1000000x64xf32, #tpu.memory_space<hbm>>) dst(%arg14 : memref<32x64xf32, #tpu.memory_space<vmem>>)
      %dma_wait3A_516 = tpu.memref_slice %arg11[%multiple_of3A_511] : memref<512xi32, #tpu.memory_space<vmem>> -> memref<32xi32, #tpu.memory_space<vmem>>
      %dma_wait3A_517 = arith.constant 0 : i32
      %dma_wait3A_518 = arith.constant 0 : i32
      %dma_wait3A_519 = tpu.memref_slice %arg6[%dma_wait3A_517, %dma_wait3A_518] : memref<1000000x64xf32, #tpu.memory_space<hbm>> -> memref<1000000x64xf32, #tpu.memory_space<hbm>>
      tpu.wait_indirect_dma semaphore(%arg24 : memref<!tpu.dma_semaphore, #tpu.memory_space<semaphore_mem>>) src(%dma_wait3A_519 : memref<1000000x64xf32, #tpu.memory_space<hbm>>) dst(%arg15 : memref<32x64xf32, #tpu.memory_space<vmem>>)
      %dma_wait3A_520 = tpu.memref_slice %arg11[%multiple_of3A_511] : memref<512xi32, #tpu.memory_space<vmem>> -> memref<32xi32, #tpu.memory_space<vmem>>
      %dma_wait3A_521 = arith.constant 0 : i32
      %dma_wait3A_522 = arith.constant 0 : i32
      %dma_wait3A_523 = tpu.memref_slice %arg7[%dma_wait3A_521, %dma_wait3A_522] : memref<1000000x64xf32, #tpu.memory_space<hbm>> -> memref<1000000x64xf32, #tpu.memory_space<hbm>>
      tpu.wait_indirect_dma semaphore(%arg24 : memref<!tpu.dma_semaphore, #tpu.memory_space<semaphore_mem>>) src(%dma_wait3A_523 : memref<1000000x64xf32, #tpu.memory_space<hbm>>) dst(%arg16 : memref<32x64xf32, #tpu.memory_space<vmem>>)
      %dma_wait3A_524 = arith.constant 0 : i32
      %dma_wait3A_525 = arith.constant 0 : i32
      %dma_wait3A_526 = arith.constant 0 : i32
      %dma_wait3A_527 = arith.constant 0 : i32
      %dma_wait3A_528 = tpu.memref_slice %arg17[%dma_wait3A_525, %dma_wait3A_526, %dma_wait3A_527] : memref<20x32x64xf32, #tpu.memory_space<vmem>> -> memref<1x32x64xf32, #tpu.memory_space<vmem>>
      %dma_wait3A_529 = tpu.memref_squeeze %dma_wait3A_528 : memref<1x32x64xf32, #tpu.memory_space<vmem>> -> memref<32x64xf32, #tpu.memory_space<vmem>>
      %dma_wait3A_530 = tpu.memref_slice %arg13[%dma_wait3A_524, %multiple_of3A_511] : memref<20x512xi32, #tpu.memory_space<vmem>> -> memref<1x32xi32, #tpu.memory_space<vmem>>
      %dma_wait3A_531 = tpu.memref_squeeze %dma_wait3A_530 : memref<1x32xi32, #tpu.memory_space<vmem>> -> memref<32xi32, #tpu.memory_space<vmem>>
      %dma_wait3A_532 = arith.constant 0 : i32
      %dma_wait3A_533 = arith.constant 0 : i32
      %dma_wait3A_534 = tpu.memref_slice %arg7[%dma_wait3A_532, %dma_wait3A_533] : memref<1000000x64xf32, #tpu.memory_space<hbm>> -> memref<1000000x64xf32, #tpu.memory_space<hbm>>
      tpu.wait_indirect_dma semaphore(%arg24 : memref<!tpu.dma_semaphore, #tpu.memory_space<semaphore_mem>>) src(%dma_wait3A_534 : memref<1000000x64xf32, #tpu.memory_space<hbm>>) dst(%dma_wait3A_529 : memref<32x64xf32, #tpu.memory_space<vmem>>)
      %dma_wait3A_535 = arith.constant 1 : i32
      %dma_wait3A_536 = arith.constant 1 : i32
      %dma_wait3A_537 = arith.constant 0 : i32
      %dma_wait3A_538 = arith.constant 0 : i32
      %dma_wait3A_539 = tpu.memref_slice %arg17[%dma_wait3A_536, %dma_wait3A_537, %dma_wait3A_538] : memref<20x32x64xf32, #tpu.memory_space<vmem>> -> memref<1x32x64xf32, #tpu.memory_space<vmem>>
      %dma_wait3A_540 = tpu.memref_squeeze %dma_wait3A_539 : memref<1x32x64xf32, #tpu.memory_space<vmem>> -> memref<32x64xf32, #tpu.memory_space<vmem>>
      %dma_wait3A_541 = tpu.memref_slice %arg13[%dma_wait3A_535, %multiple_of3A_511] : memref<20x512xi32, #tpu.memory_space<vmem>> -> memref<1x32xi32, #tpu.memory_space<vmem>>
      %dma_wait3A_542 = tpu.memref_squeeze %dma_wait3A_541 : memref<1x32xi32, #tpu.memory_space<vmem>> -> memref<32xi32, #tpu.memory_space<vmem>>
      %dma_wait3A_543 = arith.constant 0 : i32
      %dma_wait3A_544 = arith.constant 0 : i32
      %dma_wait3A_545 = tpu.memref_slice %arg7[%dma_wait3A_543, %dma_wait3A_544] : memref<1000000x64xf32, #tpu.memory_space<hbm>> -> memref<1000000x64xf32, #tpu.memory_space<hbm>>
      tpu.wait_indirect_dma semaphore(%arg24 : memref<!tpu.dma_semaphore, #tpu.memory_space<semaphore_mem>>) src(%dma_wait3A_545 : memref<1000000x64xf32, #tpu.memory_space<hbm>>) dst(%dma_wait3A_540 : memref<32x64xf32, #tpu.memory_space<vmem>>)
      %dma_wait3A_546 = arith.constant 2 : i32
      %dma_wait3A_547 = arith.constant 2 : i32
      %dma_wait3A_548 = arith.constant 0 : i32
      %dma_wait3A_549 = arith.constant 0 : i32
      %dma_wait3A_550 = tpu.memref_slice %arg17[%dma_wait3A_547, %dma_wait3A_548, %dma_wait3A_549] : memref<20x32x64xf32, #tpu.memory_space<vmem>> -> memref<1x32x64xf32, #tpu.memory_space<vmem>>
      %dma_wait3A_551 = tpu.memref_squeeze %dma_wait3A_550 : memref<1x32x64xf32, #tpu.memory_space<vmem>> -> memref<32x64xf32, #tpu.memory_space<vmem>>
      %dma_wait3A_552 = tpu.memref_slice %arg13[%dma_wait3A_546, %multiple_of3A_511] : memref<20x512xi32, #tpu.memory_space<vmem>> -> memref<1x32xi32, #tpu.memory_space<vmem>>
      %dma_wait3A_553 = tpu.memref_squeeze %dma_wait3A_552 : memref<1x32xi32, #tpu.memory_space<vmem>> -> memref<32xi32, #tpu.memory_space<vmem>>
      %dma_wait3A_554 = arith.constant 0 : i32
      %dma_wait3A_555 = arith.constant 0 : i32
      %dma_wait3A_556 = tpu.memref_slice %arg7[%dma_wait3A_554, %dma_wait3A_555] : memref<1000000x64xf32, #tpu.memory_space<hbm>> -> memref<1000000x64xf32, #tpu.memory_space<hbm>>
      tpu.wait_indirect_dma semaphore(%arg24 : memref<!tpu.dma_semaphore, #tpu.memory_space<semaphore_mem>>) src(%dma_wait3A_556 : memref<1000000x64xf32, #tpu.memory_space<hbm>>) dst(%dma_wait3A_551 : memref<32x64xf32, #tpu.memory_space<vmem>>)
      %dma_wait3A_557 = arith.constant 3 : i32
      %dma_wait3A_558 = arith.constant 3 : i32
      %dma_wait3A_559 = arith.constant 0 : i32
      %dma_wait3A_560 = arith.constant 0 : i32
      %dma_wait3A_561 = tpu.memref_slice %arg17[%dma_wait3A_558, %dma_wait3A_559, %dma_wait3A_560] : memref<20x32x64xf32, #tpu.memory_space<vmem>> -> memref<1x32x64xf32, #tpu.memory_space<vmem>>
      %dma_wait3A_562 = tpu.memref_squeeze %dma_wait3A_561 : memref<1x32x64xf32, #tpu.memory_space<vmem>> -> memref<32x64xf32, #tpu.memory_space<vmem>>
      %dma_wait3A_563 = tpu.memref_slice %arg13[%dma_wait3A_557, %multiple_of3A_511] : memref<20x512xi32, #tpu.memory_space<vmem>> -> memref<1x32xi32, #tpu.memory_space<vmem>>
      %dma_wait3A_564 = tpu.memref_squeeze %dma_wait3A_563 : memref<1x32xi32, #tpu.memory_space<vmem>> -> memref<32xi32, #tpu.memory_space<vmem>>
      %dma_wait3A_565 = arith.constant 0 : i32
      %dma_wait3A_566 = arith.constant 0 : i32
      %dma_wait3A_567 = tpu.memref_slice %arg7[%dma_wait3A_565, %dma_wait3A_566] : memref<1000000x64xf32, #tpu.memory_space<hbm>> -> memref<1000000x64xf32, #tpu.memory_space<hbm>>
      tpu.wait_indirect_dma semaphore(%arg24 : memref<!tpu.dma_semaphore, #tpu.memory_space<semaphore_mem>>) src(%dma_wait3A_567 : memref<1000000x64xf32, #tpu.memory_space<hbm>>) dst(%dma_wait3A_562 : memref<32x64xf32, #tpu.memory_space<vmem>>)
      %dma_wait3A_568 = arith.constant 4 : i32
      %dma_wait3A_569 = arith.constant 4 : i32
      %dma_wait3A_570 = arith.constant 0 : i32
      %dma_wait3A_571 = arith.constant 0 : i32
      %dma_wait3A_572 = tpu.memref_slice %arg17[%dma_wait3A_569, %dma_wait3A_570, %dma_wait3A_571] : memref<20x32x64xf32, #tpu.memory_space<vmem>> -> memref<1x32x64xf32, #tpu.memory_space<vmem>>
      %dma_wait3A_573 = tpu.memref_squeeze %dma_wait3A_572 : memref<1x32x64xf32, #tpu.memory_space<vmem>> -> memref<32x64xf32, #tpu.memory_space<vmem>>
      %dma_wait3A_574 = tpu.memref_slice %arg13[%dma_wait3A_568, %multiple_of3A_511] : memref<20x512xi32, #tpu.memory_space<vmem>> -> memref<1x32xi32, #tpu.memory_space<vmem>>
      %dma_wait3A_575 = tpu.memref_squeeze %dma_wait3A_574 : memref<1x32xi32, #tpu.memory_space<vmem>> -> memref<32xi32, #tpu.memory_space<vmem>>
      %dma_wait3A_576 = arith.constant 0 : i32
      %dma_wait3A_577 = arith.constant 0 : i32
      %dma_wait3A_578 = tpu.memref_slice %arg7[%dma_wait3A_576, %dma_wait3A_577] : memref<1000000x64xf32, #tpu.memory_space<hbm>> -> memref<1000000x64xf32, #tpu.memory_space<hbm>>
      tpu.wait_indirect_dma semaphore(%arg24 : memref<!tpu.dma_semaphore, #tpu.memory_space<semaphore_mem>>) src(%dma_wait3A_578 : memref<1000000x64xf32, #tpu.memory_space<hbm>>) dst(%dma_wait3A_573 : memref<32x64xf32, #tpu.memory_space<vmem>>)
      %dma_wait3A_579 = arith.constant 5 : i32
      %dma_wait3A_580 = arith.constant 5 : i32
      %dma_wait3A_581 = arith.constant 0 : i32
      %dma_wait3A_582 = arith.constant 0 : i32
      %dma_wait3A_583 = tpu.memref_slice %arg17[%dma_wait3A_580, %dma_wait3A_581, %dma_wait3A_582] : memref<20x32x64xf32, #tpu.memory_space<vmem>> -> memref<1x32x64xf32, #tpu.memory_space<vmem>>
      %dma_wait3A_584 = tpu.memref_squeeze %dma_wait3A_583 : memref<1x32x64xf32, #tpu.memory_space<vmem>> -> memref<32x64xf32, #tpu.memory_space<vmem>>
      %dma_wait3A_585 = tpu.memref_slice %arg13[%dma_wait3A_579, %multiple_of3A_511] : memref<20x512xi32, #tpu.memory_space<vmem>> -> memref<1x32xi32, #tpu.memory_space<vmem>>
      %dma_wait3A_586 = tpu.memref_squeeze %dma_wait3A_585 : memref<1x32xi32, #tpu.memory_space<vmem>> -> memref<32xi32, #tpu.memory_space<vmem>>
      %dma_wait3A_587 = arith.constant 0 : i32
      %dma_wait3A_588 = arith.constant 0 : i32
      %dma_wait3A_589 = tpu.memref_slice %arg7[%dma_wait3A_587, %dma_wait3A_588] : memref<1000000x64xf32, #tpu.memory_space<hbm>> -> memref<1000000x64xf32, #tpu.memory_space<hbm>>
      tpu.wait_indirect_dma semaphore(%arg24 : memref<!tpu.dma_semaphore, #tpu.memory_space<semaphore_mem>>) src(%dma_wait3A_589 : memref<1000000x64xf32, #tpu.memory_space<hbm>>) dst(%dma_wait3A_584 : memref<32x64xf32, #tpu.memory_space<vmem>>)
      %dma_wait3A_590 = arith.constant 6 : i32
      %dma_wait3A_591 = arith.constant 6 : i32
      %dma_wait3A_592 = arith.constant 0 : i32
      %dma_wait3A_593 = arith.constant 0 : i32
      %dma_wait3A_594 = tpu.memref_slice %arg17[%dma_wait3A_591, %dma_wait3A_592, %dma_wait3A_593] : memref<20x32x64xf32, #tpu.memory_space<vmem>> -> memref<1x32x64xf32, #tpu.memory_space<vmem>>
      %dma_wait3A_595 = tpu.memref_squeeze %dma_wait3A_594 : memref<1x32x64xf32, #tpu.memory_space<vmem>> -> memref<32x64xf32, #tpu.memory_space<vmem>>
      %dma_wait3A_596 = tpu.memref_slice %arg13[%dma_wait3A_590, %multiple_of3A_511] : memref<20x512xi32, #tpu.memory_space<vmem>> -> memref<1x32xi32, #tpu.memory_space<vmem>>
      %dma_wait3A_597 = tpu.memref_squeeze %dma_wait3A_596 : memref<1x32xi32, #tpu.memory_space<vmem>> -> memref<32xi32, #tpu.memory_space<vmem>>
      %dma_wait3A_598 = arith.constant 0 : i32
      %dma_wait3A_599 = arith.constant 0 : i32
      %dma_wait3A_600 = tpu.memref_slice %arg7[%dma_wait3A_598, %dma_wait3A_599] : memref<1000000x64xf32, #tpu.memory_space<hbm>> -> memref<1000000x64xf32, #tpu.memory_space<hbm>>
      tpu.wait_indirect_dma semaphore(%arg24 : memref<!tpu.dma_semaphore, #tpu.memory_space<semaphore_mem>>) src(%dma_wait3A_600 : memref<1000000x64xf32, #tpu.memory_space<hbm>>) dst(%dma_wait3A_595 : memref<32x64xf32, #tpu.memory_space<vmem>>)
      %dma_wait3A_601 = arith.constant 7 : i32
      %dma_wait3A_602 = arith.constant 7 : i32
      %dma_wait3A_603 = arith.constant 0 : i32
      %dma_wait3A_604 = arith.constant 0 : i32
      %dma_wait3A_605 = tpu.memref_slice %arg17[%dma_wait3A_602, %dma_wait3A_603, %dma_wait3A_604] : memref<20x32x64xf32, #tpu.memory_space<vmem>> -> memref<1x32x64xf32, #tpu.memory_space<vmem>>
      %dma_wait3A_606 = tpu.memref_squeeze %dma_wait3A_605 : memref<1x32x64xf32, #tpu.memory_space<vmem>> -> memref<32x64xf32, #tpu.memory_space<vmem>>
      %dma_wait3A_607 = tpu.memref_slice %arg13[%dma_wait3A_601, %multiple_of3A_511] : memref<20x512xi32, #tpu.memory_space<vmem>> -> memref<1x32xi32, #tpu.memory_space<vmem>>
      %dma_wait3A_608 = tpu.memref_squeeze %dma_wait3A_607 : memref<1x32xi32, #tpu.memory_space<vmem>> -> memref<32xi32, #tpu.memory_space<vmem>>
      %dma_wait3A_609 = arith.constant 0 : i32
      %dma_wait3A_610 = arith.constant 0 : i32
      %dma_wait3A_611 = tpu.memref_slice %arg7[%dma_wait3A_609, %dma_wait3A_610] : memref<1000000x64xf32, #tpu.memory_space<hbm>> -> memref<1000000x64xf32, #tpu.memory_space<hbm>>
      tpu.wait_indirect_dma semaphore(%arg24 : memref<!tpu.dma_semaphore, #tpu.memory_space<semaphore_mem>>) src(%dma_wait3A_611 : memref<1000000x64xf32, #tpu.memory_space<hbm>>) dst(%dma_wait3A_606 : memref<32x64xf32, #tpu.memory_space<vmem>>)
      %dma_wait3A_612 = arith.constant 8 : i32
      %dma_wait3A_613 = arith.constant 8 : i32
      %dma_wait3A_614 = arith.constant 0 : i32
      %dma_wait3A_615 = arith.constant 0 : i32
      %dma_wait3A_616 = tpu.memref_slice %arg17[%dma_wait3A_613, %dma_wait3A_614, %dma_wait3A_615] : memref<20x32x64xf32, #tpu.memory_space<vmem>> -> memref<1x32x64xf32, #tpu.memory_space<vmem>>
      %dma_wait3A_617 = tpu.memref_squeeze %dma_wait3A_616 : memref<1x32x64xf32, #tpu.memory_space<vmem>> -> memref<32x64xf32, #tpu.memory_space<vmem>>
      %dma_wait3A_618 = tpu.memref_slice %arg13[%dma_wait3A_612, %multiple_of3A_511] : memref<20x512xi32, #tpu.memory_space<vmem>> -> memref<1x32xi32, #tpu.memory_space<vmem>>
      %dma_wait3A_619 = tpu.memref_squeeze %dma_wait3A_618 : memref<1x32xi32, #tpu.memory_space<vmem>> -> memref<32xi32, #tpu.memory_space<vmem>>
      %dma_wait3A_620 = arith.constant 0 : i32
      %dma_wait3A_621 = arith.constant 0 : i32
      %dma_wait3A_622 = tpu.memref_slice %arg7[%dma_wait3A_620, %dma_wait3A_621] : memref<1000000x64xf32, #tpu.memory_space<hbm>> -> memref<1000000x64xf32, #tpu.memory_space<hbm>>
      tpu.wait_indirect_dma semaphore(%arg24 : memref<!tpu.dma_semaphore, #tpu.memory_space<semaphore_mem>>) src(%dma_wait3A_622 : memref<1000000x64xf32, #tpu.memory_space<hbm>>) dst(%dma_wait3A_617 : memref<32x64xf32, #tpu.memory_space<vmem>>)
      %dma_wait3A_623 = arith.constant 9 : i32
      %dma_wait3A_624 = arith.constant 9 : i32
      %dma_wait3A_625 = arith.constant 0 : i32
      %dma_wait3A_626 = arith.constant 0 : i32
      %dma_wait3A_627 = tpu.memref_slice %arg17[%dma_wait3A_624, %dma_wait3A_625, %dma_wait3A_626] : memref<20x32x64xf32, #tpu.memory_space<vmem>> -> memref<1x32x64xf32, #tpu.memory_space<vmem>>
      %dma_wait3A_628 = tpu.memref_squeeze %dma_wait3A_627 : memref<1x32x64xf32, #tpu.memory_space<vmem>> -> memref<32x64xf32, #tpu.memory_space<vmem>>
      %dma_wait3A_629 = tpu.memref_slice %arg13[%dma_wait3A_623, %multiple_of3A_511] : memref<20x512xi32, #tpu.memory_space<vmem>> -> memref<1x32xi32, #tpu.memory_space<vmem>>
      %dma_wait3A_630 = tpu.memref_squeeze %dma_wait3A_629 : memref<1x32xi32, #tpu.memory_space<vmem>> -> memref<32xi32, #tpu.memory_space<vmem>>
      %dma_wait3A_631 = arith.constant 0 : i32
      %dma_wait3A_632 = arith.constant 0 : i32
      %dma_wait3A_633 = tpu.memref_slice %arg7[%dma_wait3A_631, %dma_wait3A_632] : memref<1000000x64xf32, #tpu.memory_space<hbm>> -> memref<1000000x64xf32, #tpu.memory_space<hbm>>
      tpu.wait_indirect_dma semaphore(%arg24 : memref<!tpu.dma_semaphore, #tpu.memory_space<semaphore_mem>>) src(%dma_wait3A_633 : memref<1000000x64xf32, #tpu.memory_space<hbm>>) dst(%dma_wait3A_628 : memref<32x64xf32, #tpu.memory_space<vmem>>)
      %dma_wait3A_634 = arith.constant 10 : i32
      %dma_wait3A_635 = arith.constant 10 : i32
      %dma_wait3A_636 = arith.constant 0 : i32
      %dma_wait3A_637 = arith.constant 0 : i32
      %dma_wait3A_638 = tpu.memref_slice %arg17[%dma_wait3A_635, %dma_wait3A_636, %dma_wait3A_637] : memref<20x32x64xf32, #tpu.memory_space<vmem>> -> memref<1x32x64xf32, #tpu.memory_space<vmem>>
      %dma_wait3A_639 = tpu.memref_squeeze %dma_wait3A_638 : memref<1x32x64xf32, #tpu.memory_space<vmem>> -> memref<32x64xf32, #tpu.memory_space<vmem>>
      %dma_wait3A_640 = tpu.memref_slice %arg13[%dma_wait3A_634, %multiple_of3A_511] : memref<20x512xi32, #tpu.memory_space<vmem>> -> memref<1x32xi32, #tpu.memory_space<vmem>>
      %dma_wait3A_641 = tpu.memref_squeeze %dma_wait3A_640 : memref<1x32xi32, #tpu.memory_space<vmem>> -> memref<32xi32, #tpu.memory_space<vmem>>
      %dma_wait3A_642 = arith.constant 0 : i32
      %dma_wait3A_643 = arith.constant 0 : i32
      %dma_wait3A_644 = tpu.memref_slice %arg7[%dma_wait3A_642, %dma_wait3A_643] : memref<1000000x64xf32, #tpu.memory_space<hbm>> -> memref<1000000x64xf32, #tpu.memory_space<hbm>>
      tpu.wait_indirect_dma semaphore(%arg24 : memref<!tpu.dma_semaphore, #tpu.memory_space<semaphore_mem>>) src(%dma_wait3A_644 : memref<1000000x64xf32, #tpu.memory_space<hbm>>) dst(%dma_wait3A_639 : memref<32x64xf32, #tpu.memory_space<vmem>>)
      %dma_wait3A_645 = arith.constant 11 : i32
      %dma_wait3A_646 = arith.constant 11 : i32
      %dma_wait3A_647 = arith.constant 0 : i32
      %dma_wait3A_648 = arith.constant 0 : i32
      %dma_wait3A_649 = tpu.memref_slice %arg17[%dma_wait3A_646, %dma_wait3A_647, %dma_wait3A_648] : memref<20x32x64xf32, #tpu.memory_space<vmem>> -> memref<1x32x64xf32, #tpu.memory_space<vmem>>
      %dma_wait3A_650 = tpu.memref_squeeze %dma_wait3A_649 : memref<1x32x64xf32, #tpu.memory_space<vmem>> -> memref<32x64xf32, #tpu.memory_space<vmem>>
      %dma_wait3A_651 = tpu.memref_slice %arg13[%dma_wait3A_645, %multiple_of3A_511] : memref<20x512xi32, #tpu.memory_space<vmem>> -> memref<1x32xi32, #tpu.memory_space<vmem>>
      %dma_wait3A_652 = tpu.memref_squeeze %dma_wait3A_651 : memref<1x32xi32, #tpu.memory_space<vmem>> -> memref<32xi32, #tpu.memory_space<vmem>>
      %dma_wait3A_653 = arith.constant 0 : i32
      %dma_wait3A_654 = arith.constant 0 : i32
      %dma_wait3A_655 = tpu.memref_slice %arg7[%dma_wait3A_653, %dma_wait3A_654] : memref<1000000x64xf32, #tpu.memory_space<hbm>> -> memref<1000000x64xf32, #tpu.memory_space<hbm>>
      tpu.wait_indirect_dma semaphore(%arg24 : memref<!tpu.dma_semaphore, #tpu.memory_space<semaphore_mem>>) src(%dma_wait3A_655 : memref<1000000x64xf32, #tpu.memory_space<hbm>>) dst(%dma_wait3A_650 : memref<32x64xf32, #tpu.memory_space<vmem>>)
      %dma_wait3A_656 = arith.constant 12 : i32
      %dma_wait3A_657 = arith.constant 12 : i32
      %dma_wait3A_658 = arith.constant 0 : i32
      %dma_wait3A_659 = arith.constant 0 : i32
      %dma_wait3A_660 = tpu.memref_slice %arg17[%dma_wait3A_657, %dma_wait3A_658, %dma_wait3A_659] : memref<20x32x64xf32, #tpu.memory_space<vmem>> -> memref<1x32x64xf32, #tpu.memory_space<vmem>>
      %dma_wait3A_661 = tpu.memref_squeeze %dma_wait3A_660 : memref<1x32x64xf32, #tpu.memory_space<vmem>> -> memref<32x64xf32, #tpu.memory_space<vmem>>
      %dma_wait3A_662 = tpu.memref_slice %arg13[%dma_wait3A_656, %multiple_of3A_511] : memref<20x512xi32, #tpu.memory_space<vmem>> -> memref<1x32xi32, #tpu.memory_space<vmem>>
      %dma_wait3A_663 = tpu.memref_squeeze %dma_wait3A_662 : memref<1x32xi32, #tpu.memory_space<vmem>> -> memref<32xi32, #tpu.memory_space<vmem>>
      %dma_wait3A_664 = arith.constant 0 : i32
      %dma_wait3A_665 = arith.constant 0 : i32
      %dma_wait3A_666 = tpu.memref_slice %arg7[%dma_wait3A_664, %dma_wait3A_665] : memref<1000000x64xf32, #tpu.memory_space<hbm>> -> memref<1000000x64xf32, #tpu.memory_space<hbm>>
      tpu.wait_indirect_dma semaphore(%arg24 : memref<!tpu.dma_semaphore, #tpu.memory_space<semaphore_mem>>) src(%dma_wait3A_666 : memref<1000000x64xf32, #tpu.memory_space<hbm>>) dst(%dma_wait3A_661 : memref<32x64xf32, #tpu.memory_space<vmem>>)
      %dma_wait3A_667 = arith.constant 13 : i32
      %dma_wait3A_668 = arith.constant 13 : i32
      %dma_wait3A_669 = arith.constant 0 : i32
      %dma_wait3A_670 = arith.constant 0 : i32
      %dma_wait3A_671 = tpu.memref_slice %arg17[%dma_wait3A_668, %dma_wait3A_669, %dma_wait3A_670] : memref<20x32x64xf32, #tpu.memory_space<vmem>> -> memref<1x32x64xf32, #tpu.memory_space<vmem>>
      %dma_wait3A_672 = tpu.memref_squeeze %dma_wait3A_671 : memref<1x32x64xf32, #tpu.memory_space<vmem>> -> memref<32x64xf32, #tpu.memory_space<vmem>>
      %dma_wait3A_673 = tpu.memref_slice %arg13[%dma_wait3A_667, %multiple_of3A_511] : memref<20x512xi32, #tpu.memory_space<vmem>> -> memref<1x32xi32, #tpu.memory_space<vmem>>
      %dma_wait3A_674 = tpu.memref_squeeze %dma_wait3A_673 : memref<1x32xi32, #tpu.memory_space<vmem>> -> memref<32xi32, #tpu.memory_space<vmem>>
      %dma_wait3A_675 = arith.constant 0 : i32
      %dma_wait3A_676 = arith.constant 0 : i32
      %dma_wait3A_677 = tpu.memref_slice %arg7[%dma_wait3A_675, %dma_wait3A_676] : memref<1000000x64xf32, #tpu.memory_space<hbm>> -> memref<1000000x64xf32, #tpu.memory_space<hbm>>
      tpu.wait_indirect_dma semaphore(%arg24 : memref<!tpu.dma_semaphore, #tpu.memory_space<semaphore_mem>>) src(%dma_wait3A_677 : memref<1000000x64xf32, #tpu.memory_space<hbm>>) dst(%dma_wait3A_672 : memref<32x64xf32, #tpu.memory_space<vmem>>)
      %dma_wait3A_678 = arith.constant 14 : i32
      %dma_wait3A_679 = arith.constant 14 : i32
      %dma_wait3A_680 = arith.constant 0 : i32
      %dma_wait3A_681 = arith.constant 0 : i32
      %dma_wait3A_682 = tpu.memref_slice %arg17[%dma_wait3A_679, %dma_wait3A_680, %dma_wait3A_681] : memref<20x32x64xf32, #tpu.memory_space<vmem>> -> memref<1x32x64xf32, #tpu.memory_space<vmem>>
      %dma_wait3A_683 = tpu.memref_squeeze %dma_wait3A_682 : memref<1x32x64xf32, #tpu.memory_space<vmem>> -> memref<32x64xf32, #tpu.memory_space<vmem>>
      %dma_wait3A_684 = tpu.memref_slice %arg13[%dma_wait3A_678, %multiple_of3A_511] : memref<20x512xi32, #tpu.memory_space<vmem>> -> memref<1x32xi32, #tpu.memory_space<vmem>>
      %dma_wait3A_685 = tpu.memref_squeeze %dma_wait3A_684 : memref<1x32xi32, #tpu.memory_space<vmem>> -> memref<32xi32, #tpu.memory_space<vmem>>
      %dma_wait3A_686 = arith.constant 0 : i32
      %dma_wait3A_687 = arith.constant 0 : i32
      %dma_wait3A_688 = tpu.memref_slice %arg7[%dma_wait3A_686, %dma_wait3A_687] : memref<1000000x64xf32, #tpu.memory_space<hbm>> -> memref<1000000x64xf32, #tpu.memory_space<hbm>>
      tpu.wait_indirect_dma semaphore(%arg24 : memref<!tpu.dma_semaphore, #tpu.memory_space<semaphore_mem>>) src(%dma_wait3A_688 : memref<1000000x64xf32, #tpu.memory_space<hbm>>) dst(%dma_wait3A_683 : memref<32x64xf32, #tpu.memory_space<vmem>>)
      %dma_wait3A_689 = arith.constant 15 : i32
      %dma_wait3A_690 = arith.constant 15 : i32
      %dma_wait3A_691 = arith.constant 0 : i32
      %dma_wait3A_692 = arith.constant 0 : i32
      %dma_wait3A_693 = tpu.memref_slice %arg17[%dma_wait3A_690, %dma_wait3A_691, %dma_wait3A_692] : memref<20x32x64xf32, #tpu.memory_space<vmem>> -> memref<1x32x64xf32, #tpu.memory_space<vmem>>
      %dma_wait3A_694 = tpu.memref_squeeze %dma_wait3A_693 : memref<1x32x64xf32, #tpu.memory_space<vmem>> -> memref<32x64xf32, #tpu.memory_space<vmem>>
      %dma_wait3A_695 = tpu.memref_slice %arg13[%dma_wait3A_689, %multiple_of3A_511] : memref<20x512xi32, #tpu.memory_space<vmem>> -> memref<1x32xi32, #tpu.memory_space<vmem>>
      %dma_wait3A_696 = tpu.memref_squeeze %dma_wait3A_695 : memref<1x32xi32, #tpu.memory_space<vmem>> -> memref<32xi32, #tpu.memory_space<vmem>>
      %dma_wait3A_697 = arith.constant 0 : i32
      %dma_wait3A_698 = arith.constant 0 : i32
      %dma_wait3A_699 = tpu.memref_slice %arg7[%dma_wait3A_697, %dma_wait3A_698] : memref<1000000x64xf32, #tpu.memory_space<hbm>> -> memref<1000000x64xf32, #tpu.memory_space<hbm>>
      tpu.wait_indirect_dma semaphore(%arg24 : memref<!tpu.dma_semaphore, #tpu.memory_space<semaphore_mem>>) src(%dma_wait3A_699 : memref<1000000x64xf32, #tpu.memory_space<hbm>>) dst(%dma_wait3A_694 : memref<32x64xf32, #tpu.memory_space<vmem>>)
      %dma_wait3A_700 = arith.constant 16 : i32
      %dma_wait3A_701 = arith.constant 16 : i32
      %dma_wait3A_702 = arith.constant 0 : i32
      %dma_wait3A_703 = arith.constant 0 : i32
      %dma_wait3A_704 = tpu.memref_slice %arg17[%dma_wait3A_701, %dma_wait3A_702, %dma_wait3A_703] : memref<20x32x64xf32, #tpu.memory_space<vmem>> -> memref<1x32x64xf32, #tpu.memory_space<vmem>>
      %dma_wait3A_705 = tpu.memref_squeeze %dma_wait3A_704 : memref<1x32x64xf32, #tpu.memory_space<vmem>> -> memref<32x64xf32, #tpu.memory_space<vmem>>
      %dma_wait3A_706 = tpu.memref_slice %arg13[%dma_wait3A_700, %multiple_of3A_511] : memref<20x512xi32, #tpu.memory_space<vmem>> -> memref<1x32xi32, #tpu.memory_space<vmem>>
      %dma_wait3A_707 = tpu.memref_squeeze %dma_wait3A_706 : memref<1x32xi32, #tpu.memory_space<vmem>> -> memref<32xi32, #tpu.memory_space<vmem>>
      %dma_wait3A_708 = arith.constant 0 : i32
      %dma_wait3A_709 = arith.constant 0 : i32
      %dma_wait3A_710 = tpu.memref_slice %arg7[%dma_wait3A_708, %dma_wait3A_709] : memref<1000000x64xf32, #tpu.memory_space<hbm>> -> memref<1000000x64xf32, #tpu.memory_space<hbm>>
      tpu.wait_indirect_dma semaphore(%arg24 : memref<!tpu.dma_semaphore, #tpu.memory_space<semaphore_mem>>) src(%dma_wait3A_710 : memref<1000000x64xf32, #tpu.memory_space<hbm>>) dst(%dma_wait3A_705 : memref<32x64xf32, #tpu.memory_space<vmem>>)
      %dma_wait3A_711 = arith.constant 17 : i32
      %dma_wait3A_712 = arith.constant 17 : i32
      %dma_wait3A_713 = arith.constant 0 : i32
      %dma_wait3A_714 = arith.constant 0 : i32
      %dma_wait3A_715 = tpu.memref_slice %arg17[%dma_wait3A_712, %dma_wait3A_713, %dma_wait3A_714] : memref<20x32x64xf32, #tpu.memory_space<vmem>> -> memref<1x32x64xf32, #tpu.memory_space<vmem>>
      %dma_wait3A_716 = tpu.memref_squeeze %dma_wait3A_715 : memref<1x32x64xf32, #tpu.memory_space<vmem>> -> memref<32x64xf32, #tpu.memory_space<vmem>>
      %dma_wait3A_717 = tpu.memref_slice %arg13[%dma_wait3A_711, %multiple_of3A_511] : memref<20x512xi32, #tpu.memory_space<vmem>> -> memref<1x32xi32, #tpu.memory_space<vmem>>
      %dma_wait3A_718 = tpu.memref_squeeze %dma_wait3A_717 : memref<1x32xi32, #tpu.memory_space<vmem>> -> memref<32xi32, #tpu.memory_space<vmem>>
      %dma_wait3A_719 = arith.constant 0 : i32
      %dma_wait3A_720 = arith.constant 0 : i32
      %dma_wait3A_721 = tpu.memref_slice %arg7[%dma_wait3A_719, %dma_wait3A_720] : memref<1000000x64xf32, #tpu.memory_space<hbm>> -> memref<1000000x64xf32, #tpu.memory_space<hbm>>
      tpu.wait_indirect_dma semaphore(%arg24 : memref<!tpu.dma_semaphore, #tpu.memory_space<semaphore_mem>>) src(%dma_wait3A_721 : memref<1000000x64xf32, #tpu.memory_space<hbm>>) dst(%dma_wait3A_716 : memref<32x64xf32, #tpu.memory_space<vmem>>)
      %dma_wait3A_722 = arith.constant 18 : i32
      %dma_wait3A_723 = arith.constant 18 : i32
      %dma_wait3A_724 = arith.constant 0 : i32
      %dma_wait3A_725 = arith.constant 0 : i32
      %dma_wait3A_726 = tpu.memref_slice %arg17[%dma_wait3A_723, %dma_wait3A_724, %dma_wait3A_725] : memref<20x32x64xf32, #tpu.memory_space<vmem>> -> memref<1x32x64xf32, #tpu.memory_space<vmem>>
      %dma_wait3A_727 = tpu.memref_squeeze %dma_wait3A_726 : memref<1x32x64xf32, #tpu.memory_space<vmem>> -> memref<32x64xf32, #tpu.memory_space<vmem>>
      %dma_wait3A_728 = tpu.memref_slice %arg13[%dma_wait3A_722, %multiple_of3A_511] : memref<20x512xi32, #tpu.memory_space<vmem>> -> memref<1x32xi32, #tpu.memory_space<vmem>>
      %dma_wait3A_729 = tpu.memref_squeeze %dma_wait3A_728 : memref<1x32xi32, #tpu.memory_space<vmem>> -> memref<32xi32, #tpu.memory_space<vmem>>
      %dma_wait3A_730 = arith.constant 0 : i32
      %dma_wait3A_731 = arith.constant 0 : i32
      %dma_wait3A_732 = tpu.memref_slice %arg7[%dma_wait3A_730, %dma_wait3A_731] : memref<1000000x64xf32, #tpu.memory_space<hbm>> -> memref<1000000x64xf32, #tpu.memory_space<hbm>>
      tpu.wait_indirect_dma semaphore(%arg24 : memref<!tpu.dma_semaphore, #tpu.memory_space<semaphore_mem>>) src(%dma_wait3A_732 : memref<1000000x64xf32, #tpu.memory_space<hbm>>) dst(%dma_wait3A_727 : memref<32x64xf32, #tpu.memory_space<vmem>>)
      %dma_wait3A_733 = arith.constant 19 : i32
      %dma_wait3A_734 = arith.constant 19 : i32
      %dma_wait3A_735 = arith.constant 0 : i32
      %dma_wait3A_736 = arith.constant 0 : i32
      %dma_wait3A_737 = tpu.memref_slice %arg17[%dma_wait3A_734, %dma_wait3A_735, %dma_wait3A_736] : memref<20x32x64xf32, #tpu.memory_space<vmem>> -> memref<1x32x64xf32, #tpu.memory_space<vmem>>
      %dma_wait3A_738 = tpu.memref_squeeze %dma_wait3A_737 : memref<1x32x64xf32, #tpu.memory_space<vmem>> -> memref<32x64xf32, #tpu.memory_space<vmem>>
      %dma_wait3A_739 = tpu.memref_slice %arg13[%dma_wait3A_733, %multiple_of3A_511] : memref<20x512xi32, #tpu.memory_space<vmem>> -> memref<1x32xi32, #tpu.memory_space<vmem>>
      %dma_wait3A_740 = tpu.memref_squeeze %dma_wait3A_739 : memref<1x32xi32, #tpu.memory_space<vmem>> -> memref<32xi32, #tpu.memory_space<vmem>>
      %dma_wait3A_741 = arith.constant 0 : i32
      %dma_wait3A_742 = arith.constant 0 : i32
      %dma_wait3A_743 = tpu.memref_slice %arg7[%dma_wait3A_741, %dma_wait3A_742] : memref<1000000x64xf32, #tpu.memory_space<hbm>> -> memref<1000000x64xf32, #tpu.memory_space<hbm>>
      tpu.wait_indirect_dma semaphore(%arg24 : memref<!tpu.dma_semaphore, #tpu.memory_space<semaphore_mem>>) src(%dma_wait3A_743 : memref<1000000x64xf32, #tpu.memory_space<hbm>>) dst(%dma_wait3A_738 : memref<32x64xf32, #tpu.memory_space<vmem>>)
      %mul3A_744 = arith.constant 32 : i32
      %mul3A_745 = arith.muli %mul3A_271, %mul3A_744 : i32
      %multiple_of3A_746 = tpu.assume_multiple %mul3A_745, 32 : i32
      %broadcast_in_dim3A_747 = arith.constant 0.000000e+00 : f32
      %broadcast_in_dim3A_748 = vector.broadcast %broadcast_in_dim3A_747 : f32 to vector<16xf32>
      %add3A_749 = arith.constant 0 : i32
      %add3A_750 = vector.broadcast %add3A_749 : i32 to vector<16xi32>
      %add3A_751 = arith.addi %iota3A, %add3A_750 : vector<16xi32>
      %scan3A_752 = arith.constant 0 : i32
      %scan3A_753 = arith.constant 64 : i32
      %scan3A_754 = arith.addi %scan3A_752, %scan3A_753 : i32
      %scan3A_755 = arith.constant 1 : i32
      %scan3A_756:12 = scf.for %scan3A_2877 = %scan3A_752 to %scan3A_754 step %scan3A_755 iter_args(%scan3A_2878 = %broadcast_in_dim3A_748, %scan3A_2879 = %broadcast_in_dim3A_748, %scan3A_2880 = %broadcast_in_dim3A_748, %scan3A_2881 = %broadcast_in_dim3A_748, %scan3A_2882 = %broadcast_in_dim3A_748, %scan3A_2883 = %broadcast_in_dim3A_748, %scan3A_2884 = %broadcast_in_dim3A_748, %scan3A_2885 = %broadcast_in_dim3A_748, %scan3A_2886 = %broadcast_in_dim3A_748, %scan3A_2887 = %broadcast_in_dim3A_748, %scan3A_2888 = %broadcast_in_dim3A_748, %scan3A_2889 = %broadcast_in_dim3A_748) -> (vector<16xf32>, vector<16xf32>, vector<16xf32>, vector<16xf32>, vector<16xf32>, vector<16xf32>, vector<16xf32>, vector<16xf32>, vector<16xf32>, vector<16xf32>, vector<16xf32>, vector<16xf32>)  : i32 {
        %add3A_2890 = vector.broadcast %scan3A_2877 : i32 to vector<16xi32>
        %add3A_2891 = arith.addi %iota3A, %add3A_2890 : vector<16xi32>
        %and3A_2892 = arith.constant 63 : i32
        %and3A_2893 = vector.broadcast %and3A_2892 : i32 to vector<16xi32>
        %and3A_2894 = arith.andi %add3A_2891, %and3A_2893 : vector<16xi32>
        %gather3A = tpu.vector_load_idx %arg14[%add3A_751, %and3A_2894] : memref<32x64xf32, #tpu.memory_space<vmem>>[vector<16xi32>, vector<16xi32>], vector<16xf32>,
        %gather3A_2895 = tpu.vector_load_idx %arg15[%add3A_751, %and3A_2894] : memref<32x64xf32, #tpu.memory_space<vmem>>[vector<16xi32>, vector<16xi32>], vector<16xf32>,
        %gather3A_2896 = tpu.vector_load_idx %arg16[%add3A_751, %and3A_2894] : memref<32x64xf32, #tpu.memory_space<vmem>>[vector<16xi32>, vector<16xi32>], vector<16xf32>,
        %mul3A_2897 = arith.mulf %gather3A, %gather3A_2895 : vector<16xf32>
        %add3A_2898 = arith.addf %scan3A_2878, %mul3A_2897 : vector<16xf32>
        %mul3A_2899 = arith.mulf %gather3A, %gather3A_2896 : vector<16xf32>
        %add3A_2900 = arith.addf %scan3A_2879, %mul3A_2899 : vector<16xf32>
        %add3A_2901 = arith.constant 0 : i32
        %add3A_2902 = vector.broadcast %add3A_2901 : i32 to vector<16xi32>
        %add3A_2903 = arith.addi %broadcast_in_dim3A_3, %add3A_2902 : vector<16xi32>
        %gather3A_2904 = tpu.vector_load_idx %arg17[%add3A_2903, %add3A_751, %and3A_2894] : memref<20x32x64xf32, #tpu.memory_space<vmem>>[vector<16xi32>, vector<16xi32>, vector<16xi32>], vector<16xf32>,
        %mul3A_2905 = arith.mulf %gather3A, %gather3A_2904 : vector<16xf32>
        %add3A_2906 = arith.addf %scan3A_2880, %mul3A_2905 : vector<16xf32>
        %add3A_2907 = arith.constant 1 : i32
        %add3A_2908 = vector.broadcast %add3A_2907 : i32 to vector<16xi32>
        %add3A_2909 = arith.addi %broadcast_in_dim3A_3, %add3A_2908 : vector<16xi32>
        %gather3A_2910 = tpu.vector_load_idx %arg17[%add3A_2909, %add3A_751, %and3A_2894] : memref<20x32x64xf32, #tpu.memory_space<vmem>>[vector<16xi32>, vector<16xi32>, vector<16xi32>], vector<16xf32>,
        %mul3A_2911 = arith.mulf %gather3A, %gather3A_2910 : vector<16xf32>
        %add3A_2912 = arith.addf %scan3A_2881, %mul3A_2911 : vector<16xf32>
        %add3A_2913 = arith.constant 2 : i32
        %add3A_2914 = vector.broadcast %add3A_2913 : i32 to vector<16xi32>
        %add3A_2915 = arith.addi %broadcast_in_dim3A_3, %add3A_2914 : vector<16xi32>
        %gather3A_2916 = tpu.vector_load_idx %arg17[%add3A_2915, %add3A_751, %and3A_2894] : memref<20x32x64xf32, #tpu.memory_space<vmem>>[vector<16xi32>, vector<16xi32>, vector<16xi32>], vector<16xf32>,
        %mul3A_2917 = arith.mulf %gather3A, %gather3A_2916 : vector<16xf32>
        %add3A_2918 = arith.addf %scan3A_2882, %mul3A_2917 : vector<16xf32>
        %add3A_2919 = arith.constant 3 : i32
        %add3A_2920 = vector.broadcast %add3A_2919 : i32 to vector<16xi32>
        %add3A_2921 = arith.addi %broadcast_in_dim3A_3, %add3A_2920 : vector<16xi32>
        %gather3A_2922 = tpu.vector_load_idx %arg17[%add3A_2921, %add3A_751, %and3A_2894] : memref<20x32x64xf32, #tpu.memory_space<vmem>>[vector<16xi32>, vector<16xi32>, vector<16xi32>], vector<16xf32>,
        %mul3A_2923 = arith.mulf %gather3A, %gather3A_2922 : vector<16xf32>
        %add3A_2924 = arith.addf %scan3A_2883, %mul3A_2923 : vector<16xf32>
        %add3A_2925 = arith.constant 4 : i32
        %add3A_2926 = vector.broadcast %add3A_2925 : i32 to vector<16xi32>
        %add3A_2927 = arith.addi %broadcast_in_dim3A_3, %add3A_2926 : vector<16xi32>
        %gather3A_2928 = tpu.vector_load_idx %arg17[%add3A_2927, %add3A_751, %and3A_2894] : memref<20x32x64xf32, #tpu.memory_space<vmem>>[vector<16xi32>, vector<16xi32>, vector<16xi32>], vector<16xf32>,
        %mul3A_2929 = arith.mulf %gather3A, %gather3A_2928 : vector<16xf32>
        %add3A_2930 = arith.addf %scan3A_2884, %mul3A_2929 : vector<16xf32>
        %add3A_2931 = arith.constant 5 : i32
        %add3A_2932 = vector.broadcast %add3A_2931 : i32 to vector<16xi32>
        %add3A_2933 = arith.addi %broadcast_in_dim3A_3, %add3A_2932 : vector<16xi32>
        %gather3A_2934 = tpu.vector_load_idx %arg17[%add3A_2933, %add3A_751, %and3A_2894] : memref<20x32x64xf32, #tpu.memory_space<vmem>>[vector<16xi32>, vector<16xi32>, vector<16xi32>], vector<16xf32>,
        %mul3A_2935 = arith.mulf %gather3A, %gather3A_2934 : vector<16xf32>
        %add3A_2936 = arith.addf %scan3A_2885, %mul3A_2935 : vector<16xf32>
        %add3A_2937 = arith.constant 6 : i32
        %add3A_2938 = vector.broadcast %add3A_2937 : i32 to vector<16xi32>
        %add3A_2939 = arith.addi %broadcast_in_dim3A_3, %add3A_2938 : vector<16xi32>
        %gather3A_2940 = tpu.vector_load_idx %arg17[%add3A_2939, %add3A_751, %and3A_2894] : memref<20x32x64xf32, #tpu.memory_space<vmem>>[vector<16xi32>, vector<16xi32>, vector<16xi32>], vector<16xf32>,
        %mul3A_2941 = arith.mulf %gather3A, %gather3A_2940 : vector<16xf32>
        %add3A_2942 = arith.addf %scan3A_2886, %mul3A_2941 : vector<16xf32>
        %add3A_2943 = arith.constant 7 : i32
        %add3A_2944 = vector.broadcast %add3A_2943 : i32 to vector<16xi32>
        %add3A_2945 = arith.addi %broadcast_in_dim3A_3, %add3A_2944 : vector<16xi32>
        %gather3A_2946 = tpu.vector_load_idx %arg17[%add3A_2945, %add3A_751, %and3A_2894] : memref<20x32x64xf32, #tpu.memory_space<vmem>>[vector<16xi32>, vector<16xi32>, vector<16xi32>], vector<16xf32>,
        %mul3A_2947 = arith.mulf %gather3A, %gather3A_2946 : vector<16xf32>
        %add3A_2948 = arith.addf %scan3A_2887, %mul3A_2947 : vector<16xf32>
        %add3A_2949 = arith.constant 8 : i32
        %add3A_2950 = vector.broadcast %add3A_2949 : i32 to vector<16xi32>
        %add3A_2951 = arith.addi %broadcast_in_dim3A_3, %add3A_2950 : vector<16xi32>
        %gather3A_2952 = tpu.vector_load_idx %arg17[%add3A_2951, %add3A_751, %and3A_2894] : memref<20x32x64xf32, #tpu.memory_space<vmem>>[vector<16xi32>, vector<16xi32>, vector<16xi32>], vector<16xf32>,
        %mul3A_2953 = arith.mulf %gather3A, %gather3A_2952 : vector<16xf32>
        %add3A_2954 = arith.addf %scan3A_2888, %mul3A_2953 : vector<16xf32>
        %add3A_2955 = arith.constant 9 : i32
        %add3A_2956 = vector.broadcast %add3A_2955 : i32 to vector<16xi32>
        %add3A_2957 = arith.addi %broadcast_in_dim3A_3, %add3A_2956 : vector<16xi32>
        %gather3A_2958 = tpu.vector_load_idx %arg17[%add3A_2957, %add3A_751, %and3A_2894] : memref<20x32x64xf32, #tpu.memory_space<vmem>>[vector<16xi32>, vector<16xi32>, vector<16xi32>], vector<16xf32>,
        %mul3A_2959 = arith.mulf %gather3A, %gather3A_2958 : vector<16xf32>
        %add3A_2960 = arith.addf %scan3A_2889, %mul3A_2959 : vector<16xf32>
        scf.yield %add3A_2898, %add3A_2900, %add3A_2906, %add3A_2912, %add3A_2918, %add3A_2924, %add3A_2930, %add3A_2936, %add3A_2942, %add3A_2948, %add3A_2954, %add3A_2960 : vector<16xf32>, vector<16xf32>, vector<16xf32>, vector<16xf32>, vector<16xf32>, vector<16xf32>, vector<16xf32>, vector<16xf32>, vector<16xf32>, vector<16xf32>, vector<16xf32>, vector<16xf32>
      }
      %scan3A_757 = arith.constant 64 : i32
      %scan3A_758 = arith.constant 0 : i32
      %scan3A_759 = arith.constant 64 : i32
      %scan3A_760 = arith.addi %scan3A_758, %scan3A_759 : i32
      %scan3A_761 = arith.constant 1 : i32
      %scan3A_762:10 = scf.for %scan3A_2877 = %scan3A_758 to %scan3A_760 step %scan3A_761 iter_args(%scan3A_2878 = %broadcast_in_dim3A_748, %scan3A_2879 = %broadcast_in_dim3A_748, %scan3A_2880 = %broadcast_in_dim3A_748, %scan3A_2881 = %broadcast_in_dim3A_748, %scan3A_2882 = %broadcast_in_dim3A_748, %scan3A_2883 = %broadcast_in_dim3A_748, %scan3A_2884 = %broadcast_in_dim3A_748, %scan3A_2885 = %broadcast_in_dim3A_748, %scan3A_2886 = %broadcast_in_dim3A_748, %scan3A_2887 = %broadcast_in_dim3A_748) -> (vector<16xf32>, vector<16xf32>, vector<16xf32>, vector<16xf32>, vector<16xf32>, vector<16xf32>, vector<16xf32>, vector<16xf32>, vector<16xf32>, vector<16xf32>)  : i32 {
        %add3A_2888 = vector.broadcast %scan3A_2877 : i32 to vector<16xi32>
        %add3A_2889 = arith.addi %iota3A, %add3A_2888 : vector<16xi32>
        %and3A_2890 = arith.constant 63 : i32
        %and3A_2891 = vector.broadcast %and3A_2890 : i32 to vector<16xi32>
        %and3A_2892 = arith.andi %add3A_2889, %and3A_2891 : vector<16xi32>
        %gather3A = tpu.vector_load_idx %arg14[%add3A_751, %and3A_2892] : memref<32x64xf32, #tpu.memory_space<vmem>>[vector<16xi32>, vector<16xi32>], vector<16xf32>,
        %add3A_2893 = arith.constant 10 : i32
        %add3A_2894 = vector.broadcast %add3A_2893 : i32 to vector<16xi32>
        %add3A_2895 = arith.addi %broadcast_in_dim3A_3, %add3A_2894 : vector<16xi32>
        %gather3A_2896 = tpu.vector_load_idx %arg17[%add3A_2895, %add3A_751, %and3A_2892] : memref<20x32x64xf32, #tpu.memory_space<vmem>>[vector<16xi32>, vector<16xi32>, vector<16xi32>], vector<16xf32>,
        %mul3A_2897 = arith.mulf %gather3A, %gather3A_2896 : vector<16xf32>
        %add3A_2898 = arith.addf %scan3A_2878, %mul3A_2897 : vector<16xf32>
        %add3A_2899 = arith.constant 11 : i32
        %add3A_2900 = vector.broadcast %add3A_2899 : i32 to vector<16xi32>
        %add3A_2901 = arith.addi %broadcast_in_dim3A_3, %add3A_2900 : vector<16xi32>
        %gather3A_2902 = tpu.vector_load_idx %arg17[%add3A_2901, %add3A_751, %and3A_2892] : memref<20x32x64xf32, #tpu.memory_space<vmem>>[vector<16xi32>, vector<16xi32>, vector<16xi32>], vector<16xf32>,
        %mul3A_2903 = arith.mulf %gather3A, %gather3A_2902 : vector<16xf32>
        %add3A_2904 = arith.addf %scan3A_2879, %mul3A_2903 : vector<16xf32>
        %add3A_2905 = arith.constant 12 : i32
        %add3A_2906 = vector.broadcast %add3A_2905 : i32 to vector<16xi32>
        %add3A_2907 = arith.addi %broadcast_in_dim3A_3, %add3A_2906 : vector<16xi32>
        %gather3A_2908 = tpu.vector_load_idx %arg17[%add3A_2907, %add3A_751, %and3A_2892] : memref<20x32x64xf32, #tpu.memory_space<vmem>>[vector<16xi32>, vector<16xi32>, vector<16xi32>], vector<16xf32>,
        %mul3A_2909 = arith.mulf %gather3A, %gather3A_2908 : vector<16xf32>
        %add3A_2910 = arith.addf %scan3A_2880, %mul3A_2909 : vector<16xf32>
        %add3A_2911 = arith.constant 13 : i32
        %add3A_2912 = vector.broadcast %add3A_2911 : i32 to vector<16xi32>
        %add3A_2913 = arith.addi %broadcast_in_dim3A_3, %add3A_2912 : vector<16xi32>
        %gather3A_2914 = tpu.vector_load_idx %arg17[%add3A_2913, %add3A_751, %and3A_2892] : memref<20x32x64xf32, #tpu.memory_space<vmem>>[vector<16xi32>, vector<16xi32>, vector<16xi32>], vector<16xf32>,
        %mul3A_2915 = arith.mulf %gather3A, %gather3A_2914 : vector<16xf32>
        %add3A_2916 = arith.addf %scan3A_2881, %mul3A_2915 : vector<16xf32>
        %add3A_2917 = arith.constant 14 : i32
        %add3A_2918 = vector.broadcast %add3A_2917 : i32 to vector<16xi32>
        %add3A_2919 = arith.addi %broadcast_in_dim3A_3, %add3A_2918 : vector<16xi32>
        %gather3A_2920 = tpu.vector_load_idx %arg17[%add3A_2919, %add3A_751, %and3A_2892] : memref<20x32x64xf32, #tpu.memory_space<vmem>>[vector<16xi32>, vector<16xi32>, vector<16xi32>], vector<16xf32>,
        %mul3A_2921 = arith.mulf %gather3A, %gather3A_2920 : vector<16xf32>
        %add3A_2922 = arith.addf %scan3A_2882, %mul3A_2921 : vector<16xf32>
        %add3A_2923 = arith.constant 15 : i32
        %add3A_2924 = vector.broadcast %add3A_2923 : i32 to vector<16xi32>
        %add3A_2925 = arith.addi %broadcast_in_dim3A_3, %add3A_2924 : vector<16xi32>
        %gather3A_2926 = tpu.vector_load_idx %arg17[%add3A_2925, %add3A_751, %and3A_2892] : memref<20x32x64xf32, #tpu.memory_space<vmem>>[vector<16xi32>, vector<16xi32>, vector<16xi32>], vector<16xf32>,
        %mul3A_2927 = arith.mulf %gather3A, %gather3A_2926 : vector<16xf32>
        %add3A_2928 = arith.addf %scan3A_2883, %mul3A_2927 : vector<16xf32>
        %add3A_2929 = arith.constant 16 : i32
        %add3A_2930 = vector.broadcast %add3A_2929 : i32 to vector<16xi32>
        %add3A_2931 = arith.addi %broadcast_in_dim3A_3, %add3A_2930 : vector<16xi32>
        %gather3A_2932 = tpu.vector_load_idx %arg17[%add3A_2931, %add3A_751, %and3A_2892] : memref<20x32x64xf32, #tpu.memory_space<vmem>>[vector<16xi32>, vector<16xi32>, vector<16xi32>], vector<16xf32>,
        %mul3A_2933 = arith.mulf %gather3A, %gather3A_2932 : vector<16xf32>
        %add3A_2934 = arith.addf %scan3A_2884, %mul3A_2933 : vector<16xf32>
        %add3A_2935 = arith.constant 17 : i32
        %add3A_2936 = vector.broadcast %add3A_2935 : i32 to vector<16xi32>
        %add3A_2937 = arith.addi %broadcast_in_dim3A_3, %add3A_2936 : vector<16xi32>
        %gather3A_2938 = tpu.vector_load_idx %arg17[%add3A_2937, %add3A_751, %and3A_2892] : memref<20x32x64xf32, #tpu.memory_space<vmem>>[vector<16xi32>, vector<16xi32>, vector<16xi32>], vector<16xf32>,
        %mul3A_2939 = arith.mulf %gather3A, %gather3A_2938 : vector<16xf32>
        %add3A_2940 = arith.addf %scan3A_2885, %mul3A_2939 : vector<16xf32>
        %add3A_2941 = arith.constant 18 : i32
        %add3A_2942 = vector.broadcast %add3A_2941 : i32 to vector<16xi32>
        %add3A_2943 = arith.addi %broadcast_in_dim3A_3, %add3A_2942 : vector<16xi32>
        %gather3A_2944 = tpu.vector_load_idx %arg17[%add3A_2943, %add3A_751, %and3A_2892] : memref<20x32x64xf32, #tpu.memory_space<vmem>>[vector<16xi32>, vector<16xi32>, vector<16xi32>], vector<16xf32>,
        %mul3A_2945 = arith.mulf %gather3A, %gather3A_2944 : vector<16xf32>
        %add3A_2946 = arith.addf %scan3A_2886, %mul3A_2945 : vector<16xf32>
        %add3A_2947 = arith.constant 19 : i32
        %add3A_2948 = vector.broadcast %add3A_2947 : i32 to vector<16xi32>
        %add3A_2949 = arith.addi %broadcast_in_dim3A_3, %add3A_2948 : vector<16xi32>
        %gather3A_2950 = tpu.vector_load_idx %arg17[%add3A_2949, %add3A_751, %and3A_2892] : memref<20x32x64xf32, #tpu.memory_space<vmem>>[vector<16xi32>, vector<16xi32>, vector<16xi32>], vector<16xf32>,
        %mul3A_2951 = arith.mulf %gather3A, %gather3A_2950 : vector<16xf32>
        %add3A_2952 = arith.addf %scan3A_2887, %mul3A_2951 : vector<16xf32>
        scf.yield %add3A_2898, %add3A_2904, %add3A_2910, %add3A_2916, %add3A_2922, %add3A_2928, %add3A_2934, %add3A_2940, %add3A_2946, %add3A_2952 : vector<16xf32>, vector<16xf32>, vector<16xf32>, vector<16xf32>, vector<16xf32>, vector<16xf32>, vector<16xf32>, vector<16xf32>, vector<16xf32>, vector<16xf32>
      }
      %scan3A_763 = arith.constant 64 : i32
      %broadcast_in_dim3A_764 = arith.constant 1.000000e+00 : f32
      %broadcast_in_dim3A_765 = vector.broadcast %broadcast_in_dim3A_764 : f32 to vector<16xf32>
      %max3A = arith.constant 0.000000e+00 : f32
      %max3A_766 = vector.broadcast %max3A : f32 to vector<16xf32>
      %max3A_767 = arith.maximumf %scan3A_756#2, %max3A_766 : vector<16xf32>
      %add3A_768 = arith.addf %broadcast_in_dim3A_748, %max3A_767 : vector<16xf32>
      %abs3A = math.absf %scan3A_756#2 : vector<16xf32>
      %neg3A = arith.constant 0.000000e+00 : f32
      %neg3A_769 = vector.broadcast %neg3A : f32 to vector<16xf32>
      %neg3A_770 = arith.subf %neg3A_769, %abs3A : vector<16xf32>
      %exp3A = math.exp %neg3A_770 : vector<16xf32>
      %add3A_771 = arith.constant 1.000000e+00 : f32
      %add3A_772 = vector.broadcast %add3A_771 : f32 to vector<16xf32>
      %add3A_773 = arith.addf %add3A_772, %exp3A : vector<16xf32>
      %mul3A_774 = arith.mulf %broadcast_in_dim3A_765, %add3A_773 : vector<16xf32>
      %max3A_775 = arith.constant 0.000000e+00 : f32
      %max3A_776 = vector.broadcast %max3A_775 : f32 to vector<16xf32>
      %max3A_777 = arith.maximumf %scan3A_756#3, %max3A_776 : vector<16xf32>
      %add3A_778 = arith.addf %add3A_768, %max3A_777 : vector<16xf32>
      %abs3A_779 = math.absf %scan3A_756#3 : vector<16xf32>
      %neg3A_780 = arith.constant 0.000000e+00 : f32
      %neg3A_781 = vector.broadcast %neg3A_780 : f32 to vector<16xf32>
      %neg3A_782 = arith.subf %neg3A_781, %abs3A_779 : vector<16xf32>
      %exp3A_783 = math.exp %neg3A_782 : vector<16xf32>
      %add3A_784 = arith.constant 1.000000e+00 : f32
      %add3A_785 = vector.broadcast %add3A_784 : f32 to vector<16xf32>
      %add3A_786 = arith.addf %add3A_785, %exp3A_783 : vector<16xf32>
      %mul3A_787 = arith.mulf %mul3A_774, %add3A_786 : vector<16xf32>
      %max3A_788 = arith.constant 0.000000e+00 : f32
      %max3A_789 = vector.broadcast %max3A_788 : f32 to vector<16xf32>
      %max3A_790 = arith.maximumf %scan3A_756#4, %max3A_789 : vector<16xf32>
      %add3A_791 = arith.addf %add3A_778, %max3A_790 : vector<16xf32>
      %abs3A_792 = math.absf %scan3A_756#4 : vector<16xf32>
      %neg3A_793 = arith.constant 0.000000e+00 : f32
      %neg3A_794 = vector.broadcast %neg3A_793 : f32 to vector<16xf32>
      %neg3A_795 = arith.subf %neg3A_794, %abs3A_792 : vector<16xf32>
      %exp3A_796 = math.exp %neg3A_795 : vector<16xf32>
      %add3A_797 = arith.constant 1.000000e+00 : f32
      %add3A_798 = vector.broadcast %add3A_797 : f32 to vector<16xf32>
      %add3A_799 = arith.addf %add3A_798, %exp3A_796 : vector<16xf32>
      %mul3A_800 = arith.mulf %mul3A_787, %add3A_799 : vector<16xf32>
      %max3A_801 = arith.constant 0.000000e+00 : f32
      %max3A_802 = vector.broadcast %max3A_801 : f32 to vector<16xf32>
      %max3A_803 = arith.maximumf %scan3A_756#5, %max3A_802 : vector<16xf32>
      %add3A_804 = arith.addf %add3A_791, %max3A_803 : vector<16xf32>
      %abs3A_805 = math.absf %scan3A_756#5 : vector<16xf32>
      %neg3A_806 = arith.constant 0.000000e+00 : f32
      %neg3A_807 = vector.broadcast %neg3A_806 : f32 to vector<16xf32>
      %neg3A_808 = arith.subf %neg3A_807, %abs3A_805 : vector<16xf32>
      %exp3A_809 = math.exp %neg3A_808 : vector<16xf32>
      %add3A_810 = arith.constant 1.000000e+00 : f32
      %add3A_811 = vector.broadcast %add3A_810 : f32 to vector<16xf32>
      %add3A_812 = arith.addf %add3A_811, %exp3A_809 : vector<16xf32>
      %mul3A_813 = arith.mulf %mul3A_800, %add3A_812 : vector<16xf32>
      %max3A_814 = arith.constant 0.000000e+00 : f32
      %max3A_815 = vector.broadcast %max3A_814 : f32 to vector<16xf32>
      %max3A_816 = arith.maximumf %scan3A_756#6, %max3A_815 : vector<16xf32>
      %add3A_817 = arith.addf %add3A_804, %max3A_816 : vector<16xf32>
      %abs3A_818 = math.absf %scan3A_756#6 : vector<16xf32>
      %neg3A_819 = arith.constant 0.000000e+00 : f32
      %neg3A_820 = vector.broadcast %neg3A_819 : f32 to vector<16xf32>
      %neg3A_821 = arith.subf %neg3A_820, %abs3A_818 : vector<16xf32>
      %exp3A_822 = math.exp %neg3A_821 : vector<16xf32>
      %add3A_823 = arith.constant 1.000000e+00 : f32
      %add3A_824 = vector.broadcast %add3A_823 : f32 to vector<16xf32>
      %add3A_825 = arith.addf %add3A_824, %exp3A_822 : vector<16xf32>
      %mul3A_826 = arith.mulf %mul3A_813, %add3A_825 : vector<16xf32>
      %max3A_827 = arith.constant 0.000000e+00 : f32
      %max3A_828 = vector.broadcast %max3A_827 : f32 to vector<16xf32>
      %max3A_829 = arith.maximumf %scan3A_756#7, %max3A_828 : vector<16xf32>
      %add3A_830 = arith.addf %add3A_817, %max3A_829 : vector<16xf32>
      %abs3A_831 = math.absf %scan3A_756#7 : vector<16xf32>
      %neg3A_832 = arith.constant 0.000000e+00 : f32
      %neg3A_833 = vector.broadcast %neg3A_832 : f32 to vector<16xf32>
      %neg3A_834 = arith.subf %neg3A_833, %abs3A_831 : vector<16xf32>
      %exp3A_835 = math.exp %neg3A_834 : vector<16xf32>
      %add3A_836 = arith.constant 1.000000e+00 : f32
      %add3A_837 = vector.broadcast %add3A_836 : f32 to vector<16xf32>
      %add3A_838 = arith.addf %add3A_837, %exp3A_835 : vector<16xf32>
      %mul3A_839 = arith.mulf %mul3A_826, %add3A_838 : vector<16xf32>
      %max3A_840 = arith.constant 0.000000e+00 : f32
      %max3A_841 = vector.broadcast %max3A_840 : f32 to vector<16xf32>
      %max3A_842 = arith.maximumf %scan3A_756#8, %max3A_841 : vector<16xf32>
      %add3A_843 = arith.addf %add3A_830, %max3A_842 : vector<16xf32>
      %abs3A_844 = math.absf %scan3A_756#8 : vector<16xf32>
      %neg3A_845 = arith.constant 0.000000e+00 : f32
      %neg3A_846 = vector.broadcast %neg3A_845 : f32 to vector<16xf32>
      %neg3A_847 = arith.subf %neg3A_846, %abs3A_844 : vector<16xf32>
      %exp3A_848 = math.exp %neg3A_847 : vector<16xf32>
      %add3A_849 = arith.constant 1.000000e+00 : f32
      %add3A_850 = vector.broadcast %add3A_849 : f32 to vector<16xf32>
      %add3A_851 = arith.addf %add3A_850, %exp3A_848 : vector<16xf32>
      %mul3A_852 = arith.mulf %mul3A_839, %add3A_851 : vector<16xf32>
      %max3A_853 = arith.constant 0.000000e+00 : f32
      %max3A_854 = vector.broadcast %max3A_853 : f32 to vector<16xf32>
      %max3A_855 = arith.maximumf %scan3A_756#9, %max3A_854 : vector<16xf32>
      %add3A_856 = arith.addf %add3A_843, %max3A_855 : vector<16xf32>
      %abs3A_857 = math.absf %scan3A_756#9 : vector<16xf32>
      %neg3A_858 = arith.constant 0.000000e+00 : f32
      %neg3A_859 = vector.broadcast %neg3A_858 : f32 to vector<16xf32>
      %neg3A_860 = arith.subf %neg3A_859, %abs3A_857 : vector<16xf32>
      %exp3A_861 = math.exp %neg3A_860 : vector<16xf32>
      %add3A_862 = arith.constant 1.000000e+00 : f32
      %add3A_863 = vector.broadcast %add3A_862 : f32 to vector<16xf32>
      %add3A_864 = arith.addf %add3A_863, %exp3A_861 : vector<16xf32>
      %mul3A_865 = arith.mulf %mul3A_852, %add3A_864 : vector<16xf32>
      %max3A_866 = arith.constant 0.000000e+00 : f32
      %max3A_867 = vector.broadcast %max3A_866 : f32 to vector<16xf32>
      %max3A_868 = arith.maximumf %scan3A_756#10, %max3A_867 : vector<16xf32>
      %add3A_869 = arith.addf %add3A_856, %max3A_868 : vector<16xf32>
      %abs3A_870 = math.absf %scan3A_756#10 : vector<16xf32>
      %neg3A_871 = arith.constant 0.000000e+00 : f32
      %neg3A_872 = vector.broadcast %neg3A_871 : f32 to vector<16xf32>
      %neg3A_873 = arith.subf %neg3A_872, %abs3A_870 : vector<16xf32>
      %exp3A_874 = math.exp %neg3A_873 : vector<16xf32>
      %add3A_875 = arith.constant 1.000000e+00 : f32
      %add3A_876 = vector.broadcast %add3A_875 : f32 to vector<16xf32>
      %add3A_877 = arith.addf %add3A_876, %exp3A_874 : vector<16xf32>
      %mul3A_878 = arith.mulf %mul3A_865, %add3A_877 : vector<16xf32>
      %max3A_879 = arith.constant 0.000000e+00 : f32
      %max3A_880 = vector.broadcast %max3A_879 : f32 to vector<16xf32>
      %max3A_881 = arith.maximumf %scan3A_756#11, %max3A_880 : vector<16xf32>
      %add3A_882 = arith.addf %add3A_869, %max3A_881 : vector<16xf32>
      %abs3A_883 = math.absf %scan3A_756#11 : vector<16xf32>
      %neg3A_884 = arith.constant 0.000000e+00 : f32
      %neg3A_885 = vector.broadcast %neg3A_884 : f32 to vector<16xf32>
      %neg3A_886 = arith.subf %neg3A_885, %abs3A_883 : vector<16xf32>
      %exp3A_887 = math.exp %neg3A_886 : vector<16xf32>
      %add3A_888 = arith.constant 1.000000e+00 : f32
      %add3A_889 = vector.broadcast %add3A_888 : f32 to vector<16xf32>
      %add3A_890 = arith.addf %add3A_889, %exp3A_887 : vector<16xf32>
      %mul3A_891 = arith.mulf %mul3A_878, %add3A_890 : vector<16xf32>
      %max3A_892 = arith.constant 0.000000e+00 : f32
      %max3A_893 = vector.broadcast %max3A_892 : f32 to vector<16xf32>
      %max3A_894 = arith.maximumf %scan3A_762#0, %max3A_893 : vector<16xf32>
      %add3A_895 = arith.addf %add3A_882, %max3A_894 : vector<16xf32>
      %abs3A_896 = math.absf %scan3A_762#0 : vector<16xf32>
      %neg3A_897 = arith.constant 0.000000e+00 : f32
      %neg3A_898 = vector.broadcast %neg3A_897 : f32 to vector<16xf32>
      %neg3A_899 = arith.subf %neg3A_898, %abs3A_896 : vector<16xf32>
      %exp3A_900 = math.exp %neg3A_899 : vector<16xf32>
      %add3A_901 = arith.constant 1.000000e+00 : f32
      %add3A_902 = vector.broadcast %add3A_901 : f32 to vector<16xf32>
      %add3A_903 = arith.addf %add3A_902, %exp3A_900 : vector<16xf32>
      %mul3A_904 = arith.mulf %mul3A_891, %add3A_903 : vector<16xf32>
      %max3A_905 = arith.constant 0.000000e+00 : f32
      %max3A_906 = vector.broadcast %max3A_905 : f32 to vector<16xf32>
      %max3A_907 = arith.maximumf %scan3A_762#1, %max3A_906 : vector<16xf32>
      %add3A_908 = arith.addf %add3A_895, %max3A_907 : vector<16xf32>
      %abs3A_909 = math.absf %scan3A_762#1 : vector<16xf32>
      %neg3A_910 = arith.constant 0.000000e+00 : f32
      %neg3A_911 = vector.broadcast %neg3A_910 : f32 to vector<16xf32>
      %neg3A_912 = arith.subf %neg3A_911, %abs3A_909 : vector<16xf32>
      %exp3A_913 = math.exp %neg3A_912 : vector<16xf32>
      %add3A_914 = arith.constant 1.000000e+00 : f32
      %add3A_915 = vector.broadcast %add3A_914 : f32 to vector<16xf32>
      %add3A_916 = arith.addf %add3A_915, %exp3A_913 : vector<16xf32>
      %mul3A_917 = arith.mulf %mul3A_904, %add3A_916 : vector<16xf32>
      %max3A_918 = arith.constant 0.000000e+00 : f32
      %max3A_919 = vector.broadcast %max3A_918 : f32 to vector<16xf32>
      %max3A_920 = arith.maximumf %scan3A_762#2, %max3A_919 : vector<16xf32>
      %add3A_921 = arith.addf %add3A_908, %max3A_920 : vector<16xf32>
      %abs3A_922 = math.absf %scan3A_762#2 : vector<16xf32>
      %neg3A_923 = arith.constant 0.000000e+00 : f32
      %neg3A_924 = vector.broadcast %neg3A_923 : f32 to vector<16xf32>
      %neg3A_925 = arith.subf %neg3A_924, %abs3A_922 : vector<16xf32>
      %exp3A_926 = math.exp %neg3A_925 : vector<16xf32>
      %add3A_927 = arith.constant 1.000000e+00 : f32
      %add3A_928 = vector.broadcast %add3A_927 : f32 to vector<16xf32>
      %add3A_929 = arith.addf %add3A_928, %exp3A_926 : vector<16xf32>
      %mul3A_930 = arith.mulf %mul3A_917, %add3A_929 : vector<16xf32>
      %max3A_931 = arith.constant 0.000000e+00 : f32
      %max3A_932 = vector.broadcast %max3A_931 : f32 to vector<16xf32>
      %max3A_933 = arith.maximumf %scan3A_762#3, %max3A_932 : vector<16xf32>
      %add3A_934 = arith.addf %add3A_921, %max3A_933 : vector<16xf32>
      %abs3A_935 = math.absf %scan3A_762#3 : vector<16xf32>
      %neg3A_936 = arith.constant 0.000000e+00 : f32
      %neg3A_937 = vector.broadcast %neg3A_936 : f32 to vector<16xf32>
      %neg3A_938 = arith.subf %neg3A_937, %abs3A_935 : vector<16xf32>
      %exp3A_939 = math.exp %neg3A_938 : vector<16xf32>
      %add3A_940 = arith.constant 1.000000e+00 : f32
      %add3A_941 = vector.broadcast %add3A_940 : f32 to vector<16xf32>
      %add3A_942 = arith.addf %add3A_941, %exp3A_939 : vector<16xf32>
      %mul3A_943 = arith.mulf %mul3A_930, %add3A_942 : vector<16xf32>
      %max3A_944 = arith.constant 0.000000e+00 : f32
      %max3A_945 = vector.broadcast %max3A_944 : f32 to vector<16xf32>
      %max3A_946 = arith.maximumf %scan3A_762#4, %max3A_945 : vector<16xf32>
      %add3A_947 = arith.addf %add3A_934, %max3A_946 : vector<16xf32>
      %abs3A_948 = math.absf %scan3A_762#4 : vector<16xf32>
      %neg3A_949 = arith.constant 0.000000e+00 : f32
      %neg3A_950 = vector.broadcast %neg3A_949 : f32 to vector<16xf32>
      %neg3A_951 = arith.subf %neg3A_950, %abs3A_948 : vector<16xf32>
      %exp3A_952 = math.exp %neg3A_951 : vector<16xf32>
      %add3A_953 = arith.constant 1.000000e+00 : f32
      %add3A_954 = vector.broadcast %add3A_953 : f32 to vector<16xf32>
      %add3A_955 = arith.addf %add3A_954, %exp3A_952 : vector<16xf32>
      %mul3A_956 = arith.mulf %mul3A_943, %add3A_955 : vector<16xf32>
      %max3A_957 = arith.constant 0.000000e+00 : f32
      %max3A_958 = vector.broadcast %max3A_957 : f32 to vector<16xf32>
      %max3A_959 = arith.maximumf %scan3A_762#5, %max3A_958 : vector<16xf32>
      %add3A_960 = arith.addf %add3A_947, %max3A_959 : vector<16xf32>
      %abs3A_961 = math.absf %scan3A_762#5 : vector<16xf32>
      %neg3A_962 = arith.constant 0.000000e+00 : f32
      %neg3A_963 = vector.broadcast %neg3A_962 : f32 to vector<16xf32>
      %neg3A_964 = arith.subf %neg3A_963, %abs3A_961 : vector<16xf32>
      %exp3A_965 = math.exp %neg3A_964 : vector<16xf32>
      %add3A_966 = arith.constant 1.000000e+00 : f32
      %add3A_967 = vector.broadcast %add3A_966 : f32 to vector<16xf32>
      %add3A_968 = arith.addf %add3A_967, %exp3A_965 : vector<16xf32>
      %mul3A_969 = arith.mulf %mul3A_956, %add3A_968 : vector<16xf32>
      %max3A_970 = arith.constant 0.000000e+00 : f32
      %max3A_971 = vector.broadcast %max3A_970 : f32 to vector<16xf32>
      %max3A_972 = arith.maximumf %scan3A_762#6, %max3A_971 : vector<16xf32>
      %add3A_973 = arith.addf %add3A_960, %max3A_972 : vector<16xf32>
      %abs3A_974 = math.absf %scan3A_762#6 : vector<16xf32>
      %neg3A_975 = arith.constant 0.000000e+00 : f32
      %neg3A_976 = vector.broadcast %neg3A_975 : f32 to vector<16xf32>
      %neg3A_977 = arith.subf %neg3A_976, %abs3A_974 : vector<16xf32>
      %exp3A_978 = math.exp %neg3A_977 : vector<16xf32>
      %add3A_979 = arith.constant 1.000000e+00 : f32
      %add3A_980 = vector.broadcast %add3A_979 : f32 to vector<16xf32>
      %add3A_981 = arith.addf %add3A_980, %exp3A_978 : vector<16xf32>
      %mul3A_982 = arith.mulf %mul3A_969, %add3A_981 : vector<16xf32>
      %max3A_983 = arith.constant 0.000000e+00 : f32
      %max3A_984 = vector.broadcast %max3A_983 : f32 to vector<16xf32>
      %max3A_985 = arith.maximumf %scan3A_762#7, %max3A_984 : vector<16xf32>
      %add3A_986 = arith.addf %add3A_973, %max3A_985 : vector<16xf32>
      %abs3A_987 = math.absf %scan3A_762#7 : vector<16xf32>
      %neg3A_988 = arith.constant 0.000000e+00 : f32
      %neg3A_989 = vector.broadcast %neg3A_988 : f32 to vector<16xf32>
      %neg3A_990 = arith.subf %neg3A_989, %abs3A_987 : vector<16xf32>
      %exp3A_991 = math.exp %neg3A_990 : vector<16xf32>
      %add3A_992 = arith.constant 1.000000e+00 : f32
      %add3A_993 = vector.broadcast %add3A_992 : f32 to vector<16xf32>
      %add3A_994 = arith.addf %add3A_993, %exp3A_991 : vector<16xf32>
      %mul3A_995 = arith.mulf %mul3A_982, %add3A_994 : vector<16xf32>
      %max3A_996 = arith.constant 0.000000e+00 : f32
      %max3A_997 = vector.broadcast %max3A_996 : f32 to vector<16xf32>
      %max3A_998 = arith.maximumf %scan3A_762#8, %max3A_997 : vector<16xf32>
      %add3A_999 = arith.addf %add3A_986, %max3A_998 : vector<16xf32>
      %abs3A_1000 = math.absf %scan3A_762#8 : vector<16xf32>
      %neg3A_1001 = arith.constant 0.000000e+00 : f32
      %neg3A_1002 = vector.broadcast %neg3A_1001 : f32 to vector<16xf32>
      %neg3A_1003 = arith.subf %neg3A_1002, %abs3A_1000 : vector<16xf32>
      %exp3A_1004 = math.exp %neg3A_1003 : vector<16xf32>
      %add3A_1005 = arith.constant 1.000000e+00 : f32
      %add3A_1006 = vector.broadcast %add3A_1005 : f32 to vector<16xf32>
      %add3A_1007 = arith.addf %add3A_1006, %exp3A_1004 : vector<16xf32>
      %mul3A_1008 = arith.mulf %mul3A_995, %add3A_1007 : vector<16xf32>
      %max3A_1009 = arith.constant 0.000000e+00 : f32
      %max3A_1010 = vector.broadcast %max3A_1009 : f32 to vector<16xf32>
      %max3A_1011 = arith.maximumf %scan3A_762#9, %max3A_1010 : vector<16xf32>
      %add3A_1012 = arith.addf %add3A_999, %max3A_1011 : vector<16xf32>
      %abs3A_1013 = math.absf %scan3A_762#9 : vector<16xf32>
      %neg3A_1014 = arith.constant 0.000000e+00 : f32
      %neg3A_1015 = vector.broadcast %neg3A_1014 : f32 to vector<16xf32>
      %neg3A_1016 = arith.subf %neg3A_1015, %abs3A_1013 : vector<16xf32>
      %exp3A_1017 = math.exp %neg3A_1016 : vector<16xf32>
      %add3A_1018 = arith.constant 1.000000e+00 : f32
      %add3A_1019 = vector.broadcast %add3A_1018 : f32 to vector<16xf32>
      %add3A_1020 = arith.addf %add3A_1019, %exp3A_1017 : vector<16xf32>
      %mul3A_1021 = arith.mulf %mul3A_1008, %add3A_1020 : vector<16xf32>
      %abs3A_1022 = math.absf %scan3A_756#0 : vector<16xf32>
      %neg3A_1023 = arith.constant 0.000000e+00 : f32
      %neg3A_1024 = vector.broadcast %neg3A_1023 : f32 to vector<16xf32>
      %neg3A_1025 = arith.subf %neg3A_1024, %abs3A_1022 : vector<16xf32>
      %exp3A_1026 = math.exp %neg3A_1025 : vector<16xf32>
      %add3A_1027 = arith.constant 1.000000e+00 : f32
      %add3A_1028 = vector.broadcast %add3A_1027 : f32 to vector<16xf32>
      %add3A_1029 = arith.addf %add3A_1028, %exp3A_1026 : vector<16xf32>
      %abs3A_1030 = math.absf %scan3A_756#1 : vector<16xf32>
      %neg3A_1031 = arith.constant 0.000000e+00 : f32
      %neg3A_1032 = vector.broadcast %neg3A_1031 : f32 to vector<16xf32>
      %neg3A_1033 = arith.subf %neg3A_1032, %abs3A_1030 : vector<16xf32>
      %exp3A_1034 = math.exp %neg3A_1033 : vector<16xf32>
      %add3A_1035 = arith.constant 1.000000e+00 : f32
      %add3A_1036 = vector.broadcast %add3A_1035 : f32 to vector<16xf32>
      %add3A_1037 = arith.addf %add3A_1036, %exp3A_1034 : vector<16xf32>
      %add3A_1038 = arith.constant 0 : i32
      %add3A_1039 = arith.addi %multiple_of3A_746, %add3A_1038 : i32
      %get3A = arith.index_cast %add3A_1039 : i32 to index
      %get3A_1040 = tpu.vector_load %arg12[%get3A] {strides = array<i32>} : memref<512xf32, #tpu.memory_space<vmem>>, vector<16xf32>,
      %neg3A_1041 = arith.constant 0.000000e+00 : f32
      %neg3A_1042 = vector.broadcast %neg3A_1041 : f32 to vector<16xf32>
      %neg3A_1043 = arith.subf %neg3A_1042, %scan3A_756#0 : vector<16xf32>
      %max3A_1044 = arith.constant 0.000000e+00 : f32
      %max3A_1045 = vector.broadcast %max3A_1044 : f32 to vector<16xf32>
      %max3A_1046 = arith.maximumf %neg3A_1043, %max3A_1045 : vector<16xf32>
      %add3A_1047 = arith.addf %max3A_1046, %add3A_1012 : vector<16xf32>
      %mul3A_1048 = arith.mulf %mul3A_1021, %add3A_1029 : vector<16xf32>
      %bitcast_convert_type3A = tpu.bitcast %mul3A_1048 : vector<16xf32> -> vector<16xi32>
      %shift_right_logical3A = arith.constant 23 : i32
      %shift_right_logical3A_1049 = vector.broadcast %shift_right_logical3A : i32 to vector<16xi32>
      %shift_right_logical3A_1050 = arith.shrui %bitcast_convert_type3A, %shift_right_logical3A_1049 : vector<16xi32>
      %sub3A = arith.constant 127 : i32
      %sub3A_1051 = vector.broadcast %sub3A : i32 to vector<16xi32>
      %sub3A_1052 = arith.subi %shift_right_logical3A_1050, %sub3A_1051 : vector<16xi32>
      %and3A = arith.constant 8388607 : i32
      %and3A_1053 = vector.broadcast %and3A : i32 to vector<16xi32>
      %and3A_1054 = arith.andi %bitcast_convert_type3A, %and3A_1053 : vector<16xi32>
      %or3A = arith.constant 1065353216 : i32
      %or3A_1055 = vector.broadcast %or3A : i32 to vector<16xi32>
      %or3A_1056 = arith.ori %and3A_1054, %or3A_1055 : vector<16xi32>
      %bitcast_convert_type3A_1057 = tpu.bitcast %or3A_1056 : vector<16xi32> -> vector<16xf32>
      %convert_element_type3A = arith.sitofp %sub3A_1052 : vector<16xi32> to vector<16xf32>
      %lt3A = arith.constant 1.41421354 : f32
      %lt3A_1058 = vector.broadcast %lt3A : f32 to vector<16xf32>
      %lt3A_1059 = arith.cmpf olt, %bitcast_convert_type3A_1057, %lt3A_1058 : vector<16xf32>
      %add3A_1060 = arith.constant 1.000000e+00 : f32
      %add3A_1061 = vector.broadcast %add3A_1060 : f32 to vector<16xf32>
      %add3A_1062 = arith.addf %convert_element_type3A, %add3A_1061 : vector<16xf32>
      %select_n3A = arith.select %lt3A_1059, %convert_element_type3A, %add3A_1062 : vector<16xi1>, vector<16xf32>
      %mul3A_1063 = arith.constant 5.000000e-01 : f32
      %mul3A_1064 = vector.broadcast %mul3A_1063 : f32 to vector<16xf32>
      %mul3A_1065 = arith.mulf %mul3A_1064, %bitcast_convert_type3A_1057 : vector<16xf32>
      %select_n3A_1066 = arith.select %lt3A_1059, %bitcast_convert_type3A_1057, %mul3A_1065 : vector<16xi1>, vector<16xf32>
      %sub3A_1067 = arith.constant 1.000000e+00 : f32
      %sub3A_1068 = vector.broadcast %sub3A_1067 : f32 to vector<16xf32>
      %sub3A_1069 = arith.subf %select_n3A_1066, %sub3A_1068 : vector<16xf32>
      %mul3A_1070 = arith.mulf %sub3A_1069, %sub3A_1069 : vector<16xf32>
      %mul3A_1071 = arith.constant 0.0703768358 : f32
      %mul3A_1072 = vector.broadcast %mul3A_1071 : f32 to vector<16xf32>
      %mul3A_1073 = arith.mulf %mul3A_1072, %sub3A_1069 : vector<16xf32>
      %add3A_1074 = arith.constant -0.115146101 : f32
      %add3A_1075 = vector.broadcast %add3A_1074 : f32 to vector<16xf32>
      %add3A_1076 = arith.addf %mul3A_1073, %add3A_1075 : vector<16xf32>
      %mul3A_1077 = arith.mulf %add3A_1076, %sub3A_1069 : vector<16xf32>
      %add3A_1078 = arith.constant 0.116769984 : f32
      %add3A_1079 = vector.broadcast %add3A_1078 : f32 to vector<16xf32>
      %add3A_1080 = arith.addf %mul3A_1077, %add3A_1079 : vector<16xf32>
      %mul3A_1081 = arith.mulf %add3A_1080, %sub3A_1069 : vector<16xf32>
      %add3A_1082 = arith.constant -0.12420141 : f32
      %add3A_1083 = vector.broadcast %add3A_1082 : f32 to vector<16xf32>
      %add3A_1084 = arith.addf %mul3A_1081, %add3A_1083 : vector<16xf32>
      %mul3A_1085 = arith.mulf %add3A_1084, %sub3A_1069 : vector<16xf32>
      %add3A_1086 = arith.constant 0.142493233 : f32
      %add3A_1087 = vector.broadcast %add3A_1086 : f32 to vector<16xf32>
      %add3A_1088 = arith.addf %mul3A_1085, %add3A_1087 : vector<16xf32>
      %mul3A_1089 = arith.mulf %add3A_1088, %sub3A_1069 : vector<16xf32>
      %add3A_1090 = arith.constant -0.166680574 : f32
      %add3A_1091 = vector.broadcast %add3A_1090 : f32 to vector<16xf32>
      %add3A_1092 = arith.addf %mul3A_1089, %add3A_1091 : vector<16xf32>
      %mul3A_1093 = arith.mulf %add3A_1092, %sub3A_1069 : vector<16xf32>
      %add3A_1094 = arith.constant 0.200007141 : f32
      %add3A_1095 = vector.broadcast %add3A_1094 : f32 to vector<16xf32>
      %add3A_1096 = arith.addf %mul3A_1093, %add3A_1095 : vector<16xf32>
      %mul3A_1097 = arith.mulf %add3A_1096, %sub3A_1069 : vector<16xf32>
      %add3A_1098 = arith.constant -0.24999994 : f32
      %add3A_1099 = vector.broadcast %add3A_1098 : f32 to vector<16xf32>
      %add3A_1100 = arith.addf %mul3A_1097, %add3A_1099 : vector<16xf32>
      %mul3A_1101 = arith.mulf %add3A_1100, %sub3A_1069 : vector<16xf32>
      %add3A_1102 = arith.constant 0.333333313 : f32
      %add3A_1103 = vector.broadcast %add3A_1102 : f32 to vector<16xf32>
      %add3A_1104 = arith.addf %mul3A_1101, %add3A_1103 : vector<16xf32>
      %mul3A_1105 = arith.mulf %sub3A_1069, %mul3A_1070 : vector<16xf32>
      %mul3A_1106 = arith.mulf %mul3A_1105, %add3A_1104 : vector<16xf32>
      %mul3A_1107 = arith.constant 5.000000e-01 : f32
      %mul3A_1108 = vector.broadcast %mul3A_1107 : f32 to vector<16xf32>
      %mul3A_1109 = arith.mulf %mul3A_1108, %mul3A_1070 : vector<16xf32>
      %sub3A_1110 = arith.subf %mul3A_1106, %mul3A_1109 : vector<16xf32>
      %add3A_1111 = arith.addf %sub3A_1110, %sub3A_1069 : vector<16xf32>
      %mul3A_1112 = arith.constant 0.693147182 : f32
      %mul3A_1113 = vector.broadcast %mul3A_1112 : f32 to vector<16xf32>
      %mul3A_1114 = arith.mulf %select_n3A, %mul3A_1113 : vector<16xf32>
      %add3A_1115 = arith.addf %add3A_1111, %mul3A_1114 : vector<16xf32>
      %add3A_1116 = arith.addf %add3A_1047, %add3A_1115 : vector<16xf32>
      %mul3A_1117 = arith.mulf %add3A_1116, %get3A_1040 : vector<16xf32>
      %neg3A_1118 = arith.constant 0.000000e+00 : f32
      %neg3A_1119 = vector.broadcast %neg3A_1118 : f32 to vector<16xf32>
      %neg3A_1120 = arith.subf %neg3A_1119, %scan3A_756#1 : vector<16xf32>
      %max3A_1121 = arith.constant 0.000000e+00 : f32
      %max3A_1122 = vector.broadcast %max3A_1121 : f32 to vector<16xf32>
      %max3A_1123 = arith.maximumf %neg3A_1120, %max3A_1122 : vector<16xf32>
      %add3A_1124 = arith.addf %max3A_1123, %add3A_1012 : vector<16xf32>
      %mul3A_1125 = arith.mulf %mul3A_1021, %add3A_1037 : vector<16xf32>
      %bitcast_convert_type3A_1126 = tpu.bitcast %mul3A_1125 : vector<16xf32> -> vector<16xi32>
      %shift_right_logical3A_1127 = arith.constant 23 : i32
      %shift_right_logical3A_1128 = vector.broadcast %shift_right_logical3A_1127 : i32 to vector<16xi32>
      %shift_right_logical3A_1129 = arith.shrui %bitcast_convert_type3A_1126, %shift_right_logical3A_1128 : vector<16xi32>
      %sub3A_1130 = arith.constant 127 : i32
      %sub3A_1131 = vector.broadcast %sub3A_1130 : i32 to vector<16xi32>
      %sub3A_1132 = arith.subi %shift_right_logical3A_1129, %sub3A_1131 : vector<16xi32>
      %and3A_1133 = arith.constant 8388607 : i32
      %and3A_1134 = vector.broadcast %and3A_1133 : i32 to vector<16xi32>
      %and3A_1135 = arith.andi %bitcast_convert_type3A_1126, %and3A_1134 : vector<16xi32>
      %or3A_1136 = arith.constant 1065353216 : i32
      %or3A_1137 = vector.broadcast %or3A_1136 : i32 to vector<16xi32>
      %or3A_1138 = arith.ori %and3A_1135, %or3A_1137 : vector<16xi32>
      %bitcast_convert_type3A_1139 = tpu.bitcast %or3A_1138 : vector<16xi32> -> vector<16xf32>
      %convert_element_type3A_1140 = arith.sitofp %sub3A_1132 : vector<16xi32> to vector<16xf32>
      %lt3A_1141 = arith.constant 1.41421354 : f32
      %lt3A_1142 = vector.broadcast %lt3A_1141 : f32 to vector<16xf32>
      %lt3A_1143 = arith.cmpf olt, %bitcast_convert_type3A_1139, %lt3A_1142 : vector<16xf32>
      %add3A_1144 = arith.constant 1.000000e+00 : f32
      %add3A_1145 = vector.broadcast %add3A_1144 : f32 to vector<16xf32>
      %add3A_1146 = arith.addf %convert_element_type3A_1140, %add3A_1145 : vector<16xf32>
      %select_n3A_1147 = arith.select %lt3A_1143, %convert_element_type3A_1140, %add3A_1146 : vector<16xi1>, vector<16xf32>
      %mul3A_1148 = arith.constant 5.000000e-01 : f32
      %mul3A_1149 = vector.broadcast %mul3A_1148 : f32 to vector<16xf32>
      %mul3A_1150 = arith.mulf %mul3A_1149, %bitcast_convert_type3A_1139 : vector<16xf32>
      %select_n3A_1151 = arith.select %lt3A_1143, %bitcast_convert_type3A_1139, %mul3A_1150 : vector<16xi1>, vector<16xf32>
      %sub3A_1152 = arith.constant 1.000000e+00 : f32
      %sub3A_1153 = vector.broadcast %sub3A_1152 : f32 to vector<16xf32>
      %sub3A_1154 = arith.subf %select_n3A_1151, %sub3A_1153 : vector<16xf32>
      %mul3A_1155 = arith.mulf %sub3A_1154, %sub3A_1154 : vector<16xf32>
      %mul3A_1156 = arith.constant 0.0703768358 : f32
      %mul3A_1157 = vector.broadcast %mul3A_1156 : f32 to vector<16xf32>
      %mul3A_1158 = arith.mulf %mul3A_1157, %sub3A_1154 : vector<16xf32>
      %add3A_1159 = arith.constant -0.115146101 : f32
      %add3A_1160 = vector.broadcast %add3A_1159 : f32 to vector<16xf32>
      %add3A_1161 = arith.addf %mul3A_1158, %add3A_1160 : vector<16xf32>
      %mul3A_1162 = arith.mulf %add3A_1161, %sub3A_1154 : vector<16xf32>
      %add3A_1163 = arith.constant 0.116769984 : f32
      %add3A_1164 = vector.broadcast %add3A_1163 : f32 to vector<16xf32>
      %add3A_1165 = arith.addf %mul3A_1162, %add3A_1164 : vector<16xf32>
      %mul3A_1166 = arith.mulf %add3A_1165, %sub3A_1154 : vector<16xf32>
      %add3A_1167 = arith.constant -0.12420141 : f32
      %add3A_1168 = vector.broadcast %add3A_1167 : f32 to vector<16xf32>
      %add3A_1169 = arith.addf %mul3A_1166, %add3A_1168 : vector<16xf32>
      %mul3A_1170 = arith.mulf %add3A_1169, %sub3A_1154 : vector<16xf32>
      %add3A_1171 = arith.constant 0.142493233 : f32
      %add3A_1172 = vector.broadcast %add3A_1171 : f32 to vector<16xf32>
      %add3A_1173 = arith.addf %mul3A_1170, %add3A_1172 : vector<16xf32>
      %mul3A_1174 = arith.mulf %add3A_1173, %sub3A_1154 : vector<16xf32>
      %add3A_1175 = arith.constant -0.166680574 : f32
      %add3A_1176 = vector.broadcast %add3A_1175 : f32 to vector<16xf32>
      %add3A_1177 = arith.addf %mul3A_1174, %add3A_1176 : vector<16xf32>
      %mul3A_1178 = arith.mulf %add3A_1177, %sub3A_1154 : vector<16xf32>
      %add3A_1179 = arith.constant 0.200007141 : f32
      %add3A_1180 = vector.broadcast %add3A_1179 : f32 to vector<16xf32>
      %add3A_1181 = arith.addf %mul3A_1178, %add3A_1180 : vector<16xf32>
      %mul3A_1182 = arith.mulf %add3A_1181, %sub3A_1154 : vector<16xf32>
      %add3A_1183 = arith.constant -0.24999994 : f32
      %add3A_1184 = vector.broadcast %add3A_1183 : f32 to vector<16xf32>
      %add3A_1185 = arith.addf %mul3A_1182, %add3A_1184 : vector<16xf32>
      %mul3A_1186 = arith.mulf %add3A_1185, %sub3A_1154 : vector<16xf32>
      %add3A_1187 = arith.constant 0.333333313 : f32
      %add3A_1188 = vector.broadcast %add3A_1187 : f32 to vector<16xf32>
      %add3A_1189 = arith.addf %mul3A_1186, %add3A_1188 : vector<16xf32>
      %mul3A_1190 = arith.mulf %sub3A_1154, %mul3A_1155 : vector<16xf32>
      %mul3A_1191 = arith.mulf %mul3A_1190, %add3A_1189 : vector<16xf32>
      %mul3A_1192 = arith.constant 5.000000e-01 : f32
      %mul3A_1193 = vector.broadcast %mul3A_1192 : f32 to vector<16xf32>
      %mul3A_1194 = arith.mulf %mul3A_1193, %mul3A_1155 : vector<16xf32>
      %sub3A_1195 = arith.subf %mul3A_1191, %mul3A_1194 : vector<16xf32>
      %add3A_1196 = arith.addf %sub3A_1195, %sub3A_1154 : vector<16xf32>
      %mul3A_1197 = arith.constant 0.693147182 : f32
      %mul3A_1198 = vector.broadcast %mul3A_1197 : f32 to vector<16xf32>
      %mul3A_1199 = arith.mulf %select_n3A_1147, %mul3A_1198 : vector<16xf32>
      %add3A_1200 = arith.addf %add3A_1196, %mul3A_1199 : vector<16xf32>
      %add3A_1201 = arith.addf %add3A_1124, %add3A_1200 : vector<16xf32>
      %mul3A_1202 = arith.mulf %add3A_1201, %get3A_1040 : vector<16xf32>
      %swap3A = arith.constant 0 : index
      %swap3A_1203 = tpu.vector_load %arg22[%swap3A] {strides = array<i32>} : memref<32xf32, #tpu.memory_space<vmem>>, vector<16xf32>,
      tpu.vector_store %arg22[%swap3A], %mul3A_1117 {strides = array<i32>} : memref<32xf32, #tpu.memory_space<vmem>>, vector<16xf32>,
      %swap3A_1204 = arith.constant 0 : index
      %swap3A_1205 = tpu.vector_load %arg23[%swap3A_1204] {strides = array<i32>} : memref<32xf32, #tpu.memory_space<vmem>>, vector<16xf32>,
      tpu.vector_store %arg23[%swap3A_1204], %mul3A_1202 {strides = array<i32>} : memref<32xf32, #tpu.memory_space<vmem>>, vector<16xf32>,
      %add3A_1206 = arith.constant 16 : i32
      %add3A_1207 = vector.broadcast %add3A_1206 : i32 to vector<16xi32>
      %add3A_1208 = arith.addi %iota3A, %add3A_1207 : vector<16xi32>
      %scan3A_1209 = arith.constant 0 : i32
      %scan3A_1210 = arith.constant 64 : i32
      %scan3A_1211 = arith.addi %scan3A_1209, %scan3A_1210 : i32
      %scan3A_1212 = arith.constant 1 : i32
      %scan3A_1213:12 = scf.for %scan3A_2877 = %scan3A_1209 to %scan3A_1211 step %scan3A_1212 iter_args(%scan3A_2878 = %broadcast_in_dim3A_748, %scan3A_2879 = %broadcast_in_dim3A_748, %scan3A_2880 = %broadcast_in_dim3A_748, %scan3A_2881 = %broadcast_in_dim3A_748, %scan3A_2882 = %broadcast_in_dim3A_748, %scan3A_2883 = %broadcast_in_dim3A_748, %scan3A_2884 = %broadcast_in_dim3A_748, %scan3A_2885 = %broadcast_in_dim3A_748, %scan3A_2886 = %broadcast_in_dim3A_748, %scan3A_2887 = %broadcast_in_dim3A_748, %scan3A_2888 = %broadcast_in_dim3A_748, %scan3A_2889 = %broadcast_in_dim3A_748) -> (vector<16xf32>, vector<16xf32>, vector<16xf32>, vector<16xf32>, vector<16xf32>, vector<16xf32>, vector<16xf32>, vector<16xf32>, vector<16xf32>, vector<16xf32>, vector<16xf32>, vector<16xf32>)  : i32 {
        %add3A_2890 = vector.broadcast %scan3A_2877 : i32 to vector<16xi32>
        %add3A_2891 = arith.addi %iota3A, %add3A_2890 : vector<16xi32>
        %and3A_2892 = arith.constant 63 : i32
        %and3A_2893 = vector.broadcast %and3A_2892 : i32 to vector<16xi32>
        %and3A_2894 = arith.andi %add3A_2891, %and3A_2893 : vector<16xi32>
        %gather3A = tpu.vector_load_idx %arg14[%add3A_1208, %and3A_2894] : memref<32x64xf32, #tpu.memory_space<vmem>>[vector<16xi32>, vector<16xi32>], vector<16xf32>,
        %gather3A_2895 = tpu.vector_load_idx %arg15[%add3A_1208, %and3A_2894] : memref<32x64xf32, #tpu.memory_space<vmem>>[vector<16xi32>, vector<16xi32>], vector<16xf32>,
        %gather3A_2896 = tpu.vector_load_idx %arg16[%add3A_1208, %and3A_2894] : memref<32x64xf32, #tpu.memory_space<vmem>>[vector<16xi32>, vector<16xi32>], vector<16xf32>,
        %mul3A_2897 = arith.mulf %gather3A, %gather3A_2895 : vector<16xf32>
        %add3A_2898 = arith.addf %scan3A_2878, %mul3A_2897 : vector<16xf32>
        %mul3A_2899 = arith.mulf %gather3A, %gather3A_2896 : vector<16xf32>
        %add3A_2900 = arith.addf %scan3A_2879, %mul3A_2899 : vector<16xf32>
        %add3A_2901 = arith.constant 0 : i32
        %add3A_2902 = vector.broadcast %add3A_2901 : i32 to vector<16xi32>
        %add3A_2903 = arith.addi %broadcast_in_dim3A_3, %add3A_2902 : vector<16xi32>
        %gather3A_2904 = tpu.vector_load_idx %arg17[%add3A_2903, %add3A_1208, %and3A_2894] : memref<20x32x64xf32, #tpu.memory_space<vmem>>[vector<16xi32>, vector<16xi32>, vector<16xi32>], vector<16xf32>,
        %mul3A_2905 = arith.mulf %gather3A, %gather3A_2904 : vector<16xf32>
        %add3A_2906 = arith.addf %scan3A_2880, %mul3A_2905 : vector<16xf32>
        %add3A_2907 = arith.constant 1 : i32
        %add3A_2908 = vector.broadcast %add3A_2907 : i32 to vector<16xi32>
        %add3A_2909 = arith.addi %broadcast_in_dim3A_3, %add3A_2908 : vector<16xi32>
        %gather3A_2910 = tpu.vector_load_idx %arg17[%add3A_2909, %add3A_1208, %and3A_2894] : memref<20x32x64xf32, #tpu.memory_space<vmem>>[vector<16xi32>, vector<16xi32>, vector<16xi32>], vector<16xf32>,
        %mul3A_2911 = arith.mulf %gather3A, %gather3A_2910 : vector<16xf32>
        %add3A_2912 = arith.addf %scan3A_2881, %mul3A_2911 : vector<16xf32>
        %add3A_2913 = arith.constant 2 : i32
        %add3A_2914 = vector.broadcast %add3A_2913 : i32 to vector<16xi32>
        %add3A_2915 = arith.addi %broadcast_in_dim3A_3, %add3A_2914 : vector<16xi32>
        %gather3A_2916 = tpu.vector_load_idx %arg17[%add3A_2915, %add3A_1208, %and3A_2894] : memref<20x32x64xf32, #tpu.memory_space<vmem>>[vector<16xi32>, vector<16xi32>, vector<16xi32>], vector<16xf32>,
        %mul3A_2917 = arith.mulf %gather3A, %gather3A_2916 : vector<16xf32>
        %add3A_2918 = arith.addf %scan3A_2882, %mul3A_2917 : vector<16xf32>
        %add3A_2919 = arith.constant 3 : i32
        %add3A_2920 = vector.broadcast %add3A_2919 : i32 to vector<16xi32>
        %add3A_2921 = arith.addi %broadcast_in_dim3A_3, %add3A_2920 : vector<16xi32>
        %gather3A_2922 = tpu.vector_load_idx %arg17[%add3A_2921, %add3A_1208, %and3A_2894] : memref<20x32x64xf32, #tpu.memory_space<vmem>>[vector<16xi32>, vector<16xi32>, vector<16xi32>], vector<16xf32>,
        %mul3A_2923 = arith.mulf %gather3A, %gather3A_2922 : vector<16xf32>
        %add3A_2924 = arith.addf %scan3A_2883, %mul3A_2923 : vector<16xf32>
        %add3A_2925 = arith.constant 4 : i32
        %add3A_2926 = vector.broadcast %add3A_2925 : i32 to vector<16xi32>
        %add3A_2927 = arith.addi %broadcast_in_dim3A_3, %add3A_2926 : vector<16xi32>
        %gather3A_2928 = tpu.vector_load_idx %arg17[%add3A_2927, %add3A_1208, %and3A_2894] : memref<20x32x64xf32, #tpu.memory_space<vmem>>[vector<16xi32>, vector<16xi32>, vector<16xi32>], vector<16xf32>,
        %mul3A_2929 = arith.mulf %gather3A, %gather3A_2928 : vector<16xf32>
        %add3A_2930 = arith.addf %scan3A_2884, %mul3A_2929 : vector<16xf32>
        %add3A_2931 = arith.constant 5 : i32
        %add3A_2932 = vector.broadcast %add3A_2931 : i32 to vector<16xi32>
        %add3A_2933 = arith.addi %broadcast_in_dim3A_3, %add3A_2932 : vector<16xi32>
        %gather3A_2934 = tpu.vector_load_idx %arg17[%add3A_2933, %add3A_1208, %and3A_2894] : memref<20x32x64xf32, #tpu.memory_space<vmem>>[vector<16xi32>, vector<16xi32>, vector<16xi32>], vector<16xf32>,
        %mul3A_2935 = arith.mulf %gather3A, %gather3A_2934 : vector<16xf32>
        %add3A_2936 = arith.addf %scan3A_2885, %mul3A_2935 : vector<16xf32>
        %add3A_2937 = arith.constant 6 : i32
        %add3A_2938 = vector.broadcast %add3A_2937 : i32 to vector<16xi32>
        %add3A_2939 = arith.addi %broadcast_in_dim3A_3, %add3A_2938 : vector<16xi32>
        %gather3A_2940 = tpu.vector_load_idx %arg17[%add3A_2939, %add3A_1208, %and3A_2894] : memref<20x32x64xf32, #tpu.memory_space<vmem>>[vector<16xi32>, vector<16xi32>, vector<16xi32>], vector<16xf32>,
        %mul3A_2941 = arith.mulf %gather3A, %gather3A_2940 : vector<16xf32>
        %add3A_2942 = arith.addf %scan3A_2886, %mul3A_2941 : vector<16xf32>
        %add3A_2943 = arith.constant 7 : i32
        %add3A_2944 = vector.broadcast %add3A_2943 : i32 to vector<16xi32>
        %add3A_2945 = arith.addi %broadcast_in_dim3A_3, %add3A_2944 : vector<16xi32>
        %gather3A_2946 = tpu.vector_load_idx %arg17[%add3A_2945, %add3A_1208, %and3A_2894] : memref<20x32x64xf32, #tpu.memory_space<vmem>>[vector<16xi32>, vector<16xi32>, vector<16xi32>], vector<16xf32>,
        %mul3A_2947 = arith.mulf %gather3A, %gather3A_2946 : vector<16xf32>
        %add3A_2948 = arith.addf %scan3A_2887, %mul3A_2947 : vector<16xf32>
        %add3A_2949 = arith.constant 8 : i32
        %add3A_2950 = vector.broadcast %add3A_2949 : i32 to vector<16xi32>
        %add3A_2951 = arith.addi %broadcast_in_dim3A_3, %add3A_2950 : vector<16xi32>
        %gather3A_2952 = tpu.vector_load_idx %arg17[%add3A_2951, %add3A_1208, %and3A_2894] : memref<20x32x64xf32, #tpu.memory_space<vmem>>[vector<16xi32>, vector<16xi32>, vector<16xi32>], vector<16xf32>,
        %mul3A_2953 = arith.mulf %gather3A, %gather3A_2952 : vector<16xf32>
        %add3A_2954 = arith.addf %scan3A_2888, %mul3A_2953 : vector<16xf32>
        %add3A_2955 = arith.constant 9 : i32
        %add3A_2956 = vector.broadcast %add3A_2955 : i32 to vector<16xi32>
        %add3A_2957 = arith.addi %broadcast_in_dim3A_3, %add3A_2956 : vector<16xi32>
        %gather3A_2958 = tpu.vector_load_idx %arg17[%add3A_2957, %add3A_1208, %and3A_2894] : memref<20x32x64xf32, #tpu.memory_space<vmem>>[vector<16xi32>, vector<16xi32>, vector<16xi32>], vector<16xf32>,
        %mul3A_2959 = arith.mulf %gather3A, %gather3A_2958 : vector<16xf32>
        %add3A_2960 = arith.addf %scan3A_2889, %mul3A_2959 : vector<16xf32>
        scf.yield %add3A_2898, %add3A_2900, %add3A_2906, %add3A_2912, %add3A_2918, %add3A_2924, %add3A_2930, %add3A_2936, %add3A_2942, %add3A_2948, %add3A_2954, %add3A_2960 : vector<16xf32>, vector<16xf32>, vector<16xf32>, vector<16xf32>, vector<16xf32>, vector<16xf32>, vector<16xf32>, vector<16xf32>, vector<16xf32>, vector<16xf32>, vector<16xf32>, vector<16xf32>
      }
      %scan3A_1214 = arith.constant 64 : i32
      %scan3A_1215 = arith.constant 0 : i32
      %scan3A_1216 = arith.constant 64 : i32
      %scan3A_1217 = arith.addi %scan3A_1215, %scan3A_1216 : i32
      %scan3A_1218 = arith.constant 1 : i32
      %scan3A_1219:10 = scf.for %scan3A_2877 = %scan3A_1215 to %scan3A_1217 step %scan3A_1218 iter_args(%scan3A_2878 = %broadcast_in_dim3A_748, %scan3A_2879 = %broadcast_in_dim3A_748, %scan3A_2880 = %broadcast_in_dim3A_748, %scan3A_2881 = %broadcast_in_dim3A_748, %scan3A_2882 = %broadcast_in_dim3A_748, %scan3A_2883 = %broadcast_in_dim3A_748, %scan3A_2884 = %broadcast_in_dim3A_748, %scan3A_2885 = %broadcast_in_dim3A_748, %scan3A_2886 = %broadcast_in_dim3A_748, %scan3A_2887 = %broadcast_in_dim3A_748) -> (vector<16xf32>, vector<16xf32>, vector<16xf32>, vector<16xf32>, vector<16xf32>, vector<16xf32>, vector<16xf32>, vector<16xf32>, vector<16xf32>, vector<16xf32>)  : i32 {
        %add3A_2888 = vector.broadcast %scan3A_2877 : i32 to vector<16xi32>
        %add3A_2889 = arith.addi %iota3A, %add3A_2888 : vector<16xi32>
        %and3A_2890 = arith.constant 63 : i32
        %and3A_2891 = vector.broadcast %and3A_2890 : i32 to vector<16xi32>
        %and3A_2892 = arith.andi %add3A_2889, %and3A_2891 : vector<16xi32>
        %gather3A = tpu.vector_load_idx %arg14[%add3A_1208, %and3A_2892] : memref<32x64xf32, #tpu.memory_space<vmem>>[vector<16xi32>, vector<16xi32>], vector<16xf32>,
        %add3A_2893 = arith.constant 10 : i32
        %add3A_2894 = vector.broadcast %add3A_2893 : i32 to vector<16xi32>
        %add3A_2895 = arith.addi %broadcast_in_dim3A_3, %add3A_2894 : vector<16xi32>
        %gather3A_2896 = tpu.vector_load_idx %arg17[%add3A_2895, %add3A_1208, %and3A_2892] : memref<20x32x64xf32, #tpu.memory_space<vmem>>[vector<16xi32>, vector<16xi32>, vector<16xi32>], vector<16xf32>,
        %mul3A_2897 = arith.mulf %gather3A, %gather3A_2896 : vector<16xf32>
        %add3A_2898 = arith.addf %scan3A_2878, %mul3A_2897 : vector<16xf32>
        %add3A_2899 = arith.constant 11 : i32
        %add3A_2900 = vector.broadcast %add3A_2899 : i32 to vector<16xi32>
        %add3A_2901 = arith.addi %broadcast_in_dim3A_3, %add3A_2900 : vector<16xi32>
        %gather3A_2902 = tpu.vector_load_idx %arg17[%add3A_2901, %add3A_1208, %and3A_2892] : memref<20x32x64xf32, #tpu.memory_space<vmem>>[vector<16xi32>, vector<16xi32>, vector<16xi32>], vector<16xf32>,
        %mul3A_2903 = arith.mulf %gather3A, %gather3A_2902 : vector<16xf32>
        %add3A_2904 = arith.addf %scan3A_2879, %mul3A_2903 : vector<16xf32>
        %add3A_2905 = arith.constant 12 : i32
        %add3A_2906 = vector.broadcast %add3A_2905 : i32 to vector<16xi32>
        %add3A_2907 = arith.addi %broadcast_in_dim3A_3, %add3A_2906 : vector<16xi32>
        %gather3A_2908 = tpu.vector_load_idx %arg17[%add3A_2907, %add3A_1208, %and3A_2892] : memref<20x32x64xf32, #tpu.memory_space<vmem>>[vector<16xi32>, vector<16xi32>, vector<16xi32>], vector<16xf32>,
        %mul3A_2909 = arith.mulf %gather3A, %gather3A_2908 : vector<16xf32>
        %add3A_2910 = arith.addf %scan3A_2880, %mul3A_2909 : vector<16xf32>
        %add3A_2911 = arith.constant 13 : i32
        %add3A_2912 = vector.broadcast %add3A_2911 : i32 to vector<16xi32>
        %add3A_2913 = arith.addi %broadcast_in_dim3A_3, %add3A_2912 : vector<16xi32>
        %gather3A_2914 = tpu.vector_load_idx %arg17[%add3A_2913, %add3A_1208, %and3A_2892] : memref<20x32x64xf32, #tpu.memory_space<vmem>>[vector<16xi32>, vector<16xi32>, vector<16xi32>], vector<16xf32>,
        %mul3A_2915 = arith.mulf %gather3A, %gather3A_2914 : vector<16xf32>
        %add3A_2916 = arith.addf %scan3A_2881, %mul3A_2915 : vector<16xf32>
        %add3A_2917 = arith.constant 14 : i32
        %add3A_2918 = vector.broadcast %add3A_2917 : i32 to vector<16xi32>
        %add3A_2919 = arith.addi %broadcast_in_dim3A_3, %add3A_2918 : vector<16xi32>
        %gather3A_2920 = tpu.vector_load_idx %arg17[%add3A_2919, %add3A_1208, %and3A_2892] : memref<20x32x64xf32, #tpu.memory_space<vmem>>[vector<16xi32>, vector<16xi32>, vector<16xi32>], vector<16xf32>,
        %mul3A_2921 = arith.mulf %gather3A, %gather3A_2920 : vector<16xf32>
        %add3A_2922 = arith.addf %scan3A_2882, %mul3A_2921 : vector<16xf32>
        %add3A_2923 = arith.constant 15 : i32
        %add3A_2924 = vector.broadcast %add3A_2923 : i32 to vector<16xi32>
        %add3A_2925 = arith.addi %broadcast_in_dim3A_3, %add3A_2924 : vector<16xi32>
        %gather3A_2926 = tpu.vector_load_idx %arg17[%add3A_2925, %add3A_1208, %and3A_2892] : memref<20x32x64xf32, #tpu.memory_space<vmem>>[vector<16xi32>, vector<16xi32>, vector<16xi32>], vector<16xf32>,
        %mul3A_2927 = arith.mulf %gather3A, %gather3A_2926 : vector<16xf32>
        %add3A_2928 = arith.addf %scan3A_2883, %mul3A_2927 : vector<16xf32>
        %add3A_2929 = arith.constant 16 : i32
        %add3A_2930 = vector.broadcast %add3A_2929 : i32 to vector<16xi32>
        %add3A_2931 = arith.addi %broadcast_in_dim3A_3, %add3A_2930 : vector<16xi32>
        %gather3A_2932 = tpu.vector_load_idx %arg17[%add3A_2931, %add3A_1208, %and3A_2892] : memref<20x32x64xf32, #tpu.memory_space<vmem>>[vector<16xi32>, vector<16xi32>, vector<16xi32>], vector<16xf32>,
        %mul3A_2933 = arith.mulf %gather3A, %gather3A_2932 : vector<16xf32>
        %add3A_2934 = arith.addf %scan3A_2884, %mul3A_2933 : vector<16xf32>
        %add3A_2935 = arith.constant 17 : i32
        %add3A_2936 = vector.broadcast %add3A_2935 : i32 to vector<16xi32>
        %add3A_2937 = arith.addi %broadcast_in_dim3A_3, %add3A_2936 : vector<16xi32>
        %gather3A_2938 = tpu.vector_load_idx %arg17[%add3A_2937, %add3A_1208, %and3A_2892] : memref<20x32x64xf32, #tpu.memory_space<vmem>>[vector<16xi32>, vector<16xi32>, vector<16xi32>], vector<16xf32>,
        %mul3A_2939 = arith.mulf %gather3A, %gather3A_2938 : vector<16xf32>
        %add3A_2940 = arith.addf %scan3A_2885, %mul3A_2939 : vector<16xf32>
        %add3A_2941 = arith.constant 18 : i32
        %add3A_2942 = vector.broadcast %add3A_2941 : i32 to vector<16xi32>
        %add3A_2943 = arith.addi %broadcast_in_dim3A_3, %add3A_2942 : vector<16xi32>
        %gather3A_2944 = tpu.vector_load_idx %arg17[%add3A_2943, %add3A_1208, %and3A_2892] : memref<20x32x64xf32, #tpu.memory_space<vmem>>[vector<16xi32>, vector<16xi32>, vector<16xi32>], vector<16xf32>,
        %mul3A_2945 = arith.mulf %gather3A, %gather3A_2944 : vector<16xf32>
        %add3A_2946 = arith.addf %scan3A_2886, %mul3A_2945 : vector<16xf32>
        %add3A_2947 = arith.constant 19 : i32
        %add3A_2948 = vector.broadcast %add3A_2947 : i32 to vector<16xi32>
        %add3A_2949 = arith.addi %broadcast_in_dim3A_3, %add3A_2948 : vector<16xi32>
        %gather3A_2950 = tpu.vector_load_idx %arg17[%add3A_2949, %add3A_1208, %and3A_2892] : memref<20x32x64xf32, #tpu.memory_space<vmem>>[vector<16xi32>, vector<16xi32>, vector<16xi32>], vector<16xf32>,
        %mul3A_2951 = arith.mulf %gather3A, %gather3A_2950 : vector<16xf32>
        %add3A_2952 = arith.addf %scan3A_2887, %mul3A_2951 : vector<16xf32>
        scf.yield %add3A_2898, %add3A_2904, %add3A_2910, %add3A_2916, %add3A_2922, %add3A_2928, %add3A_2934, %add3A_2940, %add3A_2946, %add3A_2952 : vector<16xf32>, vector<16xf32>, vector<16xf32>, vector<16xf32>, vector<16xf32>, vector<16xf32>, vector<16xf32>, vector<16xf32>, vector<16xf32>, vector<16xf32>
      }
      %scan3A_1220 = arith.constant 64 : i32
      %broadcast_in_dim3A_1221 = arith.constant 1.000000e+00 : f32
      %broadcast_in_dim3A_1222 = vector.broadcast %broadcast_in_dim3A_1221 : f32 to vector<16xf32>
      %max3A_1223 = arith.constant 0.000000e+00 : f32
      %max3A_1224 = vector.broadcast %max3A_1223 : f32 to vector<16xf32>
      %max3A_1225 = arith.maximumf %scan3A_1213#2, %max3A_1224 : vector<16xf32>
      %add3A_1226 = arith.addf %broadcast_in_dim3A_748, %max3A_1225 : vector<16xf32>
      %abs3A_1227 = math.absf %scan3A_1213#2 : vector<16xf32>
      %neg3A_1228 = arith.constant 0.000000e+00 : f32
      %neg3A_1229 = vector.broadcast %neg3A_1228 : f32 to vector<16xf32>
      %neg3A_1230 = arith.subf %neg3A_1229, %abs3A_1227 : vector<16xf32>
      %exp3A_1231 = math.exp %neg3A_1230 : vector<16xf32>
      %add3A_1232 = arith.constant 1.000000e+00 : f32
      %add3A_1233 = vector.broadcast %add3A_1232 : f32 to vector<16xf32>
      %add3A_1234 = arith.addf %add3A_1233, %exp3A_1231 : vector<16xf32>
      %mul3A_1235 = arith.mulf %broadcast_in_dim3A_1222, %add3A_1234 : vector<16xf32>
      %max3A_1236 = arith.constant 0.000000e+00 : f32
      %max3A_1237 = vector.broadcast %max3A_1236 : f32 to vector<16xf32>
      %max3A_1238 = arith.maximumf %scan3A_1213#3, %max3A_1237 : vector<16xf32>
      %add3A_1239 = arith.addf %add3A_1226, %max3A_1238 : vector<16xf32>
      %abs3A_1240 = math.absf %scan3A_1213#3 : vector<16xf32>
      %neg3A_1241 = arith.constant 0.000000e+00 : f32
      %neg3A_1242 = vector.broadcast %neg3A_1241 : f32 to vector<16xf32>
      %neg3A_1243 = arith.subf %neg3A_1242, %abs3A_1240 : vector<16xf32>
      %exp3A_1244 = math.exp %neg3A_1243 : vector<16xf32>
      %add3A_1245 = arith.constant 1.000000e+00 : f32
      %add3A_1246 = vector.broadcast %add3A_1245 : f32 to vector<16xf32>
      %add3A_1247 = arith.addf %add3A_1246, %exp3A_1244 : vector<16xf32>
      %mul3A_1248 = arith.mulf %mul3A_1235, %add3A_1247 : vector<16xf32>
      %max3A_1249 = arith.constant 0.000000e+00 : f32
      %max3A_1250 = vector.broadcast %max3A_1249 : f32 to vector<16xf32>
      %max3A_1251 = arith.maximumf %scan3A_1213#4, %max3A_1250 : vector<16xf32>
      %add3A_1252 = arith.addf %add3A_1239, %max3A_1251 : vector<16xf32>
      %abs3A_1253 = math.absf %scan3A_1213#4 : vector<16xf32>
      %neg3A_1254 = arith.constant 0.000000e+00 : f32
      %neg3A_1255 = vector.broadcast %neg3A_1254 : f32 to vector<16xf32>
      %neg3A_1256 = arith.subf %neg3A_1255, %abs3A_1253 : vector<16xf32>
      %exp3A_1257 = math.exp %neg3A_1256 : vector<16xf32>
      %add3A_1258 = arith.constant 1.000000e+00 : f32
      %add3A_1259 = vector.broadcast %add3A_1258 : f32 to vector<16xf32>
      %add3A_1260 = arith.addf %add3A_1259, %exp3A_1257 : vector<16xf32>
      %mul3A_1261 = arith.mulf %mul3A_1248, %add3A_1260 : vector<16xf32>
      %max3A_1262 = arith.constant 0.000000e+00 : f32
      %max3A_1263 = vector.broadcast %max3A_1262 : f32 to vector<16xf32>
      %max3A_1264 = arith.maximumf %scan3A_1213#5, %max3A_1263 : vector<16xf32>
      %add3A_1265 = arith.addf %add3A_1252, %max3A_1264 : vector<16xf32>
      %abs3A_1266 = math.absf %scan3A_1213#5 : vector<16xf32>
      %neg3A_1267 = arith.constant 0.000000e+00 : f32
      %neg3A_1268 = vector.broadcast %neg3A_1267 : f32 to vector<16xf32>
      %neg3A_1269 = arith.subf %neg3A_1268, %abs3A_1266 : vector<16xf32>
      %exp3A_1270 = math.exp %neg3A_1269 : vector<16xf32>
      %add3A_1271 = arith.constant 1.000000e+00 : f32
      %add3A_1272 = vector.broadcast %add3A_1271 : f32 to vector<16xf32>
      %add3A_1273 = arith.addf %add3A_1272, %exp3A_1270 : vector<16xf32>
      %mul3A_1274 = arith.mulf %mul3A_1261, %add3A_1273 : vector<16xf32>
      %max3A_1275 = arith.constant 0.000000e+00 : f32
      %max3A_1276 = vector.broadcast %max3A_1275 : f32 to vector<16xf32>
      %max3A_1277 = arith.maximumf %scan3A_1213#6, %max3A_1276 : vector<16xf32>
      %add3A_1278 = arith.addf %add3A_1265, %max3A_1277 : vector<16xf32>
      %abs3A_1279 = math.absf %scan3A_1213#6 : vector<16xf32>
      %neg3A_1280 = arith.constant 0.000000e+00 : f32
      %neg3A_1281 = vector.broadcast %neg3A_1280 : f32 to vector<16xf32>
      %neg3A_1282 = arith.subf %neg3A_1281, %abs3A_1279 : vector<16xf32>
      %exp3A_1283 = math.exp %neg3A_1282 : vector<16xf32>
      %add3A_1284 = arith.constant 1.000000e+00 : f32
      %add3A_1285 = vector.broadcast %add3A_1284 : f32 to vector<16xf32>
      %add3A_1286 = arith.addf %add3A_1285, %exp3A_1283 : vector<16xf32>
      %mul3A_1287 = arith.mulf %mul3A_1274, %add3A_1286 : vector<16xf32>
      %max3A_1288 = arith.constant 0.000000e+00 : f32
      %max3A_1289 = vector.broadcast %max3A_1288 : f32 to vector<16xf32>
      %max3A_1290 = arith.maximumf %scan3A_1213#7, %max3A_1289 : vector<16xf32>
      %add3A_1291 = arith.addf %add3A_1278, %max3A_1290 : vector<16xf32>
      %abs3A_1292 = math.absf %scan3A_1213#7 : vector<16xf32>
      %neg3A_1293 = arith.constant 0.000000e+00 : f32
      %neg3A_1294 = vector.broadcast %neg3A_1293 : f32 to vector<16xf32>
      %neg3A_1295 = arith.subf %neg3A_1294, %abs3A_1292 : vector<16xf32>
      %exp3A_1296 = math.exp %neg3A_1295 : vector<16xf32>
      %add3A_1297 = arith.constant 1.000000e+00 : f32
      %add3A_1298 = vector.broadcast %add3A_1297 : f32 to vector<16xf32>
      %add3A_1299 = arith.addf %add3A_1298, %exp3A_1296 : vector<16xf32>
      %mul3A_1300 = arith.mulf %mul3A_1287, %add3A_1299 : vector<16xf32>
      %max3A_1301 = arith.constant 0.000000e+00 : f32
      %max3A_1302 = vector.broadcast %max3A_1301 : f32 to vector<16xf32>
      %max3A_1303 = arith.maximumf %scan3A_1213#8, %max3A_1302 : vector<16xf32>
      %add3A_1304 = arith.addf %add3A_1291, %max3A_1303 : vector<16xf32>
      %abs3A_1305 = math.absf %scan3A_1213#8 : vector<16xf32>
      %neg3A_1306 = arith.constant 0.000000e+00 : f32
      %neg3A_1307 = vector.broadcast %neg3A_1306 : f32 to vector<16xf32>
      %neg3A_1308 = arith.subf %neg3A_1307, %abs3A_1305 : vector<16xf32>
      %exp3A_1309 = math.exp %neg3A_1308 : vector<16xf32>
      %add3A_1310 = arith.constant 1.000000e+00 : f32
      %add3A_1311 = vector.broadcast %add3A_1310 : f32 to vector<16xf32>
      %add3A_1312 = arith.addf %add3A_1311, %exp3A_1309 : vector<16xf32>
      %mul3A_1313 = arith.mulf %mul3A_1300, %add3A_1312 : vector<16xf32>
      %max3A_1314 = arith.constant 0.000000e+00 : f32
      %max3A_1315 = vector.broadcast %max3A_1314 : f32 to vector<16xf32>
      %max3A_1316 = arith.maximumf %scan3A_1213#9, %max3A_1315 : vector<16xf32>
      %add3A_1317 = arith.addf %add3A_1304, %max3A_1316 : vector<16xf32>
      %abs3A_1318 = math.absf %scan3A_1213#9 : vector<16xf32>
      %neg3A_1319 = arith.constant 0.000000e+00 : f32
      %neg3A_1320 = vector.broadcast %neg3A_1319 : f32 to vector<16xf32>
      %neg3A_1321 = arith.subf %neg3A_1320, %abs3A_1318 : vector<16xf32>
      %exp3A_1322 = math.exp %neg3A_1321 : vector<16xf32>
      %add3A_1323 = arith.constant 1.000000e+00 : f32
      %add3A_1324 = vector.broadcast %add3A_1323 : f32 to vector<16xf32>
      %add3A_1325 = arith.addf %add3A_1324, %exp3A_1322 : vector<16xf32>
      %mul3A_1326 = arith.mulf %mul3A_1313, %add3A_1325 : vector<16xf32>
      %max3A_1327 = arith.constant 0.000000e+00 : f32
      %max3A_1328 = vector.broadcast %max3A_1327 : f32 to vector<16xf32>
      %max3A_1329 = arith.maximumf %scan3A_1213#10, %max3A_1328 : vector<16xf32>
      %add3A_1330 = arith.addf %add3A_1317, %max3A_1329 : vector<16xf32>
      %abs3A_1331 = math.absf %scan3A_1213#10 : vector<16xf32>
      %neg3A_1332 = arith.constant 0.000000e+00 : f32
      %neg3A_1333 = vector.broadcast %neg3A_1332 : f32 to vector<16xf32>
      %neg3A_1334 = arith.subf %neg3A_1333, %abs3A_1331 : vector<16xf32>
      %exp3A_1335 = math.exp %neg3A_1334 : vector<16xf32>
      %add3A_1336 = arith.constant 1.000000e+00 : f32
      %add3A_1337 = vector.broadcast %add3A_1336 : f32 to vector<16xf32>
      %add3A_1338 = arith.addf %add3A_1337, %exp3A_1335 : vector<16xf32>
      %mul3A_1339 = arith.mulf %mul3A_1326, %add3A_1338 : vector<16xf32>
      %max3A_1340 = arith.constant 0.000000e+00 : f32
      %max3A_1341 = vector.broadcast %max3A_1340 : f32 to vector<16xf32>
      %max3A_1342 = arith.maximumf %scan3A_1213#11, %max3A_1341 : vector<16xf32>
      %add3A_1343 = arith.addf %add3A_1330, %max3A_1342 : vector<16xf32>
      %abs3A_1344 = math.absf %scan3A_1213#11 : vector<16xf32>
      %neg3A_1345 = arith.constant 0.000000e+00 : f32
      %neg3A_1346 = vector.broadcast %neg3A_1345 : f32 to vector<16xf32>
      %neg3A_1347 = arith.subf %neg3A_1346, %abs3A_1344 : vector<16xf32>
      %exp3A_1348 = math.exp %neg3A_1347 : vector<16xf32>
      %add3A_1349 = arith.constant 1.000000e+00 : f32
      %add3A_1350 = vector.broadcast %add3A_1349 : f32 to vector<16xf32>
      %add3A_1351 = arith.addf %add3A_1350, %exp3A_1348 : vector<16xf32>
      %mul3A_1352 = arith.mulf %mul3A_1339, %add3A_1351 : vector<16xf32>
      %max3A_1353 = arith.constant 0.000000e+00 : f32
      %max3A_1354 = vector.broadcast %max3A_1353 : f32 to vector<16xf32>
      %max3A_1355 = arith.maximumf %scan3A_1219#0, %max3A_1354 : vector<16xf32>
      %add3A_1356 = arith.addf %add3A_1343, %max3A_1355 : vector<16xf32>
      %abs3A_1357 = math.absf %scan3A_1219#0 : vector<16xf32>
      %neg3A_1358 = arith.constant 0.000000e+00 : f32
      %neg3A_1359 = vector.broadcast %neg3A_1358 : f32 to vector<16xf32>
      %neg3A_1360 = arith.subf %neg3A_1359, %abs3A_1357 : vector<16xf32>
      %exp3A_1361 = math.exp %neg3A_1360 : vector<16xf32>
      %add3A_1362 = arith.constant 1.000000e+00 : f32
      %add3A_1363 = vector.broadcast %add3A_1362 : f32 to vector<16xf32>
      %add3A_1364 = arith.addf %add3A_1363, %exp3A_1361 : vector<16xf32>
      %mul3A_1365 = arith.mulf %mul3A_1352, %add3A_1364 : vector<16xf32>
      %max3A_1366 = arith.constant 0.000000e+00 : f32
      %max3A_1367 = vector.broadcast %max3A_1366 : f32 to vector<16xf32>
      %max3A_1368 = arith.maximumf %scan3A_1219#1, %max3A_1367 : vector<16xf32>
      %add3A_1369 = arith.addf %add3A_1356, %max3A_1368 : vector<16xf32>
      %abs3A_1370 = math.absf %scan3A_1219#1 : vector<16xf32>
      %neg3A_1371 = arith.constant 0.000000e+00 : f32
      %neg3A_1372 = vector.broadcast %neg3A_1371 : f32 to vector<16xf32>
      %neg3A_1373 = arith.subf %neg3A_1372, %abs3A_1370 : vector<16xf32>
      %exp3A_1374 = math.exp %neg3A_1373 : vector<16xf32>
      %add3A_1375 = arith.constant 1.000000e+00 : f32
      %add3A_1376 = vector.broadcast %add3A_1375 : f32 to vector<16xf32>
      %add3A_1377 = arith.addf %add3A_1376, %exp3A_1374 : vector<16xf32>
      %mul3A_1378 = arith.mulf %mul3A_1365, %add3A_1377 : vector<16xf32>
      %max3A_1379 = arith.constant 0.000000e+00 : f32
      %max3A_1380 = vector.broadcast %max3A_1379 : f32 to vector<16xf32>
      %max3A_1381 = arith.maximumf %scan3A_1219#2, %max3A_1380 : vector<16xf32>
      %add3A_1382 = arith.addf %add3A_1369, %max3A_1381 : vector<16xf32>
      %abs3A_1383 = math.absf %scan3A_1219#2 : vector<16xf32>
      %neg3A_1384 = arith.constant 0.000000e+00 : f32
      %neg3A_1385 = vector.broadcast %neg3A_1384 : f32 to vector<16xf32>
      %neg3A_1386 = arith.subf %neg3A_1385, %abs3A_1383 : vector<16xf32>
      %exp3A_1387 = math.exp %neg3A_1386 : vector<16xf32>
      %add3A_1388 = arith.constant 1.000000e+00 : f32
      %add3A_1389 = vector.broadcast %add3A_1388 : f32 to vector<16xf32>
      %add3A_1390 = arith.addf %add3A_1389, %exp3A_1387 : vector<16xf32>
      %mul3A_1391 = arith.mulf %mul3A_1378, %add3A_1390 : vector<16xf32>
      %max3A_1392 = arith.constant 0.000000e+00 : f32
      %max3A_1393 = vector.broadcast %max3A_1392 : f32 to vector<16xf32>
      %max3A_1394 = arith.maximumf %scan3A_1219#3, %max3A_1393 : vector<16xf32>
      %add3A_1395 = arith.addf %add3A_1382, %max3A_1394 : vector<16xf32>
      %abs3A_1396 = math.absf %scan3A_1219#3 : vector<16xf32>
      %neg3A_1397 = arith.constant 0.000000e+00 : f32
      %neg3A_1398 = vector.broadcast %neg3A_1397 : f32 to vector<16xf32>
      %neg3A_1399 = arith.subf %neg3A_1398, %abs3A_1396 : vector<16xf32>
      %exp3A_1400 = math.exp %neg3A_1399 : vector<16xf32>
      %add3A_1401 = arith.constant 1.000000e+00 : f32
      %add3A_1402 = vector.broadcast %add3A_1401 : f32 to vector<16xf32>
      %add3A_1403 = arith.addf %add3A_1402, %exp3A_1400 : vector<16xf32>
      %mul3A_1404 = arith.mulf %mul3A_1391, %add3A_1403 : vector<16xf32>
      %max3A_1405 = arith.constant 0.000000e+00 : f32
      %max3A_1406 = vector.broadcast %max3A_1405 : f32 to vector<16xf32>
      %max3A_1407 = arith.maximumf %scan3A_1219#4, %max3A_1406 : vector<16xf32>
      %add3A_1408 = arith.addf %add3A_1395, %max3A_1407 : vector<16xf32>
      %abs3A_1409 = math.absf %scan3A_1219#4 : vector<16xf32>
      %neg3A_1410 = arith.constant 0.000000e+00 : f32
      %neg3A_1411 = vector.broadcast %neg3A_1410 : f32 to vector<16xf32>
      %neg3A_1412 = arith.subf %neg3A_1411, %abs3A_1409 : vector<16xf32>
      %exp3A_1413 = math.exp %neg3A_1412 : vector<16xf32>
      %add3A_1414 = arith.constant 1.000000e+00 : f32
      %add3A_1415 = vector.broadcast %add3A_1414 : f32 to vector<16xf32>
      %add3A_1416 = arith.addf %add3A_1415, %exp3A_1413 : vector<16xf32>
      %mul3A_1417 = arith.mulf %mul3A_1404, %add3A_1416 : vector<16xf32>
      %max3A_1418 = arith.constant 0.000000e+00 : f32
      %max3A_1419 = vector.broadcast %max3A_1418 : f32 to vector<16xf32>
      %max3A_1420 = arith.maximumf %scan3A_1219#5, %max3A_1419 : vector<16xf32>
      %add3A_1421 = arith.addf %add3A_1408, %max3A_1420 : vector<16xf32>
      %abs3A_1422 = math.absf %scan3A_1219#5 : vector<16xf32>
      %neg3A_1423 = arith.constant 0.000000e+00 : f32
      %neg3A_1424 = vector.broadcast %neg3A_1423 : f32 to vector<16xf32>
      %neg3A_1425 = arith.subf %neg3A_1424, %abs3A_1422 : vector<16xf32>
      %exp3A_1426 = math.exp %neg3A_1425 : vector<16xf32>
      %add3A_1427 = arith.constant 1.000000e+00 : f32
      %add3A_1428 = vector.broadcast %add3A_1427 : f32 to vector<16xf32>
      %add3A_1429 = arith.addf %add3A_1428, %exp3A_1426 : vector<16xf32>
      %mul3A_1430 = arith.mulf %mul3A_1417, %add3A_1429 : vector<16xf32>
      %max3A_1431 = arith.constant 0.000000e+00 : f32
      %max3A_1432 = vector.broadcast %max3A_1431 : f32 to vector<16xf32>
      %max3A_1433 = arith.maximumf %scan3A_1219#6, %max3A_1432 : vector<16xf32>
      %add3A_1434 = arith.addf %add3A_1421, %max3A_1433 : vector<16xf32>
      %abs3A_1435 = math.absf %scan3A_1219#6 : vector<16xf32>
      %neg3A_1436 = arith.constant 0.000000e+00 : f32
      %neg3A_1437 = vector.broadcast %neg3A_1436 : f32 to vector<16xf32>
      %neg3A_1438 = arith.subf %neg3A_1437, %abs3A_1435 : vector<16xf32>
      %exp3A_1439 = math.exp %neg3A_1438 : vector<16xf32>
      %add3A_1440 = arith.constant 1.000000e+00 : f32
      %add3A_1441 = vector.broadcast %add3A_1440 : f32 to vector<16xf32>
      %add3A_1442 = arith.addf %add3A_1441, %exp3A_1439 : vector<16xf32>
      %mul3A_1443 = arith.mulf %mul3A_1430, %add3A_1442 : vector<16xf32>
      %max3A_1444 = arith.constant 0.000000e+00 : f32
      %max3A_1445 = vector.broadcast %max3A_1444 : f32 to vector<16xf32>
      %max3A_1446 = arith.maximumf %scan3A_1219#7, %max3A_1445 : vector<16xf32>
      %add3A_1447 = arith.addf %add3A_1434, %max3A_1446 : vector<16xf32>
      %abs3A_1448 = math.absf %scan3A_1219#7 : vector<16xf32>
      %neg3A_1449 = arith.constant 0.000000e+00 : f32
      %neg3A_1450 = vector.broadcast %neg3A_1449 : f32 to vector<16xf32>
      %neg3A_1451 = arith.subf %neg3A_1450, %abs3A_1448 : vector<16xf32>
      %exp3A_1452 = math.exp %neg3A_1451 : vector<16xf32>
      %add3A_1453 = arith.constant 1.000000e+00 : f32
      %add3A_1454 = vector.broadcast %add3A_1453 : f32 to vector<16xf32>
      %add3A_1455 = arith.addf %add3A_1454, %exp3A_1452 : vector<16xf32>
      %mul3A_1456 = arith.mulf %mul3A_1443, %add3A_1455 : vector<16xf32>
      %max3A_1457 = arith.constant 0.000000e+00 : f32
      %max3A_1458 = vector.broadcast %max3A_1457 : f32 to vector<16xf32>
      %max3A_1459 = arith.maximumf %scan3A_1219#8, %max3A_1458 : vector<16xf32>
      %add3A_1460 = arith.addf %add3A_1447, %max3A_1459 : vector<16xf32>
      %abs3A_1461 = math.absf %scan3A_1219#8 : vector<16xf32>
      %neg3A_1462 = arith.constant 0.000000e+00 : f32
      %neg3A_1463 = vector.broadcast %neg3A_1462 : f32 to vector<16xf32>
      %neg3A_1464 = arith.subf %neg3A_1463, %abs3A_1461 : vector<16xf32>
      %exp3A_1465 = math.exp %neg3A_1464 : vector<16xf32>
      %add3A_1466 = arith.constant 1.000000e+00 : f32
      %add3A_1467 = vector.broadcast %add3A_1466 : f32 to vector<16xf32>
      %add3A_1468 = arith.addf %add3A_1467, %exp3A_1465 : vector<16xf32>
      %mul3A_1469 = arith.mulf %mul3A_1456, %add3A_1468 : vector<16xf32>
      %max3A_1470 = arith.constant 0.000000e+00 : f32
      %max3A_1471 = vector.broadcast %max3A_1470 : f32 to vector<16xf32>
      %max3A_1472 = arith.maximumf %scan3A_1219#9, %max3A_1471 : vector<16xf32>
      %add3A_1473 = arith.addf %add3A_1460, %max3A_1472 : vector<16xf32>
      %abs3A_1474 = math.absf %scan3A_1219#9 : vector<16xf32>
      %neg3A_1475 = arith.constant 0.000000e+00 : f32
      %neg3A_1476 = vector.broadcast %neg3A_1475 : f32 to vector<16xf32>
      %neg3A_1477 = arith.subf %neg3A_1476, %abs3A_1474 : vector<16xf32>
      %exp3A_1478 = math.exp %neg3A_1477 : vector<16xf32>
      %add3A_1479 = arith.constant 1.000000e+00 : f32
      %add3A_1480 = vector.broadcast %add3A_1479 : f32 to vector<16xf32>
      %add3A_1481 = arith.addf %add3A_1480, %exp3A_1478 : vector<16xf32>
      %mul3A_1482 = arith.mulf %mul3A_1469, %add3A_1481 : vector<16xf32>
      %abs3A_1483 = math.absf %scan3A_1213#0 : vector<16xf32>
      %neg3A_1484 = arith.constant 0.000000e+00 : f32
      %neg3A_1485 = vector.broadcast %neg3A_1484 : f32 to vector<16xf32>
      %neg3A_1486 = arith.subf %neg3A_1485, %abs3A_1483 : vector<16xf32>
      %exp3A_1487 = math.exp %neg3A_1486 : vector<16xf32>
      %add3A_1488 = arith.constant 1.000000e+00 : f32
      %add3A_1489 = vector.broadcast %add3A_1488 : f32 to vector<16xf32>
      %add3A_1490 = arith.addf %add3A_1489, %exp3A_1487 : vector<16xf32>
      %abs3A_1491 = math.absf %scan3A_1213#1 : vector<16xf32>
      %neg3A_1492 = arith.constant 0.000000e+00 : f32
      %neg3A_1493 = vector.broadcast %neg3A_1492 : f32 to vector<16xf32>
      %neg3A_1494 = arith.subf %neg3A_1493, %abs3A_1491 : vector<16xf32>
      %exp3A_1495 = math.exp %neg3A_1494 : vector<16xf32>
      %add3A_1496 = arith.constant 1.000000e+00 : f32
      %add3A_1497 = vector.broadcast %add3A_1496 : f32 to vector<16xf32>
      %add3A_1498 = arith.addf %add3A_1497, %exp3A_1495 : vector<16xf32>
      %add3A_1499 = arith.constant 16 : i32
      %add3A_1500 = arith.addi %multiple_of3A_746, %add3A_1499 : i32
      %get3A_1501 = arith.index_cast %add3A_1500 : i32 to index
      %get3A_1502 = tpu.vector_load %arg12[%get3A_1501] {strides = array<i32>} : memref<512xf32, #tpu.memory_space<vmem>>, vector<16xf32>,
      %neg3A_1503 = arith.constant 0.000000e+00 : f32
      %neg3A_1504 = vector.broadcast %neg3A_1503 : f32 to vector<16xf32>
      %neg3A_1505 = arith.subf %neg3A_1504, %scan3A_1213#0 : vector<16xf32>
      %max3A_1506 = arith.constant 0.000000e+00 : f32
      %max3A_1507 = vector.broadcast %max3A_1506 : f32 to vector<16xf32>
      %max3A_1508 = arith.maximumf %neg3A_1505, %max3A_1507 : vector<16xf32>
      %add3A_1509 = arith.addf %max3A_1508, %add3A_1473 : vector<16xf32>
      %mul3A_1510 = arith.mulf %mul3A_1482, %add3A_1490 : vector<16xf32>
      %bitcast_convert_type3A_1511 = tpu.bitcast %mul3A_1510 : vector<16xf32> -> vector<16xi32>
      %shift_right_logical3A_1512 = arith.constant 23 : i32
      %shift_right_logical3A_1513 = vector.broadcast %shift_right_logical3A_1512 : i32 to vector<16xi32>
      %shift_right_logical3A_1514 = arith.shrui %bitcast_convert_type3A_1511, %shift_right_logical3A_1513 : vector<16xi32>
      %sub3A_1515 = arith.constant 127 : i32
      %sub3A_1516 = vector.broadcast %sub3A_1515 : i32 to vector<16xi32>
      %sub3A_1517 = arith.subi %shift_right_logical3A_1514, %sub3A_1516 : vector<16xi32>
      %and3A_1518 = arith.constant 8388607 : i32
      %and3A_1519 = vector.broadcast %and3A_1518 : i32 to vector<16xi32>
      %and3A_1520 = arith.andi %bitcast_convert_type3A_1511, %and3A_1519 : vector<16xi32>
      %or3A_1521 = arith.constant 1065353216 : i32
      %or3A_1522 = vector.broadcast %or3A_1521 : i32 to vector<16xi32>
      %or3A_1523 = arith.ori %and3A_1520, %or3A_1522 : vector<16xi32>
      %bitcast_convert_type3A_1524 = tpu.bitcast %or3A_1523 : vector<16xi32> -> vector<16xf32>
      %convert_element_type3A_1525 = arith.sitofp %sub3A_1517 : vector<16xi32> to vector<16xf32>
      %lt3A_1526 = arith.constant 1.41421354 : f32
      %lt3A_1527 = vector.broadcast %lt3A_1526 : f32 to vector<16xf32>
      %lt3A_1528 = arith.cmpf olt, %bitcast_convert_type3A_1524, %lt3A_1527 : vector<16xf32>
      %add3A_1529 = arith.constant 1.000000e+00 : f32
      %add3A_1530 = vector.broadcast %add3A_1529 : f32 to vector<16xf32>
      %add3A_1531 = arith.addf %convert_element_type3A_1525, %add3A_1530 : vector<16xf32>
      %select_n3A_1532 = arith.select %lt3A_1528, %convert_element_type3A_1525, %add3A_1531 : vector<16xi1>, vector<16xf32>
      %mul3A_1533 = arith.constant 5.000000e-01 : f32
      %mul3A_1534 = vector.broadcast %mul3A_1533 : f32 to vector<16xf32>
      %mul3A_1535 = arith.mulf %mul3A_1534, %bitcast_convert_type3A_1524 : vector<16xf32>
      %select_n3A_1536 = arith.select %lt3A_1528, %bitcast_convert_type3A_1524, %mul3A_1535 : vector<16xi1>, vector<16xf32>
      %sub3A_1537 = arith.constant 1.000000e+00 : f32
      %sub3A_1538 = vector.broadcast %sub3A_1537 : f32 to vector<16xf32>
      %sub3A_1539 = arith.subf %select_n3A_1536, %sub3A_1538 : vector<16xf32>
      %mul3A_1540 = arith.mulf %sub3A_1539, %sub3A_1539 : vector<16xf32>
      %mul3A_1541 = arith.constant 0.0703768358 : f32
      %mul3A_1542 = vector.broadcast %mul3A_1541 : f32 to vector<16xf32>
      %mul3A_1543 = arith.mulf %mul3A_1542, %sub3A_1539 : vector<16xf32>
      %add3A_1544 = arith.constant -0.115146101 : f32
      %add3A_1545 = vector.broadcast %add3A_1544 : f32 to vector<16xf32>
      %add3A_1546 = arith.addf %mul3A_1543, %add3A_1545 : vector<16xf32>
      %mul3A_1547 = arith.mulf %add3A_1546, %sub3A_1539 : vector<16xf32>
      %add3A_1548 = arith.constant 0.116769984 : f32
      %add3A_1549 = vector.broadcast %add3A_1548 : f32 to vector<16xf32>
      %add3A_1550 = arith.addf %mul3A_1547, %add3A_1549 : vector<16xf32>
      %mul3A_1551 = arith.mulf %add3A_1550, %sub3A_1539 : vector<16xf32>
      %add3A_1552 = arith.constant -0.12420141 : f32
      %add3A_1553 = vector.broadcast %add3A_1552 : f32 to vector<16xf32>
      %add3A_1554 = arith.addf %mul3A_1551, %add3A_1553 : vector<16xf32>
      %mul3A_1555 = arith.mulf %add3A_1554, %sub3A_1539 : vector<16xf32>
      %add3A_1556 = arith.constant 0.142493233 : f32
      %add3A_1557 = vector.broadcast %add3A_1556 : f32 to vector<16xf32>
      %add3A_1558 = arith.addf %mul3A_1555, %add3A_1557 : vector<16xf32>
      %mul3A_1559 = arith.mulf %add3A_1558, %sub3A_1539 : vector<16xf32>
      %add3A_1560 = arith.constant -0.166680574 : f32
      %add3A_1561 = vector.broadcast %add3A_1560 : f32 to vector<16xf32>
      %add3A_1562 = arith.addf %mul3A_1559, %add3A_1561 : vector<16xf32>
      %mul3A_1563 = arith.mulf %add3A_1562, %sub3A_1539 : vector<16xf32>
      %add3A_1564 = arith.constant 0.200007141 : f32
      %add3A_1565 = vector.broadcast %add3A_1564 : f32 to vector<16xf32>
      %add3A_1566 = arith.addf %mul3A_1563, %add3A_1565 : vector<16xf32>
      %mul3A_1567 = arith.mulf %add3A_1566, %sub3A_1539 : vector<16xf32>
      %add3A_1568 = arith.constant -0.24999994 : f32
      %add3A_1569 = vector.broadcast %add3A_1568 : f32 to vector<16xf32>
      %add3A_1570 = arith.addf %mul3A_1567, %add3A_1569 : vector<16xf32>
      %mul3A_1571 = arith.mulf %add3A_1570, %sub3A_1539 : vector<16xf32>
      %add3A_1572 = arith.constant 0.333333313 : f32
      %add3A_1573 = vector.broadcast %add3A_1572 : f32 to vector<16xf32>
      %add3A_1574 = arith.addf %mul3A_1571, %add3A_1573 : vector<16xf32>
      %mul3A_1575 = arith.mulf %sub3A_1539, %mul3A_1540 : vector<16xf32>
      %mul3A_1576 = arith.mulf %mul3A_1575, %add3A_1574 : vector<16xf32>
      %mul3A_1577 = arith.constant 5.000000e-01 : f32
      %mul3A_1578 = vector.broadcast %mul3A_1577 : f32 to vector<16xf32>
      %mul3A_1579 = arith.mulf %mul3A_1578, %mul3A_1540 : vector<16xf32>
      %sub3A_1580 = arith.subf %mul3A_1576, %mul3A_1579 : vector<16xf32>
      %add3A_1581 = arith.addf %sub3A_1580, %sub3A_1539 : vector<16xf32>
      %mul3A_1582 = arith.constant 0.693147182 : f32
      %mul3A_1583 = vector.broadcast %mul3A_1582 : f32 to vector<16xf32>
      %mul3A_1584 = arith.mulf %select_n3A_1532, %mul3A_1583 : vector<16xf32>
      %add3A_1585 = arith.addf %add3A_1581, %mul3A_1584 : vector<16xf32>
      %add3A_1586 = arith.addf %add3A_1509, %add3A_1585 : vector<16xf32>
      %mul3A_1587 = arith.mulf %add3A_1586, %get3A_1502 : vector<16xf32>
      %neg3A_1588 = arith.constant 0.000000e+00 : f32
      %neg3A_1589 = vector.broadcast %neg3A_1588 : f32 to vector<16xf32>
      %neg3A_1590 = arith.subf %neg3A_1589, %scan3A_1213#1 : vector<16xf32>
      %max3A_1591 = arith.constant 0.000000e+00 : f32
      %max3A_1592 = vector.broadcast %max3A_1591 : f32 to vector<16xf32>
      %max3A_1593 = arith.maximumf %neg3A_1590, %max3A_1592 : vector<16xf32>
      %add3A_1594 = arith.addf %max3A_1593, %add3A_1473 : vector<16xf32>
      %mul3A_1595 = arith.mulf %mul3A_1482, %add3A_1498 : vector<16xf32>
      %bitcast_convert_type3A_1596 = tpu.bitcast %mul3A_1595 : vector<16xf32> -> vector<16xi32>
      %shift_right_logical3A_1597 = arith.constant 23 : i32
      %shift_right_logical3A_1598 = vector.broadcast %shift_right_logical3A_1597 : i32 to vector<16xi32>
      %shift_right_logical3A_1599 = arith.shrui %bitcast_convert_type3A_1596, %shift_right_logical3A_1598 : vector<16xi32>
      %sub3A_1600 = arith.constant 127 : i32
      %sub3A_1601 = vector.broadcast %sub3A_1600 : i32 to vector<16xi32>
      %sub3A_1602 = arith.subi %shift_right_logical3A_1599, %sub3A_1601 : vector<16xi32>
      %and3A_1603 = arith.constant 8388607 : i32
      %and3A_1604 = vector.broadcast %and3A_1603 : i32 to vector<16xi32>
      %and3A_1605 = arith.andi %bitcast_convert_type3A_1596, %and3A_1604 : vector<16xi32>
      %or3A_1606 = arith.constant 1065353216 : i32
      %or3A_1607 = vector.broadcast %or3A_1606 : i32 to vector<16xi32>
      %or3A_1608 = arith.ori %and3A_1605, %or3A_1607 : vector<16xi32>
      %bitcast_convert_type3A_1609 = tpu.bitcast %or3A_1608 : vector<16xi32> -> vector<16xf32>
      %convert_element_type3A_1610 = arith.sitofp %sub3A_1602 : vector<16xi32> to vector<16xf32>
      %lt3A_1611 = arith.constant 1.41421354 : f32
      %lt3A_1612 = vector.broadcast %lt3A_1611 : f32 to vector<16xf32>
      %lt3A_1613 = arith.cmpf olt, %bitcast_convert_type3A_1609, %lt3A_1612 : vector<16xf32>
      %add3A_1614 = arith.constant 1.000000e+00 : f32
      %add3A_1615 = vector.broadcast %add3A_1614 : f32 to vector<16xf32>
      %add3A_1616 = arith.addf %convert_element_type3A_1610, %add3A_1615 : vector<16xf32>
      %select_n3A_1617 = arith.select %lt3A_1613, %convert_element_type3A_1610, %add3A_1616 : vector<16xi1>, vector<16xf32>
      %mul3A_1618 = arith.constant 5.000000e-01 : f32
      %mul3A_1619 = vector.broadcast %mul3A_1618 : f32 to vector<16xf32>
      %mul3A_1620 = arith.mulf %mul3A_1619, %bitcast_convert_type3A_1609 : vector<16xf32>
      %select_n3A_1621 = arith.select %lt3A_1613, %bitcast_convert_type3A_1609, %mul3A_1620 : vector<16xi1>, vector<16xf32>
      %sub3A_1622 = arith.constant 1.000000e+00 : f32
      %sub3A_1623 = vector.broadcast %sub3A_1622 : f32 to vector<16xf32>
      %sub3A_1624 = arith.subf %select_n3A_1621, %sub3A_1623 : vector<16xf32>
      %mul3A_1625 = arith.mulf %sub3A_1624, %sub3A_1624 : vector<16xf32>
      %mul3A_1626 = arith.constant 0.0703768358 : f32
      %mul3A_1627 = vector.broadcast %mul3A_1626 : f32 to vector<16xf32>
      %mul3A_1628 = arith.mulf %mul3A_1627, %sub3A_1624 : vector<16xf32>
      %add3A_1629 = arith.constant -0.115146101 : f32
      %add3A_1630 = vector.broadcast %add3A_1629 : f32 to vector<16xf32>
      %add3A_1631 = arith.addf %mul3A_1628, %add3A_1630 : vector<16xf32>
      %mul3A_1632 = arith.mulf %add3A_1631, %sub3A_1624 : vector<16xf32>
      %add3A_1633 = arith.constant 0.116769984 : f32
      %add3A_1634 = vector.broadcast %add3A_1633 : f32 to vector<16xf32>
      %add3A_1635 = arith.addf %mul3A_1632, %add3A_1634 : vector<16xf32>
      %mul3A_1636 = arith.mulf %add3A_1635, %sub3A_1624 : vector<16xf32>
      %add3A_1637 = arith.constant -0.12420141 : f32
      %add3A_1638 = vector.broadcast %add3A_1637 : f32 to vector<16xf32>
      %add3A_1639 = arith.addf %mul3A_1636, %add3A_1638 : vector<16xf32>
      %mul3A_1640 = arith.mulf %add3A_1639, %sub3A_1624 : vector<16xf32>
      %add3A_1641 = arith.constant 0.142493233 : f32
      %add3A_1642 = vector.broadcast %add3A_1641 : f32 to vector<16xf32>
      %add3A_1643 = arith.addf %mul3A_1640, %add3A_1642 : vector<16xf32>
      %mul3A_1644 = arith.mulf %add3A_1643, %sub3A_1624 : vector<16xf32>
      %add3A_1645 = arith.constant -0.166680574 : f32
      %add3A_1646 = vector.broadcast %add3A_1645 : f32 to vector<16xf32>
      %add3A_1647 = arith.addf %mul3A_1644, %add3A_1646 : vector<16xf32>
      %mul3A_1648 = arith.mulf %add3A_1647, %sub3A_1624 : vector<16xf32>
      %add3A_1649 = arith.constant 0.200007141 : f32
      %add3A_1650 = vector.broadcast %add3A_1649 : f32 to vector<16xf32>
      %add3A_1651 = arith.addf %mul3A_1648, %add3A_1650 : vector<16xf32>
      %mul3A_1652 = arith.mulf %add3A_1651, %sub3A_1624 : vector<16xf32>
      %add3A_1653 = arith.constant -0.24999994 : f32
      %add3A_1654 = vector.broadcast %add3A_1653 : f32 to vector<16xf32>
      %add3A_1655 = arith.addf %mul3A_1652, %add3A_1654 : vector<16xf32>
      %mul3A_1656 = arith.mulf %add3A_1655, %sub3A_1624 : vector<16xf32>
      %add3A_1657 = arith.constant 0.333333313 : f32
      %add3A_1658 = vector.broadcast %add3A_1657 : f32 to vector<16xf32>
      %add3A_1659 = arith.addf %mul3A_1656, %add3A_1658 : vector<16xf32>
      %mul3A_1660 = arith.mulf %sub3A_1624, %mul3A_1625 : vector<16xf32>
      %mul3A_1661 = arith.mulf %mul3A_1660, %add3A_1659 : vector<16xf32>
      %mul3A_1662 = arith.constant 5.000000e-01 : f32
      %mul3A_1663 = vector.broadcast %mul3A_1662 : f32 to vector<16xf32>
      %mul3A_1664 = arith.mulf %mul3A_1663, %mul3A_1625 : vector<16xf32>
      %sub3A_1665 = arith.subf %mul3A_1661, %mul3A_1664 : vector<16xf32>
      %add3A_1666 = arith.addf %sub3A_1665, %sub3A_1624 : vector<16xf32>
      %mul3A_1667 = arith.constant 0.693147182 : f32
      %mul3A_1668 = vector.broadcast %mul3A_1667 : f32 to vector<16xf32>
      %mul3A_1669 = arith.mulf %select_n3A_1617, %mul3A_1668 : vector<16xf32>
      %add3A_1670 = arith.addf %add3A_1666, %mul3A_1669 : vector<16xf32>
      %add3A_1671 = arith.addf %add3A_1594, %add3A_1670 : vector<16xf32>
      %mul3A_1672 = arith.mulf %add3A_1671, %get3A_1502 : vector<16xf32>
      %swap3A_1673 = arith.constant 16 : index
      %swap3A_1674 = tpu.vector_load %arg22[%swap3A_1673] {strides = array<i32>} : memref<32xf32, #tpu.memory_space<vmem>>, vector<16xf32>,
      tpu.vector_store %arg22[%swap3A_1673], %mul3A_1587 {strides = array<i32>} : memref<32xf32, #tpu.memory_space<vmem>>, vector<16xf32>,
      %swap3A_1675 = arith.constant 16 : index
      %swap3A_1676 = tpu.vector_load %arg23[%swap3A_1675] {strides = array<i32>} : memref<32xf32, #tpu.memory_space<vmem>>, vector<16xf32>,
      tpu.vector_store %arg23[%swap3A_1675], %mul3A_1672 {strides = array<i32>} : memref<32xf32, #tpu.memory_space<vmem>>, vector<16xf32>,
      %mul3A_1677 = arith.constant 32 : i32
      %mul3A_1678 = arith.muli %mul3A_271, %mul3A_1677 : i32
      %add3A_1679 = arith.addi %multiple_of3A, %mul3A_1678 : i32
      %multiple_of3A_1680 = tpu.assume_multiple %add3A_1679, 32 : i32
      "tpu.region"() ({
        %run_scoped3A = tpu.sem_alloc : memref<!tpu.dma_semaphore, #tpu.memory_space<semaphore_mem>>
        %dma_start3A_2877 = tpu.memref_slice %arg8[%multiple_of3A_1680] : memref<16384xf32, #tpu.memory_space<hbm>> -> memref<32xf32, #tpu.memory_space<hbm>>
        %dma_start3A_2878 = tpu.memref_slice %arg8[%multiple_of3A_1680] : memref<16384xf32, #tpu.memory_space<hbm>> -> memref<32xf32, #tpu.memory_space<hbm>>
        tpu.enqueue_dma source(%arg22 : memref<32xf32, #tpu.memory_space<vmem>>) target(%dma_start3A_2878 : memref<32xf32, #tpu.memory_space<hbm>>) target_semaphore(%run_scoped3A : memref<!tpu.dma_semaphore, #tpu.memory_space<semaphore_mem>>)
        %dma_wait3A_2879 = tpu.memref_slice %arg8[%multiple_of3A_1680] : memref<16384xf32, #tpu.memory_space<hbm>> -> memref<32xf32, #tpu.memory_space<hbm>>
        %dma_wait3A_2880 = tpu.memref_slice %arg8[%multiple_of3A_1680] : memref<16384xf32, #tpu.memory_space<hbm>> -> memref<32xf32, #tpu.memory_space<hbm>>
        tpu.wait_dma2 semaphore(%run_scoped3A : memref<!tpu.dma_semaphore, #tpu.memory_space<semaphore_mem>>) src(%arg22 : memref<32xf32, #tpu.memory_space<vmem>>) dst(%dma_wait3A_2880 : memref<32xf32, #tpu.memory_space<hbm>>)
        tpu.yield
      }) : () -> ()
      "tpu.region"() ({
        %run_scoped3A = tpu.sem_alloc : memref<!tpu.dma_semaphore, #tpu.memory_space<semaphore_mem>>
        %dma_start3A_2877 = tpu.memref_slice %arg9[%multiple_of3A_1680] : memref<16384xf32, #tpu.memory_space<hbm>> -> memref<32xf32, #tpu.memory_space<hbm>>
        %dma_start3A_2878 = tpu.memref_slice %arg9[%multiple_of3A_1680] : memref<16384xf32, #tpu.memory_space<hbm>> -> memref<32xf32, #tpu.memory_space<hbm>>
        tpu.enqueue_dma source(%arg23 : memref<32xf32, #tpu.memory_space<vmem>>) target(%dma_start3A_2878 : memref<32xf32, #tpu.memory_space<hbm>>) target_semaphore(%run_scoped3A : memref<!tpu.dma_semaphore, #tpu.memory_space<semaphore_mem>>)
        %dma_wait3A_2879 = tpu.memref_slice %arg9[%multiple_of3A_1680] : memref<16384xf32, #tpu.memory_space<hbm>> -> memref<32xf32, #tpu.memory_space<hbm>>
        %dma_wait3A_2880 = tpu.memref_slice %arg9[%multiple_of3A_1680] : memref<16384xf32, #tpu.memory_space<hbm>> -> memref<32xf32, #tpu.memory_space<hbm>>
        tpu.wait_dma2 semaphore(%run_scoped3A : memref<!tpu.dma_semaphore, #tpu.memory_space<semaphore_mem>>) src(%arg23 : memref<32xf32, #tpu.memory_space<vmem>>) dst(%dma_wait3A_2880 : memref<32xf32, #tpu.memory_space<hbm>>)
        tpu.yield
      }) : () -> ()
      %add3A_1681 = arith.constant 2 : i32
      %add3A_1682 = arith.addi %mul3A_271, %add3A_1681 : i32
      %lt3A_1683 = arith.constant 16 : i32
      %lt3A_1684 = arith.cmpi slt, %add3A_1682, %lt3A_1683 : i32
      %convert_element_type3A_1685 = arith.extui %lt3A_1684 : i1 to i32
      %cond3A = arith.constant 0 : i32
      %cond3A_1686 = arith.cmpi ne, %convert_element_type3A_1685, %cond3A : i32
      scf.if %cond3A_1686 {
        %add3A_2877 = arith.constant 2 : i32
        %add3A_2878 = arith.addi %mul3A_271, %add3A_2877 : i32
        %mul3A_2879 = arith.constant 32 : i32
        %mul3A_2880 = arith.muli %add3A_2878, %mul3A_2879 : i32
        %multiple_of3A_2881 = tpu.assume_multiple %mul3A_2880, 32 : i32
        %dma_start3A_2882 = tpu.memref_slice %arg10[%multiple_of3A_2881] : memref<512xi32, #tpu.memory_space<vmem>> -> memref<32xi32, #tpu.memory_space<vmem>>
        %dma_start3A_2883 = arith.constant 0 : i32
        %dma_start3A_2884 = arith.constant 0 : i32
        %dma_start3A_2885 = tpu.memref_slice %arg6[%dma_start3A_2883, %dma_start3A_2884] : memref<1000000x64xf32, #tpu.memory_space<hbm>> -> memref<1000000x64xf32, #tpu.memory_space<hbm>>
        tpu.enqueue_indirect_dma source(%dma_start3A_2885 : memref<1000000x64xf32, #tpu.memory_space<hbm>>) target(%arg14 : memref<32x64xf32, #tpu.memory_space<vmem>>) offsets(%dma_start3A_2882 : memref<32xi32, #tpu.memory_space<vmem>>) semaphore(%arg24 : memref<!tpu.dma_semaphore, #tpu.memory_space<semaphore_mem>>)
        %dma_start3A_2886 = tpu.memref_slice %arg11[%multiple_of3A_2881] : memref<512xi32, #tpu.memory_space<vmem>> -> memref<32xi32, #tpu.memory_space<vmem>>
        %dma_start3A_2887 = arith.constant 0 : i32
        %dma_start3A_2888 = arith.constant 0 : i32
        %dma_start3A_2889 = tpu.memref_slice %arg6[%dma_start3A_2887, %dma_start3A_2888] : memref<1000000x64xf32, #tpu.memory_space<hbm>> -> memref<1000000x64xf32, #tpu.memory_space<hbm>>
        tpu.enqueue_indirect_dma source(%dma_start3A_2889 : memref<1000000x64xf32, #tpu.memory_space<hbm>>) target(%arg15 : memref<32x64xf32, #tpu.memory_space<vmem>>) offsets(%dma_start3A_2886 : memref<32xi32, #tpu.memory_space<vmem>>) semaphore(%arg24 : memref<!tpu.dma_semaphore, #tpu.memory_space<semaphore_mem>>)
        %dma_start3A_2890 = tpu.memref_slice %arg11[%multiple_of3A_2881] : memref<512xi32, #tpu.memory_space<vmem>> -> memref<32xi32, #tpu.memory_space<vmem>>
        %dma_start3A_2891 = arith.constant 0 : i32
        %dma_start3A_2892 = arith.constant 0 : i32
        %dma_start3A_2893 = tpu.memref_slice %arg7[%dma_start3A_2891, %dma_start3A_2892] : memref<1000000x64xf32, #tpu.memory_space<hbm>> -> memref<1000000x64xf32, #tpu.memory_space<hbm>>
        tpu.enqueue_indirect_dma source(%dma_start3A_2893 : memref<1000000x64xf32, #tpu.memory_space<hbm>>) target(%arg16 : memref<32x64xf32, #tpu.memory_space<vmem>>) offsets(%dma_start3A_2890 : memref<32xi32, #tpu.memory_space<vmem>>) semaphore(%arg24 : memref<!tpu.dma_semaphore, #tpu.memory_space<semaphore_mem>>)
        %dma_start3A_2894 = arith.constant 0 : i32
        %dma_start3A_2895 = arith.constant 0 : i32
        %dma_start3A_2896 = arith.constant 0 : i32
        %dma_start3A_2897 = arith.constant 0 : i32
        %dma_start3A_2898 = tpu.memref_slice %arg17[%dma_start3A_2895, %dma_start3A_2896, %dma_start3A_2897] : memref<20x32x64xf32, #tpu.memory_space<vmem>> -> memref<1x32x64xf32, #tpu.memory_space<vmem>>
        %dma_start3A_2899 = tpu.memref_squeeze %dma_start3A_2898 : memref<1x32x64xf32, #tpu.memory_space<vmem>> -> memref<32x64xf32, #tpu.memory_space<vmem>>
        %dma_start3A_2900 = tpu.memref_slice %arg13[%dma_start3A_2894, %multiple_of3A_2881] : memref<20x512xi32, #tpu.memory_space<vmem>> -> memref<1x32xi32, #tpu.memory_space<vmem>>
        %dma_start3A_2901 = tpu.memref_squeeze %dma_start3A_2900 : memref<1x32xi32, #tpu.memory_space<vmem>> -> memref<32xi32, #tpu.memory_space<vmem>>
        %dma_start3A_2902 = arith.constant 0 : i32
        %dma_start3A_2903 = arith.constant 0 : i32
        %dma_start3A_2904 = tpu.memref_slice %arg7[%dma_start3A_2902, %dma_start3A_2903] : memref<1000000x64xf32, #tpu.memory_space<hbm>> -> memref<1000000x64xf32, #tpu.memory_space<hbm>>
        tpu.enqueue_indirect_dma source(%dma_start3A_2904 : memref<1000000x64xf32, #tpu.memory_space<hbm>>) target(%dma_start3A_2899 : memref<32x64xf32, #tpu.memory_space<vmem>>) offsets(%dma_start3A_2901 : memref<32xi32, #tpu.memory_space<vmem>>) semaphore(%arg24 : memref<!tpu.dma_semaphore, #tpu.memory_space<semaphore_mem>>)
        %dma_start3A_2905 = arith.constant 1 : i32
        %dma_start3A_2906 = arith.constant 1 : i32
        %dma_start3A_2907 = arith.constant 0 : i32
        %dma_start3A_2908 = arith.constant 0 : i32
        %dma_start3A_2909 = tpu.memref_slice %arg17[%dma_start3A_2906, %dma_start3A_2907, %dma_start3A_2908] : memref<20x32x64xf32, #tpu.memory_space<vmem>> -> memref<1x32x64xf32, #tpu.memory_space<vmem>>
        %dma_start3A_2910 = tpu.memref_squeeze %dma_start3A_2909 : memref<1x32x64xf32, #tpu.memory_space<vmem>> -> memref<32x64xf32, #tpu.memory_space<vmem>>
        %dma_start3A_2911 = tpu.memref_slice %arg13[%dma_start3A_2905, %multiple_of3A_2881] : memref<20x512xi32, #tpu.memory_space<vmem>> -> memref<1x32xi32, #tpu.memory_space<vmem>>
        %dma_start3A_2912 = tpu.memref_squeeze %dma_start3A_2911 : memref<1x32xi32, #tpu.memory_space<vmem>> -> memref<32xi32, #tpu.memory_space<vmem>>
        %dma_start3A_2913 = arith.constant 0 : i32
        %dma_start3A_2914 = arith.constant 0 : i32
        %dma_start3A_2915 = tpu.memref_slice %arg7[%dma_start3A_2913, %dma_start3A_2914] : memref<1000000x64xf32, #tpu.memory_space<hbm>> -> memref<1000000x64xf32, #tpu.memory_space<hbm>>
        tpu.enqueue_indirect_dma source(%dma_start3A_2915 : memref<1000000x64xf32, #tpu.memory_space<hbm>>) target(%dma_start3A_2910 : memref<32x64xf32, #tpu.memory_space<vmem>>) offsets(%dma_start3A_2912 : memref<32xi32, #tpu.memory_space<vmem>>) semaphore(%arg24 : memref<!tpu.dma_semaphore, #tpu.memory_space<semaphore_mem>>)
        %dma_start3A_2916 = arith.constant 2 : i32
        %dma_start3A_2917 = arith.constant 2 : i32
        %dma_start3A_2918 = arith.constant 0 : i32
        %dma_start3A_2919 = arith.constant 0 : i32
        %dma_start3A_2920 = tpu.memref_slice %arg17[%dma_start3A_2917, %dma_start3A_2918, %dma_start3A_2919] : memref<20x32x64xf32, #tpu.memory_space<vmem>> -> memref<1x32x64xf32, #tpu.memory_space<vmem>>
        %dma_start3A_2921 = tpu.memref_squeeze %dma_start3A_2920 : memref<1x32x64xf32, #tpu.memory_space<vmem>> -> memref<32x64xf32, #tpu.memory_space<vmem>>
        %dma_start3A_2922 = tpu.memref_slice %arg13[%dma_start3A_2916, %multiple_of3A_2881] : memref<20x512xi32, #tpu.memory_space<vmem>> -> memref<1x32xi32, #tpu.memory_space<vmem>>
        %dma_start3A_2923 = tpu.memref_squeeze %dma_start3A_2922 : memref<1x32xi32, #tpu.memory_space<vmem>> -> memref<32xi32, #tpu.memory_space<vmem>>
        %dma_start3A_2924 = arith.constant 0 : i32
        %dma_start3A_2925 = arith.constant 0 : i32
        %dma_start3A_2926 = tpu.memref_slice %arg7[%dma_start3A_2924, %dma_start3A_2925] : memref<1000000x64xf32, #tpu.memory_space<hbm>> -> memref<1000000x64xf32, #tpu.memory_space<hbm>>
        tpu.enqueue_indirect_dma source(%dma_start3A_2926 : memref<1000000x64xf32, #tpu.memory_space<hbm>>) target(%dma_start3A_2921 : memref<32x64xf32, #tpu.memory_space<vmem>>) offsets(%dma_start3A_2923 : memref<32xi32, #tpu.memory_space<vmem>>) semaphore(%arg24 : memref<!tpu.dma_semaphore, #tpu.memory_space<semaphore_mem>>)
        %dma_start3A_2927 = arith.constant 3 : i32
        %dma_start3A_2928 = arith.constant 3 : i32
        %dma_start3A_2929 = arith.constant 0 : i32
        %dma_start3A_2930 = arith.constant 0 : i32
        %dma_start3A_2931 = tpu.memref_slice %arg17[%dma_start3A_2928, %dma_start3A_2929, %dma_start3A_2930] : memref<20x32x64xf32, #tpu.memory_space<vmem>> -> memref<1x32x64xf32, #tpu.memory_space<vmem>>
        %dma_start3A_2932 = tpu.memref_squeeze %dma_start3A_2931 : memref<1x32x64xf32, #tpu.memory_space<vmem>> -> memref<32x64xf32, #tpu.memory_space<vmem>>
        %dma_start3A_2933 = tpu.memref_slice %arg13[%dma_start3A_2927, %multiple_of3A_2881] : memref<20x512xi32, #tpu.memory_space<vmem>> -> memref<1x32xi32, #tpu.memory_space<vmem>>
        %dma_start3A_2934 = tpu.memref_squeeze %dma_start3A_2933 : memref<1x32xi32, #tpu.memory_space<vmem>> -> memref<32xi32, #tpu.memory_space<vmem>>
        %dma_start3A_2935 = arith.constant 0 : i32
        %dma_start3A_2936 = arith.constant 0 : i32
        %dma_start3A_2937 = tpu.memref_slice %arg7[%dma_start3A_2935, %dma_start3A_2936] : memref<1000000x64xf32, #tpu.memory_space<hbm>> -> memref<1000000x64xf32, #tpu.memory_space<hbm>>
        tpu.enqueue_indirect_dma source(%dma_start3A_2937 : memref<1000000x64xf32, #tpu.memory_space<hbm>>) target(%dma_start3A_2932 : memref<32x64xf32, #tpu.memory_space<vmem>>) offsets(%dma_start3A_2934 : memref<32xi32, #tpu.memory_space<vmem>>) semaphore(%arg24 : memref<!tpu.dma_semaphore, #tpu.memory_space<semaphore_mem>>)
        %dma_start3A_2938 = arith.constant 4 : i32
        %dma_start3A_2939 = arith.constant 4 : i32
        %dma_start3A_2940 = arith.constant 0 : i32
        %dma_start3A_2941 = arith.constant 0 : i32
        %dma_start3A_2942 = tpu.memref_slice %arg17[%dma_start3A_2939, %dma_start3A_2940, %dma_start3A_2941] : memref<20x32x64xf32, #tpu.memory_space<vmem>> -> memref<1x32x64xf32, #tpu.memory_space<vmem>>
        %dma_start3A_2943 = tpu.memref_squeeze %dma_start3A_2942 : memref<1x32x64xf32, #tpu.memory_space<vmem>> -> memref<32x64xf32, #tpu.memory_space<vmem>>
        %dma_start3A_2944 = tpu.memref_slice %arg13[%dma_start3A_2938, %multiple_of3A_2881] : memref<20x512xi32, #tpu.memory_space<vmem>> -> memref<1x32xi32, #tpu.memory_space<vmem>>
        %dma_start3A_2945 = tpu.memref_squeeze %dma_start3A_2944 : memref<1x32xi32, #tpu.memory_space<vmem>> -> memref<32xi32, #tpu.memory_space<vmem>>
        %dma_start3A_2946 = arith.constant 0 : i32
        %dma_start3A_2947 = arith.constant 0 : i32
        %dma_start3A_2948 = tpu.memref_slice %arg7[%dma_start3A_2946, %dma_start3A_2947] : memref<1000000x64xf32, #tpu.memory_space<hbm>> -> memref<1000000x64xf32, #tpu.memory_space<hbm>>
        tpu.enqueue_indirect_dma source(%dma_start3A_2948 : memref<1000000x64xf32, #tpu.memory_space<hbm>>) target(%dma_start3A_2943 : memref<32x64xf32, #tpu.memory_space<vmem>>) offsets(%dma_start3A_2945 : memref<32xi32, #tpu.memory_space<vmem>>) semaphore(%arg24 : memref<!tpu.dma_semaphore, #tpu.memory_space<semaphore_mem>>)
        %dma_start3A_2949 = arith.constant 5 : i32
        %dma_start3A_2950 = arith.constant 5 : i32
        %dma_start3A_2951 = arith.constant 0 : i32
        %dma_start3A_2952 = arith.constant 0 : i32
        %dma_start3A_2953 = tpu.memref_slice %arg17[%dma_start3A_2950, %dma_start3A_2951, %dma_start3A_2952] : memref<20x32x64xf32, #tpu.memory_space<vmem>> -> memref<1x32x64xf32, #tpu.memory_space<vmem>>
        %dma_start3A_2954 = tpu.memref_squeeze %dma_start3A_2953 : memref<1x32x64xf32, #tpu.memory_space<vmem>> -> memref<32x64xf32, #tpu.memory_space<vmem>>
        %dma_start3A_2955 = tpu.memref_slice %arg13[%dma_start3A_2949, %multiple_of3A_2881] : memref<20x512xi32, #tpu.memory_space<vmem>> -> memref<1x32xi32, #tpu.memory_space<vmem>>
        %dma_start3A_2956 = tpu.memref_squeeze %dma_start3A_2955 : memref<1x32xi32, #tpu.memory_space<vmem>> -> memref<32xi32, #tpu.memory_space<vmem>>
        %dma_start3A_2957 = arith.constant 0 : i32
        %dma_start3A_2958 = arith.constant 0 : i32
        %dma_start3A_2959 = tpu.memref_slice %arg7[%dma_start3A_2957, %dma_start3A_2958] : memref<1000000x64xf32, #tpu.memory_space<hbm>> -> memref<1000000x64xf32, #tpu.memory_space<hbm>>
        tpu.enqueue_indirect_dma source(%dma_start3A_2959 : memref<1000000x64xf32, #tpu.memory_space<hbm>>) target(%dma_start3A_2954 : memref<32x64xf32, #tpu.memory_space<vmem>>) offsets(%dma_start3A_2956 : memref<32xi32, #tpu.memory_space<vmem>>) semaphore(%arg24 : memref<!tpu.dma_semaphore, #tpu.memory_space<semaphore_mem>>)
        %dma_start3A_2960 = arith.constant 6 : i32
        %dma_start3A_2961 = arith.constant 6 : i32
        %dma_start3A_2962 = arith.constant 0 : i32
        %dma_start3A_2963 = arith.constant 0 : i32
        %dma_start3A_2964 = tpu.memref_slice %arg17[%dma_start3A_2961, %dma_start3A_2962, %dma_start3A_2963] : memref<20x32x64xf32, #tpu.memory_space<vmem>> -> memref<1x32x64xf32, #tpu.memory_space<vmem>>
        %dma_start3A_2965 = tpu.memref_squeeze %dma_start3A_2964 : memref<1x32x64xf32, #tpu.memory_space<vmem>> -> memref<32x64xf32, #tpu.memory_space<vmem>>
        %dma_start3A_2966 = tpu.memref_slice %arg13[%dma_start3A_2960, %multiple_of3A_2881] : memref<20x512xi32, #tpu.memory_space<vmem>> -> memref<1x32xi32, #tpu.memory_space<vmem>>
        %dma_start3A_2967 = tpu.memref_squeeze %dma_start3A_2966 : memref<1x32xi32, #tpu.memory_space<vmem>> -> memref<32xi32, #tpu.memory_space<vmem>>
        %dma_start3A_2968 = arith.constant 0 : i32
        %dma_start3A_2969 = arith.constant 0 : i32
        %dma_start3A_2970 = tpu.memref_slice %arg7[%dma_start3A_2968, %dma_start3A_2969] : memref<1000000x64xf32, #tpu.memory_space<hbm>> -> memref<1000000x64xf32, #tpu.memory_space<hbm>>
        tpu.enqueue_indirect_dma source(%dma_start3A_2970 : memref<1000000x64xf32, #tpu.memory_space<hbm>>) target(%dma_start3A_2965 : memref<32x64xf32, #tpu.memory_space<vmem>>) offsets(%dma_start3A_2967 : memref<32xi32, #tpu.memory_space<vmem>>) semaphore(%arg24 : memref<!tpu.dma_semaphore, #tpu.memory_space<semaphore_mem>>)
        %dma_start3A_2971 = arith.constant 7 : i32
        %dma_start3A_2972 = arith.constant 7 : i32
        %dma_start3A_2973 = arith.constant 0 : i32
        %dma_start3A_2974 = arith.constant 0 : i32
        %dma_start3A_2975 = tpu.memref_slice %arg17[%dma_start3A_2972, %dma_start3A_2973, %dma_start3A_2974] : memref<20x32x64xf32, #tpu.memory_space<vmem>> -> memref<1x32x64xf32, #tpu.memory_space<vmem>>
        %dma_start3A_2976 = tpu.memref_squeeze %dma_start3A_2975 : memref<1x32x64xf32, #tpu.memory_space<vmem>> -> memref<32x64xf32, #tpu.memory_space<vmem>>
        %dma_start3A_2977 = tpu.memref_slice %arg13[%dma_start3A_2971, %multiple_of3A_2881] : memref<20x512xi32, #tpu.memory_space<vmem>> -> memref<1x32xi32, #tpu.memory_space<vmem>>
        %dma_start3A_2978 = tpu.memref_squeeze %dma_start3A_2977 : memref<1x32xi32, #tpu.memory_space<vmem>> -> memref<32xi32, #tpu.memory_space<vmem>>
        %dma_start3A_2979 = arith.constant 0 : i32
        %dma_start3A_2980 = arith.constant 0 : i32
        %dma_start3A_2981 = tpu.memref_slice %arg7[%dma_start3A_2979, %dma_start3A_2980] : memref<1000000x64xf32, #tpu.memory_space<hbm>> -> memref<1000000x64xf32, #tpu.memory_space<hbm>>
        tpu.enqueue_indirect_dma source(%dma_start3A_2981 : memref<1000000x64xf32, #tpu.memory_space<hbm>>) target(%dma_start3A_2976 : memref<32x64xf32, #tpu.memory_space<vmem>>) offsets(%dma_start3A_2978 : memref<32xi32, #tpu.memory_space<vmem>>) semaphore(%arg24 : memref<!tpu.dma_semaphore, #tpu.memory_space<semaphore_mem>>)
        %dma_start3A_2982 = arith.constant 8 : i32
        %dma_start3A_2983 = arith.constant 8 : i32
        %dma_start3A_2984 = arith.constant 0 : i32
        %dma_start3A_2985 = arith.constant 0 : i32
        %dma_start3A_2986 = tpu.memref_slice %arg17[%dma_start3A_2983, %dma_start3A_2984, %dma_start3A_2985] : memref<20x32x64xf32, #tpu.memory_space<vmem>> -> memref<1x32x64xf32, #tpu.memory_space<vmem>>
        %dma_start3A_2987 = tpu.memref_squeeze %dma_start3A_2986 : memref<1x32x64xf32, #tpu.memory_space<vmem>> -> memref<32x64xf32, #tpu.memory_space<vmem>>
        %dma_start3A_2988 = tpu.memref_slice %arg13[%dma_start3A_2982, %multiple_of3A_2881] : memref<20x512xi32, #tpu.memory_space<vmem>> -> memref<1x32xi32, #tpu.memory_space<vmem>>
        %dma_start3A_2989 = tpu.memref_squeeze %dma_start3A_2988 : memref<1x32xi32, #tpu.memory_space<vmem>> -> memref<32xi32, #tpu.memory_space<vmem>>
        %dma_start3A_2990 = arith.constant 0 : i32
        %dma_start3A_2991 = arith.constant 0 : i32
        %dma_start3A_2992 = tpu.memref_slice %arg7[%dma_start3A_2990, %dma_start3A_2991] : memref<1000000x64xf32, #tpu.memory_space<hbm>> -> memref<1000000x64xf32, #tpu.memory_space<hbm>>
        tpu.enqueue_indirect_dma source(%dma_start3A_2992 : memref<1000000x64xf32, #tpu.memory_space<hbm>>) target(%dma_start3A_2987 : memref<32x64xf32, #tpu.memory_space<vmem>>) offsets(%dma_start3A_2989 : memref<32xi32, #tpu.memory_space<vmem>>) semaphore(%arg24 : memref<!tpu.dma_semaphore, #tpu.memory_space<semaphore_mem>>)
        %dma_start3A_2993 = arith.constant 9 : i32
        %dma_start3A_2994 = arith.constant 9 : i32
        %dma_start3A_2995 = arith.constant 0 : i32
        %dma_start3A_2996 = arith.constant 0 : i32
        %dma_start3A_2997 = tpu.memref_slice %arg17[%dma_start3A_2994, %dma_start3A_2995, %dma_start3A_2996] : memref<20x32x64xf32, #tpu.memory_space<vmem>> -> memref<1x32x64xf32, #tpu.memory_space<vmem>>
        %dma_start3A_2998 = tpu.memref_squeeze %dma_start3A_2997 : memref<1x32x64xf32, #tpu.memory_space<vmem>> -> memref<32x64xf32, #tpu.memory_space<vmem>>
        %dma_start3A_2999 = tpu.memref_slice %arg13[%dma_start3A_2993, %multiple_of3A_2881] : memref<20x512xi32, #tpu.memory_space<vmem>> -> memref<1x32xi32, #tpu.memory_space<vmem>>
        %dma_start3A_3000 = tpu.memref_squeeze %dma_start3A_2999 : memref<1x32xi32, #tpu.memory_space<vmem>> -> memref<32xi32, #tpu.memory_space<vmem>>
        %dma_start3A_3001 = arith.constant 0 : i32
        %dma_start3A_3002 = arith.constant 0 : i32
        %dma_start3A_3003 = tpu.memref_slice %arg7[%dma_start3A_3001, %dma_start3A_3002] : memref<1000000x64xf32, #tpu.memory_space<hbm>> -> memref<1000000x64xf32, #tpu.memory_space<hbm>>
        tpu.enqueue_indirect_dma source(%dma_start3A_3003 : memref<1000000x64xf32, #tpu.memory_space<hbm>>) target(%dma_start3A_2998 : memref<32x64xf32, #tpu.memory_space<vmem>>) offsets(%dma_start3A_3000 : memref<32xi32, #tpu.memory_space<vmem>>) semaphore(%arg24 : memref<!tpu.dma_semaphore, #tpu.memory_space<semaphore_mem>>)
        %dma_start3A_3004 = arith.constant 10 : i32
        %dma_start3A_3005 = arith.constant 10 : i32
        %dma_start3A_3006 = arith.constant 0 : i32
        %dma_start3A_3007 = arith.constant 0 : i32
        %dma_start3A_3008 = tpu.memref_slice %arg17[%dma_start3A_3005, %dma_start3A_3006, %dma_start3A_3007] : memref<20x32x64xf32, #tpu.memory_space<vmem>> -> memref<1x32x64xf32, #tpu.memory_space<vmem>>
        %dma_start3A_3009 = tpu.memref_squeeze %dma_start3A_3008 : memref<1x32x64xf32, #tpu.memory_space<vmem>> -> memref<32x64xf32, #tpu.memory_space<vmem>>
        %dma_start3A_3010 = tpu.memref_slice %arg13[%dma_start3A_3004, %multiple_of3A_2881] : memref<20x512xi32, #tpu.memory_space<vmem>> -> memref<1x32xi32, #tpu.memory_space<vmem>>
        %dma_start3A_3011 = tpu.memref_squeeze %dma_start3A_3010 : memref<1x32xi32, #tpu.memory_space<vmem>> -> memref<32xi32, #tpu.memory_space<vmem>>
        %dma_start3A_3012 = arith.constant 0 : i32
        %dma_start3A_3013 = arith.constant 0 : i32
        %dma_start3A_3014 = tpu.memref_slice %arg7[%dma_start3A_3012, %dma_start3A_3013] : memref<1000000x64xf32, #tpu.memory_space<hbm>> -> memref<1000000x64xf32, #tpu.memory_space<hbm>>
        tpu.enqueue_indirect_dma source(%dma_start3A_3014 : memref<1000000x64xf32, #tpu.memory_space<hbm>>) target(%dma_start3A_3009 : memref<32x64xf32, #tpu.memory_space<vmem>>) offsets(%dma_start3A_3011 : memref<32xi32, #tpu.memory_space<vmem>>) semaphore(%arg24 : memref<!tpu.dma_semaphore, #tpu.memory_space<semaphore_mem>>)
        %dma_start3A_3015 = arith.constant 11 : i32
        %dma_start3A_3016 = arith.constant 11 : i32
        %dma_start3A_3017 = arith.constant 0 : i32
        %dma_start3A_3018 = arith.constant 0 : i32
        %dma_start3A_3019 = tpu.memref_slice %arg17[%dma_start3A_3016, %dma_start3A_3017, %dma_start3A_3018] : memref<20x32x64xf32, #tpu.memory_space<vmem>> -> memref<1x32x64xf32, #tpu.memory_space<vmem>>
        %dma_start3A_3020 = tpu.memref_squeeze %dma_start3A_3019 : memref<1x32x64xf32, #tpu.memory_space<vmem>> -> memref<32x64xf32, #tpu.memory_space<vmem>>
        %dma_start3A_3021 = tpu.memref_slice %arg13[%dma_start3A_3015, %multiple_of3A_2881] : memref<20x512xi32, #tpu.memory_space<vmem>> -> memref<1x32xi32, #tpu.memory_space<vmem>>
        %dma_start3A_3022 = tpu.memref_squeeze %dma_start3A_3021 : memref<1x32xi32, #tpu.memory_space<vmem>> -> memref<32xi32, #tpu.memory_space<vmem>>
        %dma_start3A_3023 = arith.constant 0 : i32
        %dma_start3A_3024 = arith.constant 0 : i32
        %dma_start3A_3025 = tpu.memref_slice %arg7[%dma_start3A_3023, %dma_start3A_3024] : memref<1000000x64xf32, #tpu.memory_space<hbm>> -> memref<1000000x64xf32, #tpu.memory_space<hbm>>
        tpu.enqueue_indirect_dma source(%dma_start3A_3025 : memref<1000000x64xf32, #tpu.memory_space<hbm>>) target(%dma_start3A_3020 : memref<32x64xf32, #tpu.memory_space<vmem>>) offsets(%dma_start3A_3022 : memref<32xi32, #tpu.memory_space<vmem>>) semaphore(%arg24 : memref<!tpu.dma_semaphore, #tpu.memory_space<semaphore_mem>>)
        %dma_start3A_3026 = arith.constant 12 : i32
        %dma_start3A_3027 = arith.constant 12 : i32
        %dma_start3A_3028 = arith.constant 0 : i32
        %dma_start3A_3029 = arith.constant 0 : i32
        %dma_start3A_3030 = tpu.memref_slice %arg17[%dma_start3A_3027, %dma_start3A_3028, %dma_start3A_3029] : memref<20x32x64xf32, #tpu.memory_space<vmem>> -> memref<1x32x64xf32, #tpu.memory_space<vmem>>
        %dma_start3A_3031 = tpu.memref_squeeze %dma_start3A_3030 : memref<1x32x64xf32, #tpu.memory_space<vmem>> -> memref<32x64xf32, #tpu.memory_space<vmem>>
        %dma_start3A_3032 = tpu.memref_slice %arg13[%dma_start3A_3026, %multiple_of3A_2881] : memref<20x512xi32, #tpu.memory_space<vmem>> -> memref<1x32xi32, #tpu.memory_space<vmem>>
        %dma_start3A_3033 = tpu.memref_squeeze %dma_start3A_3032 : memref<1x32xi32, #tpu.memory_space<vmem>> -> memref<32xi32, #tpu.memory_space<vmem>>
        %dma_start3A_3034 = arith.constant 0 : i32
        %dma_start3A_3035 = arith.constant 0 : i32
        %dma_start3A_3036 = tpu.memref_slice %arg7[%dma_start3A_3034, %dma_start3A_3035] : memref<1000000x64xf32, #tpu.memory_space<hbm>> -> memref<1000000x64xf32, #tpu.memory_space<hbm>>
        tpu.enqueue_indirect_dma source(%dma_start3A_3036 : memref<1000000x64xf32, #tpu.memory_space<hbm>>) target(%dma_start3A_3031 : memref<32x64xf32, #tpu.memory_space<vmem>>) offsets(%dma_start3A_3033 : memref<32xi32, #tpu.memory_space<vmem>>) semaphore(%arg24 : memref<!tpu.dma_semaphore, #tpu.memory_space<semaphore_mem>>)
        %dma_start3A_3037 = arith.constant 13 : i32
        %dma_start3A_3038 = arith.constant 13 : i32
        %dma_start3A_3039 = arith.constant 0 : i32
        %dma_start3A_3040 = arith.constant 0 : i32
        %dma_start3A_3041 = tpu.memref_slice %arg17[%dma_start3A_3038, %dma_start3A_3039, %dma_start3A_3040] : memref<20x32x64xf32, #tpu.memory_space<vmem>> -> memref<1x32x64xf32, #tpu.memory_space<vmem>>
        %dma_start3A_3042 = tpu.memref_squeeze %dma_start3A_3041 : memref<1x32x64xf32, #tpu.memory_space<vmem>> -> memref<32x64xf32, #tpu.memory_space<vmem>>
        %dma_start3A_3043 = tpu.memref_slice %arg13[%dma_start3A_3037, %multiple_of3A_2881] : memref<20x512xi32, #tpu.memory_space<vmem>> -> memref<1x32xi32, #tpu.memory_space<vmem>>
        %dma_start3A_3044 = tpu.memref_squeeze %dma_start3A_3043 : memref<1x32xi32, #tpu.memory_space<vmem>> -> memref<32xi32, #tpu.memory_space<vmem>>
        %dma_start3A_3045 = arith.constant 0 : i32
        %dma_start3A_3046 = arith.constant 0 : i32
        %dma_start3A_3047 = tpu.memref_slice %arg7[%dma_start3A_3045, %dma_start3A_3046] : memref<1000000x64xf32, #tpu.memory_space<hbm>> -> memref<1000000x64xf32, #tpu.memory_space<hbm>>
        tpu.enqueue_indirect_dma source(%dma_start3A_3047 : memref<1000000x64xf32, #tpu.memory_space<hbm>>) target(%dma_start3A_3042 : memref<32x64xf32, #tpu.memory_space<vmem>>) offsets(%dma_start3A_3044 : memref<32xi32, #tpu.memory_space<vmem>>) semaphore(%arg24 : memref<!tpu.dma_semaphore, #tpu.memory_space<semaphore_mem>>)
        %dma_start3A_3048 = arith.constant 14 : i32
        %dma_start3A_3049 = arith.constant 14 : i32
        %dma_start3A_3050 = arith.constant 0 : i32
        %dma_start3A_3051 = arith.constant 0 : i32
        %dma_start3A_3052 = tpu.memref_slice %arg17[%dma_start3A_3049, %dma_start3A_3050, %dma_start3A_3051] : memref<20x32x64xf32, #tpu.memory_space<vmem>> -> memref<1x32x64xf32, #tpu.memory_space<vmem>>
        %dma_start3A_3053 = tpu.memref_squeeze %dma_start3A_3052 : memref<1x32x64xf32, #tpu.memory_space<vmem>> -> memref<32x64xf32, #tpu.memory_space<vmem>>
        %dma_start3A_3054 = tpu.memref_slice %arg13[%dma_start3A_3048, %multiple_of3A_2881] : memref<20x512xi32, #tpu.memory_space<vmem>> -> memref<1x32xi32, #tpu.memory_space<vmem>>
        %dma_start3A_3055 = tpu.memref_squeeze %dma_start3A_3054 : memref<1x32xi32, #tpu.memory_space<vmem>> -> memref<32xi32, #tpu.memory_space<vmem>>
        %dma_start3A_3056 = arith.constant 0 : i32
        %dma_start3A_3057 = arith.constant 0 : i32
        %dma_start3A_3058 = tpu.memref_slice %arg7[%dma_start3A_3056, %dma_start3A_3057] : memref<1000000x64xf32, #tpu.memory_space<hbm>> -> memref<1000000x64xf32, #tpu.memory_space<hbm>>
        tpu.enqueue_indirect_dma source(%dma_start3A_3058 : memref<1000000x64xf32, #tpu.memory_space<hbm>>) target(%dma_start3A_3053 : memref<32x64xf32, #tpu.memory_space<vmem>>) offsets(%dma_start3A_3055 : memref<32xi32, #tpu.memory_space<vmem>>) semaphore(%arg24 : memref<!tpu.dma_semaphore, #tpu.memory_space<semaphore_mem>>)
        %dma_start3A_3059 = arith.constant 15 : i32
        %dma_start3A_3060 = arith.constant 15 : i32
        %dma_start3A_3061 = arith.constant 0 : i32
        %dma_start3A_3062 = arith.constant 0 : i32
        %dma_start3A_3063 = tpu.memref_slice %arg17[%dma_start3A_3060, %dma_start3A_3061, %dma_start3A_3062] : memref<20x32x64xf32, #tpu.memory_space<vmem>> -> memref<1x32x64xf32, #tpu.memory_space<vmem>>
        %dma_start3A_3064 = tpu.memref_squeeze %dma_start3A_3063 : memref<1x32x64xf32, #tpu.memory_space<vmem>> -> memref<32x64xf32, #tpu.memory_space<vmem>>
        %dma_start3A_3065 = tpu.memref_slice %arg13[%dma_start3A_3059, %multiple_of3A_2881] : memref<20x512xi32, #tpu.memory_space<vmem>> -> memref<1x32xi32, #tpu.memory_space<vmem>>
        %dma_start3A_3066 = tpu.memref_squeeze %dma_start3A_3065 : memref<1x32xi32, #tpu.memory_space<vmem>> -> memref<32xi32, #tpu.memory_space<vmem>>
        %dma_start3A_3067 = arith.constant 0 : i32
        %dma_start3A_3068 = arith.constant 0 : i32
        %dma_start3A_3069 = tpu.memref_slice %arg7[%dma_start3A_3067, %dma_start3A_3068] : memref<1000000x64xf32, #tpu.memory_space<hbm>> -> memref<1000000x64xf32, #tpu.memory_space<hbm>>
        tpu.enqueue_indirect_dma source(%dma_start3A_3069 : memref<1000000x64xf32, #tpu.memory_space<hbm>>) target(%dma_start3A_3064 : memref<32x64xf32, #tpu.memory_space<vmem>>) offsets(%dma_start3A_3066 : memref<32xi32, #tpu.memory_space<vmem>>) semaphore(%arg24 : memref<!tpu.dma_semaphore, #tpu.memory_space<semaphore_mem>>)
        %dma_start3A_3070 = arith.constant 16 : i32
        %dma_start3A_3071 = arith.constant 16 : i32
        %dma_start3A_3072 = arith.constant 0 : i32
        %dma_start3A_3073 = arith.constant 0 : i32
        %dma_start3A_3074 = tpu.memref_slice %arg17[%dma_start3A_3071, %dma_start3A_3072, %dma_start3A_3073] : memref<20x32x64xf32, #tpu.memory_space<vmem>> -> memref<1x32x64xf32, #tpu.memory_space<vmem>>
        %dma_start3A_3075 = tpu.memref_squeeze %dma_start3A_3074 : memref<1x32x64xf32, #tpu.memory_space<vmem>> -> memref<32x64xf32, #tpu.memory_space<vmem>>
        %dma_start3A_3076 = tpu.memref_slice %arg13[%dma_start3A_3070, %multiple_of3A_2881] : memref<20x512xi32, #tpu.memory_space<vmem>> -> memref<1x32xi32, #tpu.memory_space<vmem>>
        %dma_start3A_3077 = tpu.memref_squeeze %dma_start3A_3076 : memref<1x32xi32, #tpu.memory_space<vmem>> -> memref<32xi32, #tpu.memory_space<vmem>>
        %dma_start3A_3078 = arith.constant 0 : i32
        %dma_start3A_3079 = arith.constant 0 : i32
        %dma_start3A_3080 = tpu.memref_slice %arg7[%dma_start3A_3078, %dma_start3A_3079] : memref<1000000x64xf32, #tpu.memory_space<hbm>> -> memref<1000000x64xf32, #tpu.memory_space<hbm>>
        tpu.enqueue_indirect_dma source(%dma_start3A_3080 : memref<1000000x64xf32, #tpu.memory_space<hbm>>) target(%dma_start3A_3075 : memref<32x64xf32, #tpu.memory_space<vmem>>) offsets(%dma_start3A_3077 : memref<32xi32, #tpu.memory_space<vmem>>) semaphore(%arg24 : memref<!tpu.dma_semaphore, #tpu.memory_space<semaphore_mem>>)
        %dma_start3A_3081 = arith.constant 17 : i32
        %dma_start3A_3082 = arith.constant 17 : i32
        %dma_start3A_3083 = arith.constant 0 : i32
        %dma_start3A_3084 = arith.constant 0 : i32
        %dma_start3A_3085 = tpu.memref_slice %arg17[%dma_start3A_3082, %dma_start3A_3083, %dma_start3A_3084] : memref<20x32x64xf32, #tpu.memory_space<vmem>> -> memref<1x32x64xf32, #tpu.memory_space<vmem>>
        %dma_start3A_3086 = tpu.memref_squeeze %dma_start3A_3085 : memref<1x32x64xf32, #tpu.memory_space<vmem>> -> memref<32x64xf32, #tpu.memory_space<vmem>>
        %dma_start3A_3087 = tpu.memref_slice %arg13[%dma_start3A_3081, %multiple_of3A_2881] : memref<20x512xi32, #tpu.memory_space<vmem>> -> memref<1x32xi32, #tpu.memory_space<vmem>>
        %dma_start3A_3088 = tpu.memref_squeeze %dma_start3A_3087 : memref<1x32xi32, #tpu.memory_space<vmem>> -> memref<32xi32, #tpu.memory_space<vmem>>
        %dma_start3A_3089 = arith.constant 0 : i32
        %dma_start3A_3090 = arith.constant 0 : i32
        %dma_start3A_3091 = tpu.memref_slice %arg7[%dma_start3A_3089, %dma_start3A_3090] : memref<1000000x64xf32, #tpu.memory_space<hbm>> -> memref<1000000x64xf32, #tpu.memory_space<hbm>>
        tpu.enqueue_indirect_dma source(%dma_start3A_3091 : memref<1000000x64xf32, #tpu.memory_space<hbm>>) target(%dma_start3A_3086 : memref<32x64xf32, #tpu.memory_space<vmem>>) offsets(%dma_start3A_3088 : memref<32xi32, #tpu.memory_space<vmem>>) semaphore(%arg24 : memref<!tpu.dma_semaphore, #tpu.memory_space<semaphore_mem>>)
        %dma_start3A_3092 = arith.constant 18 : i32
        %dma_start3A_3093 = arith.constant 18 : i32
        %dma_start3A_3094 = arith.constant 0 : i32
        %dma_start3A_3095 = arith.constant 0 : i32
        %dma_start3A_3096 = tpu.memref_slice %arg17[%dma_start3A_3093, %dma_start3A_3094, %dma_start3A_3095] : memref<20x32x64xf32, #tpu.memory_space<vmem>> -> memref<1x32x64xf32, #tpu.memory_space<vmem>>
        %dma_start3A_3097 = tpu.memref_squeeze %dma_start3A_3096 : memref<1x32x64xf32, #tpu.memory_space<vmem>> -> memref<32x64xf32, #tpu.memory_space<vmem>>
        %dma_start3A_3098 = tpu.memref_slice %arg13[%dma_start3A_3092, %multiple_of3A_2881] : memref<20x512xi32, #tpu.memory_space<vmem>> -> memref<1x32xi32, #tpu.memory_space<vmem>>
        %dma_start3A_3099 = tpu.memref_squeeze %dma_start3A_3098 : memref<1x32xi32, #tpu.memory_space<vmem>> -> memref<32xi32, #tpu.memory_space<vmem>>
        %dma_start3A_3100 = arith.constant 0 : i32
        %dma_start3A_3101 = arith.constant 0 : i32
        %dma_start3A_3102 = tpu.memref_slice %arg7[%dma_start3A_3100, %dma_start3A_3101] : memref<1000000x64xf32, #tpu.memory_space<hbm>> -> memref<1000000x64xf32, #tpu.memory_space<hbm>>
        tpu.enqueue_indirect_dma source(%dma_start3A_3102 : memref<1000000x64xf32, #tpu.memory_space<hbm>>) target(%dma_start3A_3097 : memref<32x64xf32, #tpu.memory_space<vmem>>) offsets(%dma_start3A_3099 : memref<32xi32, #tpu.memory_space<vmem>>) semaphore(%arg24 : memref<!tpu.dma_semaphore, #tpu.memory_space<semaphore_mem>>)
        %dma_start3A_3103 = arith.constant 19 : i32
        %dma_start3A_3104 = arith.constant 19 : i32
        %dma_start3A_3105 = arith.constant 0 : i32
        %dma_start3A_3106 = arith.constant 0 : i32
        %dma_start3A_3107 = tpu.memref_slice %arg17[%dma_start3A_3104, %dma_start3A_3105, %dma_start3A_3106] : memref<20x32x64xf32, #tpu.memory_space<vmem>> -> memref<1x32x64xf32, #tpu.memory_space<vmem>>
        %dma_start3A_3108 = tpu.memref_squeeze %dma_start3A_3107 : memref<1x32x64xf32, #tpu.memory_space<vmem>> -> memref<32x64xf32, #tpu.memory_space<vmem>>
        %dma_start3A_3109 = tpu.memref_slice %arg13[%dma_start3A_3103, %multiple_of3A_2881] : memref<20x512xi32, #tpu.memory_space<vmem>> -> memref<1x32xi32, #tpu.memory_space<vmem>>
        %dma_start3A_3110 = tpu.memref_squeeze %dma_start3A_3109 : memref<1x32xi32, #tpu.memory_space<vmem>> -> memref<32xi32, #tpu.memory_space<vmem>>
        %dma_start3A_3111 = arith.constant 0 : i32
        %dma_start3A_3112 = arith.constant 0 : i32
        %dma_start3A_3113 = tpu.memref_slice %arg7[%dma_start3A_3111, %dma_start3A_3112] : memref<1000000x64xf32, #tpu.memory_space<hbm>> -> memref<1000000x64xf32, #tpu.memory_space<hbm>>
        tpu.enqueue_indirect_dma source(%dma_start3A_3113 : memref<1000000x64xf32, #tpu.memory_space<hbm>>) target(%dma_start3A_3108 : memref<32x64xf32, #tpu.memory_space<vmem>>) offsets(%dma_start3A_3110 : memref<32xi32, #tpu.memory_space<vmem>>) semaphore(%arg24 : memref<!tpu.dma_semaphore, #tpu.memory_space<semaphore_mem>>)
      } else {
      }
      %add3A_1687 = arith.constant 1 : i32
      %add3A_1688 = arith.addi %mul3A_271, %add3A_1687 : i32
      %mul3A_1689 = arith.constant 32 : i32
      %mul3A_1690 = arith.muli %add3A_1688, %mul3A_1689 : i32
      %multiple_of3A_1691 = tpu.assume_multiple %mul3A_1690, 32 : i32
      %dma_wait3A_1692 = tpu.memref_slice %arg10[%multiple_of3A_1691] : memref<512xi32, #tpu.memory_space<vmem>> -> memref<32xi32, #tpu.memory_space<vmem>>
      %dma_wait3A_1693 = arith.constant 0 : i32
      %dma_wait3A_1694 = arith.constant 0 : i32
      %dma_wait3A_1695 = tpu.memref_slice %arg6[%dma_wait3A_1693, %dma_wait3A_1694] : memref<1000000x64xf32, #tpu.memory_space<hbm>> -> memref<1000000x64xf32, #tpu.memory_space<hbm>>
      tpu.wait_indirect_dma semaphore(%arg25 : memref<!tpu.dma_semaphore, #tpu.memory_space<semaphore_mem>>) src(%dma_wait3A_1695 : memref<1000000x64xf32, #tpu.memory_space<hbm>>) dst(%arg18 : memref<32x64xf32, #tpu.memory_space<vmem>>)
      %dma_wait3A_1696 = tpu.memref_slice %arg11[%multiple_of3A_1691] : memref<512xi32, #tpu.memory_space<vmem>> -> memref<32xi32, #tpu.memory_space<vmem>>
      %dma_wait3A_1697 = arith.constant 0 : i32
      %dma_wait3A_1698 = arith.constant 0 : i32
      %dma_wait3A_1699 = tpu.memref_slice %arg6[%dma_wait3A_1697, %dma_wait3A_1698] : memref<1000000x64xf32, #tpu.memory_space<hbm>> -> memref<1000000x64xf32, #tpu.memory_space<hbm>>
      tpu.wait_indirect_dma semaphore(%arg25 : memref<!tpu.dma_semaphore, #tpu.memory_space<semaphore_mem>>) src(%dma_wait3A_1699 : memref<1000000x64xf32, #tpu.memory_space<hbm>>) dst(%arg19 : memref<32x64xf32, #tpu.memory_space<vmem>>)
      %dma_wait3A_1700 = tpu.memref_slice %arg11[%multiple_of3A_1691] : memref<512xi32, #tpu.memory_space<vmem>> -> memref<32xi32, #tpu.memory_space<vmem>>
      %dma_wait3A_1701 = arith.constant 0 : i32
      %dma_wait3A_1702 = arith.constant 0 : i32
      %dma_wait3A_1703 = tpu.memref_slice %arg7[%dma_wait3A_1701, %dma_wait3A_1702] : memref<1000000x64xf32, #tpu.memory_space<hbm>> -> memref<1000000x64xf32, #tpu.memory_space<hbm>>
      tpu.wait_indirect_dma semaphore(%arg25 : memref<!tpu.dma_semaphore, #tpu.memory_space<semaphore_mem>>) src(%dma_wait3A_1703 : memref<1000000x64xf32, #tpu.memory_space<hbm>>) dst(%arg20 : memref<32x64xf32, #tpu.memory_space<vmem>>)
      %dma_wait3A_1704 = arith.constant 0 : i32
      %dma_wait3A_1705 = arith.constant 0 : i32
      %dma_wait3A_1706 = arith.constant 0 : i32
      %dma_wait3A_1707 = arith.constant 0 : i32
      %dma_wait3A_1708 = tpu.memref_slice %arg21[%dma_wait3A_1705, %dma_wait3A_1706, %dma_wait3A_1707] : memref<20x32x64xf32, #tpu.memory_space<vmem>> -> memref<1x32x64xf32, #tpu.memory_space<vmem>>
      %dma_wait3A_1709 = tpu.memref_squeeze %dma_wait3A_1708 : memref<1x32x64xf32, #tpu.memory_space<vmem>> -> memref<32x64xf32, #tpu.memory_space<vmem>>
      %dma_wait3A_1710 = tpu.memref_slice %arg13[%dma_wait3A_1704, %multiple_of3A_1691] : memref<20x512xi32, #tpu.memory_space<vmem>> -> memref<1x32xi32, #tpu.memory_space<vmem>>
      %dma_wait3A_1711 = tpu.memref_squeeze %dma_wait3A_1710 : memref<1x32xi32, #tpu.memory_space<vmem>> -> memref<32xi32, #tpu.memory_space<vmem>>
      %dma_wait3A_1712 = arith.constant 0 : i32
      %dma_wait3A_1713 = arith.constant 0 : i32
      %dma_wait3A_1714 = tpu.memref_slice %arg7[%dma_wait3A_1712, %dma_wait3A_1713] : memref<1000000x64xf32, #tpu.memory_space<hbm>> -> memref<1000000x64xf32, #tpu.memory_space<hbm>>
      tpu.wait_indirect_dma semaphore(%arg25 : memref<!tpu.dma_semaphore, #tpu.memory_space<semaphore_mem>>) src(%dma_wait3A_1714 : memref<1000000x64xf32, #tpu.memory_space<hbm>>) dst(%dma_wait3A_1709 : memref<32x64xf32, #tpu.memory_space<vmem>>)
      %dma_wait3A_1715 = arith.constant 1 : i32
      %dma_wait3A_1716 = arith.constant 1 : i32
      %dma_wait3A_1717 = arith.constant 0 : i32
      %dma_wait3A_1718 = arith.constant 0 : i32
      %dma_wait3A_1719 = tpu.memref_slice %arg21[%dma_wait3A_1716, %dma_wait3A_1717, %dma_wait3A_1718] : memref<20x32x64xf32, #tpu.memory_space<vmem>> -> memref<1x32x64xf32, #tpu.memory_space<vmem>>
      %dma_wait3A_1720 = tpu.memref_squeeze %dma_wait3A_1719 : memref<1x32x64xf32, #tpu.memory_space<vmem>> -> memref<32x64xf32, #tpu.memory_space<vmem>>
      %dma_wait3A_1721 = tpu.memref_slice %arg13[%dma_wait3A_1715, %multiple_of3A_1691] : memref<20x512xi32, #tpu.memory_space<vmem>> -> memref<1x32xi32, #tpu.memory_space<vmem>>
      %dma_wait3A_1722 = tpu.memref_squeeze %dma_wait3A_1721 : memref<1x32xi32, #tpu.memory_space<vmem>> -> memref<32xi32, #tpu.memory_space<vmem>>
      %dma_wait3A_1723 = arith.constant 0 : i32
      %dma_wait3A_1724 = arith.constant 0 : i32
      %dma_wait3A_1725 = tpu.memref_slice %arg7[%dma_wait3A_1723, %dma_wait3A_1724] : memref<1000000x64xf32, #tpu.memory_space<hbm>> -> memref<1000000x64xf32, #tpu.memory_space<hbm>>
      tpu.wait_indirect_dma semaphore(%arg25 : memref<!tpu.dma_semaphore, #tpu.memory_space<semaphore_mem>>) src(%dma_wait3A_1725 : memref<1000000x64xf32, #tpu.memory_space<hbm>>) dst(%dma_wait3A_1720 : memref<32x64xf32, #tpu.memory_space<vmem>>)
      %dma_wait3A_1726 = arith.constant 2 : i32
      %dma_wait3A_1727 = arith.constant 2 : i32
      %dma_wait3A_1728 = arith.constant 0 : i32
      %dma_wait3A_1729 = arith.constant 0 : i32
      %dma_wait3A_1730 = tpu.memref_slice %arg21[%dma_wait3A_1727, %dma_wait3A_1728, %dma_wait3A_1729] : memref<20x32x64xf32, #tpu.memory_space<vmem>> -> memref<1x32x64xf32, #tpu.memory_space<vmem>>
      %dma_wait3A_1731 = tpu.memref_squeeze %dma_wait3A_1730 : memref<1x32x64xf32, #tpu.memory_space<vmem>> -> memref<32x64xf32, #tpu.memory_space<vmem>>
      %dma_wait3A_1732 = tpu.memref_slice %arg13[%dma_wait3A_1726, %multiple_of3A_1691] : memref<20x512xi32, #tpu.memory_space<vmem>> -> memref<1x32xi32, #tpu.memory_space<vmem>>
      %dma_wait3A_1733 = tpu.memref_squeeze %dma_wait3A_1732 : memref<1x32xi32, #tpu.memory_space<vmem>> -> memref<32xi32, #tpu.memory_space<vmem>>
      %dma_wait3A_1734 = arith.constant 0 : i32
      %dma_wait3A_1735 = arith.constant 0 : i32
      %dma_wait3A_1736 = tpu.memref_slice %arg7[%dma_wait3A_1734, %dma_wait3A_1735] : memref<1000000x64xf32, #tpu.memory_space<hbm>> -> memref<1000000x64xf32, #tpu.memory_space<hbm>>
      tpu.wait_indirect_dma semaphore(%arg25 : memref<!tpu.dma_semaphore, #tpu.memory_space<semaphore_mem>>) src(%dma_wait3A_1736 : memref<1000000x64xf32, #tpu.memory_space<hbm>>) dst(%dma_wait3A_1731 : memref<32x64xf32, #tpu.memory_space<vmem>>)
      %dma_wait3A_1737 = arith.constant 3 : i32
      %dma_wait3A_1738 = arith.constant 3 : i32
      %dma_wait3A_1739 = arith.constant 0 : i32
      %dma_wait3A_1740 = arith.constant 0 : i32
      %dma_wait3A_1741 = tpu.memref_slice %arg21[%dma_wait3A_1738, %dma_wait3A_1739, %dma_wait3A_1740] : memref<20x32x64xf32, #tpu.memory_space<vmem>> -> memref<1x32x64xf32, #tpu.memory_space<vmem>>
      %dma_wait3A_1742 = tpu.memref_squeeze %dma_wait3A_1741 : memref<1x32x64xf32, #tpu.memory_space<vmem>> -> memref<32x64xf32, #tpu.memory_space<vmem>>
      %dma_wait3A_1743 = tpu.memref_slice %arg13[%dma_wait3A_1737, %multiple_of3A_1691] : memref<20x512xi32, #tpu.memory_space<vmem>> -> memref<1x32xi32, #tpu.memory_space<vmem>>
      %dma_wait3A_1744 = tpu.memref_squeeze %dma_wait3A_1743 : memref<1x32xi32, #tpu.memory_space<vmem>> -> memref<32xi32, #tpu.memory_space<vmem>>
      %dma_wait3A_1745 = arith.constant 0 : i32
      %dma_wait3A_1746 = arith.constant 0 : i32
      %dma_wait3A_1747 = tpu.memref_slice %arg7[%dma_wait3A_1745, %dma_wait3A_1746] : memref<1000000x64xf32, #tpu.memory_space<hbm>> -> memref<1000000x64xf32, #tpu.memory_space<hbm>>
      tpu.wait_indirect_dma semaphore(%arg25 : memref<!tpu.dma_semaphore, #tpu.memory_space<semaphore_mem>>) src(%dma_wait3A_1747 : memref<1000000x64xf32, #tpu.memory_space<hbm>>) dst(%dma_wait3A_1742 : memref<32x64xf32, #tpu.memory_space<vmem>>)
      %dma_wait3A_1748 = arith.constant 4 : i32
      %dma_wait3A_1749 = arith.constant 4 : i32
      %dma_wait3A_1750 = arith.constant 0 : i32
      %dma_wait3A_1751 = arith.constant 0 : i32
      %dma_wait3A_1752 = tpu.memref_slice %arg21[%dma_wait3A_1749, %dma_wait3A_1750, %dma_wait3A_1751] : memref<20x32x64xf32, #tpu.memory_space<vmem>> -> memref<1x32x64xf32, #tpu.memory_space<vmem>>
      %dma_wait3A_1753 = tpu.memref_squeeze %dma_wait3A_1752 : memref<1x32x64xf32, #tpu.memory_space<vmem>> -> memref<32x64xf32, #tpu.memory_space<vmem>>
      %dma_wait3A_1754 = tpu.memref_slice %arg13[%dma_wait3A_1748, %multiple_of3A_1691] : memref<20x512xi32, #tpu.memory_space<vmem>> -> memref<1x32xi32, #tpu.memory_space<vmem>>
      %dma_wait3A_1755 = tpu.memref_squeeze %dma_wait3A_1754 : memref<1x32xi32, #tpu.memory_space<vmem>> -> memref<32xi32, #tpu.memory_space<vmem>>
      %dma_wait3A_1756 = arith.constant 0 : i32
      %dma_wait3A_1757 = arith.constant 0 : i32
      %dma_wait3A_1758 = tpu.memref_slice %arg7[%dma_wait3A_1756, %dma_wait3A_1757] : memref<1000000x64xf32, #tpu.memory_space<hbm>> -> memref<1000000x64xf32, #tpu.memory_space<hbm>>
      tpu.wait_indirect_dma semaphore(%arg25 : memref<!tpu.dma_semaphore, #tpu.memory_space<semaphore_mem>>) src(%dma_wait3A_1758 : memref<1000000x64xf32, #tpu.memory_space<hbm>>) dst(%dma_wait3A_1753 : memref<32x64xf32, #tpu.memory_space<vmem>>)
      %dma_wait3A_1759 = arith.constant 5 : i32
      %dma_wait3A_1760 = arith.constant 5 : i32
      %dma_wait3A_1761 = arith.constant 0 : i32
      %dma_wait3A_1762 = arith.constant 0 : i32
      %dma_wait3A_1763 = tpu.memref_slice %arg21[%dma_wait3A_1760, %dma_wait3A_1761, %dma_wait3A_1762] : memref<20x32x64xf32, #tpu.memory_space<vmem>> -> memref<1x32x64xf32, #tpu.memory_space<vmem>>
      %dma_wait3A_1764 = tpu.memref_squeeze %dma_wait3A_1763 : memref<1x32x64xf32, #tpu.memory_space<vmem>> -> memref<32x64xf32, #tpu.memory_space<vmem>>
      %dma_wait3A_1765 = tpu.memref_slice %arg13[%dma_wait3A_1759, %multiple_of3A_1691] : memref<20x512xi32, #tpu.memory_space<vmem>> -> memref<1x32xi32, #tpu.memory_space<vmem>>
      %dma_wait3A_1766 = tpu.memref_squeeze %dma_wait3A_1765 : memref<1x32xi32, #tpu.memory_space<vmem>> -> memref<32xi32, #tpu.memory_space<vmem>>
      %dma_wait3A_1767 = arith.constant 0 : i32
      %dma_wait3A_1768 = arith.constant 0 : i32
      %dma_wait3A_1769 = tpu.memref_slice %arg7[%dma_wait3A_1767, %dma_wait3A_1768] : memref<1000000x64xf32, #tpu.memory_space<hbm>> -> memref<1000000x64xf32, #tpu.memory_space<hbm>>
      tpu.wait_indirect_dma semaphore(%arg25 : memref<!tpu.dma_semaphore, #tpu.memory_space<semaphore_mem>>) src(%dma_wait3A_1769 : memref<1000000x64xf32, #tpu.memory_space<hbm>>) dst(%dma_wait3A_1764 : memref<32x64xf32, #tpu.memory_space<vmem>>)
      %dma_wait3A_1770 = arith.constant 6 : i32
      %dma_wait3A_1771 = arith.constant 6 : i32
      %dma_wait3A_1772 = arith.constant 0 : i32
      %dma_wait3A_1773 = arith.constant 0 : i32
      %dma_wait3A_1774 = tpu.memref_slice %arg21[%dma_wait3A_1771, %dma_wait3A_1772, %dma_wait3A_1773] : memref<20x32x64xf32, #tpu.memory_space<vmem>> -> memref<1x32x64xf32, #tpu.memory_space<vmem>>
      %dma_wait3A_1775 = tpu.memref_squeeze %dma_wait3A_1774 : memref<1x32x64xf32, #tpu.memory_space<vmem>> -> memref<32x64xf32, #tpu.memory_space<vmem>>
      %dma_wait3A_1776 = tpu.memref_slice %arg13[%dma_wait3A_1770, %multiple_of3A_1691] : memref<20x512xi32, #tpu.memory_space<vmem>> -> memref<1x32xi32, #tpu.memory_space<vmem>>
      %dma_wait3A_1777 = tpu.memref_squeeze %dma_wait3A_1776 : memref<1x32xi32, #tpu.memory_space<vmem>> -> memref<32xi32, #tpu.memory_space<vmem>>
      %dma_wait3A_1778 = arith.constant 0 : i32
      %dma_wait3A_1779 = arith.constant 0 : i32
      %dma_wait3A_1780 = tpu.memref_slice %arg7[%dma_wait3A_1778, %dma_wait3A_1779] : memref<1000000x64xf32, #tpu.memory_space<hbm>> -> memref<1000000x64xf32, #tpu.memory_space<hbm>>
      tpu.wait_indirect_dma semaphore(%arg25 : memref<!tpu.dma_semaphore, #tpu.memory_space<semaphore_mem>>) src(%dma_wait3A_1780 : memref<1000000x64xf32, #tpu.memory_space<hbm>>) dst(%dma_wait3A_1775 : memref<32x64xf32, #tpu.memory_space<vmem>>)
      %dma_wait3A_1781 = arith.constant 7 : i32
      %dma_wait3A_1782 = arith.constant 7 : i32
      %dma_wait3A_1783 = arith.constant 0 : i32
      %dma_wait3A_1784 = arith.constant 0 : i32
      %dma_wait3A_1785 = tpu.memref_slice %arg21[%dma_wait3A_1782, %dma_wait3A_1783, %dma_wait3A_1784] : memref<20x32x64xf32, #tpu.memory_space<vmem>> -> memref<1x32x64xf32, #tpu.memory_space<vmem>>
      %dma_wait3A_1786 = tpu.memref_squeeze %dma_wait3A_1785 : memref<1x32x64xf32, #tpu.memory_space<vmem>> -> memref<32x64xf32, #tpu.memory_space<vmem>>
      %dma_wait3A_1787 = tpu.memref_slice %arg13[%dma_wait3A_1781, %multiple_of3A_1691] : memref<20x512xi32, #tpu.memory_space<vmem>> -> memref<1x32xi32, #tpu.memory_space<vmem>>
      %dma_wait3A_1788 = tpu.memref_squeeze %dma_wait3A_1787 : memref<1x32xi32, #tpu.memory_space<vmem>> -> memref<32xi32, #tpu.memory_space<vmem>>
      %dma_wait3A_1789 = arith.constant 0 : i32
      %dma_wait3A_1790 = arith.constant 0 : i32
      %dma_wait3A_1791 = tpu.memref_slice %arg7[%dma_wait3A_1789, %dma_wait3A_1790] : memref<1000000x64xf32, #tpu.memory_space<hbm>> -> memref<1000000x64xf32, #tpu.memory_space<hbm>>
      tpu.wait_indirect_dma semaphore(%arg25 : memref<!tpu.dma_semaphore, #tpu.memory_space<semaphore_mem>>) src(%dma_wait3A_1791 : memref<1000000x64xf32, #tpu.memory_space<hbm>>) dst(%dma_wait3A_1786 : memref<32x64xf32, #tpu.memory_space<vmem>>)
      %dma_wait3A_1792 = arith.constant 8 : i32
      %dma_wait3A_1793 = arith.constant 8 : i32
      %dma_wait3A_1794 = arith.constant 0 : i32
      %dma_wait3A_1795 = arith.constant 0 : i32
      %dma_wait3A_1796 = tpu.memref_slice %arg21[%dma_wait3A_1793, %dma_wait3A_1794, %dma_wait3A_1795] : memref<20x32x64xf32, #tpu.memory_space<vmem>> -> memref<1x32x64xf32, #tpu.memory_space<vmem>>
      %dma_wait3A_1797 = tpu.memref_squeeze %dma_wait3A_1796 : memref<1x32x64xf32, #tpu.memory_space<vmem>> -> memref<32x64xf32, #tpu.memory_space<vmem>>
      %dma_wait3A_1798 = tpu.memref_slice %arg13[%dma_wait3A_1792, %multiple_of3A_1691] : memref<20x512xi32, #tpu.memory_space<vmem>> -> memref<1x32xi32, #tpu.memory_space<vmem>>
      %dma_wait3A_1799 = tpu.memref_squeeze %dma_wait3A_1798 : memref<1x32xi32, #tpu.memory_space<vmem>> -> memref<32xi32, #tpu.memory_space<vmem>>
      %dma_wait3A_1800 = arith.constant 0 : i32
      %dma_wait3A_1801 = arith.constant 0 : i32
      %dma_wait3A_1802 = tpu.memref_slice %arg7[%dma_wait3A_1800, %dma_wait3A_1801] : memref<1000000x64xf32, #tpu.memory_space<hbm>> -> memref<1000000x64xf32, #tpu.memory_space<hbm>>
      tpu.wait_indirect_dma semaphore(%arg25 : memref<!tpu.dma_semaphore, #tpu.memory_space<semaphore_mem>>) src(%dma_wait3A_1802 : memref<1000000x64xf32, #tpu.memory_space<hbm>>) dst(%dma_wait3A_1797 : memref<32x64xf32, #tpu.memory_space<vmem>>)
      %dma_wait3A_1803 = arith.constant 9 : i32
      %dma_wait3A_1804 = arith.constant 9 : i32
      %dma_wait3A_1805 = arith.constant 0 : i32
      %dma_wait3A_1806 = arith.constant 0 : i32
      %dma_wait3A_1807 = tpu.memref_slice %arg21[%dma_wait3A_1804, %dma_wait3A_1805, %dma_wait3A_1806] : memref<20x32x64xf32, #tpu.memory_space<vmem>> -> memref<1x32x64xf32, #tpu.memory_space<vmem>>
      %dma_wait3A_1808 = tpu.memref_squeeze %dma_wait3A_1807 : memref<1x32x64xf32, #tpu.memory_space<vmem>> -> memref<32x64xf32, #tpu.memory_space<vmem>>
      %dma_wait3A_1809 = tpu.memref_slice %arg13[%dma_wait3A_1803, %multiple_of3A_1691] : memref<20x512xi32, #tpu.memory_space<vmem>> -> memref<1x32xi32, #tpu.memory_space<vmem>>
      %dma_wait3A_1810 = tpu.memref_squeeze %dma_wait3A_1809 : memref<1x32xi32, #tpu.memory_space<vmem>> -> memref<32xi32, #tpu.memory_space<vmem>>
      %dma_wait3A_1811 = arith.constant 0 : i32
      %dma_wait3A_1812 = arith.constant 0 : i32
      %dma_wait3A_1813 = tpu.memref_slice %arg7[%dma_wait3A_1811, %dma_wait3A_1812] : memref<1000000x64xf32, #tpu.memory_space<hbm>> -> memref<1000000x64xf32, #tpu.memory_space<hbm>>
      tpu.wait_indirect_dma semaphore(%arg25 : memref<!tpu.dma_semaphore, #tpu.memory_space<semaphore_mem>>) src(%dma_wait3A_1813 : memref<1000000x64xf32, #tpu.memory_space<hbm>>) dst(%dma_wait3A_1808 : memref<32x64xf32, #tpu.memory_space<vmem>>)
      %dma_wait3A_1814 = arith.constant 10 : i32
      %dma_wait3A_1815 = arith.constant 10 : i32
      %dma_wait3A_1816 = arith.constant 0 : i32
      %dma_wait3A_1817 = arith.constant 0 : i32
      %dma_wait3A_1818 = tpu.memref_slice %arg21[%dma_wait3A_1815, %dma_wait3A_1816, %dma_wait3A_1817] : memref<20x32x64xf32, #tpu.memory_space<vmem>> -> memref<1x32x64xf32, #tpu.memory_space<vmem>>
      %dma_wait3A_1819 = tpu.memref_squeeze %dma_wait3A_1818 : memref<1x32x64xf32, #tpu.memory_space<vmem>> -> memref<32x64xf32, #tpu.memory_space<vmem>>
      %dma_wait3A_1820 = tpu.memref_slice %arg13[%dma_wait3A_1814, %multiple_of3A_1691] : memref<20x512xi32, #tpu.memory_space<vmem>> -> memref<1x32xi32, #tpu.memory_space<vmem>>
      %dma_wait3A_1821 = tpu.memref_squeeze %dma_wait3A_1820 : memref<1x32xi32, #tpu.memory_space<vmem>> -> memref<32xi32, #tpu.memory_space<vmem>>
      %dma_wait3A_1822 = arith.constant 0 : i32
      %dma_wait3A_1823 = arith.constant 0 : i32
      %dma_wait3A_1824 = tpu.memref_slice %arg7[%dma_wait3A_1822, %dma_wait3A_1823] : memref<1000000x64xf32, #tpu.memory_space<hbm>> -> memref<1000000x64xf32, #tpu.memory_space<hbm>>
      tpu.wait_indirect_dma semaphore(%arg25 : memref<!tpu.dma_semaphore, #tpu.memory_space<semaphore_mem>>) src(%dma_wait3A_1824 : memref<1000000x64xf32, #tpu.memory_space<hbm>>) dst(%dma_wait3A_1819 : memref<32x64xf32, #tpu.memory_space<vmem>>)
      %dma_wait3A_1825 = arith.constant 11 : i32
      %dma_wait3A_1826 = arith.constant 11 : i32
      %dma_wait3A_1827 = arith.constant 0 : i32
      %dma_wait3A_1828 = arith.constant 0 : i32
      %dma_wait3A_1829 = tpu.memref_slice %arg21[%dma_wait3A_1826, %dma_wait3A_1827, %dma_wait3A_1828] : memref<20x32x64xf32, #tpu.memory_space<vmem>> -> memref<1x32x64xf32, #tpu.memory_space<vmem>>
      %dma_wait3A_1830 = tpu.memref_squeeze %dma_wait3A_1829 : memref<1x32x64xf32, #tpu.memory_space<vmem>> -> memref<32x64xf32, #tpu.memory_space<vmem>>
      %dma_wait3A_1831 = tpu.memref_slice %arg13[%dma_wait3A_1825, %multiple_of3A_1691] : memref<20x512xi32, #tpu.memory_space<vmem>> -> memref<1x32xi32, #tpu.memory_space<vmem>>
      %dma_wait3A_1832 = tpu.memref_squeeze %dma_wait3A_1831 : memref<1x32xi32, #tpu.memory_space<vmem>> -> memref<32xi32, #tpu.memory_space<vmem>>
      %dma_wait3A_1833 = arith.constant 0 : i32
      %dma_wait3A_1834 = arith.constant 0 : i32
      %dma_wait3A_1835 = tpu.memref_slice %arg7[%dma_wait3A_1833, %dma_wait3A_1834] : memref<1000000x64xf32, #tpu.memory_space<hbm>> -> memref<1000000x64xf32, #tpu.memory_space<hbm>>
      tpu.wait_indirect_dma semaphore(%arg25 : memref<!tpu.dma_semaphore, #tpu.memory_space<semaphore_mem>>) src(%dma_wait3A_1835 : memref<1000000x64xf32, #tpu.memory_space<hbm>>) dst(%dma_wait3A_1830 : memref<32x64xf32, #tpu.memory_space<vmem>>)
      %dma_wait3A_1836 = arith.constant 12 : i32
      %dma_wait3A_1837 = arith.constant 12 : i32
      %dma_wait3A_1838 = arith.constant 0 : i32
      %dma_wait3A_1839 = arith.constant 0 : i32
      %dma_wait3A_1840 = tpu.memref_slice %arg21[%dma_wait3A_1837, %dma_wait3A_1838, %dma_wait3A_1839] : memref<20x32x64xf32, #tpu.memory_space<vmem>> -> memref<1x32x64xf32, #tpu.memory_space<vmem>>
      %dma_wait3A_1841 = tpu.memref_squeeze %dma_wait3A_1840 : memref<1x32x64xf32, #tpu.memory_space<vmem>> -> memref<32x64xf32, #tpu.memory_space<vmem>>
      %dma_wait3A_1842 = tpu.memref_slice %arg13[%dma_wait3A_1836, %multiple_of3A_1691] : memref<20x512xi32, #tpu.memory_space<vmem>> -> memref<1x32xi32, #tpu.memory_space<vmem>>
      %dma_wait3A_1843 = tpu.memref_squeeze %dma_wait3A_1842 : memref<1x32xi32, #tpu.memory_space<vmem>> -> memref<32xi32, #tpu.memory_space<vmem>>
      %dma_wait3A_1844 = arith.constant 0 : i32
      %dma_wait3A_1845 = arith.constant 0 : i32
      %dma_wait3A_1846 = tpu.memref_slice %arg7[%dma_wait3A_1844, %dma_wait3A_1845] : memref<1000000x64xf32, #tpu.memory_space<hbm>> -> memref<1000000x64xf32, #tpu.memory_space<hbm>>
      tpu.wait_indirect_dma semaphore(%arg25 : memref<!tpu.dma_semaphore, #tpu.memory_space<semaphore_mem>>) src(%dma_wait3A_1846 : memref<1000000x64xf32, #tpu.memory_space<hbm>>) dst(%dma_wait3A_1841 : memref<32x64xf32, #tpu.memory_space<vmem>>)
      %dma_wait3A_1847 = arith.constant 13 : i32
      %dma_wait3A_1848 = arith.constant 13 : i32
      %dma_wait3A_1849 = arith.constant 0 : i32
      %dma_wait3A_1850 = arith.constant 0 : i32
      %dma_wait3A_1851 = tpu.memref_slice %arg21[%dma_wait3A_1848, %dma_wait3A_1849, %dma_wait3A_1850] : memref<20x32x64xf32, #tpu.memory_space<vmem>> -> memref<1x32x64xf32, #tpu.memory_space<vmem>>
      %dma_wait3A_1852 = tpu.memref_squeeze %dma_wait3A_1851 : memref<1x32x64xf32, #tpu.memory_space<vmem>> -> memref<32x64xf32, #tpu.memory_space<vmem>>
      %dma_wait3A_1853 = tpu.memref_slice %arg13[%dma_wait3A_1847, %multiple_of3A_1691] : memref<20x512xi32, #tpu.memory_space<vmem>> -> memref<1x32xi32, #tpu.memory_space<vmem>>
      %dma_wait3A_1854 = tpu.memref_squeeze %dma_wait3A_1853 : memref<1x32xi32, #tpu.memory_space<vmem>> -> memref<32xi32, #tpu.memory_space<vmem>>
      %dma_wait3A_1855 = arith.constant 0 : i32
      %dma_wait3A_1856 = arith.constant 0 : i32
      %dma_wait3A_1857 = tpu.memref_slice %arg7[%dma_wait3A_1855, %dma_wait3A_1856] : memref<1000000x64xf32, #tpu.memory_space<hbm>> -> memref<1000000x64xf32, #tpu.memory_space<hbm>>
      tpu.wait_indirect_dma semaphore(%arg25 : memref<!tpu.dma_semaphore, #tpu.memory_space<semaphore_mem>>) src(%dma_wait3A_1857 : memref<1000000x64xf32, #tpu.memory_space<hbm>>) dst(%dma_wait3A_1852 : memref<32x64xf32, #tpu.memory_space<vmem>>)
      %dma_wait3A_1858 = arith.constant 14 : i32
      %dma_wait3A_1859 = arith.constant 14 : i32
      %dma_wait3A_1860 = arith.constant 0 : i32
      %dma_wait3A_1861 = arith.constant 0 : i32
      %dma_wait3A_1862 = tpu.memref_slice %arg21[%dma_wait3A_1859, %dma_wait3A_1860, %dma_wait3A_1861] : memref<20x32x64xf32, #tpu.memory_space<vmem>> -> memref<1x32x64xf32, #tpu.memory_space<vmem>>
      %dma_wait3A_1863 = tpu.memref_squeeze %dma_wait3A_1862 : memref<1x32x64xf32, #tpu.memory_space<vmem>> -> memref<32x64xf32, #tpu.memory_space<vmem>>
      %dma_wait3A_1864 = tpu.memref_slice %arg13[%dma_wait3A_1858, %multiple_of3A_1691] : memref<20x512xi32, #tpu.memory_space<vmem>> -> memref<1x32xi32, #tpu.memory_space<vmem>>
      %dma_wait3A_1865 = tpu.memref_squeeze %dma_wait3A_1864 : memref<1x32xi32, #tpu.memory_space<vmem>> -> memref<32xi32, #tpu.memory_space<vmem>>
      %dma_wait3A_1866 = arith.constant 0 : i32
      %dma_wait3A_1867 = arith.constant 0 : i32
      %dma_wait3A_1868 = tpu.memref_slice %arg7[%dma_wait3A_1866, %dma_wait3A_1867] : memref<1000000x64xf32, #tpu.memory_space<hbm>> -> memref<1000000x64xf32, #tpu.memory_space<hbm>>
      tpu.wait_indirect_dma semaphore(%arg25 : memref<!tpu.dma_semaphore, #tpu.memory_space<semaphore_mem>>) src(%dma_wait3A_1868 : memref<1000000x64xf32, #tpu.memory_space<hbm>>) dst(%dma_wait3A_1863 : memref<32x64xf32, #tpu.memory_space<vmem>>)
      %dma_wait3A_1869 = arith.constant 15 : i32
      %dma_wait3A_1870 = arith.constant 15 : i32
      %dma_wait3A_1871 = arith.constant 0 : i32
      %dma_wait3A_1872 = arith.constant 0 : i32
      %dma_wait3A_1873 = tpu.memref_slice %arg21[%dma_wait3A_1870, %dma_wait3A_1871, %dma_wait3A_1872] : memref<20x32x64xf32, #tpu.memory_space<vmem>> -> memref<1x32x64xf32, #tpu.memory_space<vmem>>
      %dma_wait3A_1874 = tpu.memref_squeeze %dma_wait3A_1873 : memref<1x32x64xf32, #tpu.memory_space<vmem>> -> memref<32x64xf32, #tpu.memory_space<vmem>>
      %dma_wait3A_1875 = tpu.memref_slice %arg13[%dma_wait3A_1869, %multiple_of3A_1691] : memref<20x512xi32, #tpu.memory_space<vmem>> -> memref<1x32xi32, #tpu.memory_space<vmem>>
      %dma_wait3A_1876 = tpu.memref_squeeze %dma_wait3A_1875 : memref<1x32xi32, #tpu.memory_space<vmem>> -> memref<32xi32, #tpu.memory_space<vmem>>
      %dma_wait3A_1877 = arith.constant 0 : i32
      %dma_wait3A_1878 = arith.constant 0 : i32
      %dma_wait3A_1879 = tpu.memref_slice %arg7[%dma_wait3A_1877, %dma_wait3A_1878] : memref<1000000x64xf32, #tpu.memory_space<hbm>> -> memref<1000000x64xf32, #tpu.memory_space<hbm>>
      tpu.wait_indirect_dma semaphore(%arg25 : memref<!tpu.dma_semaphore, #tpu.memory_space<semaphore_mem>>) src(%dma_wait3A_1879 : memref<1000000x64xf32, #tpu.memory_space<hbm>>) dst(%dma_wait3A_1874 : memref<32x64xf32, #tpu.memory_space<vmem>>)
      %dma_wait3A_1880 = arith.constant 16 : i32
      %dma_wait3A_1881 = arith.constant 16 : i32
      %dma_wait3A_1882 = arith.constant 0 : i32
      %dma_wait3A_1883 = arith.constant 0 : i32
      %dma_wait3A_1884 = tpu.memref_slice %arg21[%dma_wait3A_1881, %dma_wait3A_1882, %dma_wait3A_1883] : memref<20x32x64xf32, #tpu.memory_space<vmem>> -> memref<1x32x64xf32, #tpu.memory_space<vmem>>
      %dma_wait3A_1885 = tpu.memref_squeeze %dma_wait3A_1884 : memref<1x32x64xf32, #tpu.memory_space<vmem>> -> memref<32x64xf32, #tpu.memory_space<vmem>>
      %dma_wait3A_1886 = tpu.memref_slice %arg13[%dma_wait3A_1880, %multiple_of3A_1691] : memref<20x512xi32, #tpu.memory_space<vmem>> -> memref<1x32xi32, #tpu.memory_space<vmem>>
      %dma_wait3A_1887 = tpu.memref_squeeze %dma_wait3A_1886 : memref<1x32xi32, #tpu.memory_space<vmem>> -> memref<32xi32, #tpu.memory_space<vmem>>
      %dma_wait3A_1888 = arith.constant 0 : i32
      %dma_wait3A_1889 = arith.constant 0 : i32
      %dma_wait3A_1890 = tpu.memref_slice %arg7[%dma_wait3A_1888, %dma_wait3A_1889] : memref<1000000x64xf32, #tpu.memory_space<hbm>> -> memref<1000000x64xf32, #tpu.memory_space<hbm>>
      tpu.wait_indirect_dma semaphore(%arg25 : memref<!tpu.dma_semaphore, #tpu.memory_space<semaphore_mem>>) src(%dma_wait3A_1890 : memref<1000000x64xf32, #tpu.memory_space<hbm>>) dst(%dma_wait3A_1885 : memref<32x64xf32, #tpu.memory_space<vmem>>)
      %dma_wait3A_1891 = arith.constant 17 : i32
      %dma_wait3A_1892 = arith.constant 17 : i32
      %dma_wait3A_1893 = arith.constant 0 : i32
      %dma_wait3A_1894 = arith.constant 0 : i32
      %dma_wait3A_1895 = tpu.memref_slice %arg21[%dma_wait3A_1892, %dma_wait3A_1893, %dma_wait3A_1894] : memref<20x32x64xf32, #tpu.memory_space<vmem>> -> memref<1x32x64xf32, #tpu.memory_space<vmem>>
      %dma_wait3A_1896 = tpu.memref_squeeze %dma_wait3A_1895 : memref<1x32x64xf32, #tpu.memory_space<vmem>> -> memref<32x64xf32, #tpu.memory_space<vmem>>
      %dma_wait3A_1897 = tpu.memref_slice %arg13[%dma_wait3A_1891, %multiple_of3A_1691] : memref<20x512xi32, #tpu.memory_space<vmem>> -> memref<1x32xi32, #tpu.memory_space<vmem>>
      %dma_wait3A_1898 = tpu.memref_squeeze %dma_wait3A_1897 : memref<1x32xi32, #tpu.memory_space<vmem>> -> memref<32xi32, #tpu.memory_space<vmem>>
      %dma_wait3A_1899 = arith.constant 0 : i32
      %dma_wait3A_1900 = arith.constant 0 : i32
      %dma_wait3A_1901 = tpu.memref_slice %arg7[%dma_wait3A_1899, %dma_wait3A_1900] : memref<1000000x64xf32, #tpu.memory_space<hbm>> -> memref<1000000x64xf32, #tpu.memory_space<hbm>>
      tpu.wait_indirect_dma semaphore(%arg25 : memref<!tpu.dma_semaphore, #tpu.memory_space<semaphore_mem>>) src(%dma_wait3A_1901 : memref<1000000x64xf32, #tpu.memory_space<hbm>>) dst(%dma_wait3A_1896 : memref<32x64xf32, #tpu.memory_space<vmem>>)
      %dma_wait3A_1902 = arith.constant 18 : i32
      %dma_wait3A_1903 = arith.constant 18 : i32
      %dma_wait3A_1904 = arith.constant 0 : i32
      %dma_wait3A_1905 = arith.constant 0 : i32
      %dma_wait3A_1906 = tpu.memref_slice %arg21[%dma_wait3A_1903, %dma_wait3A_1904, %dma_wait3A_1905] : memref<20x32x64xf32, #tpu.memory_space<vmem>> -> memref<1x32x64xf32, #tpu.memory_space<vmem>>
      %dma_wait3A_1907 = tpu.memref_squeeze %dma_wait3A_1906 : memref<1x32x64xf32, #tpu.memory_space<vmem>> -> memref<32x64xf32, #tpu.memory_space<vmem>>
      %dma_wait3A_1908 = tpu.memref_slice %arg13[%dma_wait3A_1902, %multiple_of3A_1691] : memref<20x512xi32, #tpu.memory_space<vmem>> -> memref<1x32xi32, #tpu.memory_space<vmem>>
      %dma_wait3A_1909 = tpu.memref_squeeze %dma_wait3A_1908 : memref<1x32xi32, #tpu.memory_space<vmem>> -> memref<32xi32, #tpu.memory_space<vmem>>
      %dma_wait3A_1910 = arith.constant 0 : i32
      %dma_wait3A_1911 = arith.constant 0 : i32
      %dma_wait3A_1912 = tpu.memref_slice %arg7[%dma_wait3A_1910, %dma_wait3A_1911] : memref<1000000x64xf32, #tpu.memory_space<hbm>> -> memref<1000000x64xf32, #tpu.memory_space<hbm>>
      tpu.wait_indirect_dma semaphore(%arg25 : memref<!tpu.dma_semaphore, #tpu.memory_space<semaphore_mem>>) src(%dma_wait3A_1912 : memref<1000000x64xf32, #tpu.memory_space<hbm>>) dst(%dma_wait3A_1907 : memref<32x64xf32, #tpu.memory_space<vmem>>)
      %dma_wait3A_1913 = arith.constant 19 : i32
      %dma_wait3A_1914 = arith.constant 19 : i32
      %dma_wait3A_1915 = arith.constant 0 : i32
      %dma_wait3A_1916 = arith.constant 0 : i32
      %dma_wait3A_1917 = tpu.memref_slice %arg21[%dma_wait3A_1914, %dma_wait3A_1915, %dma_wait3A_1916] : memref<20x32x64xf32, #tpu.memory_space<vmem>> -> memref<1x32x64xf32, #tpu.memory_space<vmem>>
      %dma_wait3A_1918 = tpu.memref_squeeze %dma_wait3A_1917 : memref<1x32x64xf32, #tpu.memory_space<vmem>> -> memref<32x64xf32, #tpu.memory_space<vmem>>
      %dma_wait3A_1919 = tpu.memref_slice %arg13[%dma_wait3A_1913, %multiple_of3A_1691] : memref<20x512xi32, #tpu.memory_space<vmem>> -> memref<1x32xi32, #tpu.memory_space<vmem>>
      %dma_wait3A_1920 = tpu.memref_squeeze %dma_wait3A_1919 : memref<1x32xi32, #tpu.memory_space<vmem>> -> memref<32xi32, #tpu.memory_space<vmem>>
      %dma_wait3A_1921 = arith.constant 0 : i32
      %dma_wait3A_1922 = arith.constant 0 : i32
      %dma_wait3A_1923 = tpu.memref_slice %arg7[%dma_wait3A_1921, %dma_wait3A_1922] : memref<1000000x64xf32, #tpu.memory_space<hbm>> -> memref<1000000x64xf32, #tpu.memory_space<hbm>>
      tpu.wait_indirect_dma semaphore(%arg25 : memref<!tpu.dma_semaphore, #tpu.memory_space<semaphore_mem>>) src(%dma_wait3A_1923 : memref<1000000x64xf32, #tpu.memory_space<hbm>>) dst(%dma_wait3A_1918 : memref<32x64xf32, #tpu.memory_space<vmem>>)
      %add3A_1924 = arith.constant 1 : i32
      %add3A_1925 = arith.addi %mul3A_271, %add3A_1924 : i32
      %mul3A_1926 = arith.constant 32 : i32
      %mul3A_1927 = arith.muli %add3A_1925, %mul3A_1926 : i32
      %multiple_of3A_1928 = tpu.assume_multiple %mul3A_1927, 32 : i32
      %broadcast_in_dim3A_1929 = arith.constant 0.000000e+00 : f32
      %broadcast_in_dim3A_1930 = vector.broadcast %broadcast_in_dim3A_1929 : f32 to vector<16xf32>
      %add3A_1931 = arith.constant 0 : i32
      %add3A_1932 = vector.broadcast %add3A_1931 : i32 to vector<16xi32>
      %add3A_1933 = arith.addi %iota3A, %add3A_1932 : vector<16xi32>
      %scan3A_1934 = arith.constant 0 : i32
      %scan3A_1935 = arith.constant 64 : i32
      %scan3A_1936 = arith.addi %scan3A_1934, %scan3A_1935 : i32
      %scan3A_1937 = arith.constant 1 : i32
      %scan3A_1938:12 = scf.for %scan3A_2877 = %scan3A_1934 to %scan3A_1936 step %scan3A_1937 iter_args(%scan3A_2878 = %broadcast_in_dim3A_1930, %scan3A_2879 = %broadcast_in_dim3A_1930, %scan3A_2880 = %broadcast_in_dim3A_1930, %scan3A_2881 = %broadcast_in_dim3A_1930, %scan3A_2882 = %broadcast_in_dim3A_1930, %scan3A_2883 = %broadcast_in_dim3A_1930, %scan3A_2884 = %broadcast_in_dim3A_1930, %scan3A_2885 = %broadcast_in_dim3A_1930, %scan3A_2886 = %broadcast_in_dim3A_1930, %scan3A_2887 = %broadcast_in_dim3A_1930, %scan3A_2888 = %broadcast_in_dim3A_1930, %scan3A_2889 = %broadcast_in_dim3A_1930) -> (vector<16xf32>, vector<16xf32>, vector<16xf32>, vector<16xf32>, vector<16xf32>, vector<16xf32>, vector<16xf32>, vector<16xf32>, vector<16xf32>, vector<16xf32>, vector<16xf32>, vector<16xf32>)  : i32 {
        %add3A_2890 = vector.broadcast %scan3A_2877 : i32 to vector<16xi32>
        %add3A_2891 = arith.addi %iota3A, %add3A_2890 : vector<16xi32>
        %and3A_2892 = arith.constant 63 : i32
        %and3A_2893 = vector.broadcast %and3A_2892 : i32 to vector<16xi32>
        %and3A_2894 = arith.andi %add3A_2891, %and3A_2893 : vector<16xi32>
        %gather3A = tpu.vector_load_idx %arg18[%add3A_1933, %and3A_2894] : memref<32x64xf32, #tpu.memory_space<vmem>>[vector<16xi32>, vector<16xi32>], vector<16xf32>,
        %gather3A_2895 = tpu.vector_load_idx %arg19[%add3A_1933, %and3A_2894] : memref<32x64xf32, #tpu.memory_space<vmem>>[vector<16xi32>, vector<16xi32>], vector<16xf32>,
        %gather3A_2896 = tpu.vector_load_idx %arg20[%add3A_1933, %and3A_2894] : memref<32x64xf32, #tpu.memory_space<vmem>>[vector<16xi32>, vector<16xi32>], vector<16xf32>,
        %mul3A_2897 = arith.mulf %gather3A, %gather3A_2895 : vector<16xf32>
        %add3A_2898 = arith.addf %scan3A_2878, %mul3A_2897 : vector<16xf32>
        %mul3A_2899 = arith.mulf %gather3A, %gather3A_2896 : vector<16xf32>
        %add3A_2900 = arith.addf %scan3A_2879, %mul3A_2899 : vector<16xf32>
        %add3A_2901 = arith.constant 0 : i32
        %add3A_2902 = vector.broadcast %add3A_2901 : i32 to vector<16xi32>
        %add3A_2903 = arith.addi %broadcast_in_dim3A_3, %add3A_2902 : vector<16xi32>
        %gather3A_2904 = tpu.vector_load_idx %arg21[%add3A_2903, %add3A_1933, %and3A_2894] : memref<20x32x64xf32, #tpu.memory_space<vmem>>[vector<16xi32>, vector<16xi32>, vector<16xi32>], vector<16xf32>,
        %mul3A_2905 = arith.mulf %gather3A, %gather3A_2904 : vector<16xf32>
        %add3A_2906 = arith.addf %scan3A_2880, %mul3A_2905 : vector<16xf32>
        %add3A_2907 = arith.constant 1 : i32
        %add3A_2908 = vector.broadcast %add3A_2907 : i32 to vector<16xi32>
        %add3A_2909 = arith.addi %broadcast_in_dim3A_3, %add3A_2908 : vector<16xi32>
        %gather3A_2910 = tpu.vector_load_idx %arg21[%add3A_2909, %add3A_1933, %and3A_2894] : memref<20x32x64xf32, #tpu.memory_space<vmem>>[vector<16xi32>, vector<16xi32>, vector<16xi32>], vector<16xf32>,
        %mul3A_2911 = arith.mulf %gather3A, %gather3A_2910 : vector<16xf32>
        %add3A_2912 = arith.addf %scan3A_2881, %mul3A_2911 : vector<16xf32>
        %add3A_2913 = arith.constant 2 : i32
        %add3A_2914 = vector.broadcast %add3A_2913 : i32 to vector<16xi32>
        %add3A_2915 = arith.addi %broadcast_in_dim3A_3, %add3A_2914 : vector<16xi32>
        %gather3A_2916 = tpu.vector_load_idx %arg21[%add3A_2915, %add3A_1933, %and3A_2894] : memref<20x32x64xf32, #tpu.memory_space<vmem>>[vector<16xi32>, vector<16xi32>, vector<16xi32>], vector<16xf32>,
        %mul3A_2917 = arith.mulf %gather3A, %gather3A_2916 : vector<16xf32>
        %add3A_2918 = arith.addf %scan3A_2882, %mul3A_2917 : vector<16xf32>
        %add3A_2919 = arith.constant 3 : i32
        %add3A_2920 = vector.broadcast %add3A_2919 : i32 to vector<16xi32>
        %add3A_2921 = arith.addi %broadcast_in_dim3A_3, %add3A_2920 : vector<16xi32>
        %gather3A_2922 = tpu.vector_load_idx %arg21[%add3A_2921, %add3A_1933, %and3A_2894] : memref<20x32x64xf32, #tpu.memory_space<vmem>>[vector<16xi32>, vector<16xi32>, vector<16xi32>], vector<16xf32>,
        %mul3A_2923 = arith.mulf %gather3A, %gather3A_2922 : vector<16xf32>
        %add3A_2924 = arith.addf %scan3A_2883, %mul3A_2923 : vector<16xf32>
        %add3A_2925 = arith.constant 4 : i32
        %add3A_2926 = vector.broadcast %add3A_2925 : i32 to vector<16xi32>
        %add3A_2927 = arith.addi %broadcast_in_dim3A_3, %add3A_2926 : vector<16xi32>
        %gather3A_2928 = tpu.vector_load_idx %arg21[%add3A_2927, %add3A_1933, %and3A_2894] : memref<20x32x64xf32, #tpu.memory_space<vmem>>[vector<16xi32>, vector<16xi32>, vector<16xi32>], vector<16xf32>,
        %mul3A_2929 = arith.mulf %gather3A, %gather3A_2928 : vector<16xf32>
        %add3A_2930 = arith.addf %scan3A_2884, %mul3A_2929 : vector<16xf32>
        %add3A_2931 = arith.constant 5 : i32
        %add3A_2932 = vector.broadcast %add3A_2931 : i32 to vector<16xi32>
        %add3A_2933 = arith.addi %broadcast_in_dim3A_3, %add3A_2932 : vector<16xi32>
        %gather3A_2934 = tpu.vector_load_idx %arg21[%add3A_2933, %add3A_1933, %and3A_2894] : memref<20x32x64xf32, #tpu.memory_space<vmem>>[vector<16xi32>, vector<16xi32>, vector<16xi32>], vector<16xf32>,
        %mul3A_2935 = arith.mulf %gather3A, %gather3A_2934 : vector<16xf32>
        %add3A_2936 = arith.addf %scan3A_2885, %mul3A_2935 : vector<16xf32>
        %add3A_2937 = arith.constant 6 : i32
        %add3A_2938 = vector.broadcast %add3A_2937 : i32 to vector<16xi32>
        %add3A_2939 = arith.addi %broadcast_in_dim3A_3, %add3A_2938 : vector<16xi32>
        %gather3A_2940 = tpu.vector_load_idx %arg21[%add3A_2939, %add3A_1933, %and3A_2894] : memref<20x32x64xf32, #tpu.memory_space<vmem>>[vector<16xi32>, vector<16xi32>, vector<16xi32>], vector<16xf32>,
        %mul3A_2941 = arith.mulf %gather3A, %gather3A_2940 : vector<16xf32>
        %add3A_2942 = arith.addf %scan3A_2886, %mul3A_2941 : vector<16xf32>
        %add3A_2943 = arith.constant 7 : i32
        %add3A_2944 = vector.broadcast %add3A_2943 : i32 to vector<16xi32>
        %add3A_2945 = arith.addi %broadcast_in_dim3A_3, %add3A_2944 : vector<16xi32>
        %gather3A_2946 = tpu.vector_load_idx %arg21[%add3A_2945, %add3A_1933, %and3A_2894] : memref<20x32x64xf32, #tpu.memory_space<vmem>>[vector<16xi32>, vector<16xi32>, vector<16xi32>], vector<16xf32>,
        %mul3A_2947 = arith.mulf %gather3A, %gather3A_2946 : vector<16xf32>
        %add3A_2948 = arith.addf %scan3A_2887, %mul3A_2947 : vector<16xf32>
        %add3A_2949 = arith.constant 8 : i32
        %add3A_2950 = vector.broadcast %add3A_2949 : i32 to vector<16xi32>
        %add3A_2951 = arith.addi %broadcast_in_dim3A_3, %add3A_2950 : vector<16xi32>
        %gather3A_2952 = tpu.vector_load_idx %arg21[%add3A_2951, %add3A_1933, %and3A_2894] : memref<20x32x64xf32, #tpu.memory_space<vmem>>[vector<16xi32>, vector<16xi32>, vector<16xi32>], vector<16xf32>,
        %mul3A_2953 = arith.mulf %gather3A, %gather3A_2952 : vector<16xf32>
        %add3A_2954 = arith.addf %scan3A_2888, %mul3A_2953 : vector<16xf32>
        %add3A_2955 = arith.constant 9 : i32
        %add3A_2956 = vector.broadcast %add3A_2955 : i32 to vector<16xi32>
        %add3A_2957 = arith.addi %broadcast_in_dim3A_3, %add3A_2956 : vector<16xi32>
        %gather3A_2958 = tpu.vector_load_idx %arg21[%add3A_2957, %add3A_1933, %and3A_2894] : memref<20x32x64xf32, #tpu.memory_space<vmem>>[vector<16xi32>, vector<16xi32>, vector<16xi32>], vector<16xf32>,
        %mul3A_2959 = arith.mulf %gather3A, %gather3A_2958 : vector<16xf32>
        %add3A_2960 = arith.addf %scan3A_2889, %mul3A_2959 : vector<16xf32>
        scf.yield %add3A_2898, %add3A_2900, %add3A_2906, %add3A_2912, %add3A_2918, %add3A_2924, %add3A_2930, %add3A_2936, %add3A_2942, %add3A_2948, %add3A_2954, %add3A_2960 : vector<16xf32>, vector<16xf32>, vector<16xf32>, vector<16xf32>, vector<16xf32>, vector<16xf32>, vector<16xf32>, vector<16xf32>, vector<16xf32>, vector<16xf32>, vector<16xf32>, vector<16xf32>
      }
      %scan3A_1939 = arith.constant 64 : i32
      %scan3A_1940 = arith.constant 0 : i32
      %scan3A_1941 = arith.constant 64 : i32
      %scan3A_1942 = arith.addi %scan3A_1940, %scan3A_1941 : i32
      %scan3A_1943 = arith.constant 1 : i32
      %scan3A_1944:10 = scf.for %scan3A_2877 = %scan3A_1940 to %scan3A_1942 step %scan3A_1943 iter_args(%scan3A_2878 = %broadcast_in_dim3A_1930, %scan3A_2879 = %broadcast_in_dim3A_1930, %scan3A_2880 = %broadcast_in_dim3A_1930, %scan3A_2881 = %broadcast_in_dim3A_1930, %scan3A_2882 = %broadcast_in_dim3A_1930, %scan3A_2883 = %broadcast_in_dim3A_1930, %scan3A_2884 = %broadcast_in_dim3A_1930, %scan3A_2885 = %broadcast_in_dim3A_1930, %scan3A_2886 = %broadcast_in_dim3A_1930, %scan3A_2887 = %broadcast_in_dim3A_1930) -> (vector<16xf32>, vector<16xf32>, vector<16xf32>, vector<16xf32>, vector<16xf32>, vector<16xf32>, vector<16xf32>, vector<16xf32>, vector<16xf32>, vector<16xf32>)  : i32 {
        %add3A_2888 = vector.broadcast %scan3A_2877 : i32 to vector<16xi32>
        %add3A_2889 = arith.addi %iota3A, %add3A_2888 : vector<16xi32>
        %and3A_2890 = arith.constant 63 : i32
        %and3A_2891 = vector.broadcast %and3A_2890 : i32 to vector<16xi32>
        %and3A_2892 = arith.andi %add3A_2889, %and3A_2891 : vector<16xi32>
        %gather3A = tpu.vector_load_idx %arg18[%add3A_1933, %and3A_2892] : memref<32x64xf32, #tpu.memory_space<vmem>>[vector<16xi32>, vector<16xi32>], vector<16xf32>,
        %add3A_2893 = arith.constant 10 : i32
        %add3A_2894 = vector.broadcast %add3A_2893 : i32 to vector<16xi32>
        %add3A_2895 = arith.addi %broadcast_in_dim3A_3, %add3A_2894 : vector<16xi32>
        %gather3A_2896 = tpu.vector_load_idx %arg21[%add3A_2895, %add3A_1933, %and3A_2892] : memref<20x32x64xf32, #tpu.memory_space<vmem>>[vector<16xi32>, vector<16xi32>, vector<16xi32>], vector<16xf32>,
        %mul3A_2897 = arith.mulf %gather3A, %gather3A_2896 : vector<16xf32>
        %add3A_2898 = arith.addf %scan3A_2878, %mul3A_2897 : vector<16xf32>
        %add3A_2899 = arith.constant 11 : i32
        %add3A_2900 = vector.broadcast %add3A_2899 : i32 to vector<16xi32>
        %add3A_2901 = arith.addi %broadcast_in_dim3A_3, %add3A_2900 : vector<16xi32>
        %gather3A_2902 = tpu.vector_load_idx %arg21[%add3A_2901, %add3A_1933, %and3A_2892] : memref<20x32x64xf32, #tpu.memory_space<vmem>>[vector<16xi32>, vector<16xi32>, vector<16xi32>], vector<16xf32>,
        %mul3A_2903 = arith.mulf %gather3A, %gather3A_2902 : vector<16xf32>
        %add3A_2904 = arith.addf %scan3A_2879, %mul3A_2903 : vector<16xf32>
        %add3A_2905 = arith.constant 12 : i32
        %add3A_2906 = vector.broadcast %add3A_2905 : i32 to vector<16xi32>
        %add3A_2907 = arith.addi %broadcast_in_dim3A_3, %add3A_2906 : vector<16xi32>
        %gather3A_2908 = tpu.vector_load_idx %arg21[%add3A_2907, %add3A_1933, %and3A_2892] : memref<20x32x64xf32, #tpu.memory_space<vmem>>[vector<16xi32>, vector<16xi32>, vector<16xi32>], vector<16xf32>,
        %mul3A_2909 = arith.mulf %gather3A, %gather3A_2908 : vector<16xf32>
        %add3A_2910 = arith.addf %scan3A_2880, %mul3A_2909 : vector<16xf32>
        %add3A_2911 = arith.constant 13 : i32
        %add3A_2912 = vector.broadcast %add3A_2911 : i32 to vector<16xi32>
        %add3A_2913 = arith.addi %broadcast_in_dim3A_3, %add3A_2912 : vector<16xi32>
        %gather3A_2914 = tpu.vector_load_idx %arg21[%add3A_2913, %add3A_1933, %and3A_2892] : memref<20x32x64xf32, #tpu.memory_space<vmem>>[vector<16xi32>, vector<16xi32>, vector<16xi32>], vector<16xf32>,
        %mul3A_2915 = arith.mulf %gather3A, %gather3A_2914 : vector<16xf32>
        %add3A_2916 = arith.addf %scan3A_2881, %mul3A_2915 : vector<16xf32>
        %add3A_2917 = arith.constant 14 : i32
        %add3A_2918 = vector.broadcast %add3A_2917 : i32 to vector<16xi32>
        %add3A_2919 = arith.addi %broadcast_in_dim3A_3, %add3A_2918 : vector<16xi32>
        %gather3A_2920 = tpu.vector_load_idx %arg21[%add3A_2919, %add3A_1933, %and3A_2892] : memref<20x32x64xf32, #tpu.memory_space<vmem>>[vector<16xi32>, vector<16xi32>, vector<16xi32>], vector<16xf32>,
        %mul3A_2921 = arith.mulf %gather3A, %gather3A_2920 : vector<16xf32>
        %add3A_2922 = arith.addf %scan3A_2882, %mul3A_2921 : vector<16xf32>
        %add3A_2923 = arith.constant 15 : i32
        %add3A_2924 = vector.broadcast %add3A_2923 : i32 to vector<16xi32>
        %add3A_2925 = arith.addi %broadcast_in_dim3A_3, %add3A_2924 : vector<16xi32>
        %gather3A_2926 = tpu.vector_load_idx %arg21[%add3A_2925, %add3A_1933, %and3A_2892] : memref<20x32x64xf32, #tpu.memory_space<vmem>>[vector<16xi32>, vector<16xi32>, vector<16xi32>], vector<16xf32>,
        %mul3A_2927 = arith.mulf %gather3A, %gather3A_2926 : vector<16xf32>
        %add3A_2928 = arith.addf %scan3A_2883, %mul3A_2927 : vector<16xf32>
        %add3A_2929 = arith.constant 16 : i32
        %add3A_2930 = vector.broadcast %add3A_2929 : i32 to vector<16xi32>
        %add3A_2931 = arith.addi %broadcast_in_dim3A_3, %add3A_2930 : vector<16xi32>
        %gather3A_2932 = tpu.vector_load_idx %arg21[%add3A_2931, %add3A_1933, %and3A_2892] : memref<20x32x64xf32, #tpu.memory_space<vmem>>[vector<16xi32>, vector<16xi32>, vector<16xi32>], vector<16xf32>,
        %mul3A_2933 = arith.mulf %gather3A, %gather3A_2932 : vector<16xf32>
        %add3A_2934 = arith.addf %scan3A_2884, %mul3A_2933 : vector<16xf32>
        %add3A_2935 = arith.constant 17 : i32
        %add3A_2936 = vector.broadcast %add3A_2935 : i32 to vector<16xi32>
        %add3A_2937 = arith.addi %broadcast_in_dim3A_3, %add3A_2936 : vector<16xi32>
        %gather3A_2938 = tpu.vector_load_idx %arg21[%add3A_2937, %add3A_1933, %and3A_2892] : memref<20x32x64xf32, #tpu.memory_space<vmem>>[vector<16xi32>, vector<16xi32>, vector<16xi32>], vector<16xf32>,
        %mul3A_2939 = arith.mulf %gather3A, %gather3A_2938 : vector<16xf32>
        %add3A_2940 = arith.addf %scan3A_2885, %mul3A_2939 : vector<16xf32>
        %add3A_2941 = arith.constant 18 : i32
        %add3A_2942 = vector.broadcast %add3A_2941 : i32 to vector<16xi32>
        %add3A_2943 = arith.addi %broadcast_in_dim3A_3, %add3A_2942 : vector<16xi32>
        %gather3A_2944 = tpu.vector_load_idx %arg21[%add3A_2943, %add3A_1933, %and3A_2892] : memref<20x32x64xf32, #tpu.memory_space<vmem>>[vector<16xi32>, vector<16xi32>, vector<16xi32>], vector<16xf32>,
        %mul3A_2945 = arith.mulf %gather3A, %gather3A_2944 : vector<16xf32>
        %add3A_2946 = arith.addf %scan3A_2886, %mul3A_2945 : vector<16xf32>
        %add3A_2947 = arith.constant 19 : i32
        %add3A_2948 = vector.broadcast %add3A_2947 : i32 to vector<16xi32>
        %add3A_2949 = arith.addi %broadcast_in_dim3A_3, %add3A_2948 : vector<16xi32>
        %gather3A_2950 = tpu.vector_load_idx %arg21[%add3A_2949, %add3A_1933, %and3A_2892] : memref<20x32x64xf32, #tpu.memory_space<vmem>>[vector<16xi32>, vector<16xi32>, vector<16xi32>], vector<16xf32>,
        %mul3A_2951 = arith.mulf %gather3A, %gather3A_2950 : vector<16xf32>
        %add3A_2952 = arith.addf %scan3A_2887, %mul3A_2951 : vector<16xf32>
        scf.yield %add3A_2898, %add3A_2904, %add3A_2910, %add3A_2916, %add3A_2922, %add3A_2928, %add3A_2934, %add3A_2940, %add3A_2946, %add3A_2952 : vector<16xf32>, vector<16xf32>, vector<16xf32>, vector<16xf32>, vector<16xf32>, vector<16xf32>, vector<16xf32>, vector<16xf32>, vector<16xf32>, vector<16xf32>
      }
      %scan3A_1945 = arith.constant 64 : i32
      %broadcast_in_dim3A_1946 = arith.constant 1.000000e+00 : f32
      %broadcast_in_dim3A_1947 = vector.broadcast %broadcast_in_dim3A_1946 : f32 to vector<16xf32>
      %max3A_1948 = arith.constant 0.000000e+00 : f32
      %max3A_1949 = vector.broadcast %max3A_1948 : f32 to vector<16xf32>
      %max3A_1950 = arith.maximumf %scan3A_1938#2, %max3A_1949 : vector<16xf32>
      %add3A_1951 = arith.addf %broadcast_in_dim3A_1930, %max3A_1950 : vector<16xf32>
      %abs3A_1952 = math.absf %scan3A_1938#2 : vector<16xf32>
      %neg3A_1953 = arith.constant 0.000000e+00 : f32
      %neg3A_1954 = vector.broadcast %neg3A_1953 : f32 to vector<16xf32>
      %neg3A_1955 = arith.subf %neg3A_1954, %abs3A_1952 : vector<16xf32>
      %exp3A_1956 = math.exp %neg3A_1955 : vector<16xf32>
      %add3A_1957 = arith.constant 1.000000e+00 : f32
      %add3A_1958 = vector.broadcast %add3A_1957 : f32 to vector<16xf32>
      %add3A_1959 = arith.addf %add3A_1958, %exp3A_1956 : vector<16xf32>
      %mul3A_1960 = arith.mulf %broadcast_in_dim3A_1947, %add3A_1959 : vector<16xf32>
      %max3A_1961 = arith.constant 0.000000e+00 : f32
      %max3A_1962 = vector.broadcast %max3A_1961 : f32 to vector<16xf32>
      %max3A_1963 = arith.maximumf %scan3A_1938#3, %max3A_1962 : vector<16xf32>
      %add3A_1964 = arith.addf %add3A_1951, %max3A_1963 : vector<16xf32>
      %abs3A_1965 = math.absf %scan3A_1938#3 : vector<16xf32>
      %neg3A_1966 = arith.constant 0.000000e+00 : f32
      %neg3A_1967 = vector.broadcast %neg3A_1966 : f32 to vector<16xf32>
      %neg3A_1968 = arith.subf %neg3A_1967, %abs3A_1965 : vector<16xf32>
      %exp3A_1969 = math.exp %neg3A_1968 : vector<16xf32>
      %add3A_1970 = arith.constant 1.000000e+00 : f32
      %add3A_1971 = vector.broadcast %add3A_1970 : f32 to vector<16xf32>
      %add3A_1972 = arith.addf %add3A_1971, %exp3A_1969 : vector<16xf32>
      %mul3A_1973 = arith.mulf %mul3A_1960, %add3A_1972 : vector<16xf32>
      %max3A_1974 = arith.constant 0.000000e+00 : f32
      %max3A_1975 = vector.broadcast %max3A_1974 : f32 to vector<16xf32>
      %max3A_1976 = arith.maximumf %scan3A_1938#4, %max3A_1975 : vector<16xf32>
      %add3A_1977 = arith.addf %add3A_1964, %max3A_1976 : vector<16xf32>
      %abs3A_1978 = math.absf %scan3A_1938#4 : vector<16xf32>
      %neg3A_1979 = arith.constant 0.000000e+00 : f32
      %neg3A_1980 = vector.broadcast %neg3A_1979 : f32 to vector<16xf32>
      %neg3A_1981 = arith.subf %neg3A_1980, %abs3A_1978 : vector<16xf32>
      %exp3A_1982 = math.exp %neg3A_1981 : vector<16xf32>
      %add3A_1983 = arith.constant 1.000000e+00 : f32
      %add3A_1984 = vector.broadcast %add3A_1983 : f32 to vector<16xf32>
      %add3A_1985 = arith.addf %add3A_1984, %exp3A_1982 : vector<16xf32>
      %mul3A_1986 = arith.mulf %mul3A_1973, %add3A_1985 : vector<16xf32>
      %max3A_1987 = arith.constant 0.000000e+00 : f32
      %max3A_1988 = vector.broadcast %max3A_1987 : f32 to vector<16xf32>
      %max3A_1989 = arith.maximumf %scan3A_1938#5, %max3A_1988 : vector<16xf32>
      %add3A_1990 = arith.addf %add3A_1977, %max3A_1989 : vector<16xf32>
      %abs3A_1991 = math.absf %scan3A_1938#5 : vector<16xf32>
      %neg3A_1992 = arith.constant 0.000000e+00 : f32
      %neg3A_1993 = vector.broadcast %neg3A_1992 : f32 to vector<16xf32>
      %neg3A_1994 = arith.subf %neg3A_1993, %abs3A_1991 : vector<16xf32>
      %exp3A_1995 = math.exp %neg3A_1994 : vector<16xf32>
      %add3A_1996 = arith.constant 1.000000e+00 : f32
      %add3A_1997 = vector.broadcast %add3A_1996 : f32 to vector<16xf32>
      %add3A_1998 = arith.addf %add3A_1997, %exp3A_1995 : vector<16xf32>
      %mul3A_1999 = arith.mulf %mul3A_1986, %add3A_1998 : vector<16xf32>
      %max3A_2000 = arith.constant 0.000000e+00 : f32
      %max3A_2001 = vector.broadcast %max3A_2000 : f32 to vector<16xf32>
      %max3A_2002 = arith.maximumf %scan3A_1938#6, %max3A_2001 : vector<16xf32>
      %add3A_2003 = arith.addf %add3A_1990, %max3A_2002 : vector<16xf32>
      %abs3A_2004 = math.absf %scan3A_1938#6 : vector<16xf32>
      %neg3A_2005 = arith.constant 0.000000e+00 : f32
      %neg3A_2006 = vector.broadcast %neg3A_2005 : f32 to vector<16xf32>
      %neg3A_2007 = arith.subf %neg3A_2006, %abs3A_2004 : vector<16xf32>
      %exp3A_2008 = math.exp %neg3A_2007 : vector<16xf32>
      %add3A_2009 = arith.constant 1.000000e+00 : f32
      %add3A_2010 = vector.broadcast %add3A_2009 : f32 to vector<16xf32>
      %add3A_2011 = arith.addf %add3A_2010, %exp3A_2008 : vector<16xf32>
      %mul3A_2012 = arith.mulf %mul3A_1999, %add3A_2011 : vector<16xf32>
      %max3A_2013 = arith.constant 0.000000e+00 : f32
      %max3A_2014 = vector.broadcast %max3A_2013 : f32 to vector<16xf32>
      %max3A_2015 = arith.maximumf %scan3A_1938#7, %max3A_2014 : vector<16xf32>
      %add3A_2016 = arith.addf %add3A_2003, %max3A_2015 : vector<16xf32>
      %abs3A_2017 = math.absf %scan3A_1938#7 : vector<16xf32>
      %neg3A_2018 = arith.constant 0.000000e+00 : f32
      %neg3A_2019 = vector.broadcast %neg3A_2018 : f32 to vector<16xf32>
      %neg3A_2020 = arith.subf %neg3A_2019, %abs3A_2017 : vector<16xf32>
      %exp3A_2021 = math.exp %neg3A_2020 : vector<16xf32>
      %add3A_2022 = arith.constant 1.000000e+00 : f32
      %add3A_2023 = vector.broadcast %add3A_2022 : f32 to vector<16xf32>
      %add3A_2024 = arith.addf %add3A_2023, %exp3A_2021 : vector<16xf32>
      %mul3A_2025 = arith.mulf %mul3A_2012, %add3A_2024 : vector<16xf32>
      %max3A_2026 = arith.constant 0.000000e+00 : f32
      %max3A_2027 = vector.broadcast %max3A_2026 : f32 to vector<16xf32>
      %max3A_2028 = arith.maximumf %scan3A_1938#8, %max3A_2027 : vector<16xf32>
      %add3A_2029 = arith.addf %add3A_2016, %max3A_2028 : vector<16xf32>
      %abs3A_2030 = math.absf %scan3A_1938#8 : vector<16xf32>
      %neg3A_2031 = arith.constant 0.000000e+00 : f32
      %neg3A_2032 = vector.broadcast %neg3A_2031 : f32 to vector<16xf32>
      %neg3A_2033 = arith.subf %neg3A_2032, %abs3A_2030 : vector<16xf32>
      %exp3A_2034 = math.exp %neg3A_2033 : vector<16xf32>
      %add3A_2035 = arith.constant 1.000000e+00 : f32
      %add3A_2036 = vector.broadcast %add3A_2035 : f32 to vector<16xf32>
      %add3A_2037 = arith.addf %add3A_2036, %exp3A_2034 : vector<16xf32>
      %mul3A_2038 = arith.mulf %mul3A_2025, %add3A_2037 : vector<16xf32>
      %max3A_2039 = arith.constant 0.000000e+00 : f32
      %max3A_2040 = vector.broadcast %max3A_2039 : f32 to vector<16xf32>
      %max3A_2041 = arith.maximumf %scan3A_1938#9, %max3A_2040 : vector<16xf32>
      %add3A_2042 = arith.addf %add3A_2029, %max3A_2041 : vector<16xf32>
      %abs3A_2043 = math.absf %scan3A_1938#9 : vector<16xf32>
      %neg3A_2044 = arith.constant 0.000000e+00 : f32
      %neg3A_2045 = vector.broadcast %neg3A_2044 : f32 to vector<16xf32>
      %neg3A_2046 = arith.subf %neg3A_2045, %abs3A_2043 : vector<16xf32>
      %exp3A_2047 = math.exp %neg3A_2046 : vector<16xf32>
      %add3A_2048 = arith.constant 1.000000e+00 : f32
      %add3A_2049 = vector.broadcast %add3A_2048 : f32 to vector<16xf32>
      %add3A_2050 = arith.addf %add3A_2049, %exp3A_2047 : vector<16xf32>
      %mul3A_2051 = arith.mulf %mul3A_2038, %add3A_2050 : vector<16xf32>
      %max3A_2052 = arith.constant 0.000000e+00 : f32
      %max3A_2053 = vector.broadcast %max3A_2052 : f32 to vector<16xf32>
      %max3A_2054 = arith.maximumf %scan3A_1938#10, %max3A_2053 : vector<16xf32>
      %add3A_2055 = arith.addf %add3A_2042, %max3A_2054 : vector<16xf32>
      %abs3A_2056 = math.absf %scan3A_1938#10 : vector<16xf32>
      %neg3A_2057 = arith.constant 0.000000e+00 : f32
      %neg3A_2058 = vector.broadcast %neg3A_2057 : f32 to vector<16xf32>
      %neg3A_2059 = arith.subf %neg3A_2058, %abs3A_2056 : vector<16xf32>
      %exp3A_2060 = math.exp %neg3A_2059 : vector<16xf32>
      %add3A_2061 = arith.constant 1.000000e+00 : f32
      %add3A_2062 = vector.broadcast %add3A_2061 : f32 to vector<16xf32>
      %add3A_2063 = arith.addf %add3A_2062, %exp3A_2060 : vector<16xf32>
      %mul3A_2064 = arith.mulf %mul3A_2051, %add3A_2063 : vector<16xf32>
      %max3A_2065 = arith.constant 0.000000e+00 : f32
      %max3A_2066 = vector.broadcast %max3A_2065 : f32 to vector<16xf32>
      %max3A_2067 = arith.maximumf %scan3A_1938#11, %max3A_2066 : vector<16xf32>
      %add3A_2068 = arith.addf %add3A_2055, %max3A_2067 : vector<16xf32>
      %abs3A_2069 = math.absf %scan3A_1938#11 : vector<16xf32>
      %neg3A_2070 = arith.constant 0.000000e+00 : f32
      %neg3A_2071 = vector.broadcast %neg3A_2070 : f32 to vector<16xf32>
      %neg3A_2072 = arith.subf %neg3A_2071, %abs3A_2069 : vector<16xf32>
      %exp3A_2073 = math.exp %neg3A_2072 : vector<16xf32>
      %add3A_2074 = arith.constant 1.000000e+00 : f32
      %add3A_2075 = vector.broadcast %add3A_2074 : f32 to vector<16xf32>
      %add3A_2076 = arith.addf %add3A_2075, %exp3A_2073 : vector<16xf32>
      %mul3A_2077 = arith.mulf %mul3A_2064, %add3A_2076 : vector<16xf32>
      %max3A_2078 = arith.constant 0.000000e+00 : f32
      %max3A_2079 = vector.broadcast %max3A_2078 : f32 to vector<16xf32>
      %max3A_2080 = arith.maximumf %scan3A_1944#0, %max3A_2079 : vector<16xf32>
      %add3A_2081 = arith.addf %add3A_2068, %max3A_2080 : vector<16xf32>
      %abs3A_2082 = math.absf %scan3A_1944#0 : vector<16xf32>
      %neg3A_2083 = arith.constant 0.000000e+00 : f32
      %neg3A_2084 = vector.broadcast %neg3A_2083 : f32 to vector<16xf32>
      %neg3A_2085 = arith.subf %neg3A_2084, %abs3A_2082 : vector<16xf32>
      %exp3A_2086 = math.exp %neg3A_2085 : vector<16xf32>
      %add3A_2087 = arith.constant 1.000000e+00 : f32
      %add3A_2088 = vector.broadcast %add3A_2087 : f32 to vector<16xf32>
      %add3A_2089 = arith.addf %add3A_2088, %exp3A_2086 : vector<16xf32>
      %mul3A_2090 = arith.mulf %mul3A_2077, %add3A_2089 : vector<16xf32>
      %max3A_2091 = arith.constant 0.000000e+00 : f32
      %max3A_2092 = vector.broadcast %max3A_2091 : f32 to vector<16xf32>
      %max3A_2093 = arith.maximumf %scan3A_1944#1, %max3A_2092 : vector<16xf32>
      %add3A_2094 = arith.addf %add3A_2081, %max3A_2093 : vector<16xf32>
      %abs3A_2095 = math.absf %scan3A_1944#1 : vector<16xf32>
      %neg3A_2096 = arith.constant 0.000000e+00 : f32
      %neg3A_2097 = vector.broadcast %neg3A_2096 : f32 to vector<16xf32>
      %neg3A_2098 = arith.subf %neg3A_2097, %abs3A_2095 : vector<16xf32>
      %exp3A_2099 = math.exp %neg3A_2098 : vector<16xf32>
      %add3A_2100 = arith.constant 1.000000e+00 : f32
      %add3A_2101 = vector.broadcast %add3A_2100 : f32 to vector<16xf32>
      %add3A_2102 = arith.addf %add3A_2101, %exp3A_2099 : vector<16xf32>
      %mul3A_2103 = arith.mulf %mul3A_2090, %add3A_2102 : vector<16xf32>
      %max3A_2104 = arith.constant 0.000000e+00 : f32
      %max3A_2105 = vector.broadcast %max3A_2104 : f32 to vector<16xf32>
      %max3A_2106 = arith.maximumf %scan3A_1944#2, %max3A_2105 : vector<16xf32>
      %add3A_2107 = arith.addf %add3A_2094, %max3A_2106 : vector<16xf32>
      %abs3A_2108 = math.absf %scan3A_1944#2 : vector<16xf32>
      %neg3A_2109 = arith.constant 0.000000e+00 : f32
      %neg3A_2110 = vector.broadcast %neg3A_2109 : f32 to vector<16xf32>
      %neg3A_2111 = arith.subf %neg3A_2110, %abs3A_2108 : vector<16xf32>
      %exp3A_2112 = math.exp %neg3A_2111 : vector<16xf32>
      %add3A_2113 = arith.constant 1.000000e+00 : f32
      %add3A_2114 = vector.broadcast %add3A_2113 : f32 to vector<16xf32>
      %add3A_2115 = arith.addf %add3A_2114, %exp3A_2112 : vector<16xf32>
      %mul3A_2116 = arith.mulf %mul3A_2103, %add3A_2115 : vector<16xf32>
      %max3A_2117 = arith.constant 0.000000e+00 : f32
      %max3A_2118 = vector.broadcast %max3A_2117 : f32 to vector<16xf32>
      %max3A_2119 = arith.maximumf %scan3A_1944#3, %max3A_2118 : vector<16xf32>
      %add3A_2120 = arith.addf %add3A_2107, %max3A_2119 : vector<16xf32>
      %abs3A_2121 = math.absf %scan3A_1944#3 : vector<16xf32>
      %neg3A_2122 = arith.constant 0.000000e+00 : f32
      %neg3A_2123 = vector.broadcast %neg3A_2122 : f32 to vector<16xf32>
      %neg3A_2124 = arith.subf %neg3A_2123, %abs3A_2121 : vector<16xf32>
      %exp3A_2125 = math.exp %neg3A_2124 : vector<16xf32>
      %add3A_2126 = arith.constant 1.000000e+00 : f32
      %add3A_2127 = vector.broadcast %add3A_2126 : f32 to vector<16xf32>
      %add3A_2128 = arith.addf %add3A_2127, %exp3A_2125 : vector<16xf32>
      %mul3A_2129 = arith.mulf %mul3A_2116, %add3A_2128 : vector<16xf32>
      %max3A_2130 = arith.constant 0.000000e+00 : f32
      %max3A_2131 = vector.broadcast %max3A_2130 : f32 to vector<16xf32>
      %max3A_2132 = arith.maximumf %scan3A_1944#4, %max3A_2131 : vector<16xf32>
      %add3A_2133 = arith.addf %add3A_2120, %max3A_2132 : vector<16xf32>
      %abs3A_2134 = math.absf %scan3A_1944#4 : vector<16xf32>
      %neg3A_2135 = arith.constant 0.000000e+00 : f32
      %neg3A_2136 = vector.broadcast %neg3A_2135 : f32 to vector<16xf32>
      %neg3A_2137 = arith.subf %neg3A_2136, %abs3A_2134 : vector<16xf32>
      %exp3A_2138 = math.exp %neg3A_2137 : vector<16xf32>
      %add3A_2139 = arith.constant 1.000000e+00 : f32
      %add3A_2140 = vector.broadcast %add3A_2139 : f32 to vector<16xf32>
      %add3A_2141 = arith.addf %add3A_2140, %exp3A_2138 : vector<16xf32>
      %mul3A_2142 = arith.mulf %mul3A_2129, %add3A_2141 : vector<16xf32>
      %max3A_2143 = arith.constant 0.000000e+00 : f32
      %max3A_2144 = vector.broadcast %max3A_2143 : f32 to vector<16xf32>
      %max3A_2145 = arith.maximumf %scan3A_1944#5, %max3A_2144 : vector<16xf32>
      %add3A_2146 = arith.addf %add3A_2133, %max3A_2145 : vector<16xf32>
      %abs3A_2147 = math.absf %scan3A_1944#5 : vector<16xf32>
      %neg3A_2148 = arith.constant 0.000000e+00 : f32
      %neg3A_2149 = vector.broadcast %neg3A_2148 : f32 to vector<16xf32>
      %neg3A_2150 = arith.subf %neg3A_2149, %abs3A_2147 : vector<16xf32>
      %exp3A_2151 = math.exp %neg3A_2150 : vector<16xf32>
      %add3A_2152 = arith.constant 1.000000e+00 : f32
      %add3A_2153 = vector.broadcast %add3A_2152 : f32 to vector<16xf32>
      %add3A_2154 = arith.addf %add3A_2153, %exp3A_2151 : vector<16xf32>
      %mul3A_2155 = arith.mulf %mul3A_2142, %add3A_2154 : vector<16xf32>
      %max3A_2156 = arith.constant 0.000000e+00 : f32
      %max3A_2157 = vector.broadcast %max3A_2156 : f32 to vector<16xf32>
      %max3A_2158 = arith.maximumf %scan3A_1944#6, %max3A_2157 : vector<16xf32>
      %add3A_2159 = arith.addf %add3A_2146, %max3A_2158 : vector<16xf32>
      %abs3A_2160 = math.absf %scan3A_1944#6 : vector<16xf32>
      %neg3A_2161 = arith.constant 0.000000e+00 : f32
      %neg3A_2162 = vector.broadcast %neg3A_2161 : f32 to vector<16xf32>
      %neg3A_2163 = arith.subf %neg3A_2162, %abs3A_2160 : vector<16xf32>
      %exp3A_2164 = math.exp %neg3A_2163 : vector<16xf32>
      %add3A_2165 = arith.constant 1.000000e+00 : f32
      %add3A_2166 = vector.broadcast %add3A_2165 : f32 to vector<16xf32>
      %add3A_2167 = arith.addf %add3A_2166, %exp3A_2164 : vector<16xf32>
      %mul3A_2168 = arith.mulf %mul3A_2155, %add3A_2167 : vector<16xf32>
      %max3A_2169 = arith.constant 0.000000e+00 : f32
      %max3A_2170 = vector.broadcast %max3A_2169 : f32 to vector<16xf32>
      %max3A_2171 = arith.maximumf %scan3A_1944#7, %max3A_2170 : vector<16xf32>
      %add3A_2172 = arith.addf %add3A_2159, %max3A_2171 : vector<16xf32>
      %abs3A_2173 = math.absf %scan3A_1944#7 : vector<16xf32>
      %neg3A_2174 = arith.constant 0.000000e+00 : f32
      %neg3A_2175 = vector.broadcast %neg3A_2174 : f32 to vector<16xf32>
      %neg3A_2176 = arith.subf %neg3A_2175, %abs3A_2173 : vector<16xf32>
      %exp3A_2177 = math.exp %neg3A_2176 : vector<16xf32>
      %add3A_2178 = arith.constant 1.000000e+00 : f32
      %add3A_2179 = vector.broadcast %add3A_2178 : f32 to vector<16xf32>
      %add3A_2180 = arith.addf %add3A_2179, %exp3A_2177 : vector<16xf32>
      %mul3A_2181 = arith.mulf %mul3A_2168, %add3A_2180 : vector<16xf32>
      %max3A_2182 = arith.constant 0.000000e+00 : f32
      %max3A_2183 = vector.broadcast %max3A_2182 : f32 to vector<16xf32>
      %max3A_2184 = arith.maximumf %scan3A_1944#8, %max3A_2183 : vector<16xf32>
      %add3A_2185 = arith.addf %add3A_2172, %max3A_2184 : vector<16xf32>
      %abs3A_2186 = math.absf %scan3A_1944#8 : vector<16xf32>
      %neg3A_2187 = arith.constant 0.000000e+00 : f32
      %neg3A_2188 = vector.broadcast %neg3A_2187 : f32 to vector<16xf32>
      %neg3A_2189 = arith.subf %neg3A_2188, %abs3A_2186 : vector<16xf32>
      %exp3A_2190 = math.exp %neg3A_2189 : vector<16xf32>
      %add3A_2191 = arith.constant 1.000000e+00 : f32
      %add3A_2192 = vector.broadcast %add3A_2191 : f32 to vector<16xf32>
      %add3A_2193 = arith.addf %add3A_2192, %exp3A_2190 : vector<16xf32>
      %mul3A_2194 = arith.mulf %mul3A_2181, %add3A_2193 : vector<16xf32>
      %max3A_2195 = arith.constant 0.000000e+00 : f32
      %max3A_2196 = vector.broadcast %max3A_2195 : f32 to vector<16xf32>
      %max3A_2197 = arith.maximumf %scan3A_1944#9, %max3A_2196 : vector<16xf32>
      %add3A_2198 = arith.addf %add3A_2185, %max3A_2197 : vector<16xf32>
      %abs3A_2199 = math.absf %scan3A_1944#9 : vector<16xf32>
      %neg3A_2200 = arith.constant 0.000000e+00 : f32
      %neg3A_2201 = vector.broadcast %neg3A_2200 : f32 to vector<16xf32>
      %neg3A_2202 = arith.subf %neg3A_2201, %abs3A_2199 : vector<16xf32>
      %exp3A_2203 = math.exp %neg3A_2202 : vector<16xf32>
      %add3A_2204 = arith.constant 1.000000e+00 : f32
      %add3A_2205 = vector.broadcast %add3A_2204 : f32 to vector<16xf32>
      %add3A_2206 = arith.addf %add3A_2205, %exp3A_2203 : vector<16xf32>
      %mul3A_2207 = arith.mulf %mul3A_2194, %add3A_2206 : vector<16xf32>
      %abs3A_2208 = math.absf %scan3A_1938#0 : vector<16xf32>
      %neg3A_2209 = arith.constant 0.000000e+00 : f32
      %neg3A_2210 = vector.broadcast %neg3A_2209 : f32 to vector<16xf32>
      %neg3A_2211 = arith.subf %neg3A_2210, %abs3A_2208 : vector<16xf32>
      %exp3A_2212 = math.exp %neg3A_2211 : vector<16xf32>
      %add3A_2213 = arith.constant 1.000000e+00 : f32
      %add3A_2214 = vector.broadcast %add3A_2213 : f32 to vector<16xf32>
      %add3A_2215 = arith.addf %add3A_2214, %exp3A_2212 : vector<16xf32>
      %abs3A_2216 = math.absf %scan3A_1938#1 : vector<16xf32>
      %neg3A_2217 = arith.constant 0.000000e+00 : f32
      %neg3A_2218 = vector.broadcast %neg3A_2217 : f32 to vector<16xf32>
      %neg3A_2219 = arith.subf %neg3A_2218, %abs3A_2216 : vector<16xf32>
      %exp3A_2220 = math.exp %neg3A_2219 : vector<16xf32>
      %add3A_2221 = arith.constant 1.000000e+00 : f32
      %add3A_2222 = vector.broadcast %add3A_2221 : f32 to vector<16xf32>
      %add3A_2223 = arith.addf %add3A_2222, %exp3A_2220 : vector<16xf32>
      %add3A_2224 = arith.constant 0 : i32
      %add3A_2225 = arith.addi %multiple_of3A_1928, %add3A_2224 : i32
      %get3A_2226 = arith.index_cast %add3A_2225 : i32 to index
      %get3A_2227 = tpu.vector_load %arg12[%get3A_2226] {strides = array<i32>} : memref<512xf32, #tpu.memory_space<vmem>>, vector<16xf32>,
      %neg3A_2228 = arith.constant 0.000000e+00 : f32
      %neg3A_2229 = vector.broadcast %neg3A_2228 : f32 to vector<16xf32>
      %neg3A_2230 = arith.subf %neg3A_2229, %scan3A_1938#0 : vector<16xf32>
      %max3A_2231 = arith.constant 0.000000e+00 : f32
      %max3A_2232 = vector.broadcast %max3A_2231 : f32 to vector<16xf32>
      %max3A_2233 = arith.maximumf %neg3A_2230, %max3A_2232 : vector<16xf32>
      %add3A_2234 = arith.addf %max3A_2233, %add3A_2198 : vector<16xf32>
      %mul3A_2235 = arith.mulf %mul3A_2207, %add3A_2215 : vector<16xf32>
      %bitcast_convert_type3A_2236 = tpu.bitcast %mul3A_2235 : vector<16xf32> -> vector<16xi32>
      %shift_right_logical3A_2237 = arith.constant 23 : i32
      %shift_right_logical3A_2238 = vector.broadcast %shift_right_logical3A_2237 : i32 to vector<16xi32>
      %shift_right_logical3A_2239 = arith.shrui %bitcast_convert_type3A_2236, %shift_right_logical3A_2238 : vector<16xi32>
      %sub3A_2240 = arith.constant 127 : i32
      %sub3A_2241 = vector.broadcast %sub3A_2240 : i32 to vector<16xi32>
      %sub3A_2242 = arith.subi %shift_right_logical3A_2239, %sub3A_2241 : vector<16xi32>
      %and3A_2243 = arith.constant 8388607 : i32
      %and3A_2244 = vector.broadcast %and3A_2243 : i32 to vector<16xi32>
      %and3A_2245 = arith.andi %bitcast_convert_type3A_2236, %and3A_2244 : vector<16xi32>
      %or3A_2246 = arith.constant 1065353216 : i32
      %or3A_2247 = vector.broadcast %or3A_2246 : i32 to vector<16xi32>
      %or3A_2248 = arith.ori %and3A_2245, %or3A_2247 : vector<16xi32>
      %bitcast_convert_type3A_2249 = tpu.bitcast %or3A_2248 : vector<16xi32> -> vector<16xf32>
      %convert_element_type3A_2250 = arith.sitofp %sub3A_2242 : vector<16xi32> to vector<16xf32>
      %lt3A_2251 = arith.constant 1.41421354 : f32
      %lt3A_2252 = vector.broadcast %lt3A_2251 : f32 to vector<16xf32>
      %lt3A_2253 = arith.cmpf olt, %bitcast_convert_type3A_2249, %lt3A_2252 : vector<16xf32>
      %add3A_2254 = arith.constant 1.000000e+00 : f32
      %add3A_2255 = vector.broadcast %add3A_2254 : f32 to vector<16xf32>
      %add3A_2256 = arith.addf %convert_element_type3A_2250, %add3A_2255 : vector<16xf32>
      %select_n3A_2257 = arith.select %lt3A_2253, %convert_element_type3A_2250, %add3A_2256 : vector<16xi1>, vector<16xf32>
      %mul3A_2258 = arith.constant 5.000000e-01 : f32
      %mul3A_2259 = vector.broadcast %mul3A_2258 : f32 to vector<16xf32>
      %mul3A_2260 = arith.mulf %mul3A_2259, %bitcast_convert_type3A_2249 : vector<16xf32>
      %select_n3A_2261 = arith.select %lt3A_2253, %bitcast_convert_type3A_2249, %mul3A_2260 : vector<16xi1>, vector<16xf32>
      %sub3A_2262 = arith.constant 1.000000e+00 : f32
      %sub3A_2263 = vector.broadcast %sub3A_2262 : f32 to vector<16xf32>
      %sub3A_2264 = arith.subf %select_n3A_2261, %sub3A_2263 : vector<16xf32>
      %mul3A_2265 = arith.mulf %sub3A_2264, %sub3A_2264 : vector<16xf32>
      %mul3A_2266 = arith.constant 0.0703768358 : f32
      %mul3A_2267 = vector.broadcast %mul3A_2266 : f32 to vector<16xf32>
      %mul3A_2268 = arith.mulf %mul3A_2267, %sub3A_2264 : vector<16xf32>
      %add3A_2269 = arith.constant -0.115146101 : f32
      %add3A_2270 = vector.broadcast %add3A_2269 : f32 to vector<16xf32>
      %add3A_2271 = arith.addf %mul3A_2268, %add3A_2270 : vector<16xf32>
      %mul3A_2272 = arith.mulf %add3A_2271, %sub3A_2264 : vector<16xf32>
      %add3A_2273 = arith.constant 0.116769984 : f32
      %add3A_2274 = vector.broadcast %add3A_2273 : f32 to vector<16xf32>
      %add3A_2275 = arith.addf %mul3A_2272, %add3A_2274 : vector<16xf32>
      %mul3A_2276 = arith.mulf %add3A_2275, %sub3A_2264 : vector<16xf32>
      %add3A_2277 = arith.constant -0.12420141 : f32
      %add3A_2278 = vector.broadcast %add3A_2277 : f32 to vector<16xf32>
      %add3A_2279 = arith.addf %mul3A_2276, %add3A_2278 : vector<16xf32>
      %mul3A_2280 = arith.mulf %add3A_2279, %sub3A_2264 : vector<16xf32>
      %add3A_2281 = arith.constant 0.142493233 : f32
      %add3A_2282 = vector.broadcast %add3A_2281 : f32 to vector<16xf32>
      %add3A_2283 = arith.addf %mul3A_2280, %add3A_2282 : vector<16xf32>
      %mul3A_2284 = arith.mulf %add3A_2283, %sub3A_2264 : vector<16xf32>
      %add3A_2285 = arith.constant -0.166680574 : f32
      %add3A_2286 = vector.broadcast %add3A_2285 : f32 to vector<16xf32>
      %add3A_2287 = arith.addf %mul3A_2284, %add3A_2286 : vector<16xf32>
      %mul3A_2288 = arith.mulf %add3A_2287, %sub3A_2264 : vector<16xf32>
      %add3A_2289 = arith.constant 0.200007141 : f32
      %add3A_2290 = vector.broadcast %add3A_2289 : f32 to vector<16xf32>
      %add3A_2291 = arith.addf %mul3A_2288, %add3A_2290 : vector<16xf32>
      %mul3A_2292 = arith.mulf %add3A_2291, %sub3A_2264 : vector<16xf32>
      %add3A_2293 = arith.constant -0.24999994 : f32
      %add3A_2294 = vector.broadcast %add3A_2293 : f32 to vector<16xf32>
      %add3A_2295 = arith.addf %mul3A_2292, %add3A_2294 : vector<16xf32>
      %mul3A_2296 = arith.mulf %add3A_2295, %sub3A_2264 : vector<16xf32>
      %add3A_2297 = arith.constant 0.333333313 : f32
      %add3A_2298 = vector.broadcast %add3A_2297 : f32 to vector<16xf32>
      %add3A_2299 = arith.addf %mul3A_2296, %add3A_2298 : vector<16xf32>
      %mul3A_2300 = arith.mulf %sub3A_2264, %mul3A_2265 : vector<16xf32>
      %mul3A_2301 = arith.mulf %mul3A_2300, %add3A_2299 : vector<16xf32>
      %mul3A_2302 = arith.constant 5.000000e-01 : f32
      %mul3A_2303 = vector.broadcast %mul3A_2302 : f32 to vector<16xf32>
      %mul3A_2304 = arith.mulf %mul3A_2303, %mul3A_2265 : vector<16xf32>
      %sub3A_2305 = arith.subf %mul3A_2301, %mul3A_2304 : vector<16xf32>
      %add3A_2306 = arith.addf %sub3A_2305, %sub3A_2264 : vector<16xf32>
      %mul3A_2307 = arith.constant 0.693147182 : f32
      %mul3A_2308 = vector.broadcast %mul3A_2307 : f32 to vector<16xf32>
      %mul3A_2309 = arith.mulf %select_n3A_2257, %mul3A_2308 : vector<16xf32>
      %add3A_2310 = arith.addf %add3A_2306, %mul3A_2309 : vector<16xf32>
      %add3A_2311 = arith.addf %add3A_2234, %add3A_2310 : vector<16xf32>
      %mul3A_2312 = arith.mulf %add3A_2311, %get3A_2227 : vector<16xf32>
      %neg3A_2313 = arith.constant 0.000000e+00 : f32
      %neg3A_2314 = vector.broadcast %neg3A_2313 : f32 to vector<16xf32>
      %neg3A_2315 = arith.subf %neg3A_2314, %scan3A_1938#1 : vector<16xf32>
      %max3A_2316 = arith.constant 0.000000e+00 : f32
      %max3A_2317 = vector.broadcast %max3A_2316 : f32 to vector<16xf32>
      %max3A_2318 = arith.maximumf %neg3A_2315, %max3A_2317 : vector<16xf32>
      %add3A_2319 = arith.addf %max3A_2318, %add3A_2198 : vector<16xf32>
      %mul3A_2320 = arith.mulf %mul3A_2207, %add3A_2223 : vector<16xf32>
      %bitcast_convert_type3A_2321 = tpu.bitcast %mul3A_2320 : vector<16xf32> -> vector<16xi32>
      %shift_right_logical3A_2322 = arith.constant 23 : i32
      %shift_right_logical3A_2323 = vector.broadcast %shift_right_logical3A_2322 : i32 to vector<16xi32>
      %shift_right_logical3A_2324 = arith.shrui %bitcast_convert_type3A_2321, %shift_right_logical3A_2323 : vector<16xi32>
      %sub3A_2325 = arith.constant 127 : i32
      %sub3A_2326 = vector.broadcast %sub3A_2325 : i32 to vector<16xi32>
      %sub3A_2327 = arith.subi %shift_right_logical3A_2324, %sub3A_2326 : vector<16xi32>
      %and3A_2328 = arith.constant 8388607 : i32
      %and3A_2329 = vector.broadcast %and3A_2328 : i32 to vector<16xi32>
      %and3A_2330 = arith.andi %bitcast_convert_type3A_2321, %and3A_2329 : vector<16xi32>
      %or3A_2331 = arith.constant 1065353216 : i32
      %or3A_2332 = vector.broadcast %or3A_2331 : i32 to vector<16xi32>
      %or3A_2333 = arith.ori %and3A_2330, %or3A_2332 : vector<16xi32>
      %bitcast_convert_type3A_2334 = tpu.bitcast %or3A_2333 : vector<16xi32> -> vector<16xf32>
      %convert_element_type3A_2335 = arith.sitofp %sub3A_2327 : vector<16xi32> to vector<16xf32>
      %lt3A_2336 = arith.constant 1.41421354 : f32
      %lt3A_2337 = vector.broadcast %lt3A_2336 : f32 to vector<16xf32>
      %lt3A_2338 = arith.cmpf olt, %bitcast_convert_type3A_2334, %lt3A_2337 : vector<16xf32>
      %add3A_2339 = arith.constant 1.000000e+00 : f32
      %add3A_2340 = vector.broadcast %add3A_2339 : f32 to vector<16xf32>
      %add3A_2341 = arith.addf %convert_element_type3A_2335, %add3A_2340 : vector<16xf32>
      %select_n3A_2342 = arith.select %lt3A_2338, %convert_element_type3A_2335, %add3A_2341 : vector<16xi1>, vector<16xf32>
      %mul3A_2343 = arith.constant 5.000000e-01 : f32
      %mul3A_2344 = vector.broadcast %mul3A_2343 : f32 to vector<16xf32>
      %mul3A_2345 = arith.mulf %mul3A_2344, %bitcast_convert_type3A_2334 : vector<16xf32>
      %select_n3A_2346 = arith.select %lt3A_2338, %bitcast_convert_type3A_2334, %mul3A_2345 : vector<16xi1>, vector<16xf32>
      %sub3A_2347 = arith.constant 1.000000e+00 : f32
      %sub3A_2348 = vector.broadcast %sub3A_2347 : f32 to vector<16xf32>
      %sub3A_2349 = arith.subf %select_n3A_2346, %sub3A_2348 : vector<16xf32>
      %mul3A_2350 = arith.mulf %sub3A_2349, %sub3A_2349 : vector<16xf32>
      %mul3A_2351 = arith.constant 0.0703768358 : f32
      %mul3A_2352 = vector.broadcast %mul3A_2351 : f32 to vector<16xf32>
      %mul3A_2353 = arith.mulf %mul3A_2352, %sub3A_2349 : vector<16xf32>
      %add3A_2354 = arith.constant -0.115146101 : f32
      %add3A_2355 = vector.broadcast %add3A_2354 : f32 to vector<16xf32>
      %add3A_2356 = arith.addf %mul3A_2353, %add3A_2355 : vector<16xf32>
      %mul3A_2357 = arith.mulf %add3A_2356, %sub3A_2349 : vector<16xf32>
      %add3A_2358 = arith.constant 0.116769984 : f32
      %add3A_2359 = vector.broadcast %add3A_2358 : f32 to vector<16xf32>
      %add3A_2360 = arith.addf %mul3A_2357, %add3A_2359 : vector<16xf32>
      %mul3A_2361 = arith.mulf %add3A_2360, %sub3A_2349 : vector<16xf32>
      %add3A_2362 = arith.constant -0.12420141 : f32
      %add3A_2363 = vector.broadcast %add3A_2362 : f32 to vector<16xf32>
      %add3A_2364 = arith.addf %mul3A_2361, %add3A_2363 : vector<16xf32>
      %mul3A_2365 = arith.mulf %add3A_2364, %sub3A_2349 : vector<16xf32>
      %add3A_2366 = arith.constant 0.142493233 : f32
      %add3A_2367 = vector.broadcast %add3A_2366 : f32 to vector<16xf32>
      %add3A_2368 = arith.addf %mul3A_2365, %add3A_2367 : vector<16xf32>
      %mul3A_2369 = arith.mulf %add3A_2368, %sub3A_2349 : vector<16xf32>
      %add3A_2370 = arith.constant -0.166680574 : f32
      %add3A_2371 = vector.broadcast %add3A_2370 : f32 to vector<16xf32>
      %add3A_2372 = arith.addf %mul3A_2369, %add3A_2371 : vector<16xf32>
      %mul3A_2373 = arith.mulf %add3A_2372, %sub3A_2349 : vector<16xf32>
      %add3A_2374 = arith.constant 0.200007141 : f32
      %add3A_2375 = vector.broadcast %add3A_2374 : f32 to vector<16xf32>
      %add3A_2376 = arith.addf %mul3A_2373, %add3A_2375 : vector<16xf32>
      %mul3A_2377 = arith.mulf %add3A_2376, %sub3A_2349 : vector<16xf32>
      %add3A_2378 = arith.constant -0.24999994 : f32
      %add3A_2379 = vector.broadcast %add3A_2378 : f32 to vector<16xf32>
      %add3A_2380 = arith.addf %mul3A_2377, %add3A_2379 : vector<16xf32>
      %mul3A_2381 = arith.mulf %add3A_2380, %sub3A_2349 : vector<16xf32>
      %add3A_2382 = arith.constant 0.333333313 : f32
      %add3A_2383 = vector.broadcast %add3A_2382 : f32 to vector<16xf32>
      %add3A_2384 = arith.addf %mul3A_2381, %add3A_2383 : vector<16xf32>
      %mul3A_2385 = arith.mulf %sub3A_2349, %mul3A_2350 : vector<16xf32>
      %mul3A_2386 = arith.mulf %mul3A_2385, %add3A_2384 : vector<16xf32>
      %mul3A_2387 = arith.constant 5.000000e-01 : f32
      %mul3A_2388 = vector.broadcast %mul3A_2387 : f32 to vector<16xf32>
      %mul3A_2389 = arith.mulf %mul3A_2388, %mul3A_2350 : vector<16xf32>
      %sub3A_2390 = arith.subf %mul3A_2386, %mul3A_2389 : vector<16xf32>
      %add3A_2391 = arith.addf %sub3A_2390, %sub3A_2349 : vector<16xf32>
      %mul3A_2392 = arith.constant 0.693147182 : f32
      %mul3A_2393 = vector.broadcast %mul3A_2392 : f32 to vector<16xf32>
      %mul3A_2394 = arith.mulf %select_n3A_2342, %mul3A_2393 : vector<16xf32>
      %add3A_2395 = arith.addf %add3A_2391, %mul3A_2394 : vector<16xf32>
      %add3A_2396 = arith.addf %add3A_2319, %add3A_2395 : vector<16xf32>
      %mul3A_2397 = arith.mulf %add3A_2396, %get3A_2227 : vector<16xf32>
      %swap3A_2398 = arith.constant 0 : index
      %swap3A_2399 = tpu.vector_load %arg22[%swap3A_2398] {strides = array<i32>} : memref<32xf32, #tpu.memory_space<vmem>>, vector<16xf32>,
      tpu.vector_store %arg22[%swap3A_2398], %mul3A_2312 {strides = array<i32>} : memref<32xf32, #tpu.memory_space<vmem>>, vector<16xf32>,
      %swap3A_2400 = arith.constant 0 : index
      %swap3A_2401 = tpu.vector_load %arg23[%swap3A_2400] {strides = array<i32>} : memref<32xf32, #tpu.memory_space<vmem>>, vector<16xf32>,
      tpu.vector_store %arg23[%swap3A_2400], %mul3A_2397 {strides = array<i32>} : memref<32xf32, #tpu.memory_space<vmem>>, vector<16xf32>,
      %add3A_2402 = arith.constant 16 : i32
      %add3A_2403 = vector.broadcast %add3A_2402 : i32 to vector<16xi32>
      %add3A_2404 = arith.addi %iota3A, %add3A_2403 : vector<16xi32>
      %scan3A_2405 = arith.constant 0 : i32
      %scan3A_2406 = arith.constant 64 : i32
      %scan3A_2407 = arith.addi %scan3A_2405, %scan3A_2406 : i32
      %scan3A_2408 = arith.constant 1 : i32
      %scan3A_2409:12 = scf.for %scan3A_2877 = %scan3A_2405 to %scan3A_2407 step %scan3A_2408 iter_args(%scan3A_2878 = %broadcast_in_dim3A_1930, %scan3A_2879 = %broadcast_in_dim3A_1930, %scan3A_2880 = %broadcast_in_dim3A_1930, %scan3A_2881 = %broadcast_in_dim3A_1930, %scan3A_2882 = %broadcast_in_dim3A_1930, %scan3A_2883 = %broadcast_in_dim3A_1930, %scan3A_2884 = %broadcast_in_dim3A_1930, %scan3A_2885 = %broadcast_in_dim3A_1930, %scan3A_2886 = %broadcast_in_dim3A_1930, %scan3A_2887 = %broadcast_in_dim3A_1930, %scan3A_2888 = %broadcast_in_dim3A_1930, %scan3A_2889 = %broadcast_in_dim3A_1930) -> (vector<16xf32>, vector<16xf32>, vector<16xf32>, vector<16xf32>, vector<16xf32>, vector<16xf32>, vector<16xf32>, vector<16xf32>, vector<16xf32>, vector<16xf32>, vector<16xf32>, vector<16xf32>)  : i32 {
        %add3A_2890 = vector.broadcast %scan3A_2877 : i32 to vector<16xi32>
        %add3A_2891 = arith.addi %iota3A, %add3A_2890 : vector<16xi32>
        %and3A_2892 = arith.constant 63 : i32
        %and3A_2893 = vector.broadcast %and3A_2892 : i32 to vector<16xi32>
        %and3A_2894 = arith.andi %add3A_2891, %and3A_2893 : vector<16xi32>
        %gather3A = tpu.vector_load_idx %arg18[%add3A_2404, %and3A_2894] : memref<32x64xf32, #tpu.memory_space<vmem>>[vector<16xi32>, vector<16xi32>], vector<16xf32>,
        %gather3A_2895 = tpu.vector_load_idx %arg19[%add3A_2404, %and3A_2894] : memref<32x64xf32, #tpu.memory_space<vmem>>[vector<16xi32>, vector<16xi32>], vector<16xf32>,
        %gather3A_2896 = tpu.vector_load_idx %arg20[%add3A_2404, %and3A_2894] : memref<32x64xf32, #tpu.memory_space<vmem>>[vector<16xi32>, vector<16xi32>], vector<16xf32>,
        %mul3A_2897 = arith.mulf %gather3A, %gather3A_2895 : vector<16xf32>
        %add3A_2898 = arith.addf %scan3A_2878, %mul3A_2897 : vector<16xf32>
        %mul3A_2899 = arith.mulf %gather3A, %gather3A_2896 : vector<16xf32>
        %add3A_2900 = arith.addf %scan3A_2879, %mul3A_2899 : vector<16xf32>
        %add3A_2901 = arith.constant 0 : i32
        %add3A_2902 = vector.broadcast %add3A_2901 : i32 to vector<16xi32>
        %add3A_2903 = arith.addi %broadcast_in_dim3A_3, %add3A_2902 : vector<16xi32>
        %gather3A_2904 = tpu.vector_load_idx %arg21[%add3A_2903, %add3A_2404, %and3A_2894] : memref<20x32x64xf32, #tpu.memory_space<vmem>>[vector<16xi32>, vector<16xi32>, vector<16xi32>], vector<16xf32>,
        %mul3A_2905 = arith.mulf %gather3A, %gather3A_2904 : vector<16xf32>
        %add3A_2906 = arith.addf %scan3A_2880, %mul3A_2905 : vector<16xf32>
        %add3A_2907 = arith.constant 1 : i32
        %add3A_2908 = vector.broadcast %add3A_2907 : i32 to vector<16xi32>
        %add3A_2909 = arith.addi %broadcast_in_dim3A_3, %add3A_2908 : vector<16xi32>
        %gather3A_2910 = tpu.vector_load_idx %arg21[%add3A_2909, %add3A_2404, %and3A_2894] : memref<20x32x64xf32, #tpu.memory_space<vmem>>[vector<16xi32>, vector<16xi32>, vector<16xi32>], vector<16xf32>,
        %mul3A_2911 = arith.mulf %gather3A, %gather3A_2910 : vector<16xf32>
        %add3A_2912 = arith.addf %scan3A_2881, %mul3A_2911 : vector<16xf32>
        %add3A_2913 = arith.constant 2 : i32
        %add3A_2914 = vector.broadcast %add3A_2913 : i32 to vector<16xi32>
        %add3A_2915 = arith.addi %broadcast_in_dim3A_3, %add3A_2914 : vector<16xi32>
        %gather3A_2916 = tpu.vector_load_idx %arg21[%add3A_2915, %add3A_2404, %and3A_2894] : memref<20x32x64xf32, #tpu.memory_space<vmem>>[vector<16xi32>, vector<16xi32>, vector<16xi32>], vector<16xf32>,
        %mul3A_2917 = arith.mulf %gather3A, %gather3A_2916 : vector<16xf32>
        %add3A_2918 = arith.addf %scan3A_2882, %mul3A_2917 : vector<16xf32>
        %add3A_2919 = arith.constant 3 : i32
        %add3A_2920 = vector.broadcast %add3A_2919 : i32 to vector<16xi32>
        %add3A_2921 = arith.addi %broadcast_in_dim3A_3, %add3A_2920 : vector<16xi32>
        %gather3A_2922 = tpu.vector_load_idx %arg21[%add3A_2921, %add3A_2404, %and3A_2894] : memref<20x32x64xf32, #tpu.memory_space<vmem>>[vector<16xi32>, vector<16xi32>, vector<16xi32>], vector<16xf32>,
        %mul3A_2923 = arith.mulf %gather3A, %gather3A_2922 : vector<16xf32>
        %add3A_2924 = arith.addf %scan3A_2883, %mul3A_2923 : vector<16xf32>
        %add3A_2925 = arith.constant 4 : i32
        %add3A_2926 = vector.broadcast %add3A_2925 : i32 to vector<16xi32>
        %add3A_2927 = arith.addi %broadcast_in_dim3A_3, %add3A_2926 : vector<16xi32>
        %gather3A_2928 = tpu.vector_load_idx %arg21[%add3A_2927, %add3A_2404, %and3A_2894] : memref<20x32x64xf32, #tpu.memory_space<vmem>>[vector<16xi32>, vector<16xi32>, vector<16xi32>], vector<16xf32>,
        %mul3A_2929 = arith.mulf %gather3A, %gather3A_2928 : vector<16xf32>
        %add3A_2930 = arith.addf %scan3A_2884, %mul3A_2929 : vector<16xf32>
        %add3A_2931 = arith.constant 5 : i32
        %add3A_2932 = vector.broadcast %add3A_2931 : i32 to vector<16xi32>
        %add3A_2933 = arith.addi %broadcast_in_dim3A_3, %add3A_2932 : vector<16xi32>
        %gather3A_2934 = tpu.vector_load_idx %arg21[%add3A_2933, %add3A_2404, %and3A_2894] : memref<20x32x64xf32, #tpu.memory_space<vmem>>[vector<16xi32>, vector<16xi32>, vector<16xi32>], vector<16xf32>,
        %mul3A_2935 = arith.mulf %gather3A, %gather3A_2934 : vector<16xf32>
        %add3A_2936 = arith.addf %scan3A_2885, %mul3A_2935 : vector<16xf32>
        %add3A_2937 = arith.constant 6 : i32
        %add3A_2938 = vector.broadcast %add3A_2937 : i32 to vector<16xi32>
        %add3A_2939 = arith.addi %broadcast_in_dim3A_3, %add3A_2938 : vector<16xi32>
        %gather3A_2940 = tpu.vector_load_idx %arg21[%add3A_2939, %add3A_2404, %and3A_2894] : memref<20x32x64xf32, #tpu.memory_space<vmem>>[vector<16xi32>, vector<16xi32>, vector<16xi32>], vector<16xf32>,
        %mul3A_2941 = arith.mulf %gather3A, %gather3A_2940 : vector<16xf32>
        %add3A_2942 = arith.addf %scan3A_2886, %mul3A_2941 : vector<16xf32>
        %add3A_2943 = arith.constant 7 : i32
        %add3A_2944 = vector.broadcast %add3A_2943 : i32 to vector<16xi32>
        %add3A_2945 = arith.addi %broadcast_in_dim3A_3, %add3A_2944 : vector<16xi32>
        %gather3A_2946 = tpu.vector_load_idx %arg21[%add3A_2945, %add3A_2404, %and3A_2894] : memref<20x32x64xf32, #tpu.memory_space<vmem>>[vector<16xi32>, vector<16xi32>, vector<16xi32>], vector<16xf32>,
        %mul3A_2947 = arith.mulf %gather3A, %gather3A_2946 : vector<16xf32>
        %add3A_2948 = arith.addf %scan3A_2887, %mul3A_2947 : vector<16xf32>
        %add3A_2949 = arith.constant 8 : i32
        %add3A_2950 = vector.broadcast %add3A_2949 : i32 to vector<16xi32>
        %add3A_2951 = arith.addi %broadcast_in_dim3A_3, %add3A_2950 : vector<16xi32>
        %gather3A_2952 = tpu.vector_load_idx %arg21[%add3A_2951, %add3A_2404, %and3A_2894] : memref<20x32x64xf32, #tpu.memory_space<vmem>>[vector<16xi32>, vector<16xi32>, vector<16xi32>], vector<16xf32>,
        %mul3A_2953 = arith.mulf %gather3A, %gather3A_2952 : vector<16xf32>
        %add3A_2954 = arith.addf %scan3A_2888, %mul3A_2953 : vector<16xf32>
        %add3A_2955 = arith.constant 9 : i32
        %add3A_2956 = vector.broadcast %add3A_2955 : i32 to vector<16xi32>
        %add3A_2957 = arith.addi %broadcast_in_dim3A_3, %add3A_2956 : vector<16xi32>
        %gather3A_2958 = tpu.vector_load_idx %arg21[%add3A_2957, %add3A_2404, %and3A_2894] : memref<20x32x64xf32, #tpu.memory_space<vmem>>[vector<16xi32>, vector<16xi32>, vector<16xi32>], vector<16xf32>,
        %mul3A_2959 = arith.mulf %gather3A, %gather3A_2958 : vector<16xf32>
        %add3A_2960 = arith.addf %scan3A_2889, %mul3A_2959 : vector<16xf32>
        scf.yield %add3A_2898, %add3A_2900, %add3A_2906, %add3A_2912, %add3A_2918, %add3A_2924, %add3A_2930, %add3A_2936, %add3A_2942, %add3A_2948, %add3A_2954, %add3A_2960 : vector<16xf32>, vector<16xf32>, vector<16xf32>, vector<16xf32>, vector<16xf32>, vector<16xf32>, vector<16xf32>, vector<16xf32>, vector<16xf32>, vector<16xf32>, vector<16xf32>, vector<16xf32>
      }
      %scan3A_2410 = arith.constant 64 : i32
      %scan3A_2411 = arith.constant 0 : i32
      %scan3A_2412 = arith.constant 64 : i32
      %scan3A_2413 = arith.addi %scan3A_2411, %scan3A_2412 : i32
      %scan3A_2414 = arith.constant 1 : i32
      %scan3A_2415:10 = scf.for %scan3A_2877 = %scan3A_2411 to %scan3A_2413 step %scan3A_2414 iter_args(%scan3A_2878 = %broadcast_in_dim3A_1930, %scan3A_2879 = %broadcast_in_dim3A_1930, %scan3A_2880 = %broadcast_in_dim3A_1930, %scan3A_2881 = %broadcast_in_dim3A_1930, %scan3A_2882 = %broadcast_in_dim3A_1930, %scan3A_2883 = %broadcast_in_dim3A_1930, %scan3A_2884 = %broadcast_in_dim3A_1930, %scan3A_2885 = %broadcast_in_dim3A_1930, %scan3A_2886 = %broadcast_in_dim3A_1930, %scan3A_2887 = %broadcast_in_dim3A_1930) -> (vector<16xf32>, vector<16xf32>, vector<16xf32>, vector<16xf32>, vector<16xf32>, vector<16xf32>, vector<16xf32>, vector<16xf32>, vector<16xf32>, vector<16xf32>)  : i32 {
        %add3A_2888 = vector.broadcast %scan3A_2877 : i32 to vector<16xi32>
        %add3A_2889 = arith.addi %iota3A, %add3A_2888 : vector<16xi32>
        %and3A_2890 = arith.constant 63 : i32
        %and3A_2891 = vector.broadcast %and3A_2890 : i32 to vector<16xi32>
        %and3A_2892 = arith.andi %add3A_2889, %and3A_2891 : vector<16xi32>
        %gather3A = tpu.vector_load_idx %arg18[%add3A_2404, %and3A_2892] : memref<32x64xf32, #tpu.memory_space<vmem>>[vector<16xi32>, vector<16xi32>], vector<16xf32>,
        %add3A_2893 = arith.constant 10 : i32
        %add3A_2894 = vector.broadcast %add3A_2893 : i32 to vector<16xi32>
        %add3A_2895 = arith.addi %broadcast_in_dim3A_3, %add3A_2894 : vector<16xi32>
        %gather3A_2896 = tpu.vector_load_idx %arg21[%add3A_2895, %add3A_2404, %and3A_2892] : memref<20x32x64xf32, #tpu.memory_space<vmem>>[vector<16xi32>, vector<16xi32>, vector<16xi32>], vector<16xf32>,
        %mul3A_2897 = arith.mulf %gather3A, %gather3A_2896 : vector<16xf32>
        %add3A_2898 = arith.addf %scan3A_2878, %mul3A_2897 : vector<16xf32>
        %add3A_2899 = arith.constant 11 : i32
        %add3A_2900 = vector.broadcast %add3A_2899 : i32 to vector<16xi32>
        %add3A_2901 = arith.addi %broadcast_in_dim3A_3, %add3A_2900 : vector<16xi32>
        %gather3A_2902 = tpu.vector_load_idx %arg21[%add3A_2901, %add3A_2404, %and3A_2892] : memref<20x32x64xf32, #tpu.memory_space<vmem>>[vector<16xi32>, vector<16xi32>, vector<16xi32>], vector<16xf32>,
        %mul3A_2903 = arith.mulf %gather3A, %gather3A_2902 : vector<16xf32>
        %add3A_2904 = arith.addf %scan3A_2879, %mul3A_2903 : vector<16xf32>
        %add3A_2905 = arith.constant 12 : i32
        %add3A_2906 = vector.broadcast %add3A_2905 : i32 to vector<16xi32>
        %add3A_2907 = arith.addi %broadcast_in_dim3A_3, %add3A_2906 : vector<16xi32>
        %gather3A_2908 = tpu.vector_load_idx %arg21[%add3A_2907, %add3A_2404, %and3A_2892] : memref<20x32x64xf32, #tpu.memory_space<vmem>>[vector<16xi32>, vector<16xi32>, vector<16xi32>], vector<16xf32>,
        %mul3A_2909 = arith.mulf %gather3A, %gather3A_2908 : vector<16xf32>
        %add3A_2910 = arith.addf %scan3A_2880, %mul3A_2909 : vector<16xf32>
        %add3A_2911 = arith.constant 13 : i32
        %add3A_2912 = vector.broadcast %add3A_2911 : i32 to vector<16xi32>
        %add3A_2913 = arith.addi %broadcast_in_dim3A_3, %add3A_2912 : vector<16xi32>
        %gather3A_2914 = tpu.vector_load_idx %arg21[%add3A_2913, %add3A_2404, %and3A_2892] : memref<20x32x64xf32, #tpu.memory_space<vmem>>[vector<16xi32>, vector<16xi32>, vector<16xi32>], vector<16xf32>,
        %mul3A_2915 = arith.mulf %gather3A, %gather3A_2914 : vector<16xf32>
        %add3A_2916 = arith.addf %scan3A_2881, %mul3A_2915 : vector<16xf32>
        %add3A_2917 = arith.constant 14 : i32
        %add3A_2918 = vector.broadcast %add3A_2917 : i32 to vector<16xi32>
        %add3A_2919 = arith.addi %broadcast_in_dim3A_3, %add3A_2918 : vector<16xi32>
        %gather3A_2920 = tpu.vector_load_idx %arg21[%add3A_2919, %add3A_2404, %and3A_2892] : memref<20x32x64xf32, #tpu.memory_space<vmem>>[vector<16xi32>, vector<16xi32>, vector<16xi32>], vector<16xf32>,
        %mul3A_2921 = arith.mulf %gather3A, %gather3A_2920 : vector<16xf32>
        %add3A_2922 = arith.addf %scan3A_2882, %mul3A_2921 : vector<16xf32>
        %add3A_2923 = arith.constant 15 : i32
        %add3A_2924 = vector.broadcast %add3A_2923 : i32 to vector<16xi32>
        %add3A_2925 = arith.addi %broadcast_in_dim3A_3, %add3A_2924 : vector<16xi32>
        %gather3A_2926 = tpu.vector_load_idx %arg21[%add3A_2925, %add3A_2404, %and3A_2892] : memref<20x32x64xf32, #tpu.memory_space<vmem>>[vector<16xi32>, vector<16xi32>, vector<16xi32>], vector<16xf32>,
        %mul3A_2927 = arith.mulf %gather3A, %gather3A_2926 : vector<16xf32>
        %add3A_2928 = arith.addf %scan3A_2883, %mul3A_2927 : vector<16xf32>
        %add3A_2929 = arith.constant 16 : i32
        %add3A_2930 = vector.broadcast %add3A_2929 : i32 to vector<16xi32>
        %add3A_2931 = arith.addi %broadcast_in_dim3A_3, %add3A_2930 : vector<16xi32>
        %gather3A_2932 = tpu.vector_load_idx %arg21[%add3A_2931, %add3A_2404, %and3A_2892] : memref<20x32x64xf32, #tpu.memory_space<vmem>>[vector<16xi32>, vector<16xi32>, vector<16xi32>], vector<16xf32>,
        %mul3A_2933 = arith.mulf %gather3A, %gather3A_2932 : vector<16xf32>
        %add3A_2934 = arith.addf %scan3A_2884, %mul3A_2933 : vector<16xf32>
        %add3A_2935 = arith.constant 17 : i32
        %add3A_2936 = vector.broadcast %add3A_2935 : i32 to vector<16xi32>
        %add3A_2937 = arith.addi %broadcast_in_dim3A_3, %add3A_2936 : vector<16xi32>
        %gather3A_2938 = tpu.vector_load_idx %arg21[%add3A_2937, %add3A_2404, %and3A_2892] : memref<20x32x64xf32, #tpu.memory_space<vmem>>[vector<16xi32>, vector<16xi32>, vector<16xi32>], vector<16xf32>,
        %mul3A_2939 = arith.mulf %gather3A, %gather3A_2938 : vector<16xf32>
        %add3A_2940 = arith.addf %scan3A_2885, %mul3A_2939 : vector<16xf32>
        %add3A_2941 = arith.constant 18 : i32
        %add3A_2942 = vector.broadcast %add3A_2941 : i32 to vector<16xi32>
        %add3A_2943 = arith.addi %broadcast_in_dim3A_3, %add3A_2942 : vector<16xi32>
        %gather3A_2944 = tpu.vector_load_idx %arg21[%add3A_2943, %add3A_2404, %and3A_2892] : memref<20x32x64xf32, #tpu.memory_space<vmem>>[vector<16xi32>, vector<16xi32>, vector<16xi32>], vector<16xf32>,
        %mul3A_2945 = arith.mulf %gather3A, %gather3A_2944 : vector<16xf32>
        %add3A_2946 = arith.addf %scan3A_2886, %mul3A_2945 : vector<16xf32>
        %add3A_2947 = arith.constant 19 : i32
        %add3A_2948 = vector.broadcast %add3A_2947 : i32 to vector<16xi32>
        %add3A_2949 = arith.addi %broadcast_in_dim3A_3, %add3A_2948 : vector<16xi32>
        %gather3A_2950 = tpu.vector_load_idx %arg21[%add3A_2949, %add3A_2404, %and3A_2892] : memref<20x32x64xf32, #tpu.memory_space<vmem>>[vector<16xi32>, vector<16xi32>, vector<16xi32>], vector<16xf32>,
        %mul3A_2951 = arith.mulf %gather3A, %gather3A_2950 : vector<16xf32>
        %add3A_2952 = arith.addf %scan3A_2887, %mul3A_2951 : vector<16xf32>
        scf.yield %add3A_2898, %add3A_2904, %add3A_2910, %add3A_2916, %add3A_2922, %add3A_2928, %add3A_2934, %add3A_2940, %add3A_2946, %add3A_2952 : vector<16xf32>, vector<16xf32>, vector<16xf32>, vector<16xf32>, vector<16xf32>, vector<16xf32>, vector<16xf32>, vector<16xf32>, vector<16xf32>, vector<16xf32>
      }
      %scan3A_2416 = arith.constant 64 : i32
      %broadcast_in_dim3A_2417 = arith.constant 1.000000e+00 : f32
      %broadcast_in_dim3A_2418 = vector.broadcast %broadcast_in_dim3A_2417 : f32 to vector<16xf32>
      %max3A_2419 = arith.constant 0.000000e+00 : f32
      %max3A_2420 = vector.broadcast %max3A_2419 : f32 to vector<16xf32>
      %max3A_2421 = arith.maximumf %scan3A_2409#2, %max3A_2420 : vector<16xf32>
      %add3A_2422 = arith.addf %broadcast_in_dim3A_1930, %max3A_2421 : vector<16xf32>
      %abs3A_2423 = math.absf %scan3A_2409#2 : vector<16xf32>
      %neg3A_2424 = arith.constant 0.000000e+00 : f32
      %neg3A_2425 = vector.broadcast %neg3A_2424 : f32 to vector<16xf32>
      %neg3A_2426 = arith.subf %neg3A_2425, %abs3A_2423 : vector<16xf32>
      %exp3A_2427 = math.exp %neg3A_2426 : vector<16xf32>
      %add3A_2428 = arith.constant 1.000000e+00 : f32
      %add3A_2429 = vector.broadcast %add3A_2428 : f32 to vector<16xf32>
      %add3A_2430 = arith.addf %add3A_2429, %exp3A_2427 : vector<16xf32>
      %mul3A_2431 = arith.mulf %broadcast_in_dim3A_2418, %add3A_2430 : vector<16xf32>
      %max3A_2432 = arith.constant 0.000000e+00 : f32
      %max3A_2433 = vector.broadcast %max3A_2432 : f32 to vector<16xf32>
      %max3A_2434 = arith.maximumf %scan3A_2409#3, %max3A_2433 : vector<16xf32>
      %add3A_2435 = arith.addf %add3A_2422, %max3A_2434 : vector<16xf32>
      %abs3A_2436 = math.absf %scan3A_2409#3 : vector<16xf32>
      %neg3A_2437 = arith.constant 0.000000e+00 : f32
      %neg3A_2438 = vector.broadcast %neg3A_2437 : f32 to vector<16xf32>
      %neg3A_2439 = arith.subf %neg3A_2438, %abs3A_2436 : vector<16xf32>
      %exp3A_2440 = math.exp %neg3A_2439 : vector<16xf32>
      %add3A_2441 = arith.constant 1.000000e+00 : f32
      %add3A_2442 = vector.broadcast %add3A_2441 : f32 to vector<16xf32>
      %add3A_2443 = arith.addf %add3A_2442, %exp3A_2440 : vector<16xf32>
      %mul3A_2444 = arith.mulf %mul3A_2431, %add3A_2443 : vector<16xf32>
      %max3A_2445 = arith.constant 0.000000e+00 : f32
      %max3A_2446 = vector.broadcast %max3A_2445 : f32 to vector<16xf32>
      %max3A_2447 = arith.maximumf %scan3A_2409#4, %max3A_2446 : vector<16xf32>
      %add3A_2448 = arith.addf %add3A_2435, %max3A_2447 : vector<16xf32>
      %abs3A_2449 = math.absf %scan3A_2409#4 : vector<16xf32>
      %neg3A_2450 = arith.constant 0.000000e+00 : f32
      %neg3A_2451 = vector.broadcast %neg3A_2450 : f32 to vector<16xf32>
      %neg3A_2452 = arith.subf %neg3A_2451, %abs3A_2449 : vector<16xf32>
      %exp3A_2453 = math.exp %neg3A_2452 : vector<16xf32>
      %add3A_2454 = arith.constant 1.000000e+00 : f32
      %add3A_2455 = vector.broadcast %add3A_2454 : f32 to vector<16xf32>
      %add3A_2456 = arith.addf %add3A_2455, %exp3A_2453 : vector<16xf32>
      %mul3A_2457 = arith.mulf %mul3A_2444, %add3A_2456 : vector<16xf32>
      %max3A_2458 = arith.constant 0.000000e+00 : f32
      %max3A_2459 = vector.broadcast %max3A_2458 : f32 to vector<16xf32>
      %max3A_2460 = arith.maximumf %scan3A_2409#5, %max3A_2459 : vector<16xf32>
      %add3A_2461 = arith.addf %add3A_2448, %max3A_2460 : vector<16xf32>
      %abs3A_2462 = math.absf %scan3A_2409#5 : vector<16xf32>
      %neg3A_2463 = arith.constant 0.000000e+00 : f32
      %neg3A_2464 = vector.broadcast %neg3A_2463 : f32 to vector<16xf32>
      %neg3A_2465 = arith.subf %neg3A_2464, %abs3A_2462 : vector<16xf32>
      %exp3A_2466 = math.exp %neg3A_2465 : vector<16xf32>
      %add3A_2467 = arith.constant 1.000000e+00 : f32
      %add3A_2468 = vector.broadcast %add3A_2467 : f32 to vector<16xf32>
      %add3A_2469 = arith.addf %add3A_2468, %exp3A_2466 : vector<16xf32>
      %mul3A_2470 = arith.mulf %mul3A_2457, %add3A_2469 : vector<16xf32>
      %max3A_2471 = arith.constant 0.000000e+00 : f32
      %max3A_2472 = vector.broadcast %max3A_2471 : f32 to vector<16xf32>
      %max3A_2473 = arith.maximumf %scan3A_2409#6, %max3A_2472 : vector<16xf32>
      %add3A_2474 = arith.addf %add3A_2461, %max3A_2473 : vector<16xf32>
      %abs3A_2475 = math.absf %scan3A_2409#6 : vector<16xf32>
      %neg3A_2476 = arith.constant 0.000000e+00 : f32
      %neg3A_2477 = vector.broadcast %neg3A_2476 : f32 to vector<16xf32>
      %neg3A_2478 = arith.subf %neg3A_2477, %abs3A_2475 : vector<16xf32>
      %exp3A_2479 = math.exp %neg3A_2478 : vector<16xf32>
      %add3A_2480 = arith.constant 1.000000e+00 : f32
      %add3A_2481 = vector.broadcast %add3A_2480 : f32 to vector<16xf32>
      %add3A_2482 = arith.addf %add3A_2481, %exp3A_2479 : vector<16xf32>
      %mul3A_2483 = arith.mulf %mul3A_2470, %add3A_2482 : vector<16xf32>
      %max3A_2484 = arith.constant 0.000000e+00 : f32
      %max3A_2485 = vector.broadcast %max3A_2484 : f32 to vector<16xf32>
      %max3A_2486 = arith.maximumf %scan3A_2409#7, %max3A_2485 : vector<16xf32>
      %add3A_2487 = arith.addf %add3A_2474, %max3A_2486 : vector<16xf32>
      %abs3A_2488 = math.absf %scan3A_2409#7 : vector<16xf32>
      %neg3A_2489 = arith.constant 0.000000e+00 : f32
      %neg3A_2490 = vector.broadcast %neg3A_2489 : f32 to vector<16xf32>
      %neg3A_2491 = arith.subf %neg3A_2490, %abs3A_2488 : vector<16xf32>
      %exp3A_2492 = math.exp %neg3A_2491 : vector<16xf32>
      %add3A_2493 = arith.constant 1.000000e+00 : f32
      %add3A_2494 = vector.broadcast %add3A_2493 : f32 to vector<16xf32>
      %add3A_2495 = arith.addf %add3A_2494, %exp3A_2492 : vector<16xf32>
      %mul3A_2496 = arith.mulf %mul3A_2483, %add3A_2495 : vector<16xf32>
      %max3A_2497 = arith.constant 0.000000e+00 : f32
      %max3A_2498 = vector.broadcast %max3A_2497 : f32 to vector<16xf32>
      %max3A_2499 = arith.maximumf %scan3A_2409#8, %max3A_2498 : vector<16xf32>
      %add3A_2500 = arith.addf %add3A_2487, %max3A_2499 : vector<16xf32>
      %abs3A_2501 = math.absf %scan3A_2409#8 : vector<16xf32>
      %neg3A_2502 = arith.constant 0.000000e+00 : f32
      %neg3A_2503 = vector.broadcast %neg3A_2502 : f32 to vector<16xf32>
      %neg3A_2504 = arith.subf %neg3A_2503, %abs3A_2501 : vector<16xf32>
      %exp3A_2505 = math.exp %neg3A_2504 : vector<16xf32>
      %add3A_2506 = arith.constant 1.000000e+00 : f32
      %add3A_2507 = vector.broadcast %add3A_2506 : f32 to vector<16xf32>
      %add3A_2508 = arith.addf %add3A_2507, %exp3A_2505 : vector<16xf32>
      %mul3A_2509 = arith.mulf %mul3A_2496, %add3A_2508 : vector<16xf32>
      %max3A_2510 = arith.constant 0.000000e+00 : f32
      %max3A_2511 = vector.broadcast %max3A_2510 : f32 to vector<16xf32>
      %max3A_2512 = arith.maximumf %scan3A_2409#9, %max3A_2511 : vector<16xf32>
      %add3A_2513 = arith.addf %add3A_2500, %max3A_2512 : vector<16xf32>
      %abs3A_2514 = math.absf %scan3A_2409#9 : vector<16xf32>
      %neg3A_2515 = arith.constant 0.000000e+00 : f32
      %neg3A_2516 = vector.broadcast %neg3A_2515 : f32 to vector<16xf32>
      %neg3A_2517 = arith.subf %neg3A_2516, %abs3A_2514 : vector<16xf32>
      %exp3A_2518 = math.exp %neg3A_2517 : vector<16xf32>
      %add3A_2519 = arith.constant 1.000000e+00 : f32
      %add3A_2520 = vector.broadcast %add3A_2519 : f32 to vector<16xf32>
      %add3A_2521 = arith.addf %add3A_2520, %exp3A_2518 : vector<16xf32>
      %mul3A_2522 = arith.mulf %mul3A_2509, %add3A_2521 : vector<16xf32>
      %max3A_2523 = arith.constant 0.000000e+00 : f32
      %max3A_2524 = vector.broadcast %max3A_2523 : f32 to vector<16xf32>
      %max3A_2525 = arith.maximumf %scan3A_2409#10, %max3A_2524 : vector<16xf32>
      %add3A_2526 = arith.addf %add3A_2513, %max3A_2525 : vector<16xf32>
      %abs3A_2527 = math.absf %scan3A_2409#10 : vector<16xf32>
      %neg3A_2528 = arith.constant 0.000000e+00 : f32
      %neg3A_2529 = vector.broadcast %neg3A_2528 : f32 to vector<16xf32>
      %neg3A_2530 = arith.subf %neg3A_2529, %abs3A_2527 : vector<16xf32>
      %exp3A_2531 = math.exp %neg3A_2530 : vector<16xf32>
      %add3A_2532 = arith.constant 1.000000e+00 : f32
      %add3A_2533 = vector.broadcast %add3A_2532 : f32 to vector<16xf32>
      %add3A_2534 = arith.addf %add3A_2533, %exp3A_2531 : vector<16xf32>
      %mul3A_2535 = arith.mulf %mul3A_2522, %add3A_2534 : vector<16xf32>
      %max3A_2536 = arith.constant 0.000000e+00 : f32
      %max3A_2537 = vector.broadcast %max3A_2536 : f32 to vector<16xf32>
      %max3A_2538 = arith.maximumf %scan3A_2409#11, %max3A_2537 : vector<16xf32>
      %add3A_2539 = arith.addf %add3A_2526, %max3A_2538 : vector<16xf32>
      %abs3A_2540 = math.absf %scan3A_2409#11 : vector<16xf32>
      %neg3A_2541 = arith.constant 0.000000e+00 : f32
      %neg3A_2542 = vector.broadcast %neg3A_2541 : f32 to vector<16xf32>
      %neg3A_2543 = arith.subf %neg3A_2542, %abs3A_2540 : vector<16xf32>
      %exp3A_2544 = math.exp %neg3A_2543 : vector<16xf32>
      %add3A_2545 = arith.constant 1.000000e+00 : f32
      %add3A_2546 = vector.broadcast %add3A_2545 : f32 to vector<16xf32>
      %add3A_2547 = arith.addf %add3A_2546, %exp3A_2544 : vector<16xf32>
      %mul3A_2548 = arith.mulf %mul3A_2535, %add3A_2547 : vector<16xf32>
      %max3A_2549 = arith.constant 0.000000e+00 : f32
      %max3A_2550 = vector.broadcast %max3A_2549 : f32 to vector<16xf32>
      %max3A_2551 = arith.maximumf %scan3A_2415#0, %max3A_2550 : vector<16xf32>
      %add3A_2552 = arith.addf %add3A_2539, %max3A_2551 : vector<16xf32>
      %abs3A_2553 = math.absf %scan3A_2415#0 : vector<16xf32>
      %neg3A_2554 = arith.constant 0.000000e+00 : f32
      %neg3A_2555 = vector.broadcast %neg3A_2554 : f32 to vector<16xf32>
      %neg3A_2556 = arith.subf %neg3A_2555, %abs3A_2553 : vector<16xf32>
      %exp3A_2557 = math.exp %neg3A_2556 : vector<16xf32>
      %add3A_2558 = arith.constant 1.000000e+00 : f32
      %add3A_2559 = vector.broadcast %add3A_2558 : f32 to vector<16xf32>
      %add3A_2560 = arith.addf %add3A_2559, %exp3A_2557 : vector<16xf32>
      %mul3A_2561 = arith.mulf %mul3A_2548, %add3A_2560 : vector<16xf32>
      %max3A_2562 = arith.constant 0.000000e+00 : f32
      %max3A_2563 = vector.broadcast %max3A_2562 : f32 to vector<16xf32>
      %max3A_2564 = arith.maximumf %scan3A_2415#1, %max3A_2563 : vector<16xf32>
      %add3A_2565 = arith.addf %add3A_2552, %max3A_2564 : vector<16xf32>
      %abs3A_2566 = math.absf %scan3A_2415#1 : vector<16xf32>
      %neg3A_2567 = arith.constant 0.000000e+00 : f32
      %neg3A_2568 = vector.broadcast %neg3A_2567 : f32 to vector<16xf32>
      %neg3A_2569 = arith.subf %neg3A_2568, %abs3A_2566 : vector<16xf32>
      %exp3A_2570 = math.exp %neg3A_2569 : vector<16xf32>
      %add3A_2571 = arith.constant 1.000000e+00 : f32
      %add3A_2572 = vector.broadcast %add3A_2571 : f32 to vector<16xf32>
      %add3A_2573 = arith.addf %add3A_2572, %exp3A_2570 : vector<16xf32>
      %mul3A_2574 = arith.mulf %mul3A_2561, %add3A_2573 : vector<16xf32>
      %max3A_2575 = arith.constant 0.000000e+00 : f32
      %max3A_2576 = vector.broadcast %max3A_2575 : f32 to vector<16xf32>
      %max3A_2577 = arith.maximumf %scan3A_2415#2, %max3A_2576 : vector<16xf32>
      %add3A_2578 = arith.addf %add3A_2565, %max3A_2577 : vector<16xf32>
      %abs3A_2579 = math.absf %scan3A_2415#2 : vector<16xf32>
      %neg3A_2580 = arith.constant 0.000000e+00 : f32
      %neg3A_2581 = vector.broadcast %neg3A_2580 : f32 to vector<16xf32>
      %neg3A_2582 = arith.subf %neg3A_2581, %abs3A_2579 : vector<16xf32>
      %exp3A_2583 = math.exp %neg3A_2582 : vector<16xf32>
      %add3A_2584 = arith.constant 1.000000e+00 : f32
      %add3A_2585 = vector.broadcast %add3A_2584 : f32 to vector<16xf32>
      %add3A_2586 = arith.addf %add3A_2585, %exp3A_2583 : vector<16xf32>
      %mul3A_2587 = arith.mulf %mul3A_2574, %add3A_2586 : vector<16xf32>
      %max3A_2588 = arith.constant 0.000000e+00 : f32
      %max3A_2589 = vector.broadcast %max3A_2588 : f32 to vector<16xf32>
      %max3A_2590 = arith.maximumf %scan3A_2415#3, %max3A_2589 : vector<16xf32>
      %add3A_2591 = arith.addf %add3A_2578, %max3A_2590 : vector<16xf32>
      %abs3A_2592 = math.absf %scan3A_2415#3 : vector<16xf32>
      %neg3A_2593 = arith.constant 0.000000e+00 : f32
      %neg3A_2594 = vector.broadcast %neg3A_2593 : f32 to vector<16xf32>
      %neg3A_2595 = arith.subf %neg3A_2594, %abs3A_2592 : vector<16xf32>
      %exp3A_2596 = math.exp %neg3A_2595 : vector<16xf32>
      %add3A_2597 = arith.constant 1.000000e+00 : f32
      %add3A_2598 = vector.broadcast %add3A_2597 : f32 to vector<16xf32>
      %add3A_2599 = arith.addf %add3A_2598, %exp3A_2596 : vector<16xf32>
      %mul3A_2600 = arith.mulf %mul3A_2587, %add3A_2599 : vector<16xf32>
      %max3A_2601 = arith.constant 0.000000e+00 : f32
      %max3A_2602 = vector.broadcast %max3A_2601 : f32 to vector<16xf32>
      %max3A_2603 = arith.maximumf %scan3A_2415#4, %max3A_2602 : vector<16xf32>
      %add3A_2604 = arith.addf %add3A_2591, %max3A_2603 : vector<16xf32>
      %abs3A_2605 = math.absf %scan3A_2415#4 : vector<16xf32>
      %neg3A_2606 = arith.constant 0.000000e+00 : f32
      %neg3A_2607 = vector.broadcast %neg3A_2606 : f32 to vector<16xf32>
      %neg3A_2608 = arith.subf %neg3A_2607, %abs3A_2605 : vector<16xf32>
      %exp3A_2609 = math.exp %neg3A_2608 : vector<16xf32>
      %add3A_2610 = arith.constant 1.000000e+00 : f32
      %add3A_2611 = vector.broadcast %add3A_2610 : f32 to vector<16xf32>
      %add3A_2612 = arith.addf %add3A_2611, %exp3A_2609 : vector<16xf32>
      %mul3A_2613 = arith.mulf %mul3A_2600, %add3A_2612 : vector<16xf32>
      %max3A_2614 = arith.constant 0.000000e+00 : f32
      %max3A_2615 = vector.broadcast %max3A_2614 : f32 to vector<16xf32>
      %max3A_2616 = arith.maximumf %scan3A_2415#5, %max3A_2615 : vector<16xf32>
      %add3A_2617 = arith.addf %add3A_2604, %max3A_2616 : vector<16xf32>
      %abs3A_2618 = math.absf %scan3A_2415#5 : vector<16xf32>
      %neg3A_2619 = arith.constant 0.000000e+00 : f32
      %neg3A_2620 = vector.broadcast %neg3A_2619 : f32 to vector<16xf32>
      %neg3A_2621 = arith.subf %neg3A_2620, %abs3A_2618 : vector<16xf32>
      %exp3A_2622 = math.exp %neg3A_2621 : vector<16xf32>
      %add3A_2623 = arith.constant 1.000000e+00 : f32
      %add3A_2624 = vector.broadcast %add3A_2623 : f32 to vector<16xf32>
      %add3A_2625 = arith.addf %add3A_2624, %exp3A_2622 : vector<16xf32>
      %mul3A_2626 = arith.mulf %mul3A_2613, %add3A_2625 : vector<16xf32>
      %max3A_2627 = arith.constant 0.000000e+00 : f32
      %max3A_2628 = vector.broadcast %max3A_2627 : f32 to vector<16xf32>
      %max3A_2629 = arith.maximumf %scan3A_2415#6, %max3A_2628 : vector<16xf32>
      %add3A_2630 = arith.addf %add3A_2617, %max3A_2629 : vector<16xf32>
      %abs3A_2631 = math.absf %scan3A_2415#6 : vector<16xf32>
      %neg3A_2632 = arith.constant 0.000000e+00 : f32
      %neg3A_2633 = vector.broadcast %neg3A_2632 : f32 to vector<16xf32>
      %neg3A_2634 = arith.subf %neg3A_2633, %abs3A_2631 : vector<16xf32>
      %exp3A_2635 = math.exp %neg3A_2634 : vector<16xf32>
      %add3A_2636 = arith.constant 1.000000e+00 : f32
      %add3A_2637 = vector.broadcast %add3A_2636 : f32 to vector<16xf32>
      %add3A_2638 = arith.addf %add3A_2637, %exp3A_2635 : vector<16xf32>
      %mul3A_2639 = arith.mulf %mul3A_2626, %add3A_2638 : vector<16xf32>
      %max3A_2640 = arith.constant 0.000000e+00 : f32
      %max3A_2641 = vector.broadcast %max3A_2640 : f32 to vector<16xf32>
      %max3A_2642 = arith.maximumf %scan3A_2415#7, %max3A_2641 : vector<16xf32>
      %add3A_2643 = arith.addf %add3A_2630, %max3A_2642 : vector<16xf32>
      %abs3A_2644 = math.absf %scan3A_2415#7 : vector<16xf32>
      %neg3A_2645 = arith.constant 0.000000e+00 : f32
      %neg3A_2646 = vector.broadcast %neg3A_2645 : f32 to vector<16xf32>
      %neg3A_2647 = arith.subf %neg3A_2646, %abs3A_2644 : vector<16xf32>
      %exp3A_2648 = math.exp %neg3A_2647 : vector<16xf32>
      %add3A_2649 = arith.constant 1.000000e+00 : f32
      %add3A_2650 = vector.broadcast %add3A_2649 : f32 to vector<16xf32>
      %add3A_2651 = arith.addf %add3A_2650, %exp3A_2648 : vector<16xf32>
      %mul3A_2652 = arith.mulf %mul3A_2639, %add3A_2651 : vector<16xf32>
      %max3A_2653 = arith.constant 0.000000e+00 : f32
      %max3A_2654 = vector.broadcast %max3A_2653 : f32 to vector<16xf32>
      %max3A_2655 = arith.maximumf %scan3A_2415#8, %max3A_2654 : vector<16xf32>
      %add3A_2656 = arith.addf %add3A_2643, %max3A_2655 : vector<16xf32>
      %abs3A_2657 = math.absf %scan3A_2415#8 : vector<16xf32>
      %neg3A_2658 = arith.constant 0.000000e+00 : f32
      %neg3A_2659 = vector.broadcast %neg3A_2658 : f32 to vector<16xf32>
      %neg3A_2660 = arith.subf %neg3A_2659, %abs3A_2657 : vector<16xf32>
      %exp3A_2661 = math.exp %neg3A_2660 : vector<16xf32>
      %add3A_2662 = arith.constant 1.000000e+00 : f32
      %add3A_2663 = vector.broadcast %add3A_2662 : f32 to vector<16xf32>
      %add3A_2664 = arith.addf %add3A_2663, %exp3A_2661 : vector<16xf32>
      %mul3A_2665 = arith.mulf %mul3A_2652, %add3A_2664 : vector<16xf32>
      %max3A_2666 = arith.constant 0.000000e+00 : f32
      %max3A_2667 = vector.broadcast %max3A_2666 : f32 to vector<16xf32>
      %max3A_2668 = arith.maximumf %scan3A_2415#9, %max3A_2667 : vector<16xf32>
      %add3A_2669 = arith.addf %add3A_2656, %max3A_2668 : vector<16xf32>
      %abs3A_2670 = math.absf %scan3A_2415#9 : vector<16xf32>
      %neg3A_2671 = arith.constant 0.000000e+00 : f32
      %neg3A_2672 = vector.broadcast %neg3A_2671 : f32 to vector<16xf32>
      %neg3A_2673 = arith.subf %neg3A_2672, %abs3A_2670 : vector<16xf32>
      %exp3A_2674 = math.exp %neg3A_2673 : vector<16xf32>
      %add3A_2675 = arith.constant 1.000000e+00 : f32
      %add3A_2676 = vector.broadcast %add3A_2675 : f32 to vector<16xf32>
      %add3A_2677 = arith.addf %add3A_2676, %exp3A_2674 : vector<16xf32>
      %mul3A_2678 = arith.mulf %mul3A_2665, %add3A_2677 : vector<16xf32>
      %abs3A_2679 = math.absf %scan3A_2409#0 : vector<16xf32>
      %neg3A_2680 = arith.constant 0.000000e+00 : f32
      %neg3A_2681 = vector.broadcast %neg3A_2680 : f32 to vector<16xf32>
      %neg3A_2682 = arith.subf %neg3A_2681, %abs3A_2679 : vector<16xf32>
      %exp3A_2683 = math.exp %neg3A_2682 : vector<16xf32>
      %add3A_2684 = arith.constant 1.000000e+00 : f32
      %add3A_2685 = vector.broadcast %add3A_2684 : f32 to vector<16xf32>
      %add3A_2686 = arith.addf %add3A_2685, %exp3A_2683 : vector<16xf32>
      %abs3A_2687 = math.absf %scan3A_2409#1 : vector<16xf32>
      %neg3A_2688 = arith.constant 0.000000e+00 : f32
      %neg3A_2689 = vector.broadcast %neg3A_2688 : f32 to vector<16xf32>
      %neg3A_2690 = arith.subf %neg3A_2689, %abs3A_2687 : vector<16xf32>
      %exp3A_2691 = math.exp %neg3A_2690 : vector<16xf32>
      %add3A_2692 = arith.constant 1.000000e+00 : f32
      %add3A_2693 = vector.broadcast %add3A_2692 : f32 to vector<16xf32>
      %add3A_2694 = arith.addf %add3A_2693, %exp3A_2691 : vector<16xf32>
      %add3A_2695 = arith.constant 16 : i32
      %add3A_2696 = arith.addi %multiple_of3A_1928, %add3A_2695 : i32
      %get3A_2697 = arith.index_cast %add3A_2696 : i32 to index
      %get3A_2698 = tpu.vector_load %arg12[%get3A_2697] {strides = array<i32>} : memref<512xf32, #tpu.memory_space<vmem>>, vector<16xf32>,
      %neg3A_2699 = arith.constant 0.000000e+00 : f32
      %neg3A_2700 = vector.broadcast %neg3A_2699 : f32 to vector<16xf32>
      %neg3A_2701 = arith.subf %neg3A_2700, %scan3A_2409#0 : vector<16xf32>
      %max3A_2702 = arith.constant 0.000000e+00 : f32
      %max3A_2703 = vector.broadcast %max3A_2702 : f32 to vector<16xf32>
      %max3A_2704 = arith.maximumf %neg3A_2701, %max3A_2703 : vector<16xf32>
      %add3A_2705 = arith.addf %max3A_2704, %add3A_2669 : vector<16xf32>
      %mul3A_2706 = arith.mulf %mul3A_2678, %add3A_2686 : vector<16xf32>
      %bitcast_convert_type3A_2707 = tpu.bitcast %mul3A_2706 : vector<16xf32> -> vector<16xi32>
      %shift_right_logical3A_2708 = arith.constant 23 : i32
      %shift_right_logical3A_2709 = vector.broadcast %shift_right_logical3A_2708 : i32 to vector<16xi32>
      %shift_right_logical3A_2710 = arith.shrui %bitcast_convert_type3A_2707, %shift_right_logical3A_2709 : vector<16xi32>
      %sub3A_2711 = arith.constant 127 : i32
      %sub3A_2712 = vector.broadcast %sub3A_2711 : i32 to vector<16xi32>
      %sub3A_2713 = arith.subi %shift_right_logical3A_2710, %sub3A_2712 : vector<16xi32>
      %and3A_2714 = arith.constant 8388607 : i32
      %and3A_2715 = vector.broadcast %and3A_2714 : i32 to vector<16xi32>
      %and3A_2716 = arith.andi %bitcast_convert_type3A_2707, %and3A_2715 : vector<16xi32>
      %or3A_2717 = arith.constant 1065353216 : i32
      %or3A_2718 = vector.broadcast %or3A_2717 : i32 to vector<16xi32>
      %or3A_2719 = arith.ori %and3A_2716, %or3A_2718 : vector<16xi32>
      %bitcast_convert_type3A_2720 = tpu.bitcast %or3A_2719 : vector<16xi32> -> vector<16xf32>
      %convert_element_type3A_2721 = arith.sitofp %sub3A_2713 : vector<16xi32> to vector<16xf32>
      %lt3A_2722 = arith.constant 1.41421354 : f32
      %lt3A_2723 = vector.broadcast %lt3A_2722 : f32 to vector<16xf32>
      %lt3A_2724 = arith.cmpf olt, %bitcast_convert_type3A_2720, %lt3A_2723 : vector<16xf32>
      %add3A_2725 = arith.constant 1.000000e+00 : f32
      %add3A_2726 = vector.broadcast %add3A_2725 : f32 to vector<16xf32>
      %add3A_2727 = arith.addf %convert_element_type3A_2721, %add3A_2726 : vector<16xf32>
      %select_n3A_2728 = arith.select %lt3A_2724, %convert_element_type3A_2721, %add3A_2727 : vector<16xi1>, vector<16xf32>
      %mul3A_2729 = arith.constant 5.000000e-01 : f32
      %mul3A_2730 = vector.broadcast %mul3A_2729 : f32 to vector<16xf32>
      %mul3A_2731 = arith.mulf %mul3A_2730, %bitcast_convert_type3A_2720 : vector<16xf32>
      %select_n3A_2732 = arith.select %lt3A_2724, %bitcast_convert_type3A_2720, %mul3A_2731 : vector<16xi1>, vector<16xf32>
      %sub3A_2733 = arith.constant 1.000000e+00 : f32
      %sub3A_2734 = vector.broadcast %sub3A_2733 : f32 to vector<16xf32>
      %sub3A_2735 = arith.subf %select_n3A_2732, %sub3A_2734 : vector<16xf32>
      %mul3A_2736 = arith.mulf %sub3A_2735, %sub3A_2735 : vector<16xf32>
      %mul3A_2737 = arith.constant 0.0703768358 : f32
      %mul3A_2738 = vector.broadcast %mul3A_2737 : f32 to vector<16xf32>
      %mul3A_2739 = arith.mulf %mul3A_2738, %sub3A_2735 : vector<16xf32>
      %add3A_2740 = arith.constant -0.115146101 : f32
      %add3A_2741 = vector.broadcast %add3A_2740 : f32 to vector<16xf32>
      %add3A_2742 = arith.addf %mul3A_2739, %add3A_2741 : vector<16xf32>
      %mul3A_2743 = arith.mulf %add3A_2742, %sub3A_2735 : vector<16xf32>
      %add3A_2744 = arith.constant 0.116769984 : f32
      %add3A_2745 = vector.broadcast %add3A_2744 : f32 to vector<16xf32>
      %add3A_2746 = arith.addf %mul3A_2743, %add3A_2745 : vector<16xf32>
      %mul3A_2747 = arith.mulf %add3A_2746, %sub3A_2735 : vector<16xf32>
      %add3A_2748 = arith.constant -0.12420141 : f32
      %add3A_2749 = vector.broadcast %add3A_2748 : f32 to vector<16xf32>
      %add3A_2750 = arith.addf %mul3A_2747, %add3A_2749 : vector<16xf32>
      %mul3A_2751 = arith.mulf %add3A_2750, %sub3A_2735 : vector<16xf32>
      %add3A_2752 = arith.constant 0.142493233 : f32
      %add3A_2753 = vector.broadcast %add3A_2752 : f32 to vector<16xf32>
      %add3A_2754 = arith.addf %mul3A_2751, %add3A_2753 : vector<16xf32>
      %mul3A_2755 = arith.mulf %add3A_2754, %sub3A_2735 : vector<16xf32>
      %add3A_2756 = arith.constant -0.166680574 : f32
      %add3A_2757 = vector.broadcast %add3A_2756 : f32 to vector<16xf32>
      %add3A_2758 = arith.addf %mul3A_2755, %add3A_2757 : vector<16xf32>
      %mul3A_2759 = arith.mulf %add3A_2758, %sub3A_2735 : vector<16xf32>
      %add3A_2760 = arith.constant 0.200007141 : f32
      %add3A_2761 = vector.broadcast %add3A_2760 : f32 to vector<16xf32>
      %add3A_2762 = arith.addf %mul3A_2759, %add3A_2761 : vector<16xf32>
      %mul3A_2763 = arith.mulf %add3A_2762, %sub3A_2735 : vector<16xf32>
      %add3A_2764 = arith.constant -0.24999994 : f32
      %add3A_2765 = vector.broadcast %add3A_2764 : f32 to vector<16xf32>
      %add3A_2766 = arith.addf %mul3A_2763, %add3A_2765 : vector<16xf32>
      %mul3A_2767 = arith.mulf %add3A_2766, %sub3A_2735 : vector<16xf32>
      %add3A_2768 = arith.constant 0.333333313 : f32
      %add3A_2769 = vector.broadcast %add3A_2768 : f32 to vector<16xf32>
      %add3A_2770 = arith.addf %mul3A_2767, %add3A_2769 : vector<16xf32>
      %mul3A_2771 = arith.mulf %sub3A_2735, %mul3A_2736 : vector<16xf32>
      %mul3A_2772 = arith.mulf %mul3A_2771, %add3A_2770 : vector<16xf32>
      %mul3A_2773 = arith.constant 5.000000e-01 : f32
      %mul3A_2774 = vector.broadcast %mul3A_2773 : f32 to vector<16xf32>
      %mul3A_2775 = arith.mulf %mul3A_2774, %mul3A_2736 : vector<16xf32>
      %sub3A_2776 = arith.subf %mul3A_2772, %mul3A_2775 : vector<16xf32>
      %add3A_2777 = arith.addf %sub3A_2776, %sub3A_2735 : vector<16xf32>
      %mul3A_2778 = arith.constant 0.693147182 : f32
      %mul3A_2779 = vector.broadcast %mul3A_2778 : f32 to vector<16xf32>
      %mul3A_2780 = arith.mulf %select_n3A_2728, %mul3A_2779 : vector<16xf32>
      %add3A_2781 = arith.addf %add3A_2777, %mul3A_2780 : vector<16xf32>
      %add3A_2782 = arith.addf %add3A_2705, %add3A_2781 : vector<16xf32>
      %mul3A_2783 = arith.mulf %add3A_2782, %get3A_2698 : vector<16xf32>
      %neg3A_2784 = arith.constant 0.000000e+00 : f32
      %neg3A_2785 = vector.broadcast %neg3A_2784 : f32 to vector<16xf32>
      %neg3A_2786 = arith.subf %neg3A_2785, %scan3A_2409#1 : vector<16xf32>
      %max3A_2787 = arith.constant 0.000000e+00 : f32
      %max3A_2788 = vector.broadcast %max3A_2787 : f32 to vector<16xf32>
      %max3A_2789 = arith.maximumf %neg3A_2786, %max3A_2788 : vector<16xf32>
      %add3A_2790 = arith.addf %max3A_2789, %add3A_2669 : vector<16xf32>
      %mul3A_2791 = arith.mulf %mul3A_2678, %add3A_2694 : vector<16xf32>
      %bitcast_convert_type3A_2792 = tpu.bitcast %mul3A_2791 : vector<16xf32> -> vector<16xi32>
      %shift_right_logical3A_2793 = arith.constant 23 : i32
      %shift_right_logical3A_2794 = vector.broadcast %shift_right_logical3A_2793 : i32 to vector<16xi32>
      %shift_right_logical3A_2795 = arith.shrui %bitcast_convert_type3A_2792, %shift_right_logical3A_2794 : vector<16xi32>
      %sub3A_2796 = arith.constant 127 : i32
      %sub3A_2797 = vector.broadcast %sub3A_2796 : i32 to vector<16xi32>
      %sub3A_2798 = arith.subi %shift_right_logical3A_2795, %sub3A_2797 : vector<16xi32>
      %and3A_2799 = arith.constant 8388607 : i32
      %and3A_2800 = vector.broadcast %and3A_2799 : i32 to vector<16xi32>
      %and3A_2801 = arith.andi %bitcast_convert_type3A_2792, %and3A_2800 : vector<16xi32>
      %or3A_2802 = arith.constant 1065353216 : i32
      %or3A_2803 = vector.broadcast %or3A_2802 : i32 to vector<16xi32>
      %or3A_2804 = arith.ori %and3A_2801, %or3A_2803 : vector<16xi32>
      %bitcast_convert_type3A_2805 = tpu.bitcast %or3A_2804 : vector<16xi32> -> vector<16xf32>
      %convert_element_type3A_2806 = arith.sitofp %sub3A_2798 : vector<16xi32> to vector<16xf32>
      %lt3A_2807 = arith.constant 1.41421354 : f32
      %lt3A_2808 = vector.broadcast %lt3A_2807 : f32 to vector<16xf32>
      %lt3A_2809 = arith.cmpf olt, %bitcast_convert_type3A_2805, %lt3A_2808 : vector<16xf32>
      %add3A_2810 = arith.constant 1.000000e+00 : f32
      %add3A_2811 = vector.broadcast %add3A_2810 : f32 to vector<16xf32>
      %add3A_2812 = arith.addf %convert_element_type3A_2806, %add3A_2811 : vector<16xf32>
      %select_n3A_2813 = arith.select %lt3A_2809, %convert_element_type3A_2806, %add3A_2812 : vector<16xi1>, vector<16xf32>
      %mul3A_2814 = arith.constant 5.000000e-01 : f32
      %mul3A_2815 = vector.broadcast %mul3A_2814 : f32 to vector<16xf32>
      %mul3A_2816 = arith.mulf %mul3A_2815, %bitcast_convert_type3A_2805 : vector<16xf32>
      %select_n3A_2817 = arith.select %lt3A_2809, %bitcast_convert_type3A_2805, %mul3A_2816 : vector<16xi1>, vector<16xf32>
      %sub3A_2818 = arith.constant 1.000000e+00 : f32
      %sub3A_2819 = vector.broadcast %sub3A_2818 : f32 to vector<16xf32>
      %sub3A_2820 = arith.subf %select_n3A_2817, %sub3A_2819 : vector<16xf32>
      %mul3A_2821 = arith.mulf %sub3A_2820, %sub3A_2820 : vector<16xf32>
      %mul3A_2822 = arith.constant 0.0703768358 : f32
      %mul3A_2823 = vector.broadcast %mul3A_2822 : f32 to vector<16xf32>
      %mul3A_2824 = arith.mulf %mul3A_2823, %sub3A_2820 : vector<16xf32>
      %add3A_2825 = arith.constant -0.115146101 : f32
      %add3A_2826 = vector.broadcast %add3A_2825 : f32 to vector<16xf32>
      %add3A_2827 = arith.addf %mul3A_2824, %add3A_2826 : vector<16xf32>
      %mul3A_2828 = arith.mulf %add3A_2827, %sub3A_2820 : vector<16xf32>
      %add3A_2829 = arith.constant 0.116769984 : f32
      %add3A_2830 = vector.broadcast %add3A_2829 : f32 to vector<16xf32>
      %add3A_2831 = arith.addf %mul3A_2828, %add3A_2830 : vector<16xf32>
      %mul3A_2832 = arith.mulf %add3A_2831, %sub3A_2820 : vector<16xf32>
      %add3A_2833 = arith.constant -0.12420141 : f32
      %add3A_2834 = vector.broadcast %add3A_2833 : f32 to vector<16xf32>
      %add3A_2835 = arith.addf %mul3A_2832, %add3A_2834 : vector<16xf32>
      %mul3A_2836 = arith.mulf %add3A_2835, %sub3A_2820 : vector<16xf32>
      %add3A_2837 = arith.constant 0.142493233 : f32
      %add3A_2838 = vector.broadcast %add3A_2837 : f32 to vector<16xf32>
      %add3A_2839 = arith.addf %mul3A_2836, %add3A_2838 : vector<16xf32>
      %mul3A_2840 = arith.mulf %add3A_2839, %sub3A_2820 : vector<16xf32>
      %add3A_2841 = arith.constant -0.166680574 : f32
      %add3A_2842 = vector.broadcast %add3A_2841 : f32 to vector<16xf32>
      %add3A_2843 = arith.addf %mul3A_2840, %add3A_2842 : vector<16xf32>
      %mul3A_2844 = arith.mulf %add3A_2843, %sub3A_2820 : vector<16xf32>
      %add3A_2845 = arith.constant 0.200007141 : f32
      %add3A_2846 = vector.broadcast %add3A_2845 : f32 to vector<16xf32>
      %add3A_2847 = arith.addf %mul3A_2844, %add3A_2846 : vector<16xf32>
      %mul3A_2848 = arith.mulf %add3A_2847, %sub3A_2820 : vector<16xf32>
      %add3A_2849 = arith.constant -0.24999994 : f32
      %add3A_2850 = vector.broadcast %add3A_2849 : f32 to vector<16xf32>
      %add3A_2851 = arith.addf %mul3A_2848, %add3A_2850 : vector<16xf32>
      %mul3A_2852 = arith.mulf %add3A_2851, %sub3A_2820 : vector<16xf32>
      %add3A_2853 = arith.constant 0.333333313 : f32
      %add3A_2854 = vector.broadcast %add3A_2853 : f32 to vector<16xf32>
      %add3A_2855 = arith.addf %mul3A_2852, %add3A_2854 : vector<16xf32>
      %mul3A_2856 = arith.mulf %sub3A_2820, %mul3A_2821 : vector<16xf32>
      %mul3A_2857 = arith.mulf %mul3A_2856, %add3A_2855 : vector<16xf32>
      %mul3A_2858 = arith.constant 5.000000e-01 : f32
      %mul3A_2859 = vector.broadcast %mul3A_2858 : f32 to vector<16xf32>
      %mul3A_2860 = arith.mulf %mul3A_2859, %mul3A_2821 : vector<16xf32>
      %sub3A_2861 = arith.subf %mul3A_2857, %mul3A_2860 : vector<16xf32>
      %add3A_2862 = arith.addf %sub3A_2861, %sub3A_2820 : vector<16xf32>
      %mul3A_2863 = arith.constant 0.693147182 : f32
      %mul3A_2864 = vector.broadcast %mul3A_2863 : f32 to vector<16xf32>
      %mul3A_2865 = arith.mulf %select_n3A_2813, %mul3A_2864 : vector<16xf32>
      %add3A_2866 = arith.addf %add3A_2862, %mul3A_2865 : vector<16xf32>
      %add3A_2867 = arith.addf %add3A_2790, %add3A_2866 : vector<16xf32>
      %mul3A_2868 = arith.mulf %add3A_2867, %get3A_2698 : vector<16xf32>
      %swap3A_2869 = arith.constant 16 : index
      %swap3A_2870 = tpu.vector_load %arg22[%swap3A_2869] {strides = array<i32>} : memref<32xf32, #tpu.memory_space<vmem>>, vector<16xf32>,
      tpu.vector_store %arg22[%swap3A_2869], %mul3A_2783 {strides = array<i32>} : memref<32xf32, #tpu.memory_space<vmem>>, vector<16xf32>,
      %swap3A_2871 = arith.constant 16 : index
      %swap3A_2872 = tpu.vector_load %arg23[%swap3A_2871] {strides = array<i32>} : memref<32xf32, #tpu.memory_space<vmem>>, vector<16xf32>,
      tpu.vector_store %arg23[%swap3A_2871], %mul3A_2868 {strides = array<i32>} : memref<32xf32, #tpu.memory_space<vmem>>, vector<16xf32>,
      %mul3A_2873 = arith.constant 32 : i32
      %mul3A_2874 = arith.muli %add3A_1925, %mul3A_2873 : i32
      %add3A_2875 = arith.addi %multiple_of3A, %mul3A_2874 : i32
      %multiple_of3A_2876 = tpu.assume_multiple %add3A_2875, 32 : i32
      "tpu.region"() ({
        %run_scoped3A = tpu.sem_alloc : memref<!tpu.dma_semaphore, #tpu.memory_space<semaphore_mem>>
        %dma_start3A_2877 = tpu.memref_slice %arg8[%multiple_of3A_2876] : memref<16384xf32, #tpu.memory_space<hbm>> -> memref<32xf32, #tpu.memory_space<hbm>>
        %dma_start3A_2878 = tpu.memref_slice %arg8[%multiple_of3A_2876] : memref<16384xf32, #tpu.memory_space<hbm>> -> memref<32xf32, #tpu.memory_space<hbm>>
        tpu.enqueue_dma source(%arg22 : memref<32xf32, #tpu.memory_space<vmem>>) target(%dma_start3A_2878 : memref<32xf32, #tpu.memory_space<hbm>>) target_semaphore(%run_scoped3A : memref<!tpu.dma_semaphore, #tpu.memory_space<semaphore_mem>>)
        %dma_wait3A_2879 = tpu.memref_slice %arg8[%multiple_of3A_2876] : memref<16384xf32, #tpu.memory_space<hbm>> -> memref<32xf32, #tpu.memory_space<hbm>>
        %dma_wait3A_2880 = tpu.memref_slice %arg8[%multiple_of3A_2876] : memref<16384xf32, #tpu.memory_space<hbm>> -> memref<32xf32, #tpu.memory_space<hbm>>
        tpu.wait_dma2 semaphore(%run_scoped3A : memref<!tpu.dma_semaphore, #tpu.memory_space<semaphore_mem>>) src(%arg22 : memref<32xf32, #tpu.memory_space<vmem>>) dst(%dma_wait3A_2880 : memref<32xf32, #tpu.memory_space<hbm>>)
        tpu.yield
      }) : () -> ()
      "tpu.region"() ({
        %run_scoped3A = tpu.sem_alloc : memref<!tpu.dma_semaphore, #tpu.memory_space<semaphore_mem>>
        %dma_start3A_2877 = tpu.memref_slice %arg9[%multiple_of3A_2876] : memref<16384xf32, #tpu.memory_space<hbm>> -> memref<32xf32, #tpu.memory_space<hbm>>
        %dma_start3A_2878 = tpu.memref_slice %arg9[%multiple_of3A_2876] : memref<16384xf32, #tpu.memory_space<hbm>> -> memref<32xf32, #tpu.memory_space<hbm>>
        tpu.enqueue_dma source(%arg23 : memref<32xf32, #tpu.memory_space<vmem>>) target(%dma_start3A_2878 : memref<32xf32, #tpu.memory_space<hbm>>) target_semaphore(%run_scoped3A : memref<!tpu.dma_semaphore, #tpu.memory_space<semaphore_mem>>)
        %dma_wait3A_2879 = tpu.memref_slice %arg9[%multiple_of3A_2876] : memref<16384xf32, #tpu.memory_space<hbm>> -> memref<32xf32, #tpu.memory_space<hbm>>
        %dma_wait3A_2880 = tpu.memref_slice %arg9[%multiple_of3A_2876] : memref<16384xf32, #tpu.memory_space<hbm>> -> memref<32xf32, #tpu.memory_space<hbm>>
        tpu.wait_dma2 semaphore(%run_scoped3A : memref<!tpu.dma_semaphore, #tpu.memory_space<semaphore_mem>>) src(%arg23 : memref<32xf32, #tpu.memory_space<vmem>>) dst(%dma_wait3A_2880 : memref<32xf32, #tpu.memory_space<hbm>>)
        tpu.yield
      }) : () -> ()
    }
    %scan3A_268 = arith.constant 8 : i32
    return
  }
}

</mosaic_0001>

<sc_bundles>
// kernel: kernel.3.cloned.1.call-start
scs
__scs_entry_jumppad:
0x0: {  	(pc) =	sbr.rel $0x88, $3  }
0x1: {  	(tag) =	ssettag $0x0;
	lr =	simm.s32 $0x1  }
0x2: {  	[smem:$0x3F9D] =	sst lr;
	_ =	strace $0xD0000000  }
0x3: {  	_ = 	snop  }
0x4: {  	_ = 	snop  }
0x5: {  	_ = 	snop  }
0x6: {  	_ = 	snop  }
0x7: {  	_ = 	snop  }
__scs_overlays_trampoline_lowered:
0x8: {  	[smem:$0x3FAC] =	sst s0  }
0x9: {  	[smem:$0x3FAD] =	sst s1  }
0xa: {  	[smem:$0x3FAE] =	sst s2  }
0xb: {  	[smem:$0x3FAF] =	sst s3  }
0xc: {  	[smem:$0x3FB0] =	sst s4  }
0xd: {  	[smem:$0x3FB1] =	sst s5  }
0xe: {  	[smem:$0x3FB2] =	sst s6  }
0xf: {  	[smem:$0x3FB3] =	sst s7  }
0x10: {  	[smem:$0x3FB4] =	sst s8  }
0x11: {  	[smem:$0x3FB5] =	sst s9;
	s0 =	simm.s32 @!p0 $0x0  }
0x12: {  	s1 =	sld [smem:$0x3F9B];
	s0 =	simm.s32 @p0 $0x1  }
0x13: {  	[smem:$0x3FB6] =	sst s0;
	s0 =	simm.s32 @!p1 $0x0  }
0x14: {  	s2 =	sld [smem:$0x3F9A];
	s0 =	simm.s32 @p1 $0x1  }
0x15: {  	[smem:$0x3FB7] =	sst s0;
	s0 =	simm.s32 @!p2 $0x0  }
0x16: {  	s3 =	sld [smem:$0x3FDB];
	s0 =	simm.s32 @p2 $0x1  }
0x17: {  	s4 =	simm.s32 $0x1BF5;
	[smem:$0x3FB9] =	sst s0  }
0x18: {  	s0 =	sld [smem:$0x3F9C];
	_ =	swait.ge [sflag:s4], $0x0  }
0x19: {  	s7 =	sld [smem:$0x3F9D]  }
0x1a: {  	s8 =	sadd.s32 $0xFFFFE003, lr  }
0x1b: {  	s9 =	sadd.s32 $0xFFFFFEF7, lr;
	s5 =	simm.s32 $0xFFFFFFFF;
	p2 =	slt.u32 s8, $0xFFFFF086  }
0x1c: {  	p1 =	slt.u32 s9, $0xF7A;
	s5 =	simm.s32 @!p2 $0x0  }
0x1d: {  	s5 =	simm.s32 @p1 $0x1;
	p0 =	seq.s32 s7, s2  }
0x1e: {  	s7 =	smul.u32 @!p0 $0xF7A, s2;
	p2 =	seq.s32 @!p0 s5, $0x0  }
0x1f: {  	s9 =	smul.u32 $0xF7A, s1;
	s8 =	simm.s32 @!p0 $0x1BF5;
	p2 =	por !p2, p0  }
0x20: {  	[sflag:s8] =	ssyncset.s32 @!p0 $0xFFFFF086;
	s6 =	sadd.s32 @!p0 s3, s7;
	s7 =	simm.s32 @!p0 $0x108  }
0x21: {  	s3 =	sadd.s32 s3, s9;
	s6 =	sadd.s32 @!p0 $0x88, s6;
	s7 =	simm.s32 @p2 $0x1082  }
0x22: {  	[simem:s7], [sflag:s8] =	dma.local @!p0 [hbm:s6], $0xF7A  }
0x23: {  	s9 =	sor.u32 $0xD0000000, s2;
	s6 =	simm.s32 $0x108;
	_ =	swait.ge @!p0 [sflag:s8], $0x0  }
0x24: {  	s3 =	sadd.s32 $0x88, s3;
	s6 =	simm.s32 @!p1 $0x1082;
	[sflag:s4] =	ssyncset.s32 $0xFFFFF086  }
0x25: {  	[simem:s6], [sflag:s4] =	dma.local [hbm:s3], $0xF7A  }
0x26: {  	[smem:$0x3F9D] =	sst s1;
	(tag) =	ssettag s2;
	_ =	strace s9  }
0x27: {  	s1 =	sld [smem:$0x3FAD]  }
0x28: {  	s2 =	sld [smem:$0x3FAE]  }
0x29: {  	s4 =	sld [smem:$0x3FB0]  }
0x2a: {  	p0 =	seq.s32 s5, $0x0;
	s5 =	sld [smem:$0x3FB1]  }
0x2b: {  	s6 =	sld [smem:$0x3FB2]  }
0x2c: {  	s7 =	sld [smem:$0x3FB3]  }
0x2d: {  	s3 =	simm.s32 $0x108;
	s8 =	sld [smem:$0x3FB4]  }
0x2e: {  	s3 =	simm.s32 @!p0 $0x1082;
	s9 =	sld [smem:$0x3FB5]  }
0x2f: {  	lr =	sadd.s32 s0, s3;
	s0 =	sld [smem:$0x3FAC]  }
0x30: {  	s3 =	sld [smem:$0x3FAF]  }
0x31: {  	[smem:$0x3FB8] =	sst s10  }
0x32: {  	s10 =	sld [smem:$0x3FB6];
	_ =	sdelay $0x3  }
0x33: {  	p0 =	seq.s32 s10, $0x1;
	s10 =	sld [smem:$0x3FB8];
	_ =	sdelay $0x3  }
0x34: {  	[smem:$0x3FB8] =	sst s10  }
0x35: {  	s10 =	sld [smem:$0x3FB7];
	_ =	sdelay $0x3  }
0x36: {  	p1 =	seq.s32 s10, $0x1;
	s10 =	sld [smem:$0x3FB8];
	_ =	sdelay $0x3  }
0x37: {  	[smem:$0x3FB8] =	sst s10  }
0x38: {  	s10 =	sld [smem:$0x3FB9]  }
0x39: {  	_ = 	snop;
	(pc) =	sbr.ind lr, $3  }
0x3a: {  	_ = 	snop  }
0x3b: {  	_ = 	snop  }
0x3c: {  	p2 =	seq.s32 s10, $0x1;
	s10 =	sld [smem:$0x3FB8]  }
0x3d: {  	_ =	shalt  }
0x3e: {  	_ =	shalt  }
0x3f: {  	_ =	shalt  }
0x40: {  	_ =	shalt  }
0x41: {  	_ =	shalt  }
0x42: {  	_ =	shalt  }
0x43: {  	_ =	shalt  }
0x44: {  	_ =	shalt  }
0x45: {  	_ =	shalt  }
0x46: {  	_ =	shalt  }
0x47: {  	_ =	shalt  }
0x48: {  	_ =	shalt  }
0x49: {  	_ =	shalt  }
0x4a: {  	_ =	shalt  }
0x4b: {  	_ =	shalt  }
0x4c: {  	_ =	shalt  }
0x4d: {  	_ =	shalt  }
0x4e: {  	_ =	shalt  }
0x4f: {  	_ =	shalt  }
0x50: {  	_ =	shalt  }
0x51: {  	_ =	shalt  }
0x52: {  	_ =	shalt  }
0x53: {  	_ =	shalt  }
0x54: {  	_ =	shalt  }
0x55: {  	_ =	shalt  }
0x56: {  	_ =	shalt  }
0x57: {  	_ =	shalt  }
0x58: {  	_ =	shalt  }
0x59: {  	_ =	shalt  }
0x5a: {  	_ =	shalt  }
0x5b: {  	_ =	shalt  }
0x5c: {  	_ =	shalt  }
0x5d: {  	_ =	shalt  }
0x5e: {  	_ =	shalt  }
0x5f: {  	_ =	shalt  }
0x60: {  	_ =	shalt  }
0x61: {  	_ =	shalt  }
0x62: {  	_ =	shalt  }
0x63: {  	_ =	shalt  }
0x64: {  	_ =	shalt  }
0x65: {  	_ =	shalt  }
0x66: {  	_ =	shalt  }
0x67: {  	_ =	shalt  }
0x68: {  	_ =	shalt  }
0x69: {  	_ =	shalt  }
0x6a: {  	_ =	shalt  }
0x6b: {  	_ =	shalt  }
0x6c: {  	_ =	shalt  }
0x6d: {  	_ =	shalt  }
0x6e: {  	_ =	shalt  }
0x6f: {  	_ =	shalt  }
0x70: {  	_ =	shalt  }
0x71: {  	_ =	shalt  }
0x72: {  	_ =	shalt  }
0x73: {  	_ =	shalt  }
0x74: {  	_ =	shalt  }
0x75: {  	_ =	shalt  }
0x76: {  	_ =	shalt  }
0x77: {  	_ =	shalt  }
0x78: {  	_ =	shalt  }
0x79: {  	_ =	shalt  }
0x7a: {  	_ =	shalt  }
0x7b: {  	_ =	shalt  }
0x7c: {  	_ =	shalt  }
0x7d: {  	_ =	shalt  }
0x7e: {  	_ =	shalt  }
0x7f: {  	_ =	shalt  }
0x80: {  	_ =	shalt  }
0x81: {  	_ =	shalt  }
0x82: {  	_ =	shalt  }
0x83: {  	_ =	shalt  }
0x84: {  	_ =	shalt  }
0x85: {  	_ =	shalt  }
0x86: {  	_ =	shalt  }
0x87: {  	_ =	shalt  }
.Lfunc_end0:
.L_simem_size_0:
called_computation_lowered:
.L_overlay_start_0:
0x88: {  	s2 =	sld [smem:$0x3FD9]  }
0x89: {  	s3 =	sld [smem:$0x3FFE];
	_ =	sdelay $0x1  }
0x8a: {  	s1 =	srdreg.scid  }
0x8b: {  	s0 =	sand.u32 $0x1, s1  }
0x8c: {  	s14 =	sshll.u32 s0, $0xA;
	s2 =	sadd.s32 s3, s2  }
0x8d: {  	s2 =	sadd.s32 s2, s14  }
0x8e: {  	[smem:$0x3FC4] =	sst s2  }
0x8f: {  	_ = 	snop  }
0x90: {  	s2 =	sld [smem:$0x3FD0];
	_ =	sdelay $0x2  }
0x91: {  	s15 =	simm.s32 $0xA;
	s4 =	simm.s32 $0x10  }
0x92: {  	[smem:s4], [sflag:s15] =	dma.local [hbm:s2], $0x1  }
0x93: {  	_ =	swait.eq [sflag:s15], $0x1  }
0x94: {  	[sflag:s15] =	ssyncset.done $0x0  }
0x95: {  	s16 =	sld [smem:$0x10];
	[sflag:s15] =	ssyncadd.s32 $0xFFFFFFFF  }
0x96: {  	s17 =	sld [smem:$0x11];
	(tm) =	ssettm $0x1  }
0x97: {  	s18 =	sld [smem:$0x3FFB];
	_ =	sdelay $0x3  }
0x98: {  	_ =	strace s18  }
0x99: {  	s4 =	sld [smem:$0x3FFC];
	_ =	sdelay $0x3  }
0x9a: {  	_ =	strace s4  }
0x9b: {  	s4 =	sld [smem:$0x3FFD];
	_ =	sdelay $0x3  }
0x9c: {  	_ =	strace s4  }
0x9d: {  	_ =	strace $0x8FFFFFFF  }
0x9e: {  	s19 =	sld [smem:$0x3FDB];
	_ =	sdelay $0x1  }
0x9f: {  	s5 =	simm.s32 $_scs_section_size  }
0xa0: {  	s6 =	simm.s32 $_size__tile_overlayer_lowered;
	s7 =	simm.s32 $_tile_overlayer_lowered  }
0xa1: {  	s22 =	simm.s32 $0x1BFF;
	s21 =	sshll.u32 s7, $0x1;
	s4 =	sadd.s32 s5, s19  }
0xa2: {  	s8 =	simm.s32 $0x0;
	s20 =	sshll.u32 s6, $0x1;
	s6 =	sadd.s32 s21, s4  }
0xa3: {  	[timem:s8], [sflag:s22] =	dma.local [hbm:s6], s20  }
0xa4: {  	_ =	swait.ge [sflag:s22], s20  }
0xa5: {  	s5 =	ssub.s32 $0x0, s20;
	[sflag:s22] =	ssyncset.done $0x0  }
0xa6: {  	[sflag:s22] =	ssyncadd.s32 s5;
	_ =	sdelay $0x1  }
0xa7: {  	s23 =	simm.s32 $0x1B8B  }
0xa8: {  	_ =	swait.ge [sflag:s23], $0x1  }
0xa9: {  	[sflag:s23] =	ssyncset.done $0x0  }
0xaa: {  	s25 =	simm.s32 $0x1B8E;
	s24 =	sld [smem:$0x3FFE];
	[sflag:s23] =	ssyncadd.s32 $0xFFFFFFFF  }
0xab: {  	s26 =	simm.s32 $execute0_lowered;
	[smem:$0x3FD2] =	sst s25  }
0xac: {  	s6 =	sshll.u32 s26, $0x1;
	_ =	strace $0x80000046;
	[dreg:$0x1] =	wrdreg $0xFFFFFFFF  }
0xad: {  	s28 =	simm.s32 $_size_execute0_lowered;
	s4 =	sadd.s32 s4, s6;
	[dreg:$0x0] =	wrdreg $0x0  }
0xae: {  	s6 =	sshll.u32 s28, $0x1;
	[dreg:$0x2] =	wrdreg s4  }
0xaf: {  	[dreg:$0x3] =	wrdreg s6  }
0xb0: {  	[dreg:$0x4] =	wrdreg $0xC0  }
0xb1: {  	_ =	task [dreg:s8], $0x5FFFF  }
0xb2: {  	[dreg:$0x1] =	wrdreg $0xFFFFFFFF  }
0xb3: {  	[dreg:$0x0] =	wrdreg $0x60  }
0xb4: {  	[dreg:$0x2] =	wrdreg s24  }
0xb5: {  	[dreg:$0x3] =	wrdreg s16  }
0xb6: {  	[dreg:$0x4] =	wrdreg s17  }
0xb7: {  	[dreg:$0x5] =	wrdreg $0x9  }
0xb8: {  	_ =	task.clear_ibuf [dreg:s8], $0x6FFFF;
	_ =	strace $0x90000046  }
0xb9: {  	s29 =	simm.s32 $0x9;
	_ =	strace $0x80000048  }
0xba: {  	_ =	swait.ge [sflag:s29], $0x1  }
0xbb: {  	[sflag:s29] =	ssyncadd.s32 $0xFFFFFFFF  }
0xbc: {  	_ =	strace $0x90000048  }
0xbd: {  	_ =	sfence  }
0xbe: {  	s30 =	sld [smem:$0x0];
	_ =	sdelay $0x2  }
0xbf: {  	s31 =	sshll.u32 s1, $0xD;
	s1 =	sshrl.u32 s1, $0x2  }
0xc0: {  	s3 =	sand.u32 $0x4000, s31;
	s1 =	sadd.s32 s1, s30  }
0xc1: {  	s0 =	sor.u32 s3, s0;
	s1 =	sshll.u32 s1, $0x11  }
0xc2: {  	s0 =	sor.u32 s1, s0  }
0xc3: {  	s0 =	sadd.s32 $0x8F2B, s0  }
0xc4: {  	[sflag:s0] =	ssyncadd.remote.s32 $0x1  }
0xc5: {  	_ =	sfence.sel $0xFFFF  }
0xc6: {  	[dreg:$0x0] =	wrdreg $0xFFFFFFFF;
	(pc) =	sbr.abs _section_cstart, $3  }
0xc7: {  	[dreg:$0x1] =	wrdreg $0xFFFFFFFF  }
0xc8: {  	_ =	task.clear_ibuf [dreg:s8], $0x2FFFF;
	_ =	strace $0x9FFFFFFF  }
0xc9: {  	(tm) =	ssettm $0x7FFFFFFF  }
tec
execute0_lowered:
.L_overlay_start_1:
0x0: {  	(tag) =	ssettag $0x1  }
0x1: {  	v0 =	vlaneseq.u32  }
0x2: {  	s0 =	rddreg [dreg:$0x0];
	s4 =	stileid.u32;
	v1 =	vmul.u32 $0x40, v0  }
0x3: {  	s2 =	rddreg [dreg:$0x1];
	s5 =	sshll.u32 s4, $0x1;
	s4 =	simm.s32 $0x0  }
0x4: {  	[smem:$0x7FF] =	sst s4;
	v2 =	vor.u32 $0x8000, v1  }
0x5: {  	s3 =	rddreg [dreg:$0x2];
	_ =	strace $0x80000047;
	v16 =	vor.u32 $0x800, v1;
	[tilespmem:$0x1FE50] =	vst v2  }
0x6: {  	v11 =	vor.u32 $0x2800, v1;
	[tilespmem:$0x1FEB0] =	vst v16  }
0x7: {  	v13 =	vor.u32 $0x3800, v1;
	[tilespmem:$0x1FEC0] =	vst v11  }
0x8: {  	v17 =	vor.u32 $0x4800, v1;
	[tilespmem:$0x1FED0] =	vst v13  }
0x9: {  	v22 =	vor.u32 $0x5000, v1;
	[tilespmem:$0x1FEE0] =	vst v17  }
0xa: {  	v24 =	vor.u32 $0x5800, v1;
	[tilespmem:$0x1FEF0] =	vst v22  }
0xb: {  	v9 =	vor.u32 $0x6000, v1;
	[tilespmem:$0x1FF00] =	vst v24  }
0xc: {  	v10 =	vor.u32 $0x6800, v1;
	[tilespmem:$0x1FF10] =	vst v9  }
0xd: {  	v18 =	vor.u32 $0x7000, v1;
	[tilespmem:$0x1FF20] =	vst v10  }
0xe: {  	v19 =	vor.u32 $0x7800, v1;
	[tilespmem:$0x1FF30] =	vst v18  }
0xf: {  	v23 =	vor.u32 $0x8800, v1;
	[tilespmem:$0x1FF40] =	vst v19  }
0x10: {  	v25 =	vor.u32 $0x9800, v1;
	[tilespmem:$0x1FF50] =	vst v23  }
0x11: {  	s1 =	srdreg.scid;
	s17 =	simm.s32 $0x20;
	v28 =	vor.u32 $0xC00, v1;
	[tilespmem:$0x1FF60] =	vst v25  }
0x12: {  	s18 =	simm.s32 $0x2E00;
	s19 =	simm.s32 $0x3600;
	s20 =	simm.s32 $0x3E00;
	v27 =	vor.u32 $0x1400, v1;
	[tilespmem:$0x1FF70] =	vst v28  }
0x13: {  	s21 =	simm.s32 $0x4600;
	s16 =	simm.s32 $0xE600;
	s28 =	simm.s32 $0xFE00;
	v26 =	vor.u32 $0x2C00, v1;
	[tilespmem:$0x1FF80] =	vst v27  }
0x14: {  	s11 =	simm.s32 $0x16E00;
	s12 =	simm.s32 $0x17600;
	s13 =	simm.s32 $0x17E00;
	v20 =	vor.u32 $0x3400, v1;
	[tilespmem:$0x1FF90] =	vst v26  }
0x15: {  	s30 =	simm.s32 $0x18600;
	s14 =	simm.s32 $0x19600;
	s1 =	sand.u32 $0x1, s1;
	v30 =	vor.u32 $0x4400, v1;
	[tilespmem:$0x1FFA0] =	vst v20  }
0x16: {  	s29 =	simm.s32 $0x19E00;
	s22 =	simm.s32 $0x2;
	s7 =	sor.u32 s1, s5;
	v4 =	vor.u32 $0x4C00, v1;
	[tilespmem:$0x1FFB0] =	vst v30  }
0x17: {  	s1 =	ssub.s32 $0x2, s1;
	s5 =	sshll.u32 s7, $0x6;
	s6 =	smul.u32 $0x500, s7;
	v32 =	vor.u32 $0x5400, v1;
	[tilespmem:$0x1FFC0] =	vst v4  }
0x18: {  	s10 =	sshrl.u32 s1, $0x1;
	s7 =	sshll.u32 s7, $0x9;
	v31 =	vor.u32 $0x3000, v1;
	s8 =	sadd.s32 s5, s0;
	[tilespmem:$0x1FFD0] =	vst v32  }
0x19: {  	v29 =	vor.u32 $0x4000, v1;
	s5 =	sadd.s32 $0x16E5A00, s0;
	s23 =	ssub.s32 s1, s10;
	[tilespmem:$0x1FFE0] =	vst v31;
	s24 =	sadd.s32 $0x1C00, s8  }
0x1a: {  	v2 =	vor.u32 $0x9000, v1;
	s1 =	simm.s32 $0x18E00;
	[tilespmem:$0x1FFF0] =	vst v29;
	s25 =	sadd.s32 $0x1400, s8;
	[dreg:$0x4] =	wrdreg s24  }
0x1b: {  	s9 =	sadd.s32 s6, s0;
	s26 =	sadd.s32 $0xC00, s8;
	[tilespmem:$0x1FE60] =	vst v2;
	v2 =	vor.u32 $0x1C00, v1;
	[dreg:$0x5] =	wrdreg s25  }
0x1c: {  	s6 =	sadd.s32 $0xF44800, s0;
	s0 =	smax.u32 s23, $0x1;
	[dreg:$0x6] =	wrdreg s26;
	[tilespmem:$0x1FE70] =	vst v2;
	v2 =	vor.u32 $0x2400, v1  }
0x1d: {  	s23 =	simm.s32 $0xEE00;
	s31 =	sadd.s32 $0x2400, s9;
	[dreg:$0x8] =	wrdreg s0;
	[tilespmem:$0x1FE80] =	vst v2;
	v2 =	vor.u32 $0x3C00, v1  }
0x1e: {  	v12 =	vor.u32 $0x1000, v1;
	v14 =	vor.u32 $0x1800, v1;
	s25 =	simm.s32 $0xF600;
	s24 =	simm.s32 $0x1;
	s0 =	simm.s32 $0x4;
	[tilespmem:$0x1FE90] =	vst v2;
	v2 =	vor.u32 $0x5C00, v1  }
0x1f: {  	v15 =	vor.u32 $0x2000, v1;
	v21 =	vor.u32 $0x400, v1;
	v33 =	vor.u32 $0x6400, v1;
	s26 =	simm.s32 $0x19E20;
	s9 =	simm.s32 $0x0;
	[dreg:$0x7] =	wrdreg s31;
	[tilespmem:$0x1FEA0] =	vst v2  }
.LBB2_1:
0x20: {  	[dreg:$0x9] =	wrdreg s9  }
0x21: {  	s8 =	rddreg [dreg:$0x4]  }
0x22: {  	[tilespmem:s4], [sflag:$0x3] =	stream.linear.gather [hbm4b:s8+s4], $0x200, $0x38;
	[tilespmem:$0x19E40] =	vst v63  }
0x23: {  	s10 =	rddreg [dreg:$0x5];
	s9 =	simm.s32 $0x200  }
0x24: {  	[tilespmem:s9], [sflag:$0x3] =	stream.linear.gather [hbm4b:s10+s4], $0x200, $0x38;
	[tilespmem:$0x19E40] =	vst v63  }
0x25: {  	s15 =	rddreg [dreg:$0x6];
	s10 =	simm.s32 $0x400  }
0x26: {  	[tilespmem:s10], [sflag:$0x3] =	stream.linear.gather [hbm4b:s15+s4], $0x200, $0x38;
	[tilespmem:$0x19E40] =	vst v63  }
0x27: {  	s15 =	rddreg [dreg:$0x7];
	s10 =	simm.s32 $0x600  }
0x28: {  	[tilespmem:s10], [sflag:$0x3] =	stream.linear.gather [hbm4b:s15+s4], $0x2800, $0x38;
	[tilespmem:$0x19E40] =	vst v63  }
0x29: {  	s15 =	simm.s32 $0x3  }
0x2a: {  	_ =	swait.ge [sflag:s15], $0x200  }
0x2b: {  	[sflag:s15] =	ssyncset.done $0x0  }
0x2c: {  	[sflag:s15] =	ssyncadd.s32 $0xFFFFFE00  }
0x2d: {  	_ =	swait.ge [sflag:s15], $0x200  }
0x2e: {  	[sflag:s15] =	ssyncset.done $0x0  }
0x2f: {  	[sflag:s15] =	ssyncadd.s32 $0xFFFFFE00  }
0x30: {  	_ =	swait.ge [sflag:s15], $0x200  }
0x31: {  	[sflag:s15] =	ssyncset.done $0x0  }
0x32: {  	[sflag:s15] =	ssyncadd.s32 $0xFFFFFE00  }
0x33: {  	_ =	swait.ge [sflag:s15], $0x2800  }
0x34: {  	[sflag:s15] =	ssyncset.done $0x0  }
0x35: {  	[sflag:s15] =	ssyncadd.s32 $0xFFFFD800  }
0x36: {  	[tilespmem:s18], [sflag:$0x1] =	stream.indirect.gather [hbm4b:s5+s17], $0x40, s4, s17, $0xb8;
	[tilespmem:$0x19E40] =	vst v63  }
0x37: {  	_ = 	snop  }
0x38: {  	[tilespmem:s19], [sflag:$0x1] =	stream.indirect.gather [hbm4b:s5+s17], $0x40, s9, s17, $0xb8;
	[tilespmem:$0x19E40] =	vst v63  }
0x39: {  	_ = 	snop  }
0x3a: {  	[tilespmem:s20], [sflag:$0x1] =	stream.indirect.gather [hbm4b:s6+s17], $0x40, s9, s17, $0xb8;
	[tilespmem:$0x19E40] =	vst v63  }
0x3b: {  	_ = 	snop  }
0x3c: {  	[tilespmem:s21], [sflag:$0x1] =	stream.indirect.gather [hbm4b:s6+s17], $0x40, s10, s17, $0xb8;
	[tilespmem:$0x19E40] =	vst v63  }
0x3d: {  	s15 =	simm.s32 $0x4E00;
	s10 =	simm.s32 $0x800  }
0x3e: {  	[tilespmem:s15], [sflag:$0x1] =	stream.indirect.gather [hbm4b:s6+s17], $0x40, s10, s17, $0xb8;
	[tilespmem:$0x19E40] =	vst v63  }
0x3f: {  	s10 =	simm.s32 $0xA00;
	s15 =	simm.s32 $0x5600  }
0x40: {  	[tilespmem:s15], [sflag:$0x1] =	stream.indirect.gather [hbm4b:s6+s17], $0x40, s10, s17, $0xb8;
	[tilespmem:$0x19E40] =	vst v63  }
0x41: {  	s10 =	simm.s32 $0xC00;
	s15 =	simm.s32 $0x5E00  }
0x42: {  	[tilespmem:s15], [sflag:$0x1] =	stream.indirect.gather [hbm4b:s6+s17], $0x40, s10, s17, $0xb8;
	[tilespmem:$0x19E40] =	vst v63  }
0x43: {  	s10 =	simm.s32 $0xE00;
	s15 =	simm.s32 $0x6600  }
0x44: {  	[tilespmem:s15], [sflag:$0x1] =	stream.indirect.gather [hbm4b:s6+s17], $0x40, s10, s17, $0xb8;
	[tilespmem:$0x19E40] =	vst v63  }
0x45: {  	s10 =	simm.s32 $0x1000;
	s15 =	simm.s32 $0x6E00  }
0x46: {  	[tilespmem:s15], [sflag:$0x1] =	stream.indirect.gather [hbm4b:s6+s17], $0x40, s10, s17, $0xb8;
	[tilespmem:$0x19E40] =	vst v63  }
0x47: {  	s10 =	simm.s32 $0x1200;
	s15 =	simm.s32 $0x7600  }
0x48: {  	[tilespmem:s15], [sflag:$0x1] =	stream.indirect.gather [hbm4b:s6+s17], $0x40, s10, s17, $0xb8;
	[tilespmem:$0x19E40] =	vst v63  }
0x49: {  	s10 =	simm.s32 $0x1400;
	s15 =	simm.s32 $0x7E00  }
0x4a: {  	[tilespmem:s15], [sflag:$0x1] =	stream.indirect.gather [hbm4b:s6+s17], $0x40, s10, s17, $0xb8;
	[tilespmem:$0x19E40] =	vst v63  }
0x4b: {  	s10 =	simm.s32 $0x1600;
	s15 =	simm.s32 $0x8600  }
0x4c: {  	[tilespmem:s15], [sflag:$0x1] =	stream.indirect.gather [hbm4b:s6+s17], $0x40, s10, s17, $0xb8;
	[tilespmem:$0x19E40] =	vst v63  }
0x4d: {  	s10 =	simm.s32 $0x1800;
	s15 =	simm.s32 $0x8E00  }
0x4e: {  	[tilespmem:s15], [sflag:$0x1] =	stream.indirect.gather [hbm4b:s6+s17], $0x40, s10, s17, $0xb8;
	[tilespmem:$0x19E40] =	vst v63  }
0x4f: {  	s10 =	simm.s32 $0x1A00;
	s15 =	simm.s32 $0x9600  }
0x50: {  	[tilespmem:s15], [sflag:$0x1] =	stream.indirect.gather [hbm4b:s6+s17], $0x40, s10, s17, $0xb8;
	[tilespmem:$0x19E40] =	vst v63  }
0x51: {  	s10 =	simm.s32 $0x1C00;
	s15 =	simm.s32 $0x9E00  }
0x52: {  	[tilespmem:s15], [sflag:$0x1] =	stream.indirect.gather [hbm4b:s6+s17], $0x40, s10, s17, $0xb8;
	[tilespmem:$0x19E40] =	vst v63  }
0x53: {  	s10 =	simm.s32 $0x1E00;
	s15 =	simm.s32 $0xA600  }
0x54: {  	[tilespmem:s15], [sflag:$0x1] =	stream.indirect.gather [hbm4b:s6+s17], $0x40, s10, s17, $0xb8;
	[tilespmem:$0x19E40] =	vst v63  }
0x55: {  	s10 =	simm.s32 $0x2000;
	s15 =	simm.s32 $0xAE00  }
0x56: {  	[tilespmem:s15], [sflag:$0x1] =	stream.indirect.gather [hbm4b:s6+s17], $0x40, s10, s17, $0xb8;
	[tilespmem:$0x19E40] =	vst v63  }
0x57: {  	s10 =	simm.s32 $0x2200;
	s15 =	simm.s32 $0xB600  }
0x58: {  	[tilespmem:s15], [sflag:$0x1] =	stream.indirect.gather [hbm4b:s6+s17], $0x40, s10, s17, $0xb8;
	[tilespmem:$0x19E40] =	vst v63  }
0x59: {  	s10 =	simm.s32 $0x2400;
	s15 =	simm.s32 $0xBE00  }
0x5a: {  	[tilespmem:s15], [sflag:$0x1] =	stream.indirect.gather [hbm4b:s6+s17], $0x40, s10, s17, $0xb8;
	[tilespmem:$0x19E40] =	vst v63  }
0x5b: {  	s10 =	simm.s32 $0x2600;
	s15 =	simm.s32 $0xC600  }
0x5c: {  	[tilespmem:s15], [sflag:$0x1] =	stream.indirect.gather [hbm4b:s6+s17], $0x40, s10, s17, $0xb8;
	[tilespmem:$0x19E40] =	vst v63  }
0x5d: {  	s10 =	simm.s32 $0x2800;
	s15 =	simm.s32 $0xCE00  }
0x5e: {  	[tilespmem:s15], [sflag:$0x1] =	stream.indirect.gather [hbm4b:s6+s17], $0x40, s10, s17, $0xb8;
	[tilespmem:$0x19E40] =	vst v63  }
0x5f: {  	s10 =	simm.s32 $0x2A00;
	s15 =	simm.s32 $0xD600  }
0x60: {  	[tilespmem:s15], [sflag:$0x1] =	stream.indirect.gather [hbm4b:s6+s17], $0x40, s10, s17, $0xb8;
	[tilespmem:$0x19E40] =	vst v63  }
0x61: {  	s31 =	simm.s32 $0x0;
	s10 =	simm.s32 $0x2C00;
	s15 =	simm.s32 $0xDE00  }
0x62: {  	[tilespmem:s15], [sflag:$0x1] =	stream.indirect.gather [hbm4b:s6+s17], $0x40, s10, s17, $0xb8;
	[tilespmem:$0x19E40] =	vst v63  }
.LBB2_2:
0x63: {  	s8 =	sshll.u32 s31, $0x6  }
0x64: {  	s15 =	sor.u32 $0x20, s8  }
0x65: {  	[tilespmem:s16], [sflag:$0x2] =	stream.indirect.gather [hbm4b:s5+s17], $0x40, s15, s17, $0xb8;
	[tilespmem:$0x19E40] =	vst v63  }
0x66: {  	s9 =	sadd.s32 $0x220, s8  }
0x67: {  	[tilespmem:s23], [sflag:$0x2] =	stream.indirect.gather [hbm4b:s5+s17], $0x40, s9, s17, $0xb8;
	[tilespmem:$0x19E40] =	vst v63  }
0x68: {  	_ = 	snop  }
0x69: {  	[tilespmem:s25], [sflag:$0x2] =	stream.indirect.gather [hbm4b:s6+s17], $0x40, s9, s17, $0xb8;
	[tilespmem:$0x19E40] =	vst v63  }
0x6a: {  	s10 =	sadd.s32 $0x620, s8  }
0x6b: {  	[tilespmem:s28], [sflag:$0x2] =	stream.indirect.gather [hbm4b:s6+s17], $0x40, s10, s17, $0xb8;
	[tilespmem:$0x19E40] =	vst v63  }
0x6c: {  	s9 =	sadd.s32 $0x820, s8;
	s10 =	simm.s32 $0x10600  }
0x6d: {  	[tilespmem:s10], [sflag:$0x2] =	stream.indirect.gather [hbm4b:s6+s17], $0x40, s9, s17, $0xb8;
	[tilespmem:$0x19E40] =	vst v63  }
0x6e: {  	s9 =	sadd.s32 $0xA20, s8;
	s10 =	simm.s32 $0x10E00  }
0x6f: {  	[tilespmem:s10], [sflag:$0x2] =	stream.indirect.gather [hbm4b:s6+s17], $0x40, s9, s17, $0xb8;
	[tilespmem:$0x19E40] =	vst v63  }
0x70: {  	s9 =	sadd.s32 $0xC20, s8;
	s10 =	simm.s32 $0x11600  }
0x71: {  	[tilespmem:s10], [sflag:$0x2] =	stream.indirect.gather [hbm4b:s6+s17], $0x40, s9, s17, $0xb8;
	[tilespmem:$0x19E40] =	vst v63  }
0x72: {  	s9 =	sadd.s32 $0xE20, s8;
	s10 =	simm.s32 $0x11E00  }
0x73: {  	[tilespmem:s10], [sflag:$0x2] =	stream.indirect.gather [hbm4b:s6+s17], $0x40, s9, s17, $0xb8;
	[tilespmem:$0x19E40] =	vst v63  }
0x74: {  	s9 =	sadd.s32 $0x1020, s8;
	s10 =	simm.s32 $0x12600  }
0x75: {  	[tilespmem:s10], [sflag:$0x2] =	stream.indirect.gather [hbm4b:s6+s17], $0x40, s9, s17, $0xb8;
	[tilespmem:$0x19E40] =	vst v63  }
0x76: {  	s9 =	sadd.s32 $0x1220, s8;
	s10 =	simm.s32 $0x12E00  }
0x77: {  	[tilespmem:s10], [sflag:$0x2] =	stream.indirect.gather [hbm4b:s6+s17], $0x40, s9, s17, $0xb8;
	[tilespmem:$0x19E40] =	vst v63  }
0x78: {  	s9 =	sadd.s32 $0x1420, s8;
	s10 =	simm.s32 $0x13600  }
0x79: {  	[tilespmem:s10], [sflag:$0x2] =	stream.indirect.gather [hbm4b:s6+s17], $0x40, s9, s17, $0xb8;
	[tilespmem:$0x19E40] =	vst v63  }
0x7a: {  	s9 =	sadd.s32 $0x1620, s8;
	s10 =	simm.s32 $0x13E00  }
0x7b: {  	[tilespmem:s10], [sflag:$0x2] =	stream.indirect.gather [hbm4b:s6+s17], $0x40, s9, s17, $0xb8;
	[tilespmem:$0x19E40] =	vst v63  }
0x7c: {  	s9 =	sadd.s32 $0x1820, s8;
	s10 =	simm.s32 $0x14600  }
0x7d: {  	[tilespmem:s10], [sflag:$0x2] =	stream.indirect.gather [hbm4b:s6+s17], $0x40, s9, s17, $0xb8;
	[tilespmem:$0x19E40] =	vst v63  }
0x7e: {  	s9 =	sadd.s32 $0x1A20, s8;
	s10 =	simm.s32 $0x14E00  }
0x7f: {  	[tilespmem:s10], [sflag:$0x2] =	stream.indirect.gather [hbm4b:s6+s17], $0x40, s9, s17, $0xb8;
	[tilespmem:$0x19E40] =	vst v63  }
0x80: {  	s9 =	sadd.s32 $0x1C20, s8;
	s10 =	simm.s32 $0x15600  }
0x81: {  	[tilespmem:s10], [sflag:$0x2] =	stream.indirect.gather [hbm4b:s6+s17], $0x40, s9, s17, $0xb8;
	[tilespmem:$0x19E40] =	vst v63  }
0x82: {  	s9 =	sadd.s32 $0x1E20, s8;
	s10 =	simm.s32 $0x15E00  }
0x83: {  	[tilespmem:s10], [sflag:$0x2] =	stream.indirect.gather [hbm4b:s6+s17], $0x40, s9, s17, $0xb8;
	[tilespmem:$0x19E40] =	vst v63  }
0x84: {  	s9 =	sadd.s32 $0x2020, s8;
	s10 =	simm.s32 $0x16600  }
0x85: {  	[tilespmem:s10], [sflag:$0x2] =	stream.indirect.gather [hbm4b:s6+s17], $0x40, s9, s17, $0xb8;
	[tilespmem:$0x19E40] =	vst v63  }
0x86: {  	s10 =	sadd.s32 $0x2220, s8  }
0x87: {  	[tilespmem:s11], [sflag:$0x2] =	stream.indirect.gather [hbm4b:s6+s17], $0x40, s10, s17, $0xb8;
	[tilespmem:$0x19E40] =	vst v63  }
0x88: {  	s10 =	sadd.s32 $0x2420, s8  }
0x89: {  	[tilespmem:s12], [sflag:$0x2] =	stream.indirect.gather [hbm4b:s6+s17], $0x40, s10, s17, $0xb8;
	[tilespmem:$0x19E40] =	vst v63  }
0x8a: {  	s10 =	sadd.s32 $0x2620, s8  }
0x8b: {  	[tilespmem:s13], [sflag:$0x2] =	stream.indirect.gather [hbm4b:s6+s17], $0x40, s10, s17, $0xb8;
	[tilespmem:$0x19E40] =	vst v63  }
0x8c: {  	s10 =	sadd.s32 $0x2820, s8  }
0x8d: {  	[tilespmem:s30], [sflag:$0x2] =	stream.indirect.gather [hbm4b:s6+s17], $0x40, s10, s17, $0xb8;
	[tilespmem:$0x19E40] =	vst v63  }
0x8e: {  	s10 =	sadd.s32 $0x2A20, s8  }
0x8f: {  	[tilespmem:s1], [sflag:$0x2] =	stream.indirect.gather [hbm4b:s6+s17], $0x40, s10, s17, $0xb8;
	[tilespmem:$0x19E40] =	vst v63  }
0x90: {  	s10 =	sadd.s32 $0x2C20, s8  }
0x91: {  	[tilespmem:s14], [sflag:$0x2] =	stream.indirect.gather [hbm4b:s6+s17], $0x40, s10, s17, $0xb8;
	[tilespmem:$0x19E40] =	vst v63  }
0x92: {  	_ =	swait.ge [sflag:s24], $0x800  }
0x93: {  	[sflag:s24] =	ssyncset.done $0x0  }
0x94: {  	[sflag:s24] =	ssyncadd.s32 $0xFFFFF800  }
0x95: {  	_ =	swait.ge [sflag:s24], $0x800  }
0x96: {  	[sflag:s24] =	ssyncset.done $0x0  }
0x97: {  	[sflag:s24] =	ssyncadd.s32 $0xFFFFF800  }
0x98: {  	_ =	swait.ge [sflag:s24], $0x800  }
0x99: {  	[sflag:s24] =	ssyncset.done $0x0  }
0x9a: {  	[sflag:s24] =	ssyncadd.s32 $0xFFFFF800  }
0x9b: {  	_ =	swait.ge [sflag:s24], $0x800  }
0x9c: {  	[sflag:s24] =	ssyncset.done $0x0  }
0x9d: {  	[sflag:s24] =	ssyncadd.s32 $0xFFFFF800  }
0x9e: {  	_ =	swait.ge [sflag:s24], $0x800  }
0x9f: {  	[sflag:s24] =	ssyncset.done $0x0  }
0xa0: {  	[sflag:s24] =	ssyncadd.s32 $0xFFFFF800  }
0xa1: {  	_ =	swait.ge [sflag:s24], $0x800  }
0xa2: {  	[sflag:s24] =	ssyncset.done $0x0  }
0xa3: {  	[sflag:s24] =	ssyncadd.s32 $0xFFFFF800  }
0xa4: {  	_ =	swait.ge [sflag:s24], $0x800  }
0xa5: {  	[sflag:s24] =	ssyncset.done $0x0  }
0xa6: {  	[sflag:s24] =	ssyncadd.s32 $0xFFFFF800  }
0xa7: {  	_ =	swait.ge [sflag:s24], $0x800  }
0xa8: {  	[sflag:s24] =	ssyncset.done $0x0  }
0xa9: {  	[sflag:s24] =	ssyncadd.s32 $0xFFFFF800  }
0xaa: {  	_ =	swait.ge [sflag:s24], $0x800  }
0xab: {  	[sflag:s24] =	ssyncset.done $0x0  }
0xac: {  	[sflag:s24] =	ssyncadd.s32 $0xFFFFF800  }
0xad: {  	_ =	swait.ge [sflag:s24], $0x800  }
0xae: {  	[sflag:s24] =	ssyncset.done $0x0  }
0xaf: {  	[sflag:s24] =	ssyncadd.s32 $0xFFFFF800  }
0xb0: {  	_ =	swait.ge [sflag:s24], $0x800  }
0xb1: {  	[sflag:s24] =	ssyncset.done $0x0  }
0xb2: {  	[sflag:s24] =	ssyncadd.s32 $0xFFFFF800  }
0xb3: {  	_ =	swait.ge [sflag:s24], $0x800  }
0xb4: {  	[sflag:s24] =	ssyncset.done $0x0  }
0xb5: {  	[sflag:s24] =	ssyncadd.s32 $0xFFFFF800  }
0xb6: {  	_ =	swait.ge [sflag:s24], $0x800  }
0xb7: {  	[sflag:s24] =	ssyncset.done $0x0  }
0xb8: {  	[sflag:s24] =	ssyncadd.s32 $0xFFFFF800  }
0xb9: {  	_ =	swait.ge [sflag:s24], $0x800  }
0xba: {  	[sflag:s24] =	ssyncset.done $0x0  }
0xbb: {  	[sflag:s24] =	ssyncadd.s32 $0xFFFFF800  }
0xbc: {  	_ =	swait.ge [sflag:s24], $0x800  }
0xbd: {  	[sflag:s24] =	ssyncset.done $0x0  }
0xbe: {  	[sflag:s24] =	ssyncadd.s32 $0xFFFFF800  }
0xbf: {  	_ =	swait.ge [sflag:s24], $0x800  }
0xc0: {  	[sflag:s24] =	ssyncset.done $0x0  }
0xc1: {  	[sflag:s24] =	ssyncadd.s32 $0xFFFFF800  }
0xc2: {  	_ =	swait.ge [sflag:s24], $0x800  }
0xc3: {  	[sflag:s24] =	ssyncset.done $0x0  }
0xc4: {  	[sflag:s24] =	ssyncadd.s32 $0xFFFFF800  }
0xc5: {  	_ =	swait.ge [sflag:s24], $0x800  }
0xc6: {  	[sflag:s24] =	ssyncset.done $0x0  }
0xc7: {  	[sflag:s24] =	ssyncadd.s32 $0xFFFFF800  }
0xc8: {  	_ =	swait.ge [sflag:s24], $0x800  }
0xc9: {  	[sflag:s24] =	ssyncset.done $0x0  }
0xca: {  	[sflag:s24] =	ssyncadd.s32 $0xFFFFF800  }
0xcb: {  	_ =	swait.ge [sflag:s24], $0x800  }
0xcc: {  	[sflag:s24] =	ssyncset.done $0x0  }
0xcd: {  	[sflag:s24] =	ssyncadd.s32 $0xFFFFF800  }
0xce: {  	_ =	swait.ge [sflag:s24], $0x800  }
0xcf: {  	s10 =	simm.s32 $0x0;
	[sflag:s24] =	ssyncset.done $0x0  }
0xd0: {  	v2 =	vadd.s32 s10, v0;
	[sflag:s24] =	ssyncadd.s32 $0xFFFFF800  }
0xd1: {  	v4 =	vand.u32 $0x3F, v2;
	_ =	swait.ge [sflag:s24], $0x800  }
0xd2: {  	v7 =	vor.u32 v1, v4;
	[sflag:s24] =	ssyncset.done $0x0  }
0xd3: {  	v2 =	vor.u32 v17, v4;
	[sflag:s24] =	ssyncadd.s32 $0xFFFFF800  }
0xd4: {  	_ =	swait.ge [sflag:s24], $0x800  }
0xd5: {  	[sflag:s24] =	ssyncset.done $0x0  }
0xd6: {  	[sflag:s24] =	ssyncadd.s32 $0xFFFFF800  }
0xd7: {  	v46 =	vimm.f32 $0.0e+00;
	v54 =	vimm.f32 $0.0e+00;
	v5 =	vor.u32 v16, v4;
	v34 =	vld.idx.msk [tilespmem:v7+s18+$0x0], $0xffff  }
0xd8: {  	v49 =	vimm.f32 $0.0e+00;
	v48 =	vimm.f32 $0.0e+00;
	v35 =	vor.u32 v12, v4;
	v2 =	vld.idx.msk [tilespmem:v2+s21+$0x0], $0xffff  }
0xd9: {  	v44 =	vimm.f32 $0.0e+00;
	v45 =	vimm.f32 $0.0e+00;
	v36 =	vor.u32 v14, v4;
	v56 =	vld.idx.msk [tilespmem:v7+s19+$0x0], $0xffff  }
0xda: {  	v42 =	vimm.f32 $0.0e+00;
	v43 =	vimm.f32 $0.0e+00;
	v55 =	vor.u32 v15, v4;
	v57 =	vld.idx.msk [tilespmem:v7+s20+$0x0], $0xffff  }
0xdb: {  	v41 =	vimm.f32 $0.0e+00;
	v39 =	vimm.f32 $0.0e+00;
	s10 =	simm.s32 $0x1;
	v53 =	vor.u32 v11, v4;
	v58 =	vld.idx.msk [tilespmem:v7+s21+$0x0], $0xffff  }
0xdc: {  	v38 =	vimm.f32 $0.0e+00;
	v6 =	vadd.s32 s10, v0;
	v52 =	vor.u32 v31, v4;
	[tilespmem:$0x1FE20] =	vst v4;
	v59 =	vld.idx.msk [tilespmem:v5+s21+$0x0], $0xffff  }
0xdd: {  	v51 =	vor.u32 v13, v4;
	v50 =	vor.u32 v29, v4;
	v3 =	vand.u32 $0x3F, v6;
	[tilespmem:$0x1FE30] =	vst v6;
	v60 =	vld.idx.msk [tilespmem:v35+s21+$0x0], $0xffff  }
0xde: {  	s9 =	simm.s32 $0x2;
	[tilespmem:$0x1FE40] =	vst v7;
	v35 =	vimm.f32 $0.0e+00;
	v4 =	vmul.f32 v2, v34;
	v2 =	vld.idx.msk [tilespmem:v36+s21+$0x0], $0xffff;
	v36 =	vimm.f32 $0.0e+00  }
.LBB2_3:
0xdf: {  	p0 =	sne.s32 s9, $0x3F;
	v5 =	vor.u32 v1, v3;
	v61 =	vor.u32 v16, v3;
	v62 =	vor.u32 v12, v3;
	v63 =	vld.idx.msk [tilespmem:v55+s21+$0x0], $0xffff  }
0xe0: {  	v47 =	vor.u32 v14, v3;
	v37 =	vor.u32 v17, v3;
	v40 =	vld.idx.msk [tilespmem:v53+s21+$0x0], $0xffff;
	v54 =	vadd.f32 v4, v54  }
0xe1: {  	v55 =	vor.u32 v15, v3;
	v53 =	vor.u32 v11, v3;
	v4 =	vld.idx.msk [tilespmem:v52+s21+$0x0], $0xffff;
	v52 =	vor.u32 v31, v3  }
0xe2: {  	v6 =	vor.u32 v29, v3;
	v56 =	vmul.f32 v56, v34;
	v7 =	vld.idx.msk [tilespmem:v51+s21+$0x0], $0xffff;
	v51 =	vor.u32 v13, v3  }
0xe3: {  	v3 =	vmul.f32 v57, v34;
	v57 =	vmul.f32 v58, v34;
	v8 =	vld.idx.msk [tilespmem:v50+s21+$0x0], $0xffff;
	v50 =	vmov v6  }
0xe4: {  	v49 =	vadd.f32 v56, v49;
	v58 =	vmul.f32 v59, v34;
	v59 =	vmul.f32 v60, v34;
	v6 =	vld.idx.msk [tilespmem:v5+s18+$0x0], $0xffff  }
0xe5: {  	v2 =	vmul.f32 v2, v34;
	v48 =	vadd.f32 v3, v48;
	v3 =	vmul.f32 v63, v34;
	v37 =	vld.idx.msk [tilespmem:v37+s21+$0x0], $0xffff  }
0xe6: {  	v44 =	vadd.f32 v57, v44;
	v45 =	vadd.f32 v58, v45;
	v40 =	vmul.f32 v40, v34;
	v56 =	vld.idx.msk [tilespmem:v5+s19+$0x0], $0xffff  }
.Ltmp0:
0xe7: {  	v42 =	vadd.f32 v59, v42;
	v43 =	vadd.f32 v2, v43;
	v2 =	vmul.f32 v4, v34;
	v57 =	vld.idx.msk [tilespmem:v5+s20+$0x0], $0xffff;
	(pc) =	sbr.rel @p0 .LBB2_3-.Ltmp0, $4  }
0xe8: {  	v41 =	vadd.f32 v3, v41;
	v39 =	vadd.f32 v40, v39;
	v3 =	vmul.f32 v7, v34;
	v58 =	vld.idx.msk [tilespmem:v5+s21+$0x0], $0xffff  }
0xe9: {  	v36 =	vadd.f32 v2, v36;
	v5 =	vmul.f32 v8, v34;
	v59 =	vld.idx.msk [tilespmem:v61+s21+$0x0], $0xffff  }
0xea: {  	v2 =	vadd.s32 s9, v0;
	v38 =	vadd.f32 v3, v38;
	v34 =	vmov v6;
	v60 =	vld.idx.msk [tilespmem:v62+s21+$0x0], $0xffff  }
0xeb: {  	s9 =	sadd.s32 $0x1, s9;
	v3 =	vand.u32 $0x3F, v2;
	v4 =	vmul.f32 v37, v34;
	v35 =	vadd.f32 v5, v35;
	v2 =	vld.idx.msk [tilespmem:v47+s21+$0x0], $0xffff  }
0xec: {  	_ =	sdelay $0x3  }
0xed: {  	v5 =	vor.u32 v1, v3;
	v6 =	vld.idx.msk [tilespmem:v55+s21+$0x0], $0xffff  }
0xee: {  	v7 =	vor.u32 v17, v3;
	v8 =	vld.idx.msk [tilespmem:v53+s21+$0x0], $0xffff  }
0xef: {  	v37 =	vld.idx.msk [tilespmem:v52+s21+$0x0], $0xffff;
	v40 =	vor.u32 v16, v3  }
0xf0: {  	v51 =	vld.idx.msk [tilespmem:v51+s21+$0x0], $0xffff  }
0xf1: {  	v50 =	vld.idx.msk [tilespmem:v50+s21+$0x0], $0xffff  }
0xf2: {  	v61 =	vld.idx.msk [tilespmem:v5+s18+$0x0], $0xffff  }
0xf3: {  	v47 =	vor.u32 v12, v3;
	v52 =	vor.u32 v14, v3;
	v56 =	vmul.f32 v56, v34;
	v7 =	vld.idx.msk [tilespmem:v7+s21+$0x0], $0xffff  }
0xf4: {  	v53 =	vor.u32 v15, v3;
	v57 =	vmul.f32 v57, v34;
	v4 =	vadd.f32 v4, v54;
	v40 =	vld.idx.msk [tilespmem:v40+s21+$0x0], $0xffff  }
0xf5: {  	v54 =	vor.u32 v11, v3;
	v49 =	vadd.f32 v56, v49;
	v56 =	vmul.f32 v59, v34;
	v59 =	vld.idx.msk [tilespmem:v5+s19+$0x0], $0xffff  }
0xf6: {  	v55 =	vor.u32 v31, v3;
	v48 =	vadd.f32 v57, v48;
	v2 =	vmul.f32 v2, v34;
	v57 =	vld.idx.msk [tilespmem:v5+s20+$0x0], $0xffff  }
0xf7: {  	v62 =	vor.u32 v13, v3;
	v3 =	vor.u32 v29, v3;
	v5 =	vld.idx.msk [tilespmem:v5+s21+$0x0], $0xffff;
	v51 =	vmul.f32 v51, v34  }
0xf8: {  	v58 =	vmul.f32 v58, v34;
	v60 =	vmul.f32 v60, v34;
	v2 =	vadd.f32 v2, v43;
	v43 =	vld.idx.msk [tilespmem:v47+s21+$0x0], $0xffff  }
0xf9: {  	v56 =	vadd.f32 v56, v45;
	v47 =	vadd.f32 v51, v38;
	v51 =	vld [tilespmem:$0x1FE20];
	v40 =	vmul.f32 v40, v61  }
0xfa: {  	v44 =	vadd.f32 v58, v44;
	v6 =	vmul.f32 v6, v34;
	v45 =	vld.idx.msk [tilespmem:v54+s21+$0x0], $0xffff;
	v7 =	vmul.f32 v7, v61  }
0xfb: {  	v42 =	vadd.f32 v60, v42;
	v58 =	vmul.f32 v50, v34;
	v60 =	vld.idx.msk [tilespmem:v52+s21+$0x0], $0xffff;
	v29 =	vadd.f32 v40, v56  }
0xfc: {  	v8 =	vmul.f32 v8, v34;
	v37 =	vmul.f32 v37, v34;
	v63 =	vld.idx.msk [tilespmem:v53+s21+$0x0], $0xffff;
	v4 =	vadd.f32 v7, v4  }
0xfd: {  	v6 =	vadd.f32 v6, v41;
	v34 =	vadd.f32 v58, v35;
	v41 =	vmul.f32 v59, v61;
	[tilespmem:$0x1FDA0] =	vst v29;
	v29 =	vld [tilespmem:$0x1FE40]  }
0xfe: {  	v58 =	vor.u32 v24, v51;
	[tilespmem:$0x1FD60] =	vst v4;
	v4 =	vmul.f32 v57, v61;
	v57 =	vld.idx.msk [tilespmem:v62+s21+$0x0], $0xffff  }
0xff: {  	v53 =	vld.idx.msk [tilespmem:v55+s21+$0x0], $0xffff;
	v8 =	vadd.f32 v8, v39;
	v35 =	vmul.f32 v45, v61;
	v7 =	vadd.f32 v41, v49  }
0x100: {  	v3 =	vld.idx.msk [tilespmem:v3+s21+$0x0], $0xffff;
	v36 =	vadd.f32 v37, v36  }
0x101: {  	v5 =	vmul.f32 v5, v61;
	v8 =	vadd.f32 v35, v8;
	[tilespmem:$0x1FD70] =	vst v7;
	v7 =	vor.u32 v25, v51  }
0x102: {  	v37 =	vmul.f32 v63, v61;
	v54 =	vmul.f32 v43, v61;
	v45 =	vld [tilespmem:$0x1FE50];
	v4 =	vadd.f32 v4, v48  }
0x103: {  	v5 =	vadd.f32 v5, v44;
	[tilespmem:$0x1FDE0] =	vst v8;
	v8 =	vmul.f32 v57, v61;
	v57 =	vld.idx.msk [tilespmem:v58+s21+$0x0], $0xffff  }
0x104: {  	v55 =	vor.u32 v22, v51;
	v59 =	vor.u32 v10, v51;
	[tilespmem:$0x1FD80] =	vst v4;
	v4 =	vmul.f32 v60, v61;
	v58 =	vld [tilespmem:$0x1FE30]  }
0x105: {  	v6 =	vadd.f32 v37, v6;
	[tilespmem:$0x1FD90] =	vst v5;
	v63 =	vld.idx.msk [tilespmem:v29+s18+$0x0], $0xffff;
	v29 =	vadd.f32 v54, v42  }
0x106: {  	v5 =	vor.u32 v9, v51;
	v2 =	vadd.f32 v4, v2;
	v4 =	vld.idx.msk [tilespmem:v7+s21+$0x0], $0xffff;
	v7 =	vmul.f32 v53, v61  }
0x107: {  	v3 =	vmul.f32 v3, v61;
	v44 =	vor.u32 v45, v51;
	[tilespmem:$0x1FDB0] =	vst v29;
	v29 =	vld [tilespmem:$0x1FE60]  }
0x108: {  	[tilespmem:$0x1FDD0] =	vst v6;
	v6 =	vor.u32 v19, v51;
	v7 =	vadd.f32 v7, v36  }
0x109: {  	v3 =	vadd.f32 v3, v34;
	v43 =	vld.idx.msk [tilespmem:v55+s21+$0x0], $0xffff;
	[tilespmem:$0x1FDC0] =	vst v2;
	v2 =	vor.u32 v18, v51  }
0x10a: {  	v59 =	vld.idx.msk [tilespmem:v59+s21+$0x0], $0xffff;
	v8 =	vadd.f32 v8, v47;
	[tilespmem:$0x1FDF0] =	vst v7;
	v7 =	vor.u32 v23, v51;
	v36 =	vand.u32 $0x3F, v58  }
0x10b: {  	s9 =	simm.s32 $0x2;
	[tilespmem:$0x1FE10] =	vst v3;
	v5 =	vld.idx.msk [tilespmem:v5+s21+$0x0], $0xffff;
	v3 =	vor.u32 v1, v36  }
0x10c: {  	v35 =	vld.idx.msk [tilespmem:v44+s21+$0x0], $0xffff;
	v44 =	vadd.s32 s9, v0;
	[tilespmem:$0x1FE00] =	vst v8;
	v8 =	vor.u32 v29, v51  }
0x10d: {  	v6 =	vld.idx.msk [tilespmem:v6+s21+$0x0], $0xffff;
	v34 =	vor.u32 v22, v36;
	v53 =	vor.u32 v24, v36;
	v40 =	vor.u32 v25, v36  }
0x10e: {  	v61 =	vor.u32 v9, v36;
	v41 =	vor.u32 v10, v36;
	v62 =	vor.u32 v18, v36;
	v2 =	vld.idx.msk [tilespmem:v2+s21+$0x0], $0xffff  }
0x10f: {  	v60 =	vor.u32 v19, v36;
	v52 =	vor.u32 v45, v36;
	v4 =	vmul.f32 v4, v63;
	v7 =	vld.idx.msk [tilespmem:v7+s21+$0x0], $0xffff  }
0x110: {  	v50 =	vor.u32 v23, v36;
	v49 =	vmul.f32 v57, v63;
	v5 =	vmul.f32 v5, v63;
	v48 =	vld.idx.msk [tilespmem:v3+s18+$0x0], $0xffff  }
0x111: {  	v42 =	vmul.f32 v59, v63;
	v54 =	vadd.f32 v4, v46;
	v4 =	vmul.f32 v43, v63;
	v8 =	vld.idx.msk [tilespmem:v8+s21+$0x0], $0xffff  }
0x112: {  	v47 =	vor.u32 v29, v36;
	v58 =	vadd.f32 v5, v46;
	v5 =	vmul.f32 v6, v63;
	v3 =	vld.idx.msk [tilespmem:v40+s21+$0x0], $0xffff  }
0x113: {  	v57 =	vadd.f32 v49, v46;
	v6 =	vmul.f32 v35, v63;
	v59 =	vadd.f32 v4, v46;
	v4 =	vld.idx.msk [tilespmem:v53+s21+$0x0], $0xffff  }
0x114: {  	v55 =	vadd.f32 v42, v46;
	v51 =	vadd.f32 v5, v46;
	v43 =	vmul.f32 v2, v63;
	v2 =	vld.idx.msk [tilespmem:v34+s21+$0x0], $0xffff  }
0x115: {  	v53 =	vand.u32 $0x3F, v44;
	v49 =	vadd.f32 v6, v46;
	v34 =	vld.idx.msk [tilespmem:v61+s21+$0x0], $0xffff;
	v61 =	vimm.f32 $0.0e+00  }
0x116: {  	s9 =	simm.s32 $0x3;
	v36 =	vld.idx.msk [tilespmem:v41+s21+$0x0], $0xffff;
	v56 =	vadd.f32 v43, v46;
	v35 =	vmul.f32 v7, v63;
	v63 =	vmul.f32 v8, v63  }
.LBB2_5:
0x117: {  	v5 =	vor.u32 v1, v53  }
0x118: {  	p0 =	sne.s32 s9, $0x3F;
	v6 =	vor.u32 v22, v53;
	v7 =	vor.u32 v24, v53;
	v8 =	vld.idx.msk [tilespmem:v62+s21+$0x0], $0xffff;
	v37 =	vmov v48  }
0x119: {  	v38 =	vor.u32 v9, v53;
	v39 =	vor.u32 v25, v53;
	v40 =	vld.idx.msk [tilespmem:v60+s21+$0x0], $0xffff;
	v3 =	vmul.f32 v3, v37  }
0x11a: {  	v41 =	vor.u32 v10, v53;
	v62 =	vor.u32 v18, v53;
	v60 =	vor.u32 v19, v53;
	v42 =	vld.idx.msk [tilespmem:v52+s21+$0x0], $0xffff  }
0x11b: {  	v52 =	vor.u32 v45, v53;
	v43 =	vld.idx.msk [tilespmem:v50+s21+$0x0], $0xffff;
	v50 =	vor.u32 v23, v53;
	v54 =	vadd.f32 v3, v54  }
0x11c: {  	v2 =	vmul.f32 v2, v37;
	v4 =	vmul.f32 v4, v37;
	v44 =	vld.idx.msk [tilespmem:v47+s21+$0x0], $0xffff;
	v47 =	vor.u32 v29, v53  }
0x11d: {  	v46 =	vadd.f32 v35, v46;
	v48 =	vld.idx.msk [tilespmem:v5+s18+$0x0], $0xffff;
	v5 =	vmul.f32 v34, v37;
	v34 =	vmul.f32 v36, v37  }
.Ltmp1:
0x11e: {  	v59 =	vadd.f32 v2, v59;
	v57 =	vadd.f32 v4, v57;
	v8 =	vmul.f32 v8, v37;
	v3 =	vld.idx.msk [tilespmem:v39+s21+$0x0], $0xffff;
	(pc) =	sbr.rel @p0 .LBB2_5-.Ltmp1, $4  }
0x11f: {  	v2 =	vld.idx.msk [tilespmem:v6+s21+$0x0], $0xffff;
	v58 =	vadd.f32 v5, v58;
	v55 =	vadd.f32 v34, v55;
	v5 =	vmul.f32 v40, v37  }
0x120: {  	v61 =	vadd.f32 v63, v61;
	v56 =	vadd.f32 v8, v56;
	v6 =	vmul.f32 v42, v37;
	v4 =	vld.idx.msk [tilespmem:v7+s21+$0x0], $0xffff  }
0x121: {  	v7 =	vadd.s32 s9, v0;
	v35 =	vmul.f32 v43, v37;
	v34 =	vld.idx.msk [tilespmem:v38+s21+$0x0], $0xffff;
	v51 =	vadd.f32 v5, v51  }
0x122: {  	s9 =	sadd.s32 $0x1, s9;
	v53 =	vand.u32 $0x3F, v7;
	v49 =	vadd.f32 v6, v49;
	v63 =	vmul.f32 v44, v37;
	v36 =	vld.idx.msk [tilespmem:v41+s21+$0x0], $0xffff  }
0x123: {  	_ =	sdelay $0x2  }
0x124: {  	v34 =	vmul.f32 v34, v48  }
0x125: {  	v6 =	vld.idx.msk [tilespmem:v62+s21+$0x0], $0xffff  }
0x126: {  	v5 =	vor.u32 v1, v53;
	v34 =	vadd.f32 v34, v58;
	v58 =	vld [tilespmem:$0x1FD90]  }
0x127: {  	v8 =	vld.idx.msk [tilespmem:v60+s21+$0x0], $0xffff  }
0x128: {  	v7 =	vor.u32 v25, v53;
	v37 =	vld.idx.msk [tilespmem:v52+s21+$0x0], $0xffff  }
0x129: {  	v3 =	vmul.f32 v3, v48;
	v39 =	vld.idx.msk [tilespmem:v50+s21+$0x0], $0xffff;
	v40 =	vor.u32 v24, v53;
	v4 =	vmul.f32 v4, v48  }
0x12a: {  	v43 =	vld.idx.msk [tilespmem:v47+s21+$0x0], $0xffff  }
0x12b: {  	v3 =	vadd.f32 v3, v54;
	v4 =	vadd.f32 v4, v57;
	v54 =	vld.idx.msk [tilespmem:v5+s18+$0x0], $0xffff;
	v57 =	vand.u32 $0x7FFFFFFF, v58  }
0x12c: {  	v35 =	vadd.f32 v35, v46;
	v41 =	vor.u32 v10, v53;
	v46 =	vsub.f32 $0.0e+00, v57;
	v57 =	vld [tilespmem:$0x1FDA0]  }
0x12d: {  	v7 =	vld.idx.msk [tilespmem:v7+s21+$0x0], $0xffff;
	v6 =	vmul.f32 v6, v48  }
0x12e: {  	v38 =	vor.u32 v22, v53;
	v2 =	vmul.f32 v2, v48;
	v40 =	vld.idx.msk [tilespmem:v40+s21+$0x0], $0xffff  }
0x12f: {  	v50 =	vor.u32 v9, v53;
	v42 =	vor.u32 v18, v53;
	v6 =	vadd.f32 v6, v56;
	v56 =	vld [tilespmem:$0x1FDB0]  }
0x130: {  	v44 =	vor.u32 v19, v53;
	v31 =	vld [tilespmem:$0x1FDE0];
	v52 =	vadd.f32 v63, v61;
	v2 =	vadd.f32 v2, v59  }
0x131: {  	v5 =	vmul.f32 v36, v48;
	v37 =	vmul.f32 v37, v48;
	v61 =	vld.idx.msk [tilespmem:v41+s21+$0x0], $0xffff;
	v59 =	vand.u32 $0x7FFFFFFF, v57  }
0x132: {  	v39 =	vmul.f32 v39, v48;
	v41 =	vld [tilespmem:$0x1FDC0];
	v7 =	vmul.f32 v7, v54;
	v47 =	vsub.f32 $0.0e+00, v59  }
0x133: {  	v38 =	vld.idx.msk [tilespmem:v38+s21+$0x0], $0xffff;
	v40 =	vmul.f32 v40, v54;
	v60 =	vmul.f32 $1.442695020e+00, v46  }
0x134: {  	v36 =	vld.idx.msk [tilespmem:v50+s21+$0x0], $0xffff;
	v62 =	vand.u32 $0x7FFFFFFF, v56;
	v46 =	vadd.f32 v7, v3;
	v7 =	vmul.f32 $1.442695020e+00, v47  }
0x135: {  	v63 =	vld.idx.msk [tilespmem:v44+s21+$0x0], $0xffff;
	v3 =	vadd.f32 v39, v35;
	v39 =	vsub.f32 $0.0e+00, v62;
	(erf) = vpow2.f32 v60  }
0x136: {  	v8 =	vmul.f32 v8, v48;
	v37 =	vadd.f32 v37, v49;
	(erf) = vpow2.f32 v7;
	v7 =	vld.idx.msk [tilespmem:v42+s21+$0x0], $0xffff  }
0x137: {  	v49 =	vadd.f32 v40, v4;
	v40 =	vld [tilespmem:$0x1FE00];
	v4 =	vmul.f32 $1.442695020e+00, v39;
	v42 =	vand.u32 $0x7FFFFFFF, v41  }
0x138: {  	v43 =	vmul.f32 v43, v48;
	v38 =	vmul.f32 v38, v54;
	v50 =	vsub.f32 $0.0e+00, v42;
	v42 =	vld [tilespmem:$0x1FDD0]  }
0x139: {  	v5 =	vadd.f32 v5, v55;
	v8 =	vadd.f32 v8, v51;
	(erf) = vpow2.f32 v4  }
0x13a: {  	v51 =	vand.u32 $0x7FFFFFFF, v31;
	v36 =	vmul.f32 v36, v54;
	v48 =	vadd.f32 v38, v2;
	v39 =	vld [tilespmem:$0x1FDF0]  }
0x13b: {  	v2 =	vor.u32 v45, v53;
	v35 =	vmul.f32 v61, v54;
	v7 =	vmul.f32 v7, v54  }
0x13c: {  	v61 =	vand.u32 $0x7FFFFFFF, v40;
	v47 =	vadd.f32 v36, v34;
	v36 =	vmul.f32 $1.442695020e+00, v50  }
0x13d: {  	v50 =	vadd.f32 v35, v5;
	v5 =	vmul.f32 v63, v54;
	v4 =	vand.u32 $0x7FFFFFFF, v42  }
0x13e: {  	v35 =	vsub.f32 $0.0e+00, v51;
	(erf) = vpow2.f32 v36;
	v36 =	vld [tilespmem:$0x1FE10];
	v4 =	vsub.f32 $0.0e+00, v4  }
0x13f: {  	v51 =	vadd.f32 v7, v6;
	v6 =	vadd.f32 v43, v52;
	v52 =	vand.u32 $0x7FFFFFFF, v39;
	v7 =	vpop (erf)  }
0x140: {  	v2 =	vld.idx.msk [tilespmem:v2+s21+$0x0], $0xffff;
	v63 =	vsub.f32 $0.0e+00, v61;
	v59 =	vsub.f32 $0.0e+00, v52;
	v4 =	vmul.f32 $1.442695020e+00, v4;
	v55 =	vpop (erf)  }
0x141: {  	v43 =	vor.u32 v29, v53;
	v29 =	vld [tilespmem:$0x1FD60];
	v7 =	vadd.f32 $1.000000000e+00, v7;
	v60 =	vadd.f32 $1.000000000e+00, v55  }
0x142: {  	v52 =	vadd.f32 v5, v8;
	(erf) = vpow2.f32 v4;
	v4 =	vmul.f32 $1.442695020e+00, v35;
	v8 =	vpop (erf)  }
0x143: {  	v8 =	vadd.f32 $1.000000000e+00, v8;
	v5 =	vmul.f32 v60, v7;
	v7 =	vand.u32 $0x7FFFFFFF, v36  }
0x144: {  	v62 =	vmul.f32 $1.442695020e+00, v59;
	(erf) = vpow2.f32 v4;
	v7 =	vsub.f32 $0.0e+00, v7  }
0x145: {  	v45 =	vor.u32 v23, v53;
	v2 =	vmul.f32 v2, v54;
	v38 =	vmul.f32 $1.442695020e+00, v63  }
0x146: {  	v44 =	vand.u32 $0x7FFFFFFF, v29;
	(erf) = vpow2.f32 v62;
	v7 =	vmul.f32 $1.442695020e+00, v7  }
0x147: {  	v34 =	vsub.f32 $0.0e+00, v44;
	(erf) = vpow2.f32 v38;
	v5 =	vmul.f32 v8, v5;
	v8 =	vpop (erf)  }
0x148: {  	v8 =	vadd.f32 $1.000000000e+00, v8;
	(erf) = vpow2.f32 v7;
	v7 =	vand.u32 $0x7FFFFFFF, v48  }
0x149: {  	v7 =	vsub.f32 $0.0e+00, v7  }
0x14a: {  	v4 =	vld.idx.msk [tilespmem:v45+s21+$0x0], $0xffff;
	v34 =	vmul.f32 $1.442695020e+00, v34;
	v5 =	vmul.f32 v8, v5;
	v8 =	vand.u32 $0x7FFFFFFF, v49  }
0x14b: {  	v53 =	vadd.f32 v2, v37;
	v2 =	vpop (erf);
	v8 =	vsub.f32 $0.0e+00, v8;
	v7 =	vmul.f32 $1.442695020e+00, v7  }
0x14c: {  	(erf) = vpow2.f32 v34;
	v2 =	vadd.f32 $1.000000000e+00, v2  }
0x14d: {  	v45 =	vpop (erf);
	v8 =	vmul.f32 $1.442695020e+00, v8  }
0x14e: {  	v55 =	vand.u32 $0x7FFFFFFF, v47;
	v2 =	vmul.f32 v2, v5;
	v5 =	vadd.f32 $1.000000000e+00, v45  }
0x14f: {  	v4 =	vmul.f32 v4, v54;
	v34 =	vsub.f32 $0.0e+00, v55;
	(erf) = vpow2.f32 v7;
	v7 =	vpop (erf)  }
0x150: {  	v2 =	vmul.f32 v5, v2;
	v5 =	vadd.f32 $1.000000000e+00, v7;
	v7 =	vand.u32 $0x7FFFFFFF, v50  }
0x151: {  	v35 =	vld.idx.msk [tilespmem:v43+s21+$0x0], $0xffff;
	v34 =	vmul.f32 $1.442695020e+00, v34;
	(erf) = vpow2.f32 v8;
	v8 =	vpop (erf);
	v7 =	vsub.f32 $0.0e+00, v7  }
0x152: {  	v2 =	vmul.f32 v5, v2;
	v5 =	vadd.f32 $1.000000000e+00, v8;
	v8 =	vand.u32 $0x7FFFFFFF, v51  }
0x153: {  	(erf) = vpow2.f32 v34;
	v59 =	vpop (erf);
	v7 =	vmul.f32 $1.442695020e+00, v7;
	v8 =	vsub.f32 $0.0e+00, v8  }
0x154: {  	v60 =	vadd.f32 v4, v3;
	v2 =	vmul.f32 v5, v2;
	v5 =	vadd.f32 $1.000000000e+00, v59  }
0x155: {  	v3 =	vpop (erf);
	(erf) = vpow2.f32 v7;
	v7 =	vmul.f32 $1.442695020e+00, v8;
	v8 =	vand.u32 $0x7FFFFFFF, v52  }
0x156: {  	v35 =	vmul.f32 v35, v54;
	v3 =	vadd.f32 $1.000000000e+00, v3;
	v4 =	vsub.f32 $0.0e+00, v8  }
0x157: {  	v2 =	vmul.f32 v5, v2;
	v5 =	vand.u32 $0x7FFFFFFF, v53;
	(erf) = vpow2.f32 v7  }
0x158: {  	v61 =	vadd.f32 v35, v6;
	v6 =	vpop (erf);
	v5 =	vsub.f32 $0.0e+00, v5;
	v4 =	vmul.f32 $1.442695020e+00, v4  }
0x159: {  	v2 =	vmul.f32 v3, v2;
	v3 =	vadd.f32 $1.000000000e+00, v6;
	v6 =	vand.u32 $0x7FFFFFFF, v60  }
0x15a: {  	v10 =	vld [tilespmem:$0x1FD70];
	v7 =	vpop (erf);
	(erf) = vpow2.f32 v4;
	v4 =	vmul.f32 $1.442695020e+00, v5;
	v5 =	vsub.f32 $0.0e+00, v6  }
0x15b: {  	v2 =	vmul.f32 v3, v2;
	v3 =	vadd.f32 $1.000000000e+00, v7;
	v6 =	vand.u32 $0x7FFFFFFF, v61  }
0x15c: {  	v7 =	vpop (erf);
	(erf) = vpow2.f32 v4;
	v4 =	vmul.f32 $1.442695020e+00, v5;
	v5 =	vsub.f32 $0.0e+00, v6  }
0x15d: {  	v2 =	vmul.f32 v3, v2;
	v3 =	vadd.f32 $1.000000000e+00, v7;
	v6 =	vand.u32 $0x7FFFFFFF, v46  }
0x15e: {  	v9 =	vld [tilespmem:$0x1FD80];
	v7 =	vpop (erf);
	(erf) = vpow2.f32 v4;
	v4 =	vmul.f32 $1.442695020e+00, v5;
	v5 =	vsub.f32 $0.0e+00, v6  }
0x15f: {  	v2 =	vmul.f32 v3, v2;
	v6 =	vand.u32 $0x7FFFFFFF, v10;
	v3 =	vadd.f32 $1.000000000e+00, v7  }
0x160: {  	v7 =	vpop (erf);
	(erf) = vpow2.f32 v4;
	v4 =	vmul.f32 $1.442695020e+00, v5;
	v5 =	vsub.f32 $0.0e+00, v6;
	_ =	sdelay $0x1  }
0x161: {  	(erf) = vpow2.f32 v4;
	v4 =	vmul.f32 $1.442695020e+00, v5  }
0x162: {  	v2 =	vmul.f32 v3, v2;
	v3 =	vadd.f32 $1.000000000e+00, v7;
	v5 =	vand.u32 $0x7FFFFFFF, v9  }
0x163: {  	v6 =	vpop (erf);
	v5 =	vsub.f32 $0.0e+00, v5  }
0x164: {  	v2 =	vmul.f32 v3, v2;
	v3 =	vadd.f32 $1.000000000e+00, v6;
	(erf) = vpow2.f32 v4  }
0x165: {  	v5 =	vmul.f32 $1.442695020e+00, v5;
	v4 =	vpop (erf)  }
0x166: {  	v2 =	vmul.f32 v3, v2;
	v3 =	vadd.f32 $1.000000000e+00, v4  }
0x167: {  	v4 =	vpop (erf);
	(erf) = vpow2.f32 v5  }
0x168: {  	v2 =	vmul.f32 v3, v2;
	v3 =	vadd.f32 $1.000000000e+00, v4  }
0x169: {  	v4 =	vpop (erf)  }
0x16a: {  	v2 =	vmul.f32 v3, v2;
	v3 =	vadd.f32 $1.000000000e+00, v4  }
0x16b: {  	v4 =	vpop (erf)  }
0x16c: {  	v2 =	vmul.f32 v3, v2;
	v3 =	vadd.f32 $1.000000000e+00, v4  }
0x16d: {  	v4 =	vpop (erf)  }
0x16e: {  	v2 =	vmul.f32 v3, v2;
	v3 =	vadd.f32 $1.000000000e+00, v4;
	_ =	sdelay $0x1  }
0x16f: {  	v4 =	vpop (erf);
	v3 =	vmul.f32 v2, v3  }
0x170: {  	v4 =	vadd.f32 $1.000000000e+00, v4  }
0x171: {  	v5 =	vand.u32 $0x7FFFFF, v3  }
0x172: {  	v2 =	vmul.f32 v2, v4;
	v5 =	vor.u32 $0x3F800000, v5  }
0x173: {  	v4 =	vmul.f32 $5.000000000e-01, v5  }
0x174: {  	v6 =	vmax.f32 v58, $0.0e+00;
	vm1 =	vlt.f32 v5, $1.414213540e+00;
	v7 =	vand.u32 $0x7FFFFF, v2  }
0x175: {  	v6 =	vadd.f32 $0.0e+00, v6;
	v4 =	vsel vm1, v5, v4;
	v5 =	vor.u32 $0x3F800000, v7  }
0x176: {  	v7 =	vmax.f32 v57, $0.0e+00;
	v8 =	vmul.f32 $5.000000000e-01, v5  }
0x177: {  	v6 =	vadd.f32 v7, v6;
	vm0 =	vlt.f32 v5, $1.414213540e+00  }
0x178: {  	v4 =	vadd.f32 $-1.000000000e+00, v4;
	v7 =	vmax.f32 v56, $0.0e+00;
	v5 =	vsel vm0, v5, v8  }
0x179: {  	v6 =	vadd.f32 v7, v6;
	v5 =	vadd.f32 $-1.000000000e+00, v5  }
0x17a: {  	v62 =	vmul.f32 $7.037683580e-02, v4;
	v7 =	vmax.f32 v41, $0.0e+00  }
0x17b: {  	v6 =	vadd.f32 v7, v6;
	v7 =	vmul.f32 $7.037683580e-02, v5  }
0x17c: {  	v8 =	vadd.f32 $-1.151461010e-01, v62  }
0x17d: {  	v7 =	vadd.f32 $-1.151461010e-01, v7  }
0x17e: {  	v8 =	vmul.f32 v8, v4  }
0x17f: {  	v63 =	vmax.f32 v42, $0.0e+00;
	v7 =	vmul.f32 v7, v5  }
0x180: {  	v6 =	vadd.f32 v63, v6;
	v8 =	vadd.f32 $1.167699840e-01, v8  }
0x181: {  	v37 =	vmax.f32 v31, $0.0e+00;
	v7 =	vadd.f32 $1.167699840e-01, v7  }
0x182: {  	v6 =	vadd.f32 v37, v6;
	v8 =	vmul.f32 v8, v4  }
0x183: {  	v38 =	vmax.f32 v39, $0.0e+00;
	v7 =	vmul.f32 v7, v5  }
0x184: {  	v6 =	vadd.f32 v38, v6;
	v8 =	vadd.f32 $-1.242014100e-01, v8  }
0x185: {  	v39 =	vmax.f32 v40, $0.0e+00;
	v7 =	vadd.f32 $-1.242014100e-01, v7  }
0x186: {  	v6 =	vadd.f32 v39, v6;
	v8 =	vmul.f32 v8, v4  }
0x187: {  	v40 =	vmax.f32 v36, $0.0e+00;
	v7 =	vmul.f32 v7, v5  }
0x188: {  	v6 =	vadd.f32 v40, v6;
	v8 =	vadd.f32 $1.424932330e-01, v8  }
0x189: {  	v41 =	vmax.f32 v29, $0.0e+00;
	v7 =	vadd.f32 $1.424932330e-01, v7  }
0x18a: {  	v6 =	vadd.f32 v41, v6;
	v8 =	vmul.f32 v8, v4  }
0x18b: {  	v42 =	vmax.f32 v48, $0.0e+00;
	v7 =	vmul.f32 v7, v5  }
0x18c: {  	v43 =	vmax.f32 v49, $0.0e+00;
	v6 =	vadd.f32 v42, v6;
	v8 =	vadd.f32 $-1.666805740e-01, v8  }
0x18d: {  	v44 =	vmax.f32 v47, $0.0e+00;
	v47 =	vmax.f32 v51, $0.0e+00;
	v7 =	vadd.f32 $-1.666805740e-01, v7  }
0x18e: {  	v48 =	vmax.f32 v52, $0.0e+00;
	v6 =	vadd.f32 v43, v6;
	v8 =	vmul.f32 v8, v4  }
0x18f: {  	v45 =	vmax.f32 v50, $0.0e+00;
	v50 =	vmax.f32 v53, $0.0e+00;
	v7 =	vmul.f32 v7, v5  }
0x190: {  	v59 =	vxor.u32 $0x80000000, v10;
	v6 =	vadd.f32 v44, v6;
	v8 =	vadd.f32 $2.000071410e-01, v8  }
0x191: {  	v52 =	vmax.f32 v60, $0.0e+00;
	v35 =	vmax.f32 v59, $0.0e+00;
	v7 =	vadd.f32 $2.000071410e-01, v7  }
0x192: {  	v3 =	vshrl.u32 v3, $0x17;
	v6 =	vadd.f32 v45, v6;
	v8 =	vmul.f32 v8, v4  }
0x193: {  	v3 =	vadd.s32 $0xFFFFFF81, v3;
	v2 =	vshrl.u32 v2, $0x17;
	v7 =	vmul.f32 v7, v5  }
0x194: {  	v2 =	vadd.s32 $0xFFFFFF81, v2;
	v6 =	vadd.f32 v47, v6;
	v8 =	vadd.f32 $-2.499999400e-01, v8  }
0x195: {  	v3 =	vcvt.s32.f32 v3;
	v2 =	vcvt.s32.f32 v2;
	v7 =	vadd.f32 $-2.499999400e-01, v7  }
0x196: {  	v51 =	vmul.f32 v4, v4;
	v6 =	vadd.f32 v48, v6;
	v8 =	vmul.f32 v8, v4  }
0x197: {  	v49 =	vadd.f32 $1.000000000e+00, v3;
	v54 =	vmul.f32 v5, v5;
	v7 =	vmul.f32 v7, v5  }
0x198: {  	v53 =	vmul.f32 v51, v4;
	v6 =	vadd.f32 v50, v6;
	v8 =	vadd.f32 $3.333333130e-01, v8  }
0x199: {  	v56 =	vmax.f32 v61, $0.0e+00;
	v57 =	vmul.f32 v54, v5;
	v7 =	vadd.f32 $3.333333130e-01, v7  }
0x19a: {  	v36 =	vmul.f32 $5.000000000e-01, v51;
	v6 =	vadd.f32 v52, v6;
	v8 =	vmul.f32 v8, v53  }
0x19b: {  	v60 =	vadd.f32 $1.000000000e+00, v2;
	v34 =	vmul.f32 $5.000000000e-01, v54;
	v7 =	vmul.f32 v7, v57  }
0x19c: {  	v3 =	vsel vm1, v3, v49;
	v6 =	vadd.f32 v56, v6;
	v8 =	vsub.f32 v8, v36  }
0x19d: {  	v58 =	vmax.f32 v46, $0.0e+00;
	v3 =	vmul.f32 $6.931471820e-01, v3;
	v7 =	vsub.f32 v7, v34  }
0x19e: {  	v29 =	vld [tilespmem:$0x1FFC0];
	v2 =	vsel vm0, v2, v60;
	v6 =	vadd.f32 v58, v6;
	v4 =	vadd.f32 v8, v4  }
0x19f: {  	v61 =	vxor.u32 $0x80000000, v9;
	v2 =	vmul.f32 $6.931471820e-01, v2;
	v8 =	vld [tilespmem:s8+$0x400];
	v5 =	vadd.f32 v7, v5  }
0x1a0: {  	s9 =	simm.s32 $0x0;
	v3 =	vadd.f32 v4, v3;
	v4 =	vmax.f32 v61, $0.0e+00;
	v7 =	vadd.f32 v6, v35  }
0x1a1: {  	v4 =	vadd.f32 v6, v4;
	v2 =	vadd.f32 v5, v2;
	v5 =	vadd.s32 s9, v0  }
0x1a2: {  	v3 =	vadd.f32 v3, v7;
	v62 =	vand.u32 $0x3F, v5  }
0x1a3: {  	v2 =	vadd.f32 v2, v4;
	v63 =	vor.u32 v21, v62  }
0x1a4: {  	v3 =	vmul.f32 v8, v3;
	v4 =	vor.u32 v29, v62  }
0x1a5: {  	v9 =	vld [tilespmem:$0x1FE70];
	v2 =	vmul.f32 v8, v2  }
0x1a6: {  	v10 =	vld [tilespmem:$0x1FE80];
	[tilespmem:$0x19E00] =	vst v3  }
0x1a7: {  	v31 =	vld [tilespmem:$0x1FE90];
	[tilespmem:$0x19E20] =	vst v2  }
0x1a8: {  	v46 =	vimm.f32 $0.0e+00;
	v37 =	vimm.f32 $0.0e+00;
	v5 =	vor.u32 v28, v62;
	v34 =	vld.idx.msk [tilespmem:v63+s18+$0x0], $0xffff  }
0x1a9: {  	v38 =	vimm.f32 $0.0e+00;
	v39 =	vimm.f32 $0.0e+00;
	v6 =	vor.u32 v27, v62;
	v2 =	vld.idx.msk [tilespmem:v4+s21+$0x0], $0xffff  }
0x1aa: {  	v40 =	vimm.f32 $0.0e+00;
	v41 =	vimm.f32 $0.0e+00;
	v7 =	vor.u32 v9, v62;
	v56 =	vld.idx.msk [tilespmem:v63+s19+$0x0], $0xffff  }
0x1ab: {  	v42 =	vimm.f32 $0.0e+00;
	v43 =	vimm.f32 $0.0e+00;
	v52 =	vor.u32 v10, v62;
	v57 =	vld.idx.msk [tilespmem:v63+s20+$0x0], $0xffff  }
0x1ac: {  	v44 =	vimm.f32 $0.0e+00;
	v45 =	vimm.f32 $0.0e+00;
	v51 =	vor.u32 v26, v62;
	v58 =	vld.idx.msk [tilespmem:v63+s21+$0x0], $0xffff  }
0x1ad: {  	s10 =	simm.s32 $0x1;
	v50 =	vimm.f32 $0.0e+00;
	v53 =	vimm.f32 $0.0e+00;
	v48 =	vor.u32 v20, v62;
	[tilespmem:$0x1FD30] =	vst v62;
	v59 =	vld.idx.msk [tilespmem:v5+s21+$0x0], $0xffff  }
0x1ae: {  	v36 =	vimm.f32 $0.0e+00;
	v49 =	vor.u32 v31, v62;
	[tilespmem:$0x1FD50] =	vst v63;
	v3 =	vadd.s32 s10, v0;
	v60 =	vld.idx.msk [tilespmem:v6+s21+$0x0], $0xffff  }
0x1af: {  	s9 =	simm.s32 $0x2;
	v47 =	vor.u32 v30, v62;
	[tilespmem:$0x1FD40] =	vst v3;
	v3 =	vand.u32 $0x3F, v3;
	v4 =	vmul.f32 v2, v34;
	v2 =	vld.idx.msk [tilespmem:v7+s21+$0x0], $0xffff  }
.LBB2_7:
0x1b0: {  	p0 =	sne.s32 s9, $0x3F;
	v5 =	vor.u32 v21, v3;
	v6 =	vor.u32 v28, v3;
	v7 =	vor.u32 v27, v3;
	v8 =	vld.idx.msk [tilespmem:v52+s21+$0x0], $0xffff  }
0x1b1: {  	v61 =	vor.u32 v9, v3;
	v62 =	vor.u32 v29, v3;
	v63 =	vld.idx.msk [tilespmem:v51+s21+$0x0], $0xffff;
	v50 =	vadd.f32 v4, v50  }
0x1b2: {  	v52 =	vor.u32 v10, v3;
	v51 =	vor.u32 v26, v3;
	v4 =	vld.idx.msk [tilespmem:v48+s21+$0x0], $0xffff;
	v48 =	vor.u32 v20, v3  }
0x1b3: {  	v55 =	vor.u32 v30, v3;
	v56 =	vmul.f32 v56, v34;
	v35 =	vld.idx.msk [tilespmem:v49+s21+$0x0], $0xffff;
	v49 =	vor.u32 v31, v3  }
0x1b4: {  	v3 =	vmul.f32 v57, v34;
	v57 =	vmul.f32 v58, v34;
	v54 =	vld.idx.msk [tilespmem:v47+s21+$0x0], $0xffff;
	v47 =	vmov v55  }
0x1b5: {  	v46 =	vadd.f32 v56, v46;
	v58 =	vmul.f32 v59, v34;
	v59 =	vmul.f32 v60, v34;
	v55 =	vld.idx.msk [tilespmem:v5+s18+$0x0], $0xffff  }
0x1b6: {  	v2 =	vmul.f32 v2, v34;
	v45 =	vadd.f32 v3, v45;
	v3 =	vmul.f32 v8, v34;
	v62 =	vld.idx.msk [tilespmem:v62+s21+$0x0], $0xffff  }
0x1b7: {  	v43 =	vadd.f32 v57, v43;
	v44 =	vadd.f32 v58, v44;
	v8 =	vmul.f32 v63, v34;
	v56 =	vld.idx.msk [tilespmem:v5+s19+$0x0], $0xffff  }
.Ltmp2:
0x1b8: {  	v41 =	vadd.f32 v59, v41;
	v42 =	vadd.f32 v2, v42;
	v2 =	vmul.f32 v4, v34;
	v57 =	vld.idx.msk [tilespmem:v5+s20+$0x0], $0xffff;
	(pc) =	sbr.rel @p0 .LBB2_7-.Ltmp2, $4  }
0x1b9: {  	v40 =	vadd.f32 v3, v40;
	v36 =	vadd.f32 v8, v36;
	v3 =	vmul.f32 v35, v34;
	v58 =	vld.idx.msk [tilespmem:v5+s21+$0x0], $0xffff  }
0x1ba: {  	v39 =	vadd.f32 v2, v39;
	v5 =	vmul.f32 v54, v34;
	v59 =	vld.idx.msk [tilespmem:v6+s21+$0x0], $0xffff  }
0x1bb: {  	v2 =	vadd.s32 s9, v0;
	v37 =	vadd.f32 v3, v37;
	v34 =	vmov v55;
	v60 =	vld.idx.msk [tilespmem:v7+s21+$0x0], $0xffff  }
0x1bc: {  	s9 =	sadd.s32 $0x1, s9;
	v3 =	vand.u32 $0x3F, v2;
	v4 =	vmul.f32 v62, v34;
	v38 =	vadd.f32 v5, v38;
	v2 =	vld.idx.msk [tilespmem:v61+s21+$0x0], $0xffff  }
0x1bd: {  	_ =	sdelay $0x2  }
0x1be: {  	v5 =	vor.u32 v21, v3  }
0x1bf: {  	v6 =	vld.idx.msk [tilespmem:v52+s21+$0x0], $0xffff;
	v7 =	vor.u32 v29, v3  }
0x1c0: {  	v8 =	vld.idx.msk [tilespmem:v51+s21+$0x0], $0xffff  }
0x1c1: {  	v35 =	vld.idx.msk [tilespmem:v48+s21+$0x0], $0xffff  }
0x1c2: {  	v48 =	vld.idx.msk [tilespmem:v49+s21+$0x0], $0xffff  }
0x1c3: {  	v51 =	vor.u32 v27, v3;
	v55 =	vld.idx.msk [tilespmem:v5+s18+$0x0], $0xffff  }
0x1c4: {  	v52 =	vor.u32 v9, v3;
	v7 =	vld.idx.msk [tilespmem:v7+s21+$0x0], $0xffff  }
0x1c5: {  	v49 =	vor.u32 v28, v3;
	v63 =	vld.idx.msk [tilespmem:v5+s19+$0x0], $0xffff  }
0x1c6: {  	v54 =	vor.u32 v26, v3;
	v26 =	vmul.f32 v59, v34;
	v25 =	vld.idx.msk [tilespmem:v5+s20+$0x0], $0xffff  }
0x1c7: {  	v57 =	vmul.f32 v57, v34;
	v4 =	vadd.f32 v4, v50;
	v50 =	vor.u32 v10, v3;
	v5 =	vld.idx.msk [tilespmem:v5+s21+$0x0], $0xffff  }
0x1c8: {  	v44 =	vadd.f32 v26, v44;
	v26 =	vld.idx.msk [tilespmem:v51+s21+$0x0], $0xffff  }
0x1c9: {  	v61 =	vor.u32 v20, v3;
	v56 =	vmul.f32 v56, v34;
	v45 =	vadd.f32 v57, v45;
	v57 =	vld.idx.msk [tilespmem:v52+s21+$0x0], $0xffff  }
0x1ca: {  	v58 =	vmul.f32 v58, v34;
	v49 =	vld.idx.msk [tilespmem:v49+s21+$0x0], $0xffff;
	v7 =	vmul.f32 v7, v55  }
0x1cb: {  	v62 =	vor.u32 v31, v3;
	v24 =	vmul.f32 v60, v34;
	v2 =	vmul.f32 v2, v34  }
0x1cc: {  	v43 =	vadd.f32 v58, v43;
	v6 =	vmul.f32 v6, v34;
	v58 =	vld.idx.msk [tilespmem:v50+s21+$0x0], $0xffff;
	v4 =	vadd.f32 v7, v4  }
0x1cd: {  	v8 =	vmul.f32 v8, v34;
	v59 =	vld.idx.msk [tilespmem:v54+s21+$0x0], $0xffff;
	v2 =	vadd.f32 v2, v42;
	v5 =	vmul.f32 v5, v55  }
0x1ce: {  	v42 =	vmul.f32 v26, v55;
	v26 =	vmul.f32 v57, v55;
	[tilespmem:$0x1FC70] =	vst v4;
	v4 =	vld.idx.msk [tilespmem:v61+s21+$0x0], $0xffff  }
0x1cf: {  	v47 =	vld.idx.msk [tilespmem:v47+s21+$0x0], $0xffff;
	v41 =	vadd.f32 v24, v41;
	v24 =	vmul.f32 v49, v55;
	v5 =	vadd.f32 v5, v43  }
0x1d0: {  	v3 =	vor.u32 v30, v3;
	v10 =	vld [tilespmem:$0x1FD30];
	v6 =	vadd.f32 v6, v40;
	v2 =	vadd.f32 v26, v2  }
0x1d1: {  	v8 =	vadd.f32 v8, v36;
	v36 =	vmul.f32 v58, v55;
	[tilespmem:$0x1FCA0] =	vst v5;
	v5 =	vadd.f32 v24, v44  }
0x1d2: {  	v31 =	vld [tilespmem:$0x1FEA0];
	v46 =	vadd.f32 v56, v46;
	v35 =	vmul.f32 v35, v34;
	v7 =	vmul.f32 v25, v55;
	[tilespmem:$0x1FCD0] =	vst v2  }
0x1d3: {  	[tilespmem:$0x1FCB0] =	vst v5;
	v5 =	vmul.f32 v59, v55;
	v2 =	vmul.f32 v4, v55;
	v4 =	vadd.f32 v36, v6  }
0x1d4: {  	v51 =	vmul.f32 v48, v34;
	v56 =	vmul.f32 v47, v34;
	v7 =	vadd.f32 v7, v45  }
0x1d5: {  	v34 =	vor.u32 $0x9C00, v1;
	v48 =	vor.u32 v32, v10;
	[tilespmem:$0x1FCE0] =	vst v4;
	v4 =	vadd.f32 v5, v8  }
0x1d6: {  	[tilespmem:$0x1FC90] =	vst v7;
	v7 =	vor.u32 v34, v10;
	v5 =	vld [tilespmem:$0x1FD50]  }
0x1d7: {  	v3 =	vld.idx.msk [tilespmem:v3+s21+$0x0], $0xffff;
	v63 =	vmul.f32 v63, v55;
	[tilespmem:$0x1FCF0] =	vst v4;
	v4 =	vor.u32 v31, v10  }
0x1d8: {  	v35 =	vadd.f32 v35, v39  }
0x1d9: {  	v9 =	vadd.f32 v63, v46;
	v25 =	vld.idx.msk [tilespmem:v62+s21+$0x0], $0xffff  }
0x1da: {  	v60 =	vimm.f32 $0.0e+00;
	v50 =	vadd.f32 v56, v38;
	v46 =	vld.idx.msk [tilespmem:v48+s21+$0x0], $0xffff;
	v2 =	vadd.f32 v2, v35  }
0x1db: {  	[tilespmem:$0x1FC80] =	vst v9;
	v9 =	vadd.f32 v42, v41;
	v36 =	vor.u32 $0x6C00, v1;
	v6 =	vor.u32 v33, v10;
	v7 =	vld.idx.msk [tilespmem:v7+s21+$0x0], $0xffff  }
0x1dc: {  	v39 =	vor.u32 $0x8400, v1;
	v8 =	vor.u32 v36, v10;
	[tilespmem:$0x1FD00] =	vst v2;
	v2 =	vmul.f32 v3, v55;
	v41 =	vld.idx.msk [tilespmem:v4+s21+$0x0], $0xffff  }
0x1dd: {  	v52 =	vadd.f32 v51, v37;
	v37 =	vor.u32 $0x7400, v1;
	v51 =	vor.u32 v39, v10;
	v4 =	vld [tilespmem:$0x1FD40]  }
0x1de: {  	v38 =	vor.u32 $0x7C00, v1;
	v3 =	vor.u32 v37, v10;
	v2 =	vadd.f32 v2, v50;
	v56 =	vld.idx.msk [tilespmem:v5+s18+$0x0], $0xffff  }
0x1df: {  	v40 =	vor.u32 $0x8C00, v1;
	v49 =	vor.u32 v38, v10;
	v5 =	vmul.f32 v25, v55  }
0x1e0: {  	v54 =	vimm.f32 $0.0e+00;
	v35 =	vor.u32 $0x9400, v1;
	v45 =	vld.idx.msk [tilespmem:v6+s21+$0x0], $0xffff;
	[tilespmem:$0x1FD20] =	vst v2;
	v2 =	vor.u32 v40, v10  }
0x1e1: {  	v57 =	vimm.f32 $0.0e+00;
	v42 =	vor.u32 v35, v10;
	v44 =	vld.idx.msk [tilespmem:v8+s21+$0x0], $0xffff;
	v5 =	vadd.f32 v5, v52  }
0x1e2: {  	v58 =	vimm.f32 $0.0e+00;
	v63 =	vimm.f32 $0.0e+00;
	v43 =	vand.u32 $0x3F, v4;
	v4 =	vld.idx.msk [tilespmem:v51+s21+$0x0], $0xffff  }
0x1e3: {  	v62 =	vimm.f32 $0.0e+00;
	[tilespmem:$0x1FD10] =	vst v5;
	v5 =	vmul.f32 v7, v56;
	v47 =	vmul.f32 v46, v56;
	v46 =	vld.idx.msk [tilespmem:v3+s21+$0x0], $0xffff  }
0x1e4: {  	s9 =	simm.s32 $0x2;
	v61 =	vimm.f32 $0.0e+00;
	[tilespmem:$0x1FCC0] =	vst v9;
	v59 =	vimm.f32 $0.0e+00;
	v55 =	vimm.f32 $0.0e+00;
	v3 =	vld.idx.msk [tilespmem:v49+s21+$0x0], $0xffff  }
.LBB2_9:
0x1e5: {  	p0 =	sne.s32 s9, $0x3F;
	v6 =	vor.u32 v21, v43;
	v7 =	vld.idx.msk [tilespmem:v2+s21+$0x0], $0xffff;
	v53 =	vadd.f32 v5, v53  }
0x1e6: {  	v5 =	vor.u32 v32, v43;
	v8 =	vor.u32 v31, v43;
	v48 =	vor.u32 v34, v43;
	v49 =	vld.idx.msk [tilespmem:v42+s21+$0x0], $0xffff  }
0x1e7: {  	v50 =	vor.u32 v33, v43;
	v51 =	vor.u32 v36, v43;
	v52 =	vor.u32 v37, v43  }
0x1e8: {  	v9 =	vor.u32 v38, v43;
	v10 =	vor.u32 v39, v43;
	v2 =	vor.u32 v40, v43  }
0x1e9: {  	v41 =	vmul.f32 v41, v56;
	v42 =	vor.u32 v35, v43;
	v43 =	vmul.f32 v45, v56  }
0x1ea: {  	v63 =	vadd.f32 v47, v63;
	v44 =	vmul.f32 v44, v56;
	v45 =	vmul.f32 v46, v56;
	v6 =	vld.idx.msk [tilespmem:v6+s18+$0x0], $0xffff  }
0x1eb: {  	v62 =	vadd.f32 v41, v62;
	v3 =	vmul.f32 v3, v56;
	v4 =	vmul.f32 v4, v56;
	v47 =	vld.idx.msk [tilespmem:v48+s21+$0x0], $0xffff  }
0x1ec: {  	v61 =	vadd.f32 v43, v61;
	v48 =	vld.idx.msk [tilespmem:v5+s21+$0x0], $0xffff;
	v5 =	vmul.f32 v7, v56;
	v7 =	vmul.f32 v49, v56  }
0x1ed: {  	v57 =	vadd.f32 v44, v57;
	v58 =	vadd.f32 v45, v58;
	v41 =	vld.idx.msk [tilespmem:v8+s21+$0x0], $0xffff  }
.Ltmp3:
0x1ee: {  	v55 =	vadd.f32 v3, v55;
	v60 =	vadd.f32 v4, v60;
	v45 =	vld.idx.msk [tilespmem:v50+s21+$0x0], $0xffff;
	(pc) =	sbr.rel @p0 .LBB2_9-.Ltmp3, $4  }
0x1ef: {  	v59 =	vadd.f32 v5, v59;
	v54 =	vadd.f32 v7, v54;
	v44 =	vld.idx.msk [tilespmem:v51+s21+$0x0], $0xffff  }
0x1f0: {  	v56 =	vmov v6;
	v46 =	vld.idx.msk [tilespmem:v52+s21+$0x0], $0xffff  }
0x1f1: {  	v4 =	vadd.s32 s9, v0;
	v5 =	vmul.f32 v47, v56;
	v3 =	vld.idx.msk [tilespmem:v9+s21+$0x0], $0xffff  }
0x1f2: {  	s9 =	sadd.s32 $0x1, s9;
	v43 =	vand.u32 $0x3F, v4;
	v47 =	vmul.f32 v48, v56;
	v4 =	vld.idx.msk [tilespmem:v10+s21+$0x0], $0xffff  }
0x1f3: {  	_ =	sdelay $0x3  }
0x1f4: {  	v2 =	vld.idx.msk [tilespmem:v2+s21+$0x0], $0xffff  }
0x1f5: {  	v6 =	vor.u32 v21, v43;
	v42 =	vld.idx.msk [tilespmem:v42+s21+$0x0], $0xffff  }
0x1f6: {  	v9 =	vor.u32 v34, v43;
	v18 =	vld [tilespmem:$0x1FCB0]  }
0x1f7: {  	v5 =	vadd.f32 v5, v53;
	v7 =	vor.u32 v32, v43;
	v8 =	vor.u32 v31, v43;
	v31 =	vld [tilespmem:$0x1FCC0]  }
0x1f8: {  	v10 =	vor.u32 v33, v43;
	v48 =	vor.u32 v36, v43;
	v47 =	vadd.f32 v47, v63;
	v63 =	vld [tilespmem:$0x1FCA0]  }
0x1f9: {  	v49 =	vor.u32 v37, v43;
	v50 =	vor.u32 v38, v43;
	v41 =	vmul.f32 v41, v56;
	v23 =	vld [tilespmem:$0x1FCE0]  }
0x1fa: {  	v51 =	vor.u32 v39, v43;
	v52 =	vor.u32 v40, v43;
	v45 =	vmul.f32 v45, v56;
	v6 =	vld.idx.msk [tilespmem:v6+s18+$0x0], $0xffff  }
0x1fb: {  	v44 =	vmul.f32 v44, v56;
	v46 =	vmul.f32 v46, v56;
	v41 =	vadd.f32 v41, v62;
	v9 =	vld.idx.msk [tilespmem:v9+s21+$0x0], $0xffff  }
0x1fc: {  	v45 =	vadd.f32 v45, v61;
	v4 =	vmul.f32 v4, v56;
	v7 =	vld.idx.msk [tilespmem:v7+s21+$0x0], $0xffff;
	v24 =	vand.u32 $0x7FFFFFFF, v18  }
0x1fd: {  	v42 =	vmul.f32 v42, v56;
	v8 =	vld.idx.msk [tilespmem:v8+s21+$0x0], $0xffff;
	v62 =	vand.u32 $0x7FFFFFFF, v63;
	v25 =	vsub.f32 $0.0e+00, v24  }
0x1fe: {  	v3 =	vmul.f32 v3, v56;
	v10 =	vld.idx.msk [tilespmem:v10+s21+$0x0], $0xffff;
	v4 =	vadd.f32 v4, v60;
	v53 =	vsub.f32 $0.0e+00, v62  }
0x1ff: {  	v60 =	vand.u32 $0x7FFFFFFF, v31;
	v42 =	vadd.f32 v42, v54;
	v54 =	vmul.f32 $1.442695020e+00, v25;
	v25 =	vld [tilespmem:$0x1FCD0]  }
0x200: {  	v2 =	vmul.f32 v2, v56;
	v48 =	vld.idx.msk [tilespmem:v48+s21+$0x0], $0xffff;
	v61 =	vsub.f32 $0.0e+00, v60;
	v26 =	vmul.f32 $1.442695020e+00, v53  }
0x201: {  	v43 =	vor.u32 v35, v43;
	v49 =	vld.idx.msk [tilespmem:v49+s21+$0x0], $0xffff;
	v9 =	vmul.f32 v9, v6;
	v7 =	vmul.f32 v7, v6  }
0x202: {  	v22 =	vld [tilespmem:$0x1FCF0];
	v44 =	vadd.f32 v44, v57;
	v62 =	vmul.f32 v8, v6;
	v8 =	vmul.f32 $1.442695020e+00, v61  }
0x203: {  	v46 =	vadd.f32 v46, v58;
	v50 =	vld.idx.msk [tilespmem:v50+s21+$0x0], $0xffff;
	v10 =	vmul.f32 v10, v6;
	(erf) = vpow2.f32 v26  }
0x204: {  	v24 =	vld [tilespmem:$0x1FD00];
	v53 =	vadd.f32 v9, v5;
	(erf) = vpow2.f32 v54;
	v9 =	vand.u32 $0x7FFFFFFF, v25  }
0x205: {  	(erf) = vpow2.f32 v8;
	v8 =	vand.u32 $0x7FFFFFFF, v23;
	v26 =	vsub.f32 $0.0e+00, v9  }
0x206: {  	v27 =	vld [tilespmem:$0x1FD10];
	v32 =	vmul.f32 v48, v6;
	v48 =	vmul.f32 v49, v6;
	v8 =	vsub.f32 $0.0e+00, v8  }
0x207: {  	v51 =	vld.idx.msk [tilespmem:v51+s21+$0x0], $0xffff;
	v49 =	vand.u32 $0x7FFFFFFF, v22;
	v54 =	vadd.f32 v7, v47;
	v7 =	vmul.f32 $1.442695020e+00, v26  }
0x208: {  	v5 =	vmul.f32 v50, v6;
	v50 =	vmul.f32 $1.442695020e+00, v8;
	v8 =	vsub.f32 $0.0e+00, v49  }
0x209: {  	v56 =	vadd.f32 v10, v45;
	v10 =	vand.u32 $0x7FFFFFFF, v24;
	v9 =	vld.idx.msk [tilespmem:v52+s21+$0x0], $0xffff;
	(erf) = vpow2.f32 v7  }
0x20a: {  	v3 =	vadd.f32 v3, v55;
	v52 =	vmul.f32 $1.442695020e+00, v8;
	(erf) = vpow2.f32 v50;
	v50 =	vld [tilespmem:$0x1FD20]  }
0x20b: {  	v43 =	vld.idx.msk [tilespmem:v43+s21+$0x0], $0xffff;
	v57 =	vand.u32 $0x7FFFFFFF, v27;
	v2 =	vadd.f32 v2, v59;
	v8 =	vsub.f32 $0.0e+00, v10  }
0x20c: {  	v55 =	vadd.f32 v62, v41;
	v41 =	vmul.f32 v51, v6;
	v10 =	vpop (erf);
	(erf) = vpow2.f32 v52  }
0x20d: {  	v20 =	vld [tilespmem:$0x1FC70];
	v59 =	vmul.f32 $1.442695020e+00, v8;
	v8 =	vsub.f32 $0.0e+00, v57;
	v57 =	vadd.f32 v32, v44;
	v58 =	vpop (erf)  }
0x20e: {  	v9 =	vmul.f32 v9, v6;
	v10 =	vadd.f32 $1.000000000e+00, v10;
	v60 =	vadd.f32 $1.000000000e+00, v58  }
0x20f: {  	(erf) = vpow2.f32 v59;
	v26 =	vmul.f32 $1.442695020e+00, v8;
	v61 =	vand.u32 $0x7FFFFFFF, v50  }
0x210: {  	v6 =	vmul.f32 v43, v6;
	v62 =	vpop (erf);
	v58 =	vadd.f32 v48, v46;
	v8 =	vsub.f32 $0.0e+00, v61  }
0x211: {  	v32 =	vadd.f32 $1.000000000e+00, v62;
	v10 =	vmul.f32 v60, v10;
	(erf) = vpow2.f32 v26  }
0x212: {  	v59 =	vadd.f32 v5, v3;
	v45 =	vmul.f32 $1.442695020e+00, v8;
	v8 =	vand.u32 $0x7FFFFFFF, v20;
	v47 =	vpop (erf)  }
0x213: {  	v10 =	vmul.f32 v32, v10;
	v8 =	vsub.f32 $0.0e+00, v8;
	v43 =	vadd.f32 $1.000000000e+00, v47;
	v3 =	vpop (erf)  }
0x214: {  	v48 =	vand.u32 $0x7FFFFFFF, v54;
	(erf) = vpow2.f32 v45;
	v3 =	vadd.f32 $1.000000000e+00, v3  }
0x215: {  	v49 =	vmul.f32 $1.442695020e+00, v8;
	v8 =	vmul.f32 v43, v10;
	v10 =	vand.u32 $0x7FFFFFFF, v55  }
0x216: {  	v7 =	vsub.f32 $0.0e+00, v48;
	v51 =	vpop (erf);
	v60 =	vsub.f32 $0.0e+00, v10  }
0x217: {  	v10 =	vand.u32 $0x7FFFFFFF, v56;
	v3 =	vmul.f32 v3, v8;
	v8 =	vadd.f32 $1.000000000e+00, v51  }
0x218: {  	v52 =	vmul.f32 $1.442695020e+00, v7;
	v61 =	vpop (erf);
	(erf) = vpow2.f32 v49;
	v26 =	vsub.f32 $0.0e+00, v10  }
0x219: {  	v10 =	vand.u32 $0x7FFFFFFF, v57;
	v3 =	vmul.f32 v8, v3;
	v8 =	vadd.f32 $1.000000000e+00, v61  }
0x21a: {  	(erf) = vpow2.f32 v52;
	v62 =	vmul.f32 $1.442695020e+00, v60;
	v32 =	vpop (erf);
	v46 =	vsub.f32 $0.0e+00, v10  }
0x21b: {  	v10 =	vand.u32 $0x7FFFFFFF, v58;
	v3 =	vmul.f32 v8, v3;
	v8 =	vadd.f32 $1.000000000e+00, v32  }
0x21c: {  	v60 =	vadd.f32 v41, v4;
	v45 =	vmul.f32 $1.442695020e+00, v26;
	(erf) = vpow2.f32 v62  }
0x21d: {  	v49 =	vsub.f32 $0.0e+00, v10;
	v26 =	vand.u32 $0x7FFFFFFF, v59;
	v3 =	vmul.f32 v8, v3  }
0x21e: {  	v61 =	vadd.f32 v9, v2;
	v48 =	vmul.f32 $1.442695020e+00, v46;
	v47 =	vpop (erf);
	(erf) = vpow2.f32 v45  }
0x21f: {  	v41 =	vand.u32 $0x7FFFFFFF, v60;
	v52 =	vmul.f32 $1.442695020e+00, v49;
	v51 =	vadd.f32 $1.000000000e+00, v47  }
0x220: {  	v62 =	vadd.f32 v6, v42;
	v32 =	vsub.f32 $0.0e+00, v26;
	(erf) = vpow2.f32 v48  }
0x221: {  	v5 =	vsub.f32 $0.0e+00, v41;
	v2 =	vmul.f32 v51, v3;
	v3 =	vpop (erf);
	(erf) = vpow2.f32 v52  }
0x222: {  	v19 =	vld [tilespmem:$0x1FC80];
	v44 =	vand.u32 $0x7FFFFFFF, v61;
	v4 =	vmul.f32 $1.442695020e+00, v32;
	v3 =	vadd.f32 $1.000000000e+00, v3  }
0x223: {  	v46 =	vmul.f32 $1.442695020e+00, v5;
	v47 =	vsub.f32 $0.0e+00, v44;
	v48 =	vand.u32 $0x7FFFFFFF, v62;
	v43 =	vpop (erf)  }
0x224: {  	v18 =	vld [tilespmem:$0x1FC90];
	(erf) = vpow2.f32 v4;
	v2 =	vmul.f32 v3, v2;
	v3 =	vadd.f32 $1.000000000e+00, v43  }
0x225: {  	v26 =	vand.u32 $0x7FFFFFFF, v53;
	v51 =	vmul.f32 $1.442695020e+00, v47;
	v52 =	vsub.f32 $0.0e+00, v48;
	v45 =	vpop (erf)  }
0x226: {  	(erf) = vpow2.f32 v46;
	v2 =	vmul.f32 v3, v2;
	v3 =	vadd.f32 $1.000000000e+00, v45  }
0x227: {  	v42 =	vsub.f32 $0.0e+00, v26;
	v41 =	vmul.f32 $1.442695020e+00, v52;
	v43 =	vand.u32 $0x7FFFFFFF, v19;
	v49 =	vpop (erf)  }
0x228: {  	(erf) = vpow2.f32 v51;
	v2 =	vmul.f32 v3, v2;
	v3 =	vadd.f32 $1.000000000e+00, v49  }
0x229: {  	v48 =	vand.u32 $0x7FFFFFFF, v18;
	v46 =	vsub.f32 $0.0e+00, v43;
	v45 =	vmul.f32 $1.442695020e+00, v42;
	v32 =	vpop (erf)  }
0x22a: {  	v2 =	vmul.f32 v3, v2;
	v3 =	vadd.f32 $1.000000000e+00, v32;
	v44 =	vpop (erf);
	(erf) = vpow2.f32 v41  }
0x22b: {  	v5 =	vsub.f32 $0.0e+00, v48;
	v47 =	vmul.f32 $1.442695020e+00, v46  }
0x22c: {  	(erf) = vpow2.f32 v45;
	v2 =	vmul.f32 v3, v2;
	v3 =	vadd.f32 $1.000000000e+00, v44  }
0x22d: {  	v5 =	vmul.f32 $1.442695020e+00, v5;
	v49 =	vpop (erf)  }
0x22e: {  	(erf) = vpow2.f32 v47;
	v2 =	vmul.f32 v3, v2;
	v3 =	vadd.f32 $1.000000000e+00, v49  }
0x22f: {  	v51 =	vpop (erf);
	(erf) = vpow2.f32 v5  }
0x230: {  	v2 =	vmul.f32 v3, v2;
	v3 =	vadd.f32 $1.000000000e+00, v51  }
0x231: {  	v52 =	vpop (erf)  }
0x232: {  	v2 =	vmul.f32 v3, v2;
	v3 =	vadd.f32 $1.000000000e+00, v52  }
0x233: {  	v26 =	vpop (erf)  }
0x234: {  	v2 =	vmul.f32 v3, v2;
	v3 =	vadd.f32 $1.000000000e+00, v26  }
0x235: {  	v32 =	vpop (erf)  }
0x236: {  	v2 =	vmul.f32 v3, v2;
	v3 =	vadd.f32 $1.000000000e+00, v32  }
0x237: {  	v41 =	vpop (erf)  }
0x238: {  	v42 =	vpop (erf);
	v2 =	vmul.f32 v3, v2;
	v3 =	vadd.f32 $1.000000000e+00, v41  }
0x239: {  	v4 =	vadd.f32 $1.000000000e+00, v42  }
0x23a: {  	v48 =	vld [tilespmem:$0x1FCB0];
	v3 =	vmul.f32 v2, v3  }
0x23b: {  	v2 =	vmul.f32 v2, v4  }
0x23c: {  	v43 =	vand.u32 $0x7FFFFF, v3  }
0x23d: {  	v45 =	vmax.f32 v63, $0.0e+00;
	v46 =	vand.u32 $0x7FFFFF, v2;
	v5 =	vor.u32 $0x3F800000, v43  }
0x23e: {  	v6 =	vadd.f32 $0.0e+00, v45;
	v47 =	vor.u32 $0x3F800000, v46;
	v44 =	vmul.f32 $5.000000000e-01, v5  }
0x23f: {  	v7 =	vmax.f32 v48, $0.0e+00;
	vm1 =	vlt.f32 v5, $1.414213540e+00;
	v8 =	vmul.f32 $5.000000000e-01, v47  }
0x240: {  	v6 =	vadd.f32 v7, v6;
	vm0 =	vlt.f32 v47, $1.414213540e+00;
	v4 =	vsel vm1, v5, v44  }
0x241: {  	v49 =	vmax.f32 v31, $0.0e+00;
	v5 =	vsel vm0, v47, v8;
	v4 =	vadd.f32 $-1.000000000e+00, v4  }
0x242: {  	v6 =	vadd.f32 v49, v6;
	v5 =	vadd.f32 $-1.000000000e+00, v5  }
0x243: {  	v51 =	vmax.f32 v25, $0.0e+00;
	v9 =	vmul.f32 $7.037683580e-02, v4  }
0x244: {  	v6 =	vadd.f32 v51, v6;
	v52 =	vmul.f32 $7.037683580e-02, v5  }
0x245: {  	v8 =	vadd.f32 $-1.151461010e-01, v9;
	v9 =	vmax.f32 v23, $0.0e+00  }
0x246: {  	v7 =	vadd.f32 $-1.151461010e-01, v52;
	v6 =	vadd.f32 v9, v6  }
0x247: {  	v9 =	vmax.f32 v22, $0.0e+00;
	v8 =	vmul.f32 v8, v4  }
0x248: {  	v7 =	vmul.f32 v7, v5;
	v6 =	vadd.f32 v9, v6  }
0x249: {  	v9 =	vmax.f32 v24, $0.0e+00;
	v8 =	vadd.f32 $1.167699840e-01, v8  }
0x24a: {  	v7 =	vadd.f32 $1.167699840e-01, v7;
	v6 =	vadd.f32 v9, v6  }
0x24b: {  	v9 =	vmax.f32 v27, $0.0e+00;
	v8 =	vmul.f32 v8, v4  }
0x24c: {  	v7 =	vmul.f32 v7, v5;
	v6 =	vadd.f32 v9, v6  }
0x24d: {  	v9 =	vmax.f32 v50, $0.0e+00;
	v8 =	vadd.f32 $-1.242014100e-01, v8  }
0x24e: {  	v7 =	vadd.f32 $-1.242014100e-01, v7;
	v6 =	vadd.f32 v9, v6  }
0x24f: {  	v9 =	vmax.f32 v20, $0.0e+00;
	v8 =	vmul.f32 v8, v4  }
0x250: {  	v7 =	vmul.f32 v7, v5;
	v6 =	vadd.f32 v9, v6  }
0x251: {  	v9 =	vmax.f32 v54, $0.0e+00;
	v8 =	vadd.f32 $1.424932330e-01, v8  }
0x252: {  	v7 =	vadd.f32 $1.424932330e-01, v7;
	v6 =	vadd.f32 v9, v6  }
0x253: {  	v9 =	vmax.f32 v55, $0.0e+00;
	v8 =	vmul.f32 v8, v4  }
0x254: {  	v7 =	vmul.f32 v7, v5;
	v6 =	vadd.f32 v9, v6  }
0x255: {  	v9 =	vmax.f32 v56, $0.0e+00;
	v8 =	vadd.f32 $-1.666805740e-01, v8  }
0x256: {  	v7 =	vadd.f32 $-1.666805740e-01, v7;
	v6 =	vadd.f32 v9, v6  }
0x257: {  	v9 =	vmax.f32 v57, $0.0e+00;
	v8 =	vmul.f32 v8, v4  }
0x258: {  	v7 =	vmul.f32 v7, v5;
	v6 =	vadd.f32 v9, v6  }
0x259: {  	v3 =	vshrl.u32 v3, $0x17;
	v9 =	vmax.f32 v58, $0.0e+00;
	v8 =	vadd.f32 $2.000071410e-01, v8  }
0x25a: {  	v3 =	vadd.s32 $0xFFFFFF81, v3;
	v7 =	vadd.f32 $2.000071410e-01, v7;
	v6 =	vadd.f32 v9, v6  }
0x25b: {  	v3 =	vcvt.s32.f32 v3;
	v9 =	vmax.f32 v59, $0.0e+00;
	v8 =	vmul.f32 v8, v4  }
0x25c: {  	v10 =	vmax.f32 v60, $0.0e+00;
	v7 =	vmul.f32 v7, v5;
	v6 =	vadd.f32 v9, v6  }
0x25d: {  	v2 =	vshrl.u32 v2, $0x17;
	v9 =	vadd.f32 $1.000000000e+00, v3;
	v8 =	vadd.f32 $-2.499999400e-01, v8  }
0x25e: {  	v2 =	vadd.s32 $0xFFFFFF81, v2;
	v59 =	vmul.f32 v4, v4;
	v7 =	vadd.f32 $-2.499999400e-01, v7  }
0x25f: {  	v3 =	vsel vm1, v3, v9;
	v6 =	vadd.f32 v10, v6;
	v8 =	vmul.f32 v8, v4  }
0x260: {  	v9 =	vmax.f32 v61, $0.0e+00;
	v10 =	vmul.f32 v59, v4;
	v7 =	vmul.f32 v7, v5  }
0x261: {  	v6 =	vadd.f32 v9, v6;
	v9 =	vmul.f32 v5, v5;
	v8 =	vadd.f32 $3.333333130e-01, v8  }
0x262: {  	v2 =	vcvt.s32.f32 v2  }
0x263: {  	v7 =	vadd.f32 $3.333333130e-01, v7;
	v8 =	vmul.f32 v8, v10;
	v10 =	vmul.f32 v9, v5  }
0x264: {  	v60 =	vmax.f32 v53, $0.0e+00;
	v41 =	vmul.f32 $5.000000000e-01, v59;
	v61 =	vadd.f32 $1.000000000e+00, v2  }
0x265: {  	v42 =	vmax.f32 v62, $0.0e+00;
	v9 =	vmul.f32 $5.000000000e-01, v9;
	v7 =	vmul.f32 v7, v10  }
0x266: {  	v2 =	vsel vm0, v2, v61;
	v6 =	vadd.f32 v42, v6;
	v8 =	vsub.f32 v8, v41  }
0x267: {  	v3 =	vmul.f32 $6.931471820e-01, v3;
	v2 =	vmul.f32 $6.931471820e-01, v2;
	v7 =	vsub.f32 v7, v9  }
0x268: {  	v6 =	vadd.f32 v60, v6;
	v10 =	vxor.u32 $0x80000000, v19;
	v4 =	vadd.f32 v8, v4  }
0x269: {  	v10 =	vmax.f32 v10, $0.0e+00;
	v8 =	vld [tilespmem:s8+$0x410];
	v9 =	vxor.u32 $0x80000000, v18;
	v5 =	vadd.f32 v7, v5  }
0x26a: {  	v62 =	vadd.f32 v6, v10;
	v63 =	vmax.f32 v9, $0.0e+00;
	v3 =	vadd.f32 v4, v3  }
0x26b: {  	v4 =	vadd.f32 v6, v63;
	v2 =	vadd.f32 v5, v2  }
0x26c: {  	v3 =	vadd.f32 v3, v62  }
0x26d: {  	v2 =	vadd.f32 v2, v4  }
0x26e: {  	v3 =	vmul.f32 v8, v3  }
0x26f: {  	s9 =	sor.u32 s7, s8;
	v2 =	vmul.f32 v8, v2  }
0x270: {  	s9 =	sshrl.u32 s9, $0x3;
	[tilespmem:$0x19E10] =	vst v3  }
0x271: {  	s10 =	sadd.s32 s2, s9;
	[tilespmem:$0x19E30] =	vst v2  }
0x272: {  	[hbm4b:s10+s4] =	stream.linear.scatter [tilespmem:s29], [sflag:$0x4], $0x20, $0x38;
	[tilespmem:$0x19E40] =	vst v63  }
0x273: {  	_ =	swait.ge [sflag:s0], $0x20  }
0x274: {  	p0 =	seq.s32 s31, $0x7;
	[sflag:s0] =	ssyncset.done $0x0  }
.Ltmp4:
0x275: {  	s9 =	sadd.s32 s3, s9;
	[sflag:s0] =	ssyncadd.s32 $0xFFFFFFE0;
	(pc) =	sbr.rel @p0 .LBB2_12-.Ltmp4, $4  }
0x276: {  	[hbm4b:s9+s4] =	stream.linear.scatter [tilespmem:s26], [sflag:$0x4], $0x20, $0x38;
	[tilespmem:$0x19E40] =	vst v63  }
0x277: {  	_ =	swait.ge [sflag:s0], $0x20  }
0x278: {  	[sflag:s0] =	ssyncset.done $0x0  }
0x279: {  	[sflag:s0] =	ssyncadd.s32 $0xFFFFFFE0  }
0x27a: {  	s9 =	sadd.s32 $0x40, s8  }
0x27b: {  	[tilespmem:s18], [sflag:$0x1] =	stream.indirect.gather [hbm4b:s5+s17], $0x40, s9, s17, $0xb8;
	[tilespmem:$0x19E40] =	vst v63  }
0x27c: {  	s10 =	sadd.s32 $0x240, s8  }
0x27d: {  	[tilespmem:s19], [sflag:$0x1] =	stream.indirect.gather [hbm4b:s5+s17], $0x40, s10, s17, $0xb8;
	[tilespmem:$0x19E40] =	vst v63  }
0x27e: {  	_ = 	snop  }
0x27f: {  	[tilespmem:s20], [sflag:$0x1] =	stream.indirect.gather [hbm4b:s6+s17], $0x40, s10, s17, $0xb8;
	[tilespmem:$0x19E40] =	vst v63  }
0x280: {  	s10 =	sadd.s32 $0x640, s8  }
0x281: {  	[tilespmem:s21], [sflag:$0x1] =	stream.indirect.gather [hbm4b:s6+s17], $0x40, s10, s17, $0xb8;
	[tilespmem:$0x19E40] =	vst v63  }
0x282: {  	s9 =	sadd.s32 $0x840, s8;
	s10 =	simm.s32 $0x4E00  }
0x283: {  	[tilespmem:s10], [sflag:$0x1] =	stream.indirect.gather [hbm4b:s6+s17], $0x40, s9, s17, $0xb8;
	[tilespmem:$0x19E40] =	vst v63  }
0x284: {  	s9 =	sadd.s32 $0xA40, s8;
	s10 =	simm.s32 $0x5600  }
0x285: {  	[tilespmem:s10], [sflag:$0x1] =	stream.indirect.gather [hbm4b:s6+s17], $0x40, s9, s17, $0xb8;
	[tilespmem:$0x19E40] =	vst v63  }
0x286: {  	s9 =	sadd.s32 $0xC40, s8;
	s10 =	simm.s32 $0x5E00  }
0x287: {  	[tilespmem:s10], [sflag:$0x1] =	stream.indirect.gather [hbm4b:s6+s17], $0x40, s9, s17, $0xb8;
	[tilespmem:$0x19E40] =	vst v63  }
0x288: {  	s9 =	sadd.s32 $0xE40, s8;
	s10 =	simm.s32 $0x6600  }
0x289: {  	[tilespmem:s10], [sflag:$0x1] =	stream.indirect.gather [hbm4b:s6+s17], $0x40, s9, s17, $0xb8;
	[tilespmem:$0x19E40] =	vst v63  }
0x28a: {  	s9 =	sadd.s32 $0x1040, s8;
	s10 =	simm.s32 $0x6E00  }
0x28b: {  	[tilespmem:s10], [sflag:$0x1] =	stream.indirect.gather [hbm4b:s6+s17], $0x40, s9, s17, $0xb8;
	[tilespmem:$0x19E40] =	vst v63  }
0x28c: {  	s9 =	sadd.s32 $0x1240, s8;
	s10 =	simm.s32 $0x7600  }
0x28d: {  	[tilespmem:s10], [sflag:$0x1] =	stream.indirect.gather [hbm4b:s6+s17], $0x40, s9, s17, $0xb8;
	[tilespmem:$0x19E40] =	vst v63  }
0x28e: {  	s9 =	sadd.s32 $0x1440, s8;
	s10 =	simm.s32 $0x7E00  }
0x28f: {  	[tilespmem:s10], [sflag:$0x1] =	stream.indirect.gather [hbm4b:s6+s17], $0x40, s9, s17, $0xb8;
	[tilespmem:$0x19E40] =	vst v63  }
0x290: {  	s9 =	sadd.s32 $0x1640, s8;
	s10 =	simm.s32 $0x8600  }
0x291: {  	[tilespmem:s10], [sflag:$0x1] =	stream.indirect.gather [hbm4b:s6+s17], $0x40, s9, s17, $0xb8;
	[tilespmem:$0x19E40] =	vst v63  }
0x292: {  	s9 =	sadd.s32 $0x1840, s8;
	s10 =	simm.s32 $0x8E00  }
0x293: {  	[tilespmem:s10], [sflag:$0x1] =	stream.indirect.gather [hbm4b:s6+s17], $0x40, s9, s17, $0xb8;
	[tilespmem:$0x19E40] =	vst v63  }
0x294: {  	s9 =	sadd.s32 $0x1A40, s8;
	s10 =	simm.s32 $0x9600  }
0x295: {  	[tilespmem:s10], [sflag:$0x1] =	stream.indirect.gather [hbm4b:s6+s17], $0x40, s9, s17, $0xb8;
	[tilespmem:$0x19E40] =	vst v63  }
0x296: {  	s9 =	sadd.s32 $0x1C40, s8;
	s10 =	simm.s32 $0x9E00  }
0x297: {  	[tilespmem:s10], [sflag:$0x1] =	stream.indirect.gather [hbm4b:s6+s17], $0x40, s9, s17, $0xb8;
	[tilespmem:$0x19E40] =	vst v63  }
0x298: {  	s9 =	sadd.s32 $0x1E40, s8;
	s10 =	simm.s32 $0xA600  }
0x299: {  	[tilespmem:s10], [sflag:$0x1] =	stream.indirect.gather [hbm4b:s6+s17], $0x40, s9, s17, $0xb8;
	[tilespmem:$0x19E40] =	vst v63  }
0x29a: {  	s9 =	sadd.s32 $0x2040, s8;
	s10 =	simm.s32 $0xAE00  }
0x29b: {  	[tilespmem:s10], [sflag:$0x1] =	stream.indirect.gather [hbm4b:s6+s17], $0x40, s9, s17, $0xb8;
	[tilespmem:$0x19E40] =	vst v63  }
0x29c: {  	s9 =	sadd.s32 $0x2240, s8;
	s10 =	simm.s32 $0xB600  }
0x29d: {  	[tilespmem:s10], [sflag:$0x1] =	stream.indirect.gather [hbm4b:s6+s17], $0x40, s9, s17, $0xb8;
	[tilespmem:$0x19E40] =	vst v63  }
0x29e: {  	s9 =	sadd.s32 $0x2440, s8;
	s10 =	simm.s32 $0xBE00  }
0x29f: {  	[tilespmem:s10], [sflag:$0x1] =	stream.indirect.gather [hbm4b:s6+s17], $0x40, s9, s17, $0xb8;
	[tilespmem:$0x19E40] =	vst v63  }
0x2a0: {  	s9 =	sadd.s32 $0x2640, s8;
	s10 =	simm.s32 $0xC600  }
0x2a1: {  	[tilespmem:s10], [sflag:$0x1] =	stream.indirect.gather [hbm4b:s6+s17], $0x40, s9, s17, $0xb8;
	[tilespmem:$0x19E40] =	vst v63  }
0x2a2: {  	s9 =	sadd.s32 $0x2840, s8;
	s10 =	simm.s32 $0xCE00  }
0x2a3: {  	[tilespmem:s10], [sflag:$0x1] =	stream.indirect.gather [hbm4b:s6+s17], $0x40, s9, s17, $0xb8;
	[tilespmem:$0x19E40] =	vst v63  }
0x2a4: {  	s9 =	sadd.s32 $0x2A40, s8;
	s10 =	simm.s32 $0xD600  }
0x2a5: {  	[tilespmem:s10], [sflag:$0x1] =	stream.indirect.gather [hbm4b:s6+s17], $0x40, s9, s17, $0xb8;
	[tilespmem:$0x19E40] =	vst v63  }
0x2a6: {  	s9 =	sadd.s32 $0x2C40, s8;
	s10 =	simm.s32 $0xDE00  }
0x2a7: {  	[tilespmem:s10], [sflag:$0x1] =	stream.indirect.gather [hbm4b:s6+s17], $0x40, s9, s17, $0xb8;
	[tilespmem:$0x19E40] =	vst v63  }
.LBB2_12:
0x2a8: {  	_ =	swait.ge [sflag:s22], $0x800  }
0x2a9: {  	[sflag:s22] =	ssyncset.done $0x0  }
0x2aa: {  	[sflag:s22] =	ssyncadd.s32 $0xFFFFF800  }
0x2ab: {  	_ =	swait.ge [sflag:s22], $0x800  }
0x2ac: {  	[sflag:s22] =	ssyncset.done $0x0  }
0x2ad: {  	[sflag:s22] =	ssyncadd.s32 $0xFFFFF800  }
0x2ae: {  	_ =	swait.ge [sflag:s22], $0x800  }
0x2af: {  	[sflag:s22] =	ssyncset.done $0x0  }
0x2b0: {  	[sflag:s22] =	ssyncadd.s32 $0xFFFFF800  }
0x2b1: {  	_ =	swait.ge [sflag:s22], $0x800  }
0x2b2: {  	[sflag:s22] =	ssyncset.done $0x0  }
0x2b3: {  	[sflag:s22] =	ssyncadd.s32 $0xFFFFF800  }
0x2b4: {  	_ =	swait.ge [sflag:s22], $0x800  }
0x2b5: {  	[sflag:s22] =	ssyncset.done $0x0  }
0x2b6: {  	[sflag:s22] =	ssyncadd.s32 $0xFFFFF800  }
0x2b7: {  	_ =	swait.ge [sflag:s22], $0x800  }
0x2b8: {  	[sflag:s22] =	ssyncset.done $0x0  }
0x2b9: {  	[sflag:s22] =	ssyncadd.s32 $0xFFFFF800  }
0x2ba: {  	_ =	swait.ge [sflag:s22], $0x800  }
0x2bb: {  	[sflag:s22] =	ssyncset.done $0x0  }
0x2bc: {  	[sflag:s22] =	ssyncadd.s32 $0xFFFFF800  }
0x2bd: {  	_ =	swait.ge [sflag:s22], $0x800  }
0x2be: {  	[sflag:s22] =	ssyncset.done $0x0  }
0x2bf: {  	[sflag:s22] =	ssyncadd.s32 $0xFFFFF800  }
0x2c0: {  	_ =	swait.ge [sflag:s22], $0x800  }
0x2c1: {  	[sflag:s22] =	ssyncset.done $0x0  }
0x2c2: {  	[sflag:s22] =	ssyncadd.s32 $0xFFFFF800  }
0x2c3: {  	_ =	swait.ge [sflag:s22], $0x800  }
0x2c4: {  	[sflag:s22] =	ssyncset.done $0x0  }
0x2c5: {  	[sflag:s22] =	ssyncadd.s32 $0xFFFFF800  }
0x2c6: {  	_ =	swait.ge [sflag:s22], $0x800  }
0x2c7: {  	[sflag:s22] =	ssyncset.done $0x0  }
0x2c8: {  	[sflag:s22] =	ssyncadd.s32 $0xFFFFF800  }
0x2c9: {  	_ =	swait.ge [sflag:s22], $0x800  }
0x2ca: {  	[sflag:s22] =	ssyncset.done $0x0  }
0x2cb: {  	[sflag:s22] =	ssyncadd.s32 $0xFFFFF800  }
0x2cc: {  	_ =	swait.ge [sflag:s22], $0x800  }
0x2cd: {  	[sflag:s22] =	ssyncset.done $0x0  }
0x2ce: {  	[sflag:s22] =	ssyncadd.s32 $0xFFFFF800  }
0x2cf: {  	_ =	swait.ge [sflag:s22], $0x800  }
0x2d0: {  	[sflag:s22] =	ssyncset.done $0x0  }
0x2d1: {  	[sflag:s22] =	ssyncadd.s32 $0xFFFFF800  }
0x2d2: {  	_ =	swait.ge [sflag:s22], $0x800  }
0x2d3: {  	[sflag:s22] =	ssyncset.done $0x0  }
0x2d4: {  	[sflag:s22] =	ssyncadd.s32 $0xFFFFF800  }
0x2d5: {  	_ =	swait.ge [sflag:s22], $0x800  }
0x2d6: {  	[sflag:s22] =	ssyncset.done $0x0  }
0x2d7: {  	[sflag:s22] =	ssyncadd.s32 $0xFFFFF800  }
0x2d8: {  	_ =	swait.ge [sflag:s22], $0x800  }
0x2d9: {  	[sflag:s22] =	ssyncset.done $0x0  }
0x2da: {  	[sflag:s22] =	ssyncadd.s32 $0xFFFFF800  }
0x2db: {  	_ =	swait.ge [sflag:s22], $0x800  }
0x2dc: {  	[sflag:s22] =	ssyncset.done $0x0  }
0x2dd: {  	[sflag:s22] =	ssyncadd.s32 $0xFFFFF800  }
0x2de: {  	_ =	swait.ge [sflag:s22], $0x800  }
0x2df: {  	[sflag:s22] =	ssyncset.done $0x0  }
0x2e0: {  	[sflag:s22] =	ssyncadd.s32 $0xFFFFF800  }
0x2e1: {  	_ =	swait.ge [sflag:s22], $0x800  }
0x2e2: {  	[sflag:s22] =	ssyncset.done $0x0  }
0x2e3: {  	[sflag:s22] =	ssyncadd.s32 $0xFFFFF800  }
0x2e4: {  	_ =	swait.ge [sflag:s22], $0x800  }
0x2e5: {  	s9 =	simm.s32 $0x0;
	[sflag:s22] =	ssyncset.done $0x0  }
0x2e6: {  	v2 =	vadd.s32 s9, v0;
	[sflag:s22] =	ssyncadd.s32 $0xFFFFF800  }
0x2e7: {  	v31 =	vand.u32 $0x3F, v2;
	_ =	swait.ge [sflag:s22], $0x800  }
0x2e8: {  	v8 =	vor.u32 v1, v31;
	[sflag:s22] =	ssyncset.done $0x0  }
0x2e9: {  	v2 =	vor.u32 v17, v31;
	[sflag:s22] =	ssyncadd.s32 $0xFFFFF800  }
0x2ea: {  	_ =	swait.ge [sflag:s22], $0x800  }
0x2eb: {  	[sflag:s22] =	ssyncset.done $0x0;
	v22 =	vld [tilespmem:$0x1FFE0]  }
0x2ec: {  	v24 =	vld [tilespmem:$0x1FFF0];
	[sflag:s22] =	ssyncadd.s32 $0xFFFFF800  }
0x2ed: {  	v53 =	vimm.f32 $0.0e+00;
	v61 =	vimm.f32 $0.0e+00;
	v3 =	vor.u32 v16, v31;
	v41 =	vld.idx.msk [tilespmem:v8+s16+$0x0], $0xffff  }
0x2ee: {  	v56 =	vimm.f32 $0.0e+00;
	v55 =	vimm.f32 $0.0e+00;
	v7 =	vor.u32 v14, v31;
	v2 =	vld.idx.msk [tilespmem:v2+s28+$0x0], $0xffff  }
0x2ef: {  	v51 =	vimm.f32 $0.0e+00;
	v52 =	vimm.f32 $0.0e+00;
	v6 =	vor.u32 v12, v31;
	v63 =	vld.idx.msk [tilespmem:v8+s23+$0x0], $0xffff  }
0x2f0: {  	v49 =	vimm.f32 $0.0e+00;
	v50 =	vimm.f32 $0.0e+00;
	v62 =	vor.u32 v15, v31;
	v54 =	vld.idx.msk [tilespmem:v8+s25+$0x0], $0xffff  }
0x2f1: {  	v48 =	vimm.f32 $0.0e+00;
	v46 =	vimm.f32 $0.0e+00;
	v43 =	vimm.f32 $0.0e+00;
	v44 =	vld.idx.msk [tilespmem:v8+s28+$0x0], $0xffff  }
0x2f2: {  	s10 =	simm.s32 $0x1;
	v45 =	vimm.f32 $0.0e+00;
	v42 =	vimm.f32 $0.0e+00;
	v20 =	vmovc v11;
	v23 =	vmovc v13;
	v60 =	vor.u32 v11, v31;
	v47 =	vld.idx.msk [tilespmem:v3+s28+$0x0], $0xffff  }
0x2f3: {  	v4 =	vadd.s32 s10, v0;
	v58 =	vor.u32 v13, v31;
	v27 =	vmovc v8;
	v3 =	vld.idx.msk [tilespmem:v7+s28+$0x0], $0xffff;
	v59 =	vor.u32 v22, v31  }
0x2f4: {  	s9 =	simm.s32 $0x2;
	[tilespmem:$0x1FC60] =	vst v4;
	v4 =	vand.u32 $0x3F, v4;
	v57 =	vor.u32 v24, v31;
	v5 =	vmul.f32 v2, v41;
	v2 =	vld.idx.msk [tilespmem:v6+s28+$0x0], $0xffff  }
.LBB2_13:
0x2f5: {  	v6 =	vor.u32 v1, v4;
	v7 =	vor.u32 v16, v4;
	v8 =	vor.u32 v12, v4;
	v9 =	vld.idx.msk [tilespmem:v62+s28+$0x0], $0xffff  }
0x2f6: {  	p0 =	sne.s32 s9, $0x3F;
	v10 =	vor.u32 v14, v4;
	v11 =	vor.u32 v17, v4;
	v25 =	vmovc v12;
	v62 =	vor.u32 v15, v4  }
0x2f7: {  	v13 =	vor.u32 v24, v4;
	v63 =	vmul.f32 v63, v41;
	v12 =	vld.idx.msk [tilespmem:v60+s28+$0x0], $0xffff;
	v61 =	vadd.f32 v5, v61  }
0x2f8: {  	v18 =	vmov v14;
	v60 =	vor.u32 v20, v4;
	v5 =	vld.idx.msk [tilespmem:v59+s28+$0x0], $0xffff;
	v59 =	vor.u32 v22, v4  }
0x2f9: {  	v44 =	vmul.f32 v44, v41;
	v56 =	vadd.f32 v63, v56;
	v14 =	vld.idx.msk [tilespmem:v58+s28+$0x0], $0xffff;
	v58 =	vor.u32 v23, v4  }
0x2fa: {  	v19 =	vmovc v15;
	v47 =	vmul.f32 v47, v41;
	v4 =	vmul.f32 v54, v41;
	v15 =	vld.idx.msk [tilespmem:v57+s28+$0x0], $0xffff;
	v57 =	vmov v13  }
0x2fb: {  	v2 =	vmul.f32 v2, v41;
	v51 =	vadd.f32 v44, v51;
	v3 =	vmul.f32 v3, v41;
	v13 =	vld.idx.msk [tilespmem:v6+s16+$0x0], $0xffff  }
0x2fc: {  	v52 =	vadd.f32 v47, v52;
	v55 =	vadd.f32 v4, v55;
	v4 =	vmul.f32 v9, v41;
	v11 =	vld.idx.msk [tilespmem:v11+s28+$0x0], $0xffff  }
0x2fd: {  	v49 =	vadd.f32 v2, v49;
	v9 =	vmul.f32 v12, v41;
	v12 =	vmov v25;
	v63 =	vld.idx.msk [tilespmem:v6+s23+$0x0], $0xffff  }
.Ltmp5:
0x2fe: {  	v50 =	vadd.f32 v3, v50;
	v2 =	vmul.f32 v5, v41;
	v48 =	vadd.f32 v4, v48;
	v54 =	vld.idx.msk [tilespmem:v6+s25+$0x0], $0xffff;
	(pc) =	sbr.rel @p0 .LBB2_13-.Ltmp5, $4  }
0x2ff: {  	v46 =	vadd.f32 v9, v46;
	v3 =	vmul.f32 v14, v41;
	v14 =	vmov v18;
	v44 =	vld.idx.msk [tilespmem:v6+s28+$0x0], $0xffff  }
0x300: {  	v43 =	vadd.f32 v2, v43;
	v6 =	vmul.f32 v15, v41;
	v15 =	vmov v19;
	v47 =	vld.idx.msk [tilespmem:v7+s28+$0x0], $0xffff  }
0x301: {  	v4 =	vadd.s32 s9, v0;
	v45 =	vadd.f32 v3, v45;
	v41 =	vmov v13;
	v2 =	vld.idx.msk [tilespmem:v8+s28+$0x0], $0xffff  }
0x302: {  	s9 =	sadd.s32 $0x1, s9;
	v4 =	vand.u32 $0x3F, v4;
	v5 =	vmul.f32 v11, v41;
	v42 =	vadd.f32 v6, v42;
	v3 =	vld.idx.msk [tilespmem:v10+s28+$0x0], $0xffff  }
0x303: {  	_ =	sdelay $0x3  }
0x304: {  	v7 =	vld.idx.msk [tilespmem:v62+s28+$0x0], $0xffff  }
0x305: {  	v9 =	vld.idx.msk [tilespmem:v60+s28+$0x0], $0xffff  }
0x306: {  	v10 =	vld.idx.msk [tilespmem:v59+s28+$0x0], $0xffff  }
0x307: {  	v13 =	vld.idx.msk [tilespmem:v58+s28+$0x0], $0xffff  }
0x308: {  	v6 =	vor.u32 v1, v4;
	v57 =	vld.idx.msk [tilespmem:v57+s28+$0x0], $0xffff  }
0x309: {  	v8 =	vor.u32 v17, v4;
	v11 =	vor.u32 v16, v4;
	v12 =	vor.u32 v12, v4;
	v28 =	vld [tilespmem:$0x1FF60]  }
0x30a: {  	v14 =	vor.u32 v14, v4;
	v15 =	vor.u32 v15, v4;
	v59 =	vor.u32 v22, v4;
	v22 =	vld [tilespmem:$0x1FEF0]  }
0x30b: {  	v58 =	vor.u32 v20, v4;
	v62 =	vor.u32 v23, v4;
	v4 =	vor.u32 v24, v4;
	v24 =	vld [tilespmem:$0x1FF00]  }
0x30c: {  	v16 =	vld [tilespmem:$0x1FF20]  }
0x30d: {  	v17 =	vld [tilespmem:$0x1FF30]  }
0x30e: {  	v20 =	vld [tilespmem:$0x1FF40];
	v47 =	vmul.f32 v47, v41  }
0x30f: {  	v23 =	vld [tilespmem:$0x1FE50]  }
0x310: {  	v47 =	vadd.f32 v47, v52;
	v52 =	vld [tilespmem:$0x1FF10]  }
0x311: {  	v5 =	vadd.f32 v5, v61;
	v61 =	vld.idx.msk [tilespmem:v6+s16+$0x0], $0xffff  }
0x312: {  	v32 =	vmul.f32 v63, v41;
	v8 =	vld.idx.msk [tilespmem:v8+s28+$0x0], $0xffff  }
0x313: {  	v60 =	vld.idx.msk [tilespmem:v6+s23+$0x0], $0xffff  }
0x314: {  	v54 =	vmul.f32 v54, v41;
	v56 =	vadd.f32 v32, v56;
	v32 =	vld.idx.msk [tilespmem:v6+s25+$0x0], $0xffff  }
0x315: {  	v44 =	vmul.f32 v44, v41;
	v6 =	vld.idx.msk [tilespmem:v6+s28+$0x0], $0xffff  }
0x316: {  	v54 =	vadd.f32 v54, v55;
	v2 =	vmul.f32 v2, v41;
	v11 =	vld.idx.msk [tilespmem:v11+s28+$0x0], $0xffff  }
0x317: {  	v44 =	vadd.f32 v44, v51;
	v3 =	vmul.f32 v3, v41;
	v7 =	vmul.f32 v7, v41;
	v12 =	vld.idx.msk [tilespmem:v12+s28+$0x0], $0xffff  }
0x318: {  	v9 =	vmul.f32 v9, v41;
	v2 =	vadd.f32 v2, v49;
	v10 =	vmul.f32 v10, v41;
	v14 =	vld.idx.msk [tilespmem:v14+s28+$0x0], $0xffff  }
0x319: {  	v13 =	vmul.f32 v13, v41;
	v57 =	vmul.f32 v57, v41;
	v15 =	vld.idx.msk [tilespmem:v15+s28+$0x0], $0xffff;
	v3 =	vadd.f32 v3, v50  }
0x31a: {  	v63 =	vld.idx.msk [tilespmem:v58+s28+$0x0], $0xffff;
	v50 =	vor.u32 v22, v31;
	v7 =	vadd.f32 v7, v48;
	v8 =	vmul.f32 v8, v61  }
0x31b: {  	v49 =	vld.idx.msk [tilespmem:v59+s28+$0x0], $0xffff;
	v9 =	vadd.f32 v9, v46;
	v41 =	vadd.f32 v57, v42;
	v60 =	vmul.f32 v60, v61  }
0x31c: {  	v4 =	vld.idx.msk [tilespmem:v4+s28+$0x0], $0xffff;
	v57 =	vor.u32 v24, v31;
	v11 =	vmul.f32 v11, v61;
	v5 =	vadd.f32 v8, v5  }
0x31d: {  	v59 =	vor.u32 v16, v31;
	v10 =	vadd.f32 v10, v43;
	v46 =	vadd.f32 v60, v56;
	v56 =	vld.idx.msk [tilespmem:v62+s28+$0x0], $0xffff  }
0x31e: {  	v11 =	vadd.f32 v11, v47;
	v47 =	vld.idx.msk [tilespmem:v27+s16+$0x0], $0xffff;
	[tilespmem:$0x1FBC0] =	vst v5;
	v5 =	vmul.f32 v32, v61  }
0x31f: {  	v13 =	vadd.f32 v13, v45;
	v48 =	vor.u32 v28, v31;
	v6 =	vmul.f32 v6, v61;
	v8 =	vld.idx.msk [tilespmem:v50+s28+$0x0], $0xffff  }
0x320: {  	v15 =	vmul.f32 v15, v61;
	v58 =	vmul.f32 v63, v61;
	v27 =	vld [tilespmem:$0x1FE60];
	v5 =	vadd.f32 v5, v54  }
0x321: {  	v4 =	vmul.f32 v4, v61;
	v32 =	vadd.f32 v6, v44;
	v6 =	vor.u32 v52, v31;
	v54 =	vld.idx.msk [tilespmem:v57+s28+$0x0], $0xffff  }
0x322: {  	v12 =	vmul.f32 v12, v61;
	v7 =	vadd.f32 v15, v7;
	v57 =	vld [tilespmem:$0x1FC60];
	[tilespmem:$0x1FBE0] =	vst v5;
	v5 =	vmul.f32 v14, v61  }
0x323: {  	v9 =	vadd.f32 v58, v9;
	v4 =	vadd.f32 v4, v41;
	[tilespmem:$0x1FBD0] =	vst v46;
	v60 =	vmov v31  }
0x324: {  	v26 =	vld [tilespmem:$0x1FF50];
	v31 =	vadd.f32 v12, v2;
	[tilespmem:$0x1FC10] =	vst v7;
	v7 =	vor.u32 v20, v60;
	v2 =	vadd.f32 v5, v3  }
0x325: {  	[tilespmem:$0x1FBF0] =	vst v11;
	v63 =	vor.u32 v23, v60;
	v62 =	vmul.f32 v56, v61;
	v5 =	vmul.f32 v49, v61  }
0x326: {  	v55 =	vor.u32 v27, v60;
	v6 =	vld.idx.msk [tilespmem:v6+s28+$0x0], $0xffff;
	[tilespmem:$0x1FC00] =	vst v2;
	v2 =	vor.u32 v17, v60  }
0x327: {  	[tilespmem:$0x1FC20] =	vst v9;
	v8 =	vmul.f32 v8, v47;
	v3 =	vld.idx.msk [tilespmem:v48+s28+$0x0], $0xffff;
	v5 =	vadd.f32 v5, v10;
	v10 =	vand.u32 $0x3F, v57  }
0x328: {  	[tilespmem:$0x1FC50] =	vst v4;
	v9 =	vadd.f32 v62, v13;
	v13 =	vld.idx.msk [tilespmem:v59+s28+$0x0], $0xffff;
	v4 =	vor.u32 v1, v10  }
0x329: {  	v43 =	vadd.f32 v8, v53;
	v7 =	vld.idx.msk [tilespmem:v7+s28+$0x0], $0xffff;
	[tilespmem:$0x1FC30] =	vst v5;
	v5 =	vor.u32 v26, v60  }
0x32a: {  	v11 =	vld.idx.msk [tilespmem:v63+s28+$0x0], $0xffff;
	[tilespmem:$0x1FC40] =	vst v9;
	v12 =	vmul.f32 v54, v47;
	v41 =	vor.u32 v28, v10  }
0x32b: {  	v14 =	vor.u32 v22, v10;
	v15 =	vor.u32 v24, v10;
	v45 =	vor.u32 v52, v10;
	v2 =	vld.idx.msk [tilespmem:v2+s28+$0x0], $0xffff  }
0x32c: {  	v9 =	vld.idx.msk [tilespmem:v55+s28+$0x0], $0xffff;
	v50 =	vor.u32 v16, v10;
	v46 =	vor.u32 v17, v10;
	v3 =	vmul.f32 v3, v47  }
0x32d: {  	v44 =	vor.u32 v20, v10;
	v55 =	vld.idx.msk [tilespmem:v4+s16+$0x0], $0xffff;
	v4 =	vmul.f32 v6, v47;
	v6 =	vmul.f32 v13, v47  }
0x32e: {  	v59 =	vor.u32 v23, v10;
	v57 =	vor.u32 v26, v10;
	v54 =	vor.u32 v27, v10;
	v5 =	vld.idx.msk [tilespmem:v5+s28+$0x0], $0xffff  }
0x32f: {  	s9 =	simm.s32 $0x2;
	v61 =	vadd.f32 v3, v53;
	v3 =	vld.idx.msk [tilespmem:v41+s28+$0x0], $0xffff;
	v62 =	vadd.f32 v6, v53;
	v6 =	vmul.f32 v7, v47  }
0x330: {  	v60 =	vadd.s32 s9, v0;
	v48 =	vld.idx.msk [tilespmem:v45+s28+$0x0], $0xffff;
	v7 =	vmul.f32 v11, v47;
	v58 =	vmul.f32 v2, v47  }
0x331: {  	v60 =	vand.u32 $0x3F, v60;
	v41 =	vadd.f32 v12, v53;
	v50 =	vld.idx.msk [tilespmem:v50+s28+$0x0], $0xffff;
	v42 =	vadd.f32 v4, v53  }
0x332: {  	v45 =	vimm.f32 $0.0e+00;
	v4 =	vld.idx.msk [tilespmem:v15+s28+$0x0], $0xffff;
	v56 =	vadd.f32 v7, v53;
	v63 =	vadd.f32 v58, v53  }
0x333: {  	s9 =	simm.s32 $0x3;
	v2 =	vld.idx.msk [tilespmem:v14+s28+$0x0], $0xffff;
	v58 =	vadd.f32 v6, v53;
	v49 =	vmul.f32 v5, v47;
	v47 =	vmul.f32 v9, v47  }
.LBB2_15:
0x334: {  	v5 =	vor.u32 v1, v60  }
0x335: {  	p0 =	sne.s32 s9, $0x3F;
	v6 =	vor.u32 v22, v60;
	v7 =	vor.u32 v24, v60;
	v8 =	vld.idx.msk [tilespmem:v46+s28+$0x0], $0xffff;
	v9 =	vmov v55  }
0x336: {  	v10 =	vor.u32 v52, v60;
	v11 =	vor.u32 v28, v60;
	v12 =	vld.idx.msk [tilespmem:v44+s28+$0x0], $0xffff;
	v3 =	vmul.f32 v3, v9  }
0x337: {  	v13 =	vor.u32 v16, v60;
	v46 =	vor.u32 v17, v60;
	v44 =	vor.u32 v20, v60;
	v14 =	vld.idx.msk [tilespmem:v59+s28+$0x0], $0xffff  }
0x338: {  	v59 =	vor.u32 v23, v60;
	v15 =	vld.idx.msk [tilespmem:v57+s28+$0x0], $0xffff;
	v57 =	vor.u32 v26, v60;
	v61 =	vadd.f32 v3, v61  }
0x339: {  	v2 =	vmul.f32 v2, v9;
	v4 =	vmul.f32 v4, v9;
	v51 =	vld.idx.msk [tilespmem:v54+s28+$0x0], $0xffff;
	v54 =	vor.u32 v27, v60  }
0x33a: {  	v53 =	vadd.f32 v49, v53;
	v55 =	vld.idx.msk [tilespmem:v5+s16+$0x0], $0xffff;
	v5 =	vmul.f32 v48, v9;
	v48 =	vmul.f32 v50, v9  }
.Ltmp6:
0x33b: {  	v43 =	vadd.f32 v2, v43;
	v41 =	vadd.f32 v4, v41;
	v8 =	vmul.f32 v8, v9;
	v3 =	vld.idx.msk [tilespmem:v11+s28+$0x0], $0xffff;
	(pc) =	sbr.rel @p0 .LBB2_15-.Ltmp6, $4  }
0x33c: {  	v2 =	vld.idx.msk [tilespmem:v6+s28+$0x0], $0xffff;
	v42 =	vadd.f32 v5, v42;
	v62 =	vadd.f32 v48, v62;
	v5 =	vmul.f32 v12, v9  }
0x33d: {  	v45 =	vadd.f32 v47, v45;
	v63 =	vadd.f32 v8, v63;
	v6 =	vmul.f32 v14, v9;
	v4 =	vld.idx.msk [tilespmem:v7+s28+$0x0], $0xffff  }
0x33e: {  	v7 =	vadd.s32 s9, v0;
	v49 =	vmul.f32 v15, v9;
	v48 =	vld.idx.msk [tilespmem:v10+s28+$0x0], $0xffff;
	v58 =	vadd.f32 v5, v58  }
0x33f: {  	s9 =	sadd.s32 $0x1, s9;
	v60 =	vand.u32 $0x3F, v7;
	v56 =	vadd.f32 v6, v56;
	v47 =	vmul.f32 v51, v9;
	v50 =	vld.idx.msk [tilespmem:v13+s28+$0x0], $0xffff  }
0x340: {  	_ =	sdelay $0x3  }
0x341: {  	v5 =	vor.u32 v1, v60;
	v6 =	vld.idx.msk [tilespmem:v46+s28+$0x0], $0xffff  }
0x342: {  	v7 =	vor.u32 v28, v60;
	v8 =	vld.idx.msk [tilespmem:v44+s28+$0x0], $0xffff  }
0x343: {  	v9 =	vld.idx.msk [tilespmem:v59+s28+$0x0], $0xffff  }
0x344: {  	v3 =	vmul.f32 v3, v55;
	v12 =	vld.idx.msk [tilespmem:v57+s28+$0x0], $0xffff  }
0x345: {  	v10 =	vadd.f32 v49, v53;
	v11 =	vor.u32 v22, v60;
	v28 =	vld [tilespmem:$0x1FBF0]  }
0x346: {  	v14 =	vor.u32 v24, v60;
	v15 =	vor.u32 v52, v60;
	v3 =	vadd.f32 v3, v61;
	v61 =	vld.idx.msk [tilespmem:v5+s16+$0x0], $0xffff  }
0x347: {  	v57 =	vor.u32 v17, v60;
	v2 =	vmul.f32 v2, v55;
	v4 =	vmul.f32 v4, v55;
	v7 =	vld.idx.msk [tilespmem:v7+s28+$0x0], $0xffff  }
0x348: {  	v45 =	vadd.f32 v47, v45;
	v13 =	vmul.f32 v48, v55;
	v6 =	vmul.f32 v6, v55  }
0x349: {  	v59 =	vld.idx.msk [tilespmem:v54+s28+$0x0], $0xffff;
	v2 =	vadd.f32 v2, v43;
	v4 =	vadd.f32 v4, v41;
	v41 =	vor.u32 v16, v60  }
0x34a: {  	v30 =	vld [tilespmem:$0x1FC20];
	v5 =	vmul.f32 v50, v55;
	v6 =	vadd.f32 v6, v63;
	v63 =	vand.u32 $0x7FFFFFFF, v32  }
0x34b: {  	v48 =	vmovc v32;
	v16 =	vld [tilespmem:$0x1FC00];
	v8 =	vmul.f32 v8, v55;
	v32 =	vand.u32 $0x7FFFFFFF, v28;
	v46 =	vsub.f32 $0.0e+00, v63  }
0x34c: {  	v11 =	vld.idx.msk [tilespmem:v11+s28+$0x0], $0xffff;
	v9 =	vmul.f32 v9, v55;
	v47 =	vsub.f32 $0.0e+00, v32;
	v7 =	vmul.f32 v7, v61  }
0x34d: {  	v14 =	vld.idx.msk [tilespmem:v14+s28+$0x0], $0xffff;
	v12 =	vmul.f32 v12, v55;
	v5 =	vadd.f32 v5, v62;
	v46 =	vmul.f32 $1.442695020e+00, v46  }
0x34e: {  	v15 =	vld.idx.msk [tilespmem:v15+s28+$0x0], $0xffff;
	v62 =	vor.u32 v20, v60;
	v53 =	vadd.f32 v7, v3;
	v7 =	vmul.f32 $1.442695020e+00, v47  }
0x34f: {  	v13 =	vadd.f32 v13, v42;
	v43 =	vmul.f32 v59, v55;
	v41 =	vld.idx.msk [tilespmem:v41+s28+$0x0], $0xffff;
	(erf) = vpow2.f32 v46  }
0x350: {  	v51 =	vand.u32 $0x7FFFFFFF, v30;
	v8 =	vadd.f32 v8, v58;
	(erf) = vpow2.f32 v7;
	v7 =	vld.idx.msk [tilespmem:v57+s28+$0x0], $0xffff  }
0x351: {  	v9 =	vadd.f32 v9, v56;
	v32 =	vld [tilespmem:$0x1FC40];
	v49 =	vand.u32 $0x7FFFFFFF, v16;
	v11 =	vmul.f32 v11, v61  }
0x352: {  	v17 =	vld [tilespmem:$0x1FC10];
	v14 =	vmul.f32 v14, v61;
	v3 =	vadd.f32 v12, v10;
	v46 =	vand.u32 $0x7FFFFFFF, v31  }
0x353: {  	v15 =	vmul.f32 v15, v61;
	v55 =	vadd.f32 v11, v2;
	v47 =	vld.idx.msk [tilespmem:v62+s28+$0x0], $0xffff;
	v12 =	vsub.f32 $0.0e+00, v46  }
0x354: {  	v2 =	vor.u32 v23, v60;
	v56 =	vadd.f32 v14, v4;
	v10 =	vmul.f32 v41, v61  }
0x355: {  	v20 =	vmovc v31;
	v31 =	vld [tilespmem:$0x1FC30];
	v4 =	vmul.f32 $1.442695020e+00, v12;
	v12 =	vsub.f32 $0.0e+00, v49;
	v7 =	vmul.f32 v7, v61  }
0x356: {  	v54 =	vadd.f32 v15, v13;
	v41 =	vand.u32 $0x7FFFFFFF, v32;
	v57 =	vadd.f32 v10, v5  }
0x357: {  	(erf) = vpow2.f32 v4;
	v4 =	vand.u32 $0x7FFFFFFF, v17;
	v12 =	vmul.f32 $1.442695020e+00, v12  }
0x358: {  	v15 =	vld [tilespmem:$0x1FC50];
	v10 =	vsub.f32 $0.0e+00, v51;
	v5 =	vmul.f32 v47, v61;
	v4 =	vsub.f32 $0.0e+00, v4  }
0x359: {  	(erf) = vpow2.f32 v12;
	v12 =	vsub.f32 $0.0e+00, v41;
	v58 =	vadd.f32 v7, v6;
	v7 =	vpop (erf)  }
0x35a: {  	v52 =	vand.u32 $0x7FFFFFFF, v31;
	v2 =	vld.idx.msk [tilespmem:v2+s28+$0x0], $0xffff;
	v4 =	vmul.f32 $1.442695020e+00, v4;
	v6 =	vadd.f32 v43, v45;
	v59 =	vpop (erf)  }
0x35b: {  	v43 =	vmul.f32 $1.442695020e+00, v12;
	v7 =	vadd.f32 $1.000000000e+00, v7;
	v63 =	vadd.f32 $1.000000000e+00, v59  }
0x35c: {  	v62 =	vsub.f32 $0.0e+00, v52;
	v12 =	vld [tilespmem:$0x1FBC0];
	(erf) = vpow2.f32 v4;
	v4 =	vmul.f32 $1.442695020e+00, v10  }
0x35d: {  	v59 =	vadd.f32 v5, v8;
	v5 =	vmul.f32 v63, v7;
	v7 =	vand.u32 $0x7FFFFFFF, v15  }
0x35e: {  	v10 =	vmul.f32 $1.442695020e+00, v62;
	(erf) = vpow2.f32 v4;
	v7 =	vsub.f32 $0.0e+00, v7  }
0x35f: {  	v44 =	vor.u32 v27, v60;
	v2 =	vmul.f32 v2, v61  }
0x360: {  	v50 =	vor.u32 v26, v60;
	(erf) = vpow2.f32 v10;
	v42 =	vpop (erf);
	v7 =	vmul.f32 $1.442695020e+00, v7  }
0x361: {  	v45 =	vand.u32 $0x7FFFFFFF, v12;
	v8 =	vadd.f32 $1.000000000e+00, v42;
	(erf) = vpow2.f32 v43  }
0x362: {  	v10 =	vsub.f32 $0.0e+00, v45;
	v46 =	vpop (erf);
	(erf) = vpow2.f32 v7;
	v7 =	vand.u32 $0x7FFFFFFF, v55  }
0x363: {  	v49 =	vand.u32 $0x7FFFFFFF, v56;
	v51 =	vand.u32 $0x7FFFFFFF, v54;
	v7 =	vsub.f32 $0.0e+00, v7  }
0x364: {  	v5 =	vmul.f32 v8, v5;
	v8 =	vadd.f32 $1.000000000e+00, v46;
	v47 =	vmul.f32 $1.442695020e+00, v10  }
0x365: {  	v60 =	vadd.f32 v2, v9;
	v9 =	vsub.f32 $0.0e+00, v51;
	v2 =	vpop (erf);
	v7 =	vmul.f32 $1.442695020e+00, v7  }
0x366: {  	v5 =	vmul.f32 v8, v5;
	v2 =	vadd.f32 $1.000000000e+00, v2;
	(erf) = vpow2.f32 v47  }
0x367: {  	v4 =	vld.idx.msk [tilespmem:v50+s28+$0x0], $0xffff;
	v8 =	vsub.f32 $0.0e+00, v49;
	v50 =	vpop (erf)  }
0x368: {  	v9 =	vmul.f32 $1.442695020e+00, v9;
	v2 =	vmul.f32 v2, v5;
	v5 =	vadd.f32 $1.000000000e+00, v50  }
0x369: {  	v8 =	vmul.f32 $1.442695020e+00, v8;
	(erf) = vpow2.f32 v7;
	v7 =	vpop (erf)  }
0x36a: {  	v2 =	vmul.f32 v5, v2;
	v5 =	vadd.f32 $1.000000000e+00, v7;
	v7 =	vand.u32 $0x7FFFFFFF, v57  }
0x36b: {  	v52 =	vld.idx.msk [tilespmem:v44+s28+$0x0], $0xffff;
	v63 =	vand.u32 $0x7FFFFFFF, v58;
	(erf) = vpow2.f32 v8;
	v62 =	vpop (erf);
	v7 =	vsub.f32 $0.0e+00, v7  }
0x36c: {  	v4 =	vmul.f32 v4, v61;
	v2 =	vmul.f32 v5, v2;
	v5 =	vadd.f32 $1.000000000e+00, v62  }
0x36d: {  	v8 =	vsub.f32 $0.0e+00, v63;
	(erf) = vpow2.f32 v9;
	v7 =	vmul.f32 $1.442695020e+00, v7  }
0x36e: {  	v14 =	vand.u32 $0x7FFFFFFF, v59;
	v41 =	vadd.f32 v4, v3;
	v13 =	vpop (erf);
	v2 =	vmul.f32 v5, v2  }
0x36f: {  	v3 =	vpop (erf);
	v5 =	vadd.f32 $1.000000000e+00, v13;
	(erf) = vpow2.f32 v7;
	v7 =	vmul.f32 $1.442695020e+00, v8  }
0x370: {  	v10 =	vmul.f32 v52, v61;
	v4 =	vsub.f32 $0.0e+00, v14;
	v3 =	vadd.f32 $1.000000000e+00, v3  }
0x371: {  	v2 =	vmul.f32 v5, v2;
	v5 =	vand.u32 $0x7FFFFFFF, v60;
	(erf) = vpow2.f32 v7  }
0x372: {  	v4 =	vmul.f32 $1.442695020e+00, v4;
	v62 =	vadd.f32 v10, v6;
	v6 =	vpop (erf);
	v5 =	vsub.f32 $0.0e+00, v5  }
0x373: {  	v2 =	vmul.f32 v3, v2;
	v3 =	vadd.f32 $1.000000000e+00, v6;
	v6 =	vand.u32 $0x7FFFFFFF, v41  }
0x374: {  	v14 =	vld [tilespmem:$0x1FBD0];
	(erf) = vpow2.f32 v4;
	v7 =	vpop (erf);
	v4 =	vmul.f32 $1.442695020e+00, v5;
	v5 =	vsub.f32 $0.0e+00, v6  }
0x375: {  	v6 =	vand.u32 $0x7FFFFFFF, v62;
	v2 =	vmul.f32 v3, v2;
	v3 =	vadd.f32 $1.000000000e+00, v7  }
0x376: {  	v7 =	vpop (erf);
	(erf) = vpow2.f32 v4;
	v4 =	vmul.f32 $1.442695020e+00, v5;
	v5 =	vsub.f32 $0.0e+00, v6  }
0x377: {  	v6 =	vand.u32 $0x7FFFFFFF, v53;
	v2 =	vmul.f32 v3, v2;
	v3 =	vadd.f32 $1.000000000e+00, v7  }
0x378: {  	v13 =	vld [tilespmem:$0x1FBE0];
	v7 =	vpop (erf);
	(erf) = vpow2.f32 v4;
	v4 =	vmul.f32 $1.442695020e+00, v5;
	v5 =	vsub.f32 $0.0e+00, v6  }
0x379: {  	v2 =	vmul.f32 v3, v2;
	v6 =	vand.u32 $0x7FFFFFFF, v14;
	v3 =	vadd.f32 $1.000000000e+00, v7  }
0x37a: {  	v7 =	vpop (erf);
	(erf) = vpow2.f32 v4;
	v4 =	vmul.f32 $1.442695020e+00, v5;
	v5 =	vsub.f32 $0.0e+00, v6;
	_ =	sdelay $0x1  }
0x37b: {  	(erf) = vpow2.f32 v4;
	v4 =	vmul.f32 $1.442695020e+00, v5  }
0x37c: {  	v2 =	vmul.f32 v3, v2;
	v3 =	vadd.f32 $1.000000000e+00, v7;
	v5 =	vand.u32 $0x7FFFFFFF, v13  }
0x37d: {  	v6 =	vpop (erf);
	v5 =	vsub.f32 $0.0e+00, v5  }
0x37e: {  	v2 =	vmul.f32 v3, v2;
	v3 =	vadd.f32 $1.000000000e+00, v6;
	(erf) = vpow2.f32 v4  }
0x37f: {  	v5 =	vmul.f32 $1.442695020e+00, v5;
	v4 =	vpop (erf)  }
0x380: {  	v2 =	vmul.f32 v3, v2;
	v3 =	vadd.f32 $1.000000000e+00, v4  }
0x381: {  	v4 =	vpop (erf);
	(erf) = vpow2.f32 v5  }
0x382: {  	v2 =	vmul.f32 v3, v2;
	v3 =	vadd.f32 $1.000000000e+00, v4  }
0x383: {  	v4 =	vpop (erf)  }
0x384: {  	v2 =	vmul.f32 v3, v2;
	v3 =	vadd.f32 $1.000000000e+00, v4  }
0x385: {  	v4 =	vpop (erf)  }
0x386: {  	v2 =	vmul.f32 v3, v2;
	v3 =	vadd.f32 $1.000000000e+00, v4  }
0x387: {  	v4 =	vpop (erf)  }
0x388: {  	v2 =	vmul.f32 v3, v2;
	v3 =	vadd.f32 $1.000000000e+00, v4;
	_ =	sdelay $0x1  }
0x389: {  	v4 =	vpop (erf);
	v3 =	vmul.f32 v2, v3  }
0x38a: {  	v4 =	vadd.f32 $1.000000000e+00, v4  }
0x38b: {  	v5 =	vand.u32 $0x7FFFFF, v3  }
0x38c: {  	v2 =	vmul.f32 v2, v4;
	v5 =	vor.u32 $0x3F800000, v5  }
0x38d: {  	v4 =	vmul.f32 $5.000000000e-01, v5  }
0x38e: {  	v6 =	vmax.f32 v48, $0.0e+00;
	vm1 =	vlt.f32 v5, $1.414213540e+00;
	v7 =	vand.u32 $0x7FFFFF, v2  }
0x38f: {  	v6 =	vadd.f32 $0.0e+00, v6;
	v4 =	vsel vm1, v5, v4;
	v5 =	vor.u32 $0x3F800000, v7  }
0x390: {  	v7 =	vmax.f32 v28, $0.0e+00;
	v42 =	vmul.f32 $5.000000000e-01, v5  }
0x391: {  	v6 =	vadd.f32 v7, v6;
	vm0 =	vlt.f32 v5, $1.414213540e+00  }
0x392: {  	v4 =	vadd.f32 $-1.000000000e+00, v4;
	v7 =	vmax.f32 v20, $0.0e+00;
	v5 =	vsel vm0, v5, v42  }
0x393: {  	v6 =	vadd.f32 v7, v6;
	v5 =	vadd.f32 $-1.000000000e+00, v5  }
0x394: {  	v43 =	vmul.f32 $7.037683580e-02, v4;
	v7 =	vmax.f32 v16, $0.0e+00  }
0x395: {  	v6 =	vadd.f32 v7, v6;
	v7 =	vmul.f32 $7.037683580e-02, v5  }
0x396: {  	v44 =	vadd.f32 $-1.151461010e-01, v43  }
0x397: {  	v7 =	vadd.f32 $-1.151461010e-01, v7  }
0x398: {  	v8 =	vmul.f32 v44, v4  }
0x399: {  	v45 =	vmax.f32 v17, $0.0e+00;
	v7 =	vmul.f32 v7, v5  }
0x39a: {  	v6 =	vadd.f32 v45, v6;
	v8 =	vadd.f32 $1.167699840e-01, v8  }
0x39b: {  	v46 =	vmax.f32 v30, $0.0e+00;
	v7 =	vadd.f32 $1.167699840e-01, v7  }
0x39c: {  	v6 =	vadd.f32 v46, v6;
	v8 =	vmul.f32 v8, v4  }
0x39d: {  	v47 =	vmax.f32 v31, $0.0e+00;
	v7 =	vmul.f32 v7, v5  }
0x39e: {  	v6 =	vadd.f32 v47, v6;
	v8 =	vadd.f32 $-1.242014100e-01, v8  }
0x39f: {  	v48 =	vmax.f32 v32, $0.0e+00;
	v7 =	vadd.f32 $-1.242014100e-01, v7  }
0x3a0: {  	v6 =	vadd.f32 v48, v6;
	v8 =	vmul.f32 v8, v4  }
0x3a1: {  	v49 =	vmax.f32 v15, $0.0e+00;
	v7 =	vmul.f32 v7, v5  }
0x3a2: {  	v6 =	vadd.f32 v49, v6;
	v8 =	vadd.f32 $1.424932330e-01, v8  }
0x3a3: {  	v50 =	vmax.f32 v12, $0.0e+00;
	v7 =	vadd.f32 $1.424932330e-01, v7  }
0x3a4: {  	v6 =	vadd.f32 v50, v6;
	v8 =	vmul.f32 v8, v4  }
0x3a5: {  	v51 =	vmax.f32 v55, $0.0e+00;
	v7 =	vmul.f32 v7, v5  }
0x3a6: {  	v52 =	vmax.f32 v56, $0.0e+00;
	v6 =	vadd.f32 v51, v6;
	v8 =	vadd.f32 $-1.666805740e-01, v8  }
0x3a7: {  	v56 =	vmax.f32 v57, $0.0e+00;
	v55 =	vmax.f32 v54, $0.0e+00;
	v7 =	vadd.f32 $-1.666805740e-01, v7  }
0x3a8: {  	v57 =	vmax.f32 v58, $0.0e+00;
	v6 =	vadd.f32 v52, v6;
	v8 =	vmul.f32 v8, v4  }
0x3a9: {  	v58 =	vmax.f32 v59, $0.0e+00;
	v3 =	vshrl.u32 v3, $0x17;
	v7 =	vmul.f32 v7, v5  }
0x3aa: {  	v3 =	vadd.s32 $0xFFFFFF81, v3;
	v6 =	vadd.f32 v55, v6;
	v8 =	vadd.f32 $2.000071410e-01, v8  }
0x3ab: {  	v60 =	vmax.f32 v60, $0.0e+00;
	v3 =	vcvt.s32.f32 v3;
	v7 =	vadd.f32 $2.000071410e-01, v7  }
0x3ac: {  	v2 =	vshrl.u32 v2, $0x17;
	v6 =	vadd.f32 v56, v6;
	v8 =	vmul.f32 v8, v4  }
0x3ad: {  	v2 =	vadd.s32 $0xFFFFFF81, v2;
	v59 =	vadd.f32 $1.000000000e+00, v3;
	v7 =	vmul.f32 v7, v5  }
0x3ae: {  	v2 =	vcvt.s32.f32 v2;
	v6 =	vadd.f32 v57, v6;
	v8 =	vadd.f32 $-2.499999400e-01, v8  }
0x3af: {  	v3 =	vsel vm1, v3, v59;
	v63 =	vmul.f32 v4, v4;
	v7 =	vadd.f32 $-2.499999400e-01, v7  }
0x3b0: {  	v3 =	vmul.f32 $6.931471820e-01, v3;
	v6 =	vadd.f32 v58, v6;
	v8 =	vmul.f32 v8, v4  }
0x3b1: {  	v32 =	vmax.f32 v41, $0.0e+00;
	v42 =	vmul.f32 v5, v5;
	v7 =	vmul.f32 v7, v5  }
0x3b2: {  	v41 =	vmul.f32 v63, v4;
	v6 =	vadd.f32 v60, v6;
	v8 =	vadd.f32 $3.333333130e-01, v8  }
0x3b3: {  	v43 =	vmax.f32 v62, $0.0e+00;
	v44 =	vmul.f32 v42, v5;
	v7 =	vadd.f32 $3.333333130e-01, v7  }
0x3b4: {  	v11 =	vmul.f32 $5.000000000e-01, v63;
	v6 =	vadd.f32 v32, v6;
	v8 =	vmul.f32 v8, v41  }
0x3b5: {  	v9 =	vmul.f32 $5.000000000e-01, v42;
	v47 =	vadd.f32 $1.000000000e+00, v2;
	v7 =	vmul.f32 v7, v44  }
0x3b6: {  	v46 =	vxor.u32 $0x80000000, v14;
	v6 =	vadd.f32 v43, v6;
	v8 =	vsub.f32 v8, v11  }
0x3b7: {  	v45 =	vmax.f32 v53, $0.0e+00;
	v10 =	vmax.f32 v46, $0.0e+00;
	v7 =	vsub.f32 v7, v9  }
0x3b8: {  	v2 =	vsel vm0, v2, v47;
	v6 =	vadd.f32 v45, v6;
	v4 =	vadd.f32 v8, v4  }
0x3b9: {  	v48 =	vld [tilespmem:s15+$0x400];
	v2 =	vmul.f32 $6.931471820e-01, v2;
	v49 =	vxor.u32 $0x80000000, v13;
	v5 =	vadd.f32 v7, v5  }
0x3ba: {  	s9 =	simm.s32 $0x0;
	v27 =	vld [tilespmem:$0x1FF80];
	v3 =	vadd.f32 v4, v3;
	v4 =	vmax.f32 v49, $0.0e+00;
	v7 =	vadd.f32 v6, v10  }
0x3bb: {  	v26 =	vld [tilespmem:$0x1FE80];
	v4 =	vadd.f32 v6, v4;
	v2 =	vadd.f32 v5, v2;
	v5 =	vadd.s32 s9, v0  }
0x3bc: {  	v17 =	vld [tilespmem:$0x1FE70];
	v3 =	vadd.f32 v3, v7;
	v5 =	vand.u32 $0x3F, v5  }
0x3bd: {  	v28 =	vld [tilespmem:$0x1FF70];
	v2 =	vadd.f32 v2, v4;
	v50 =	vor.u32 v21, v5  }
0x3be: {  	v30 =	vld [tilespmem:$0x1FE90];
	v3 =	vmul.f32 v48, v3;
	v4 =	vor.u32 v29, v5  }
0x3bf: {  	v20 =	vld [tilespmem:$0x1FF90];
	v2 =	vmul.f32 v48, v2  }
0x3c0: {  	v32 =	vld [tilespmem:$0x1FFB0];
	[tilespmem:$0x19E00] =	vst v3  }
0x3c1: {  	v31 =	vmov v29;
	v29 =	vld [tilespmem:$0x1FFA0];
	[tilespmem:$0x19E20] =	vst v2  }
0x3c2: {  	v61 =	vimm.f32 $0.0e+00;
	v53 =	vimm.f32 $0.0e+00;
	v3 =	vor.u32 v28, v5;
	v41 =	vld.idx.msk [tilespmem:v50+s16+$0x0], $0xffff  }
0x3c3: {  	v42 =	vimm.f32 $0.0e+00;
	v46 =	vimm.f32 $0.0e+00;
	v7 =	vor.u32 v17, v5;
	v2 =	vld.idx.msk [tilespmem:v4+s28+$0x0], $0xffff  }
0x3c4: {  	v51 =	vimm.f32 $0.0e+00;
	v52 =	vimm.f32 $0.0e+00;
	v6 =	vor.u32 v27, v5;
	v63 =	vld.idx.msk [tilespmem:v50+s23+$0x0], $0xffff  }
0x3c5: {  	v55 =	vimm.f32 $0.0e+00;
	v56 =	vimm.f32 $0.0e+00;
	v62 =	vor.u32 v26, v5;
	v54 =	vld.idx.msk [tilespmem:v50+s25+$0x0], $0xffff  }
0x3c6: {  	v43 =	vimm.f32 $0.0e+00;
	v45 =	vimm.f32 $0.0e+00;
	v60 =	vor.u32 v20, v5;
	v44 =	vld.idx.msk [tilespmem:v50+s28+$0x0], $0xffff  }
0x3c7: {  	s10 =	simm.s32 $0x1;
	v49 =	vimm.f32 $0.0e+00;
	v58 =	vor.u32 v30, v5;
	[tilespmem:$0x1FB90] =	vst v5;
	v59 =	vor.u32 v29, v5;
	v47 =	vld.idx.msk [tilespmem:v3+s28+$0x0], $0xffff  }
0x3c8: {  	v57 =	vor.u32 v32, v5;
	[tilespmem:$0x1FBB0] =	vst v50;
	v48 =	vimm.f32 $0.0e+00;
	v4 =	vadd.s32 s10, v0;
	v3 =	vld.idx.msk [tilespmem:v7+s28+$0x0], $0xffff  }
0x3c9: {  	s9 =	simm.s32 $0x2;
	v50 =	vimm.f32 $0.0e+00;
	[tilespmem:$0x1FBA0] =	vst v4;
	v4 =	vand.u32 $0x3F, v4;
	v5 =	vmul.f32 v2, v41;
	v2 =	vld.idx.msk [tilespmem:v6+s28+$0x0], $0xffff  }
.LBB2_17:
0x3ca: {  	p0 =	sne.s32 s9, $0x3F;
	v6 =	vor.u32 v21, v4;
	v7 =	vor.u32 v28, v4;
	v8 =	vor.u32 v27, v4;
	v9 =	vld.idx.msk [tilespmem:v62+s28+$0x0], $0xffff  }
0x3cb: {  	v10 =	vor.u32 v17, v4;
	v11 =	vor.u32 v31, v4;
	v12 =	vld.idx.msk [tilespmem:v60+s28+$0x0], $0xffff;
	v61 =	vadd.f32 v5, v61  }
0x3cc: {  	v62 =	vor.u32 v26, v4;
	v60 =	vor.u32 v20, v4;
	v5 =	vld.idx.msk [tilespmem:v59+s28+$0x0], $0xffff;
	v59 =	vor.u32 v29, v4  }
0x3cd: {  	v13 =	vor.u32 v32, v4;
	v14 =	vmul.f32 v63, v41;
	v15 =	vld.idx.msk [tilespmem:v58+s28+$0x0], $0xffff;
	v58 =	vor.u32 v30, v4  }
0x3ce: {  	v44 =	vmul.f32 v44, v41;
	v4 =	vmul.f32 v54, v41;
	v16 =	vld.idx.msk [tilespmem:v57+s28+$0x0], $0xffff;
	v57 =	vmov v13  }
0x3cf: {  	v56 =	vadd.f32 v14, v56;
	v14 =	vmul.f32 v47, v41;
	v2 =	vmul.f32 v2, v41;
	v13 =	vld.idx.msk [tilespmem:v6+s16+$0x0], $0xffff  }
0x3d0: {  	v3 =	vmul.f32 v3, v41;
	v55 =	vadd.f32 v4, v55;
	v4 =	vmul.f32 v9, v41;
	v11 =	vld.idx.msk [tilespmem:v11+s28+$0x0], $0xffff  }
0x3d1: {  	v51 =	vadd.f32 v44, v51;
	v52 =	vadd.f32 v14, v52;
	v9 =	vmul.f32 v12, v41;
	v63 =	vld.idx.msk [tilespmem:v6+s23+$0x0], $0xffff  }
.Ltmp7:
0x3d2: {  	v49 =	vadd.f32 v2, v49;
	v50 =	vadd.f32 v3, v50;
	v2 =	vmul.f32 v5, v41;
	v54 =	vld.idx.msk [tilespmem:v6+s25+$0x0], $0xffff;
	(pc) =	sbr.rel @p0 .LBB2_17-.Ltmp7, $4  }
0x3d3: {  	v48 =	vadd.f32 v4, v48;
	v46 =	vadd.f32 v9, v46;
	v3 =	vmul.f32 v15, v41;
	v44 =	vld.idx.msk [tilespmem:v6+s28+$0x0], $0xffff  }
0x3d4: {  	v43 =	vadd.f32 v2, v43;
	v6 =	vmul.f32 v16, v41;
	v47 =	vld.idx.msk [tilespmem:v7+s28+$0x0], $0xffff  }
0x3d5: {  	v4 =	vadd.s32 s9, v0;
	v45 =	vadd.f32 v3, v45;
	v41 =	vmov v13;
	v2 =	vld.idx.msk [tilespmem:v8+s28+$0x0], $0xffff  }
0x3d6: {  	s9 =	sadd.s32 $0x1, s9;
	v4 =	vand.u32 $0x3F, v4;
	v5 =	vmul.f32 v11, v41;
	v42 =	vadd.f32 v6, v42;
	v3 =	vld.idx.msk [tilespmem:v10+s28+$0x0], $0xffff  }
0x3d7: {  	_ =	sdelay $0x3  }
0x3d8: {  	v7 =	vld.idx.msk [tilespmem:v62+s28+$0x0], $0xffff  }
0x3d9: {  	v9 =	vld.idx.msk [tilespmem:v60+s28+$0x0], $0xffff  }
0x3da: {  	v10 =	vld.idx.msk [tilespmem:v59+s28+$0x0], $0xffff  }
0x3db: {  	v6 =	vor.u32 v21, v4;
	v13 =	vld.idx.msk [tilespmem:v58+s28+$0x0], $0xffff  }
0x3dc: {  	v8 =	vor.u32 v31, v4;
	v16 =	vld.idx.msk [tilespmem:v57+s28+$0x0], $0xffff  }
0x3dd: {  	v15 =	vor.u32 v26, v4;
	v26 =	vld [tilespmem:$0x1FB90]  }
0x3de: {  	v14 =	vor.u32 v17, v4;
	v17 =	vld [tilespmem:$0x1FEA0]  }
0x3df: {  	v31 =	vld [tilespmem:$0x1FBB0]  }
0x3e0: {  	v11 =	vor.u32 v28, v4;
	v60 =	vld.idx.msk [tilespmem:v6+s16+$0x0], $0xffff  }
0x3e1: {  	v12 =	vor.u32 v27, v4;
	v57 =	vor.u32 v20, v4;
	v8 =	vld.idx.msk [tilespmem:v8+s28+$0x0], $0xffff  }
0x3e2: {  	v58 =	vor.u32 v29, v4;
	v59 =	vmul.f32 v63, v41;
	v54 =	vmul.f32 v54, v41;
	v63 =	vld.idx.msk [tilespmem:v6+s23+$0x0], $0xffff  }
0x3e3: {  	v5 =	vadd.f32 v5, v61;
	v61 =	vor.u32 v30, v4;
	v4 =	vor.u32 v32, v4;
	v32 =	vld.idx.msk [tilespmem:v6+s25+$0x0], $0xffff  }
0x3e4: {  	v44 =	vmul.f32 v44, v41;
	v56 =	vadd.f32 v59, v56;
	v6 =	vld.idx.msk [tilespmem:v6+s28+$0x0], $0xffff  }
0x3e5: {  	v47 =	vmul.f32 v47, v41;
	v54 =	vadd.f32 v54, v55;
	v2 =	vmul.f32 v2, v41;
	v11 =	vld.idx.msk [tilespmem:v11+s28+$0x0], $0xffff  }
0x3e6: {  	v44 =	vadd.f32 v44, v51;
	v3 =	vmul.f32 v3, v41;
	v7 =	vmul.f32 v7, v41;
	v12 =	vld.idx.msk [tilespmem:v12+s28+$0x0], $0xffff  }
0x3e7: {  	v47 =	vadd.f32 v47, v52;
	v9 =	vmul.f32 v9, v41;
	v10 =	vmul.f32 v10, v41;
	v15 =	vld.idx.msk [tilespmem:v15+s28+$0x0], $0xffff  }
0x3e8: {  	v2 =	vadd.f32 v2, v49;
	v13 =	vmul.f32 v13, v41;
	v16 =	vmul.f32 v16, v41;
	v52 =	vld.idx.msk [tilespmem:v57+s28+$0x0], $0xffff  }
0x3e9: {  	v3 =	vadd.f32 v3, v50;
	v59 =	vld.idx.msk [tilespmem:v61+s28+$0x0], $0xffff;
	v61 =	vor.u32 v17, v26;
	v50 =	vor.u32 v39, v26  }
0x3ea: {  	v4 =	vld.idx.msk [tilespmem:v4+s28+$0x0], $0xffff;
	v7 =	vadd.f32 v7, v48;
	v9 =	vadd.f32 v9, v46;
	v8 =	vmul.f32 v8, v60  }
0x3eb: {  	v14 =	vld.idx.msk [tilespmem:v14+s28+$0x0], $0xffff;
	v10 =	vadd.f32 v10, v43;
	v13 =	vadd.f32 v13, v45;
	v51 =	vmul.f32 v63, v60  }
0x3ec: {  	v57 =	vld.idx.msk [tilespmem:v58+s28+$0x0], $0xffff;
	v6 =	vmul.f32 v6, v60;
	v11 =	vmul.f32 v11, v60;
	v5 =	vadd.f32 v8, v5  }
0x3ed: {  	v16 =	vadd.f32 v16, v42;
	v46 =	vld.idx.msk [tilespmem:v31+s16+$0x0], $0xffff;
	v12 =	vmul.f32 v12, v60;
	v15 =	vmul.f32 v15, v60  }
0x3ee: {  	v62 =	vmul.f32 v52, v60;
	v63 =	vor.u32 v36, v26;
	[tilespmem:$0x1FB10] =	vst v5;
	v5 =	vmul.f32 v32, v60  }
0x3ef: {  	v49 =	vmul.f32 v59, v60;
	v4 =	vmul.f32 v4, v60;
	v55 =	vadd.f32 v51, v56;
	v32 =	vld [tilespmem:$0x1FFD0]  }
0x3f0: {  	v56 =	vor.u32 v34, v26;
	v23 =	vadd.f32 v6, v44;
	v51 =	vld.idx.msk [tilespmem:v61+s28+$0x0], $0xffff;
	v5 =	vadd.f32 v5, v54  }
0x3f1: {  	v6 =	vor.u32 v33, v26;
	v29 =	vadd.f32 v11, v47;
	v31 =	vadd.f32 v12, v2;
	v61 =	vld [tilespmem:$0x1FBA0]  }
0x3f2: {  	v2 =	vor.u32 v37, v26;
	v7 =	vadd.f32 v15, v7;
	[tilespmem:$0x1FB30] =	vst v5;
	v5 =	vmul.f32 v14, v60  }
0x3f3: {  	v9 =	vadd.f32 v62, v9;
	v11 =	vld.idx.msk [tilespmem:v50+s28+$0x0], $0xffff;
	v4 =	vadd.f32 v4, v16;
	[tilespmem:$0x1FB20] =	vst v55  }
0x3f4: {  	[tilespmem:$0x1FB40] =	vst v7;
	v58 =	vor.u32 v32, v26;
	v52 =	vadd.f32 v5, v3;
	v5 =	vmul.f32 v57, v60  }
0x3f5: {  	v7 =	vor.u32 v38, v26;
	[tilespmem:$0x1FB50] =	vst v9;
	v9 =	vadd.f32 v49, v13;
	v62 =	vld.idx.msk [tilespmem:v63+s28+$0x0], $0xffff  }
0x3f6: {  	[tilespmem:$0x1FB80] =	vst v4;
	v3 =	vld.idx.msk [tilespmem:v56+s28+$0x0], $0xffff;
	v60 =	vor.u32 v35, v26;
	v5 =	vadd.f32 v5, v10;
	v10 =	vand.u32 $0x3F, v61  }
0x3f7: {  	[tilespmem:$0x1FB70] =	vst v9;
	v6 =	vld.idx.msk [tilespmem:v6+s28+$0x0], $0xffff;
	v4 =	vor.u32 v21, v10  }
0x3f8: {  	v2 =	vld.idx.msk [tilespmem:v2+s28+$0x0], $0xffff;
	v47 =	vmul.f32 v51, v46;
	[tilespmem:$0x1FB60] =	vst v5;
	v5 =	vor.u32 v40, v26  }
0x3f9: {  	v14 =	vor.u32 v32, v10;
	v15 =	vor.u32 v17, v10;
	v63 =	vor.u32 v34, v10;
	v48 =	vld.idx.msk [tilespmem:v58+s28+$0x0], $0xffff  }
0x3fa: {  	v7 =	vld.idx.msk [tilespmem:v7+s28+$0x0], $0xffff;
	v16 =	vor.u32 v33, v10;
	v43 =	vor.u32 v36, v10;
	v45 =	vor.u32 v37, v10  }
0x3fb: {  	v44 =	vor.u32 v38, v10;
	v42 =	vor.u32 v39, v10;
	v3 =	vmul.f32 v3, v46;
	v9 =	vld.idx.msk [tilespmem:v60+s28+$0x0], $0xffff  }
0x3fc: {  	v54 =	vor.u32 v40, v10;
	v56 =	vld.idx.msk [tilespmem:v4+s16+$0x0], $0xffff;
	v4 =	vmul.f32 v6, v46;
	v6 =	vmul.f32 v62, v46  }
0x3fd: {  	v55 =	vor.u32 v35, v10;
	v58 =	vadd.f32 v47, v53;
	v57 =	vadd.f32 v3, v53;
	v5 =	vld.idx.msk [tilespmem:v5+s28+$0x0], $0xffff  }
0x3fe: {  	s9 =	simm.s32 $0x2;
	v50 =	vld.idx.msk [tilespmem:v63+s28+$0x0], $0xffff;
	v3 =	vmul.f32 v48, v46;
	v41 =	vadd.f32 v4, v53;
	v59 =	vadd.f32 v6, v53  }
0x3ff: {  	v47 =	vld.idx.msk [tilespmem:v14+s28+$0x0], $0xffff;
	v4 =	vmul.f32 v7, v46;
	v6 =	vmul.f32 v11, v46;
	v7 =	vadd.s32 s9, v0  }
0x400: {  	v49 =	vld.idx.msk [tilespmem:v16+s28+$0x0], $0xffff;
	v60 =	vadd.f32 v3, v53;
	v3 =	vmul.f32 v2, v46;
	v48 =	vand.u32 $0x3F, v7  }
0x401: {  	v26 =	vmovc v20;
	v62 =	vadd.f32 v4, v53;
	v4 =	vld.idx.msk [tilespmem:v43+s28+$0x0], $0xffff;
	v63 =	vadd.f32 v6, v53;
	v43 =	vimm.f32 $0.0e+00  }
0x402: {  	s9 =	simm.s32 $0x3;
	v2 =	vld.idx.msk [tilespmem:v15+s28+$0x0], $0xffff;
	v61 =	vadd.f32 v3, v53;
	v3 =	vmul.f32 v5, v46;
	v46 =	vmul.f32 v9, v46  }
.LBB2_19:
0x403: {  	v5 =	vor.u32 v21, v48  }
0x404: {  	p0 =	sne.s32 s9, $0x3F;
	v6 =	vor.u32 v32, v48;
	v7 =	vor.u32 v17, v48;
	v8 =	vld.idx.msk [tilespmem:v45+s28+$0x0], $0xffff;
	v9 =	vmov v56  }
0x405: {  	v10 =	vor.u32 v33, v48;
	v11 =	vor.u32 v34, v48;
	v12 =	vld.idx.msk [tilespmem:v44+s28+$0x0], $0xffff;
	v13 =	vmul.f32 v50, v9  }
0x406: {  	v14 =	vor.u32 v36, v48;
	v45 =	vor.u32 v37, v48;
	v44 =	vor.u32 v38, v48;
	v15 =	vld.idx.msk [tilespmem:v42+s28+$0x0], $0xffff  }
0x407: {  	v42 =	vor.u32 v39, v48;
	v16 =	vld.idx.msk [tilespmem:v54+s28+$0x0], $0xffff;
	v54 =	vor.u32 v40, v48;
	v57 =	vadd.f32 v13, v57  }
0x408: {  	v2 =	vmul.f32 v2, v9;
	v13 =	vmul.f32 v47, v9;
	v51 =	vld.idx.msk [tilespmem:v55+s28+$0x0], $0xffff;
	v55 =	vor.u32 v35, v48  }
0x409: {  	v53 =	vadd.f32 v3, v53;
	v4 =	vmul.f32 v4, v9;
	v56 =	vld.idx.msk [tilespmem:v5+s16+$0x0], $0xffff;
	v5 =	vmul.f32 v49, v9  }
.Ltmp8:
0x40a: {  	v58 =	vadd.f32 v2, v58;
	v60 =	vadd.f32 v13, v60;
	v3 =	vmul.f32 v8, v9;
	v50 =	vld.idx.msk [tilespmem:v11+s28+$0x0], $0xffff;
	(pc) =	sbr.rel @p0 .LBB2_19-.Ltmp8, $4  }
0x40b: {  	v59 =	vadd.f32 v4, v59;
	v4 =	vmul.f32 v12, v9;
	v47 =	vld.idx.msk [tilespmem:v6+s28+$0x0], $0xffff;
	v41 =	vadd.f32 v5, v41  }
0x40c: {  	v43 =	vadd.f32 v46, v43;
	v61 =	vadd.f32 v3, v61;
	v5 =	vmul.f32 v15, v9;
	v2 =	vld.idx.msk [tilespmem:v7+s28+$0x0], $0xffff  }
0x40d: {  	v6 =	vadd.s32 s9, v0;
	v62 =	vadd.f32 v4, v62;
	v3 =	vmul.f32 v16, v9;
	v49 =	vld.idx.msk [tilespmem:v10+s28+$0x0], $0xffff  }
0x40e: {  	s9 =	sadd.s32 $0x1, s9;
	v48 =	vand.u32 $0x3F, v6;
	v63 =	vadd.f32 v5, v63;
	v46 =	vmul.f32 v51, v9;
	v4 =	vld.idx.msk [tilespmem:v14+s28+$0x0], $0xffff  }
0x40f: {  	_ =	sdelay $0x2  }
0x410: {  	v5 =	vor.u32 v21, v48  }
0x411: {  	v6 =	vld.idx.msk [tilespmem:v45+s28+$0x0], $0xffff;
	v7 =	vor.u32 v34, v48  }
0x412: {  	v8 =	vor.u32 v32, v48;
	v9 =	vor.u32 v17, v48;
	v10 =	vld.idx.msk [tilespmem:v44+s28+$0x0], $0xffff;
	v11 =	vor.u32 v33, v48  }
0x413: {  	v12 =	vmul.f32 v50, v56;
	v13 =	vor.u32 v36, v48;
	v14 =	vld.idx.msk [tilespmem:v42+s28+$0x0], $0xffff;
	v15 =	vor.u32 v37, v48  }
0x414: {  	v16 =	vor.u32 v38, v48;
	v36 =	vor.u32 v39, v48;
	v45 =	vld.idx.msk [tilespmem:v54+s28+$0x0], $0xffff;
	v40 =	vor.u32 v40, v48  }
0x415: {  	v3 =	vadd.f32 v3, v53;
	v50 =	vmul.f32 v47, v56;
	v42 =	vadd.f32 v46, v43;
	v54 =	vld.idx.msk [tilespmem:v5+s16+$0x0], $0xffff  }
0x416: {  	v2 =	vmul.f32 v2, v56;
	v51 =	vadd.f32 v12, v57;
	v12 =	vmul.f32 v49, v56;
	v7 =	vld.idx.msk [tilespmem:v7+s28+$0x0], $0xffff  }
0x417: {  	v37 =	vadd.f32 v50, v60;
	v6 =	vmul.f32 v6, v56;
	v10 =	vmul.f32 v10, v56;
	v8 =	vld.idx.msk [tilespmem:v8+s28+$0x0], $0xffff  }
0x418: {  	v4 =	vmul.f32 v4, v56;
	v2 =	vadd.f32 v2, v58;
	v14 =	vmul.f32 v14, v56  }
0x419: {  	v57 =	vld.idx.msk [tilespmem:v55+s28+$0x0], $0xffff;
	v6 =	vadd.f32 v6, v61;
	v10 =	vadd.f32 v10, v62;
	v61 =	vand.u32 $0x7FFFFFFF, v23  }
0x41a: {  	v9 =	vld.idx.msk [tilespmem:v9+s28+$0x0], $0xffff;
	v14 =	vadd.f32 v14, v63;
	v63 =	vand.u32 $0x7FFFFFFF, v29;
	v62 =	vsub.f32 $0.0e+00, v61  }
0x41b: {  	v12 =	vadd.f32 v12, v41;
	v11 =	vld.idx.msk [tilespmem:v11+s28+$0x0], $0xffff;
	v49 =	vsub.f32 $0.0e+00, v63;
	v7 =	vmul.f32 v7, v54  }
0x41c: {  	v41 =	vor.u32 v35, v48;
	v13 =	vld.idx.msk [tilespmem:v13+s28+$0x0], $0xffff;
	v50 =	vmul.f32 v8, v54;
	v8 =	vmul.f32 $1.442695020e+00, v62  }
0x41d: {  	v20 =	vld [tilespmem:$0x1FB40];
	v5 =	vmul.f32 $1.442695020e+00, v49;
	v34 =	vadd.f32 v7, v51;
	v51 =	vand.u32 $0x7FFFFFFF, v31  }
0x41e: {  	v60 =	vmul.f32 v45, v56;
	v15 =	vld.idx.msk [tilespmem:v15+s28+$0x0], $0xffff;
	(erf) = vpow2.f32 v8;
	v38 =	vsub.f32 $0.0e+00, v51  }
0x41f: {  	v46 =	vmovc v23;
	v4 =	vadd.f32 v4, v59;
	v48 =	vmul.f32 v57, v56;
	v23 =	vld [tilespmem:$0x1FB50];
	(erf) = vpow2.f32 v5  }
0x420: {  	v45 =	vmovc v29;
	v3 =	vadd.f32 v60, v3;
	v29 =	vld [tilespmem:$0x1FB60];
	v9 =	vmul.f32 v9, v54;
	v53 =	vmul.f32 $1.442695020e+00, v38  }
0x421: {  	v11 =	vmul.f32 v11, v54;
	v13 =	vmul.f32 v13, v54;
	v8 =	vand.u32 $0x7FFFFFFF, v52  }
0x422: {  	v30 =	vmovc v31;
	v35 =	vadd.f32 v9, v2;
	v2 =	vand.u32 $0x7FFFFFFF, v20;
	v31 =	vld [tilespmem:$0x1FB70];
	(erf) = vpow2.f32 v53  }
0x423: {  	v56 =	vld.idx.msk [tilespmem:v36+s28+$0x0], $0xffff;
	v39 =	vadd.f32 v11, v12;
	v55 =	vsub.f32 $0.0e+00, v8;
	v8 =	vmul.f32 v15, v54  }
0x424: {  	v17 =	vmov v52;
	v36 =	vadd.f32 v13, v4;
	v52 =	vld [tilespmem:$0x1FB80];
	v2 =	vsub.f32 $0.0e+00, v2  }
0x425: {  	v57 =	vand.u32 $0x7FFFFFFF, v23;
	v59 =	vand.u32 $0x7FFFFFFF, v29;
	v7 =	vmul.f32 $1.442695020e+00, v55  }
0x426: {  	v4 =	vsub.f32 $0.0e+00, v57;
	v38 =	vadd.f32 v50, v37;
	v2 =	vmul.f32 $1.442695020e+00, v2  }
0x427: {  	v16 =	vld.idx.msk [tilespmem:v16+s28+$0x0], $0xffff;
	v37 =	vadd.f32 v8, v6;
	v9 =	vand.u32 $0x7FFFFFFF, v31;
	(erf) = vpow2.f32 v7;
	v8 =	vpop (erf)  }
0x428: {  	v60 =	vsub.f32 $0.0e+00, v59;
	v62 =	vsub.f32 $0.0e+00, v9;
	(erf) = vpow2.f32 v2;
	v12 =	vpop (erf)  }
0x429: {  	v2 =	vmul.f32 $1.442695020e+00, v4;
	v9 =	vadd.f32 $1.000000000e+00, v12;
	v12 =	vand.u32 $0x7FFFFFFF, v52  }
0x42a: {  	v8 =	vadd.f32 $1.000000000e+00, v8;
	v63 =	vsub.f32 $0.0e+00, v12;
	v12 =	vld [tilespmem:$0x1FB10]  }
0x42b: {  	(erf) = vpow2.f32 v2;
	v2 =	vmul.f32 $1.442695020e+00, v60;
	v13 =	vpop (erf)  }
0x42c: {  	v58 =	vmul.f32 v16, v54;
	v43 =	vmul.f32 v9, v8;
	v8 =	vadd.f32 $1.000000000e+00, v13  }
0x42d: {  	v11 =	vld.idx.msk [tilespmem:v40+s28+$0x0], $0xffff;
	(erf) = vpow2.f32 v2;
	v2 =	vmul.f32 $1.442695020e+00, v62  }
0x42e: {  	v61 =	vadd.f32 v48, v42;
	v40 =	vadd.f32 v58, v10  }
0x42f: {  	(erf) = vpow2.f32 v2;
	v2 =	vmul.f32 $1.442695020e+00, v63;
	v44 =	vand.u32 $0x7FFFFFFF, v12  }
0x430: {  	v5 =	vmul.f32 v56, v54;
	v7 =	vmul.f32 v8, v43;
	v4 =	vsub.f32 $0.0e+00, v44;
	v8 =	vpop (erf)  }
0x431: {  	(erf) = vpow2.f32 v2;
	v2 =	vand.u32 $0x7FFFFFFF, v38;
	v8 =	vadd.f32 $1.000000000e+00, v8  }
0x432: {  	v53 =	vadd.f32 v5, v14;
	v9 =	vmul.f32 v11, v54;
	v2 =	vsub.f32 $0.0e+00, v2  }
0x433: {  	v47 =	vpop (erf);
	v4 =	vmul.f32 $1.442695020e+00, v4;
	v7 =	vmul.f32 v8, v7;
	v8 =	vand.u32 $0x7FFFFFFF, v35  }
0x434: {  	v5 =	vadd.f32 $1.000000000e+00, v47;
	v10 =	vpop (erf);
	v2 =	vmul.f32 $1.442695020e+00, v2;
	v48 =	vsub.f32 $0.0e+00, v8  }
0x435: {  	(erf) = vpow2.f32 v4;
	v49 =	vadd.f32 $1.000000000e+00, v10;
	v8 =	vand.u32 $0x7FFFFFFF, v39  }
0x436: {  	v11 =	vpop (erf);
	(erf) = vpow2.f32 v2;
	v50 =	vsub.f32 $0.0e+00, v8;
	v2 =	vmul.f32 $1.442695020e+00, v48  }
0x437: {  	v51 =	vadd.f32 $1.000000000e+00, v11;
	v5 =	vmul.f32 v5, v7;
	v8 =	vand.u32 $0x7FFFFFFF, v36  }
0x438: {  	v10 =	vld.idx.msk [tilespmem:v41+s28+$0x0], $0xffff;
	v11 =	vpop (erf);
	v55 =	vsub.f32 $0.0e+00, v8;
	(erf) = vpow2.f32 v2;
	v2 =	vmul.f32 $1.442695020e+00, v50  }
0x439: {  	v56 =	vadd.f32 $1.000000000e+00, v11;
	v8 =	vand.u32 $0x7FFFFFFF, v37;
	v5 =	vmul.f32 v49, v5  }
0x43a: {  	v57 =	vsub.f32 $0.0e+00, v8;
	v11 =	vpop (erf);
	(erf) = vpow2.f32 v2;
	v2 =	vmul.f32 $1.442695020e+00, v55  }
0x43b: {  	v59 =	vand.u32 $0x7FFFFFFF, v40;
	v5 =	vmul.f32 v51, v5  }
0x43c: {  	v4 =	vsub.f32 $0.0e+00, v59;
	(erf) = vpow2.f32 v2;
	v2 =	vmul.f32 $1.442695020e+00, v57  }
0x43d: {  	v8 =	vmul.f32 v10, v54;
	v54 =	vadd.f32 v9, v3;
	v58 =	vadd.f32 $1.000000000e+00, v11  }
0x43e: {  	v5 =	vmul.f32 v56, v5;
	v60 =	vpop (erf);
	(erf) = vpow2.f32 v2;
	v2 =	vand.u32 $0x7FFFFFFF, v53  }
0x43f: {  	v4 =	vmul.f32 $1.442695020e+00, v4;
	v55 =	vadd.f32 v8, v61;
	v2 =	vsub.f32 $0.0e+00, v2  }
0x440: {  	v63 =	vand.u32 $0x7FFFFFFF, v54;
	v3 =	vmul.f32 v58, v5;
	v5 =	vadd.f32 $1.000000000e+00, v60  }
0x441: {  	v14 =	vld [tilespmem:$0x1FB20];
	v42 =	vsub.f32 $0.0e+00, v63;
	v44 =	vand.u32 $0x7FFFFFFF, v55;
	v61 =	vpop (erf);
	v2 =	vmul.f32 $1.442695020e+00, v2  }
0x442: {  	v3 =	vmul.f32 v5, v3;
	v62 =	vadd.f32 $1.000000000e+00, v61;
	(erf) = vpow2.f32 v4  }
0x443: {  	v13 =	vld [tilespmem:$0x1FB30];
	v48 =	vsub.f32 $0.0e+00, v44;
	v41 =	vpop (erf);
	(erf) = vpow2.f32 v2;
	v2 =	vmul.f32 $1.442695020e+00, v42  }
0x444: {  	v50 =	vand.u32 $0x7FFFFFFF, v34;
	v3 =	vmul.f32 v62, v3;
	v43 =	vadd.f32 $1.000000000e+00, v41  }
0x445: {  	v56 =	vsub.f32 $0.0e+00, v50;
	v47 =	vpop (erf);
	(erf) = vpow2.f32 v2;
	v2 =	vmul.f32 $1.442695020e+00, v48  }
0x446: {  	v58 =	vand.u32 $0x7FFFFFFF, v14;
	v3 =	vmul.f32 v43, v3;
	v49 =	vadd.f32 $1.000000000e+00, v47;
	v51 =	vpop (erf)  }
0x447: {  	v60 =	vsub.f32 $0.0e+00, v58;
	v59 =	vpop (erf);
	(erf) = vpow2.f32 v2;
	v2 =	vmul.f32 $1.442695020e+00, v56  }
0x448: {  	v62 =	vand.u32 $0x7FFFFFFF, v13;
	v3 =	vmul.f32 v49, v3;
	v57 =	vadd.f32 $1.000000000e+00, v51  }
0x449: {  	v4 =	vsub.f32 $0.0e+00, v62;
	(erf) = vpow2.f32 v2;
	v2 =	vmul.f32 $1.442695020e+00, v60  }
0x44a: {  	v3 =	vmul.f32 v57, v3;
	v61 =	vadd.f32 $1.000000000e+00, v59  }
0x44b: {  	v4 =	vmul.f32 $1.442695020e+00, v4;
	v63 =	vpop (erf)  }
0x44c: {  	v41 =	vadd.f32 $1.000000000e+00, v63;
	v3 =	vmul.f32 v61, v3;
	(erf) = vpow2.f32 v2  }
0x44d: {  	v2 =	vpop (erf)  }
0x44e: {  	v3 =	vmul.f32 v41, v3;
	(erf) = vpow2.f32 v4;
	v2 =	vadd.f32 $1.000000000e+00, v2  }
0x44f: {  	v42 =	vpop (erf)  }
0x450: {  	v2 =	vmul.f32 v2, v3;
	v3 =	vadd.f32 $1.000000000e+00, v42  }
0x451: {  	v43 =	vpop (erf)  }
0x452: {  	v2 =	vmul.f32 v3, v2;
	v3 =	vadd.f32 $1.000000000e+00, v43  }
0x453: {  	v44 =	vpop (erf)  }
0x454: {  	v2 =	vmul.f32 v3, v2;
	v3 =	vadd.f32 $1.000000000e+00, v44  }
0x455: {  	v47 =	vpop (erf)  }
0x456: {  	v2 =	vmul.f32 v3, v2;
	v3 =	vadd.f32 $1.000000000e+00, v47  }
0x457: {  	v48 =	vpop (erf)  }
0x458: {  	v4 =	vadd.f32 $1.000000000e+00, v48;
	v3 =	vmul.f32 v2, v3;
	_ =	sdelay $0x1  }
0x459: {  	v2 =	vmul.f32 v2, v4;
	v49 =	vand.u32 $0x7FFFFF, v3  }
0x45a: {  	v51 =	vmax.f32 v46, $0.0e+00;
	v5 =	vor.u32 $0x3F800000, v49  }
0x45b: {  	v6 =	vadd.f32 $0.0e+00, v51;
	v56 =	vand.u32 $0x7FFFFF, v2;
	v50 =	vmul.f32 $5.000000000e-01, v5  }
0x45c: {  	v58 =	vmax.f32 v45, $0.0e+00;
	vm1 =	vlt.f32 v5, $1.414213540e+00;
	v57 =	vor.u32 $0x3F800000, v56  }
0x45d: {  	v6 =	vadd.f32 v58, v6;
	v8 =	vmul.f32 $5.000000000e-01, v57;
	v4 =	vsel vm1, v5, v50  }
0x45e: {  	v59 =	vmax.f32 v30, $0.0e+00;
	vm0 =	vlt.f32 v57, $1.414213540e+00;
	v4 =	vadd.f32 $-1.000000000e+00, v4  }
0x45f: {  	v6 =	vadd.f32 v59, v6;
	v5 =	vsel vm0, v57, v8  }
0x460: {  	v60 =	vmax.f32 v17, $0.0e+00;
	v5 =	vadd.f32 $-1.000000000e+00, v5;
	v9 =	vmul.f32 $7.037683580e-02, v4  }
0x461: {  	v6 =	vadd.f32 v60, v6  }
0x462: {  	v61 =	vmul.f32 $7.037683580e-02, v5;
	v8 =	vadd.f32 $-1.151461010e-01, v9;
	v9 =	vmax.f32 v20, $0.0e+00  }
0x463: {  	v6 =	vadd.f32 v9, v6  }
0x464: {  	v7 =	vadd.f32 $-1.151461010e-01, v61;
	v9 =	vmax.f32 v23, $0.0e+00;
	v8 =	vmul.f32 v8, v4  }
0x465: {  	v6 =	vadd.f32 v9, v6  }
0x466: {  	v7 =	vmul.f32 v7, v5;
	v9 =	vmax.f32 v29, $0.0e+00;
	v8 =	vadd.f32 $1.167699840e-01, v8  }
0x467: {  	v6 =	vadd.f32 v9, v6  }
0x468: {  	v7 =	vadd.f32 $1.167699840e-01, v7;
	v9 =	vmax.f32 v31, $0.0e+00;
	v8 =	vmul.f32 v8, v4  }
0x469: {  	v6 =	vadd.f32 v9, v6  }
0x46a: {  	v7 =	vmul.f32 v7, v5;
	v9 =	vmax.f32 v52, $0.0e+00;
	v8 =	vadd.f32 $-1.242014100e-01, v8  }
0x46b: {  	v6 =	vadd.f32 v9, v6  }
0x46c: {  	v7 =	vadd.f32 $-1.242014100e-01, v7;
	v9 =	vmax.f32 v12, $0.0e+00;
	v8 =	vmul.f32 v8, v4  }
0x46d: {  	v6 =	vadd.f32 v9, v6  }
0x46e: {  	v7 =	vmul.f32 v7, v5;
	v9 =	vmax.f32 v38, $0.0e+00;
	v8 =	vadd.f32 $1.424932330e-01, v8  }
0x46f: {  	v6 =	vadd.f32 v9, v6  }
0x470: {  	v7 =	vadd.f32 $1.424932330e-01, v7;
	v9 =	vmax.f32 v35, $0.0e+00;
	v8 =	vmul.f32 v8, v4  }
0x471: {  	v6 =	vadd.f32 v9, v6  }
0x472: {  	v7 =	vmul.f32 v7, v5;
	v9 =	vmax.f32 v39, $0.0e+00;
	v8 =	vadd.f32 $-1.666805740e-01, v8  }
0x473: {  	v3 =	vshrl.u32 v3, $0x17;
	v6 =	vadd.f32 v9, v6  }
0x474: {  	v7 =	vadd.f32 $-1.666805740e-01, v7;
	v9 =	vmax.f32 v36, $0.0e+00;
	v8 =	vmul.f32 v8, v4  }
0x475: {  	v3 =	vadd.s32 $0xFFFFFF81, v3;
	v6 =	vadd.f32 v9, v6  }
0x476: {  	v7 =	vmul.f32 v7, v5;
	v9 =	vmax.f32 v37, $0.0e+00;
	v8 =	vadd.f32 $2.000071410e-01, v8  }
0x477: {  	v3 =	vcvt.s32.f32 v3;
	v6 =	vadd.f32 v9, v6  }
0x478: {  	v7 =	vadd.f32 $2.000071410e-01, v7;
	v9 =	vmax.f32 v40, $0.0e+00;
	v8 =	vmul.f32 v8, v4  }
0x479: {  	v10 =	vmax.f32 v53, $0.0e+00;
	v6 =	vadd.f32 v9, v6;
	v9 =	vadd.f32 $1.000000000e+00, v3  }
0x47a: {  	v2 =	vshrl.u32 v2, $0x17;
	v7 =	vmul.f32 v7, v5;
	v8 =	vadd.f32 $-2.499999400e-01, v8  }
0x47b: {  	v11 =	vmul.f32 v4, v4;
	v3 =	vsel vm1, v3, v9;
	v6 =	vadd.f32 v10, v6  }
0x47c: {  	v7 =	vadd.f32 $-2.499999400e-01, v7;
	v9 =	vmax.f32 v54, $0.0e+00;
	v8 =	vmul.f32 v8, v4  }
0x47d: {  	v2 =	vadd.s32 $0xFFFFFF81, v2;
	v10 =	vmul.f32 v11, v4;
	v6 =	vadd.f32 v9, v6  }
0x47e: {  	v9 =	vmul.f32 v5, v5;
	v7 =	vmul.f32 v7, v5;
	v8 =	vadd.f32 $3.333333130e-01, v8  }
0x47f: {  	v2 =	vcvt.s32.f32 v2  }
0x480: {  	v7 =	vadd.f32 $3.333333130e-01, v7;
	v8 =	vmul.f32 v8, v10;
	v10 =	vmul.f32 v9, v5  }
0x481: {  	v12 =	vmax.f32 v55, $0.0e+00;
	v11 =	vmul.f32 $5.000000000e-01, v11;
	v3 =	vmul.f32 $6.931471820e-01, v3  }
0x482: {  	v6 =	vadd.f32 v12, v6;
	v9 =	vmul.f32 $5.000000000e-01, v9;
	v7 =	vmul.f32 v7, v10  }
0x483: {  	v12 =	vmax.f32 v34, $0.0e+00;
	v8 =	vsub.f32 v8, v11;
	v11 =	vadd.f32 $1.000000000e+00, v2  }
0x484: {  	v6 =	vadd.f32 v12, v6;
	v10 =	vxor.u32 $0x80000000, v14;
	v7 =	vsub.f32 v7, v9  }
0x485: {  	v10 =	vmax.f32 v10, $0.0e+00;
	v4 =	vadd.f32 v8, v4;
	v2 =	vsel vm0, v2, v11  }
0x486: {  	v8 =	vld [tilespmem:s8+$0x430];
	v9 =	vxor.u32 $0x80000000, v13;
	v2 =	vmul.f32 $6.931471820e-01, v2;
	v5 =	vadd.f32 v7, v5  }
0x487: {  	v62 =	vadd.f32 v6, v10;
	v63 =	vmax.f32 v9, $0.0e+00;
	v3 =	vadd.f32 v4, v3  }
0x488: {  	v4 =	vadd.f32 v6, v63;
	v2 =	vadd.f32 v5, v2  }
0x489: {  	v3 =	vadd.f32 v3, v62  }
0x48a: {  	v2 =	vadd.f32 v2, v4  }
0x48b: {  	v3 =	vmul.f32 v8, v3  }
0x48c: {  	s15 =	sor.u32 s7, s15;
	v2 =	vmul.f32 v8, v2  }
0x48d: {  	s8 =	sshrl.u32 s15, $0x3;
	[tilespmem:$0x19E10] =	vst v3  }
0x48e: {  	s9 =	sadd.s32 s2, s8;
	[tilespmem:$0x19E30] =	vst v2  }
0x48f: {  	[hbm4b:s9+s4] =	stream.linear.scatter [tilespmem:s29], [sflag:$0x4], $0x20, $0x38;
	[tilespmem:$0x19E40] =	vst v63  }
0x490: {  	_ =	swait.ge [sflag:s0], $0x20  }
0x491: {  	[sflag:s0] =	ssyncset.done $0x0  }
0x492: {  	s8 =	sadd.s32 s3, s8;
	[sflag:s0] =	ssyncadd.s32 $0xFFFFFFE0  }
0x493: {  	[hbm4b:s8+s4] =	stream.linear.scatter [tilespmem:s26], [sflag:$0x4], $0x20, $0x38;
	[tilespmem:$0x19E40] =	vst v63  }
0x494: {  	_ =	swait.ge [sflag:s0], $0x20  }
0x495: {  	v16 =	vld [tilespmem:$0x1FEB0]  }
0x496: {  	v11 =	vld [tilespmem:$0x1FEC0]  }
0x497: {  	v13 =	vld [tilespmem:$0x1FED0]  }
0x498: {  	v17 =	vld [tilespmem:$0x1FEE0]  }
0x499: {  	v9 =	vld [tilespmem:$0x1FF10]  }
0x49a: {  	v10 =	vld [tilespmem:$0x1FF20]  }
0x49b: {  	v14 =	vmov v18;
	v18 =	vld [tilespmem:$0x1FF30]  }
0x49c: {  	s31 =	sadd.s32 $0x1, s31;
	v15 =	vmov v19;
	v19 =	vld [tilespmem:$0x1FF40]  }
0x49d: {  	p0 =	sne.s32 s31, $0x8;
	v12 =	vmov v25;
	v25 =	vld [tilespmem:$0x1FF60]  }
.Ltmp9:
0x49e: {  	v20 =	vld [tilespmem:$0x1FFA0];
	(pc) =	sbr.rel @p0 .LBB2_2-.Ltmp9, $4  }
0x49f: {  	v30 =	vld [tilespmem:$0x1FFB0]  }
0x4a0: {  	v31 =	vld [tilespmem:$0x1FFE0]  }
0x4a1: {  	[sflag:s0] =	ssyncset.done $0x0;
	v29 =	vld [tilespmem:$0x1FFF0]  }
0x4a2: {  	v23 =	vld [tilespmem:$0x1FF50];
	[sflag:s0] =	ssyncadd.s32 $0xFFFFFFE0  }
0x4a3: {  	s9 =	rddreg [dreg:$0x9]  }
0x4a4: {  	s8 =	rddreg [dreg:$0x8];
	s9 =	sadd.s32 $0x1, s9  }
0x4a5: {  	p0 =	sne.s32 s9, s8  }
.Ltmp10:
0x4a6: {  	_ = 	snop;
	(pc) =	sbr.rel @p0 .LBB2_1-.Ltmp10, $1  }
0x4a7: {  	_ =	sdelay $0x3  }
0x4a8: {  	_ =	sfence.sel $0x180000  }
0x4a9: {  	[bflag:$0x0] =	sbarrier.arrive $0xFFFF  }
0x4aa: {  	_ =	strace $0x90000047  }
0x4ab: {  	s0 =	stileid.u32;
	[bflag:$0x2] =	sbarrier.arrive $0xFFFF  }
0x4ac: {  	p0 =	sne.s32 s0, $0x0;
	s0 =	rddreg [dreg:$0x3]  }
0x4ad: {  	s0 =	sadd.s32 @!p0 $0x100000, s0  }
0x4ae: {  	[sflag:s0] =	ssyncadd.tile.s32 @!p0 $0x1;
	_ =	shalt  }
.Lfunc_end2:
_tile_overlayer_lowered:
.L_overlay_start_2:
0x4af: {  	(tag) =	ssettag $0x2  }
0x4b0: {  	s0 =	rddreg [dreg:$0x0];
	s2 =	stileid.u32  }
0x4b1: {  	s1 =	rddreg [dreg:$0x1];
	p0 =	sne.s32 s2, $0x0  }
0x4b2: {  	s3 =	rddreg [dreg:$0x2];
	[bflag:$0x3] =	sbarrier.arrive $0xFFFF;
	s2 =	simm.s32 @!p0 $0x1C04  }
0x4b3: {  	[timem:s3], [sflag:s2] =	dma.local @!p0 [hbm:s0], s1  }
0x4b4: {  	s0 =	simm.s32 @!p0 $0x4  }
0x4b5: {  	_ =	swait.ge @!p0 [sflag:s0], s1  }
0x4b6: {  	s1 =	ssub.s32 @!p0 $0x0, s1;
	[sflag:s0] =	ssyncset.done @!p0 $0x0  }
0x4b7: {  	[sflag:s0] =	ssyncadd.s32 @!p0 s1  }
0x4b8: {  	[bflag:$0x3] =	sbarrier.arrive $0xFFFF  }
0x4b9: {  	_ =	shalt  }

</sc_bundles>
